<compile_context>
chip_gen: v7x
topology: tpu7x:2x2x1
jax: 0.10.2.dev20260603
libtpu: 0.0.44.dev20260713+nightly
codegen_flags: <defaults>
</compile_context>

<pallas_src>
import functools

import jax
import jax.numpy as jnp
from jax import lax
from jax.experimental import pallas as pl
from jax.experimental.pallas import tpu as pltpu
from jax.experimental.pallas import tpu_sc as plsc

N = 8192
D = 512
E = 131072
G = 16
K = 8
OUT = 10
GK = G * K

NB = 8
BN = N // NB

SC_CORES = 2
SC_TILES = 16
CSH = 8
EPT = E // SC_TILES
BATCHES = EPT // 128
CW = D // CSH
CSH2 = CSH // 2

_f32 = jnp.float32
_i32 = jnp.int32


RING = 8


def _sc_agg_body(xr_hbm, src_hbm, dst_hbm, out_hbm,
                 src_v, dst_v, adj_v, zbuf, accum, *rest):
    stgs = rest[:RING]
    gsems = rest[RING:2 * RING]
    ssems = rest[2 * RING:3 * RING]
    wsem = rest[3 * RING]
    c = lax.axis_index("c")
    s = lax.axis_index("s")

    def _zrow(r, _):
        for q in range(CW // 16):
            zbuf[r, pl.ds(q * 16, 16)] = jnp.zeros((16,), _f32)
        return _
    lax.fori_loop(0, 128, _zrow, None)

    pltpu.sync_copy(src_hbm.at[s], src_v)
    pltpu.sync_copy(dst_hbm.at[s], dst_v)

    bufs = tuple(zip(stgs, gsems, ssems))
    n_pass = CSH // SC_CORES
    rounds = BATCHES // RING

    def _adjrow(r, _):
        for q in range(8):
            sl = pl.ds(q * 16, 16)
            adj_v[r, sl] = src_v[r, sl] * 2 + c
        return _
    lax.fori_loop(0, 64, _adjrow, None)

    def _zero_own_rows():
        for q in range(4):
            pltpu.sync_copy(zbuf, accum.at[pl.ds(s * 512 + q * 128, 128)])

    def _issue_gathers():
        for b, (stg, gsem, ssem) in enumerate(bufs):
            pltpu.async_copy(xr_hbm.at[adj_v.at[b]], stg, gsem)

    _zero_own_rows()
    plsc.subcore_barrier()
    _issue_gathers()

    for p in range(n_pass):
        cb = p * SC_CORES + c

        def _step(t, _):
            for b, (stg, gsem, ssem) in enumerate(bufs):
                j = t * RING + b
                pltpu.make_async_copy(xr_hbm.at[adj_v.at[j]], stg, gsem).wait()
                pltpu.async_copy(stg, accum.at[dst_v.at[j]], ssem, add=True)
            for b, (stg, gsem, ssem) in enumerate(bufs):
                j = t * RING + b

                @pl.when(t < rounds - 1)
                def _next_gather(stg=stg, gsem=gsem, ssem=ssem, j=j):
                    pltpu.make_async_copy(
                        stg, accum.at[dst_v.at[j]], ssem).wait()
                    pltpu.async_copy(
                        xr_hbm.at[adj_v.at[j + RING]], stg, gsem)
            return _
        lax.fori_loop(0, rounds, _step, None)

        for b, (stg, gsem, ssem) in enumerate(bufs):
            pltpu.make_async_copy(stg, accum.at[dst_v.at[b]], ssem).wait()
        plsc.subcore_barrier()

        wb = pltpu.async_copy(
            accum.at[pl.ds(s * 512, 512)],
            out_hbm.at[pl.ds(cb * N + s * 512, 512)], wsem)
        if p < n_pass - 1:
            def _bump(r, _):
                for q in range(8):
                    sl = pl.ds(q * 16, 16)
                    adj_v[r, sl] = adj_v[r, sl] + 2 * N
                return _
            lax.fori_loop(0, 64, _bump, None)
            _issue_gathers()
            wb.wait()
            _zero_own_rows()
            plsc.subcore_barrier()
        else:
            wb.wait()


def _sc_agg(xr, srcr, dstr):
    mesh = plsc.VectorSubcoreMesh(
        core_axis_name="c", subcore_axis_name="s",
        num_cores=SC_CORES, num_subcores=SC_TILES)
    return pl.kernel(
        _sc_agg_body,
        out_type=jax.ShapeDtypeStruct((CSH * N, CW), _f32),
        mesh=mesh,
        scratch_types=(
            [
                pltpu.VMEM((64, 128), _i32),
                pltpu.VMEM((64, 128), _i32),
                pltpu.VMEM((64, 128), _i32),
                pltpu.VMEM((128, CW), _f32),
                pltpu.VMEM_SHARED((N, CW), _f32),
            ]
            + [pltpu.VMEM((128, CW), _f32)] * RING
            + [pltpu.SemaphoreType.DMA] * (2 * RING + 1)
        ),
        compiler_params=pltpu.CompilerParams(use_tc_tiling_on_sc=False),
    )(xr, srcr, dstr)


def _router_body(x_ref, b_ref, wsc_ref, wcent_ref,
                 m_ref, craw_ref, msum_ref, cx_ref, xl_ref):
    i = pl.program_id(0)
    x = x_ref[...]
    bcol = b_ref[...]

    s = jnp.dot(x, wsc_ref[...], preferred_element_type=_f32)
    s = s - jnp.max(s, axis=-1, keepdims=True)
    es = jnp.exp(s)
    mask = es / jnp.sum(es, axis=-1, keepdims=True)

    ck = lax.broadcasted_iota(_i32, (K, GK), 1) % K
    kk = lax.broadcasted_iota(_i32, (K, GK), 0)
    tile_mat = (ck == kk).astype(_f32)
    m0 = jnp.dot(mask, tile_mat, preferred_element_type=_f32)
    gi = (lax.broadcasted_iota(_i32, (BN, GK), 1) // K).astype(_f32)
    m = m0 * (bcol == gi).astype(_f32)
    m_ref[...] = m
    for q in range(CSH2):
        xl_ref[q] = x[:, q * 128:(q + 1) * 128]

    @pl.when(i == 0)
    def _init():
        craw_ref[...] = jnp.zeros_like(craw_ref)
        msum_ref[...] = jnp.zeros_like(msum_ref)

    craw_ref[...] += lax.dot_general(
        m, x, (((0,), (0,)), ((), ())), preferred_element_type=_f32)
    ones = jnp.ones((BN, 1), _f32)
    msum_ref[...] += lax.dot_general(
        m, ones, (((0,), (0,)), ((), ())), preferred_element_type=_f32)

    @pl.when(i == NB - 1)
    def _finish():
        cx = craw_ref[...] / (msum_ref[...] + 1e-6)
        cx_ref[...] = jax.nn.relu(
            jnp.dot(cx, wcent_ref[...], preferred_element_type=_f32))


def _router(x, bcol, w_score, w_cent):
    return pl.pallas_call(
        _router_body,
        grid=(NB,),
        in_specs=[
            pl.BlockSpec((BN, D), lambda i: (i, 0)),
            pl.BlockSpec((BN, 1), lambda i: (i, 0)),
            pl.BlockSpec((D, K), lambda i: (0, 0)),
            pl.BlockSpec((D, D), lambda i: (0, 0)),
        ],
        out_specs=[
            pl.BlockSpec((BN, GK), lambda i: (i, 0)),
            pl.BlockSpec((GK, D), lambda i: (0, 0)),
            pl.BlockSpec((GK, 1), lambda i: (0, 0)),
            pl.BlockSpec((GK, D), lambda i: (0, 0)),
            pl.BlockSpec((CSH2, BN, 128), lambda i: (0, i, 0)),
        ],
        out_shape=[
            jax.ShapeDtypeStruct((N, GK), _f32),
            jax.ShapeDtypeStruct((GK, D), _f32),
            jax.ShapeDtypeStruct((GK, 1), _f32),
            jax.ShapeDtypeStruct((GK, D), _f32),
            jax.ShapeDtypeStruct((CSH2, N, 128), _f32),
        ],
        compiler_params=pltpu.CompilerParams(
            dimension_semantics=("arbitrary",)),
    )(x, bcol, w_score, w_cent)


def _hbase_body(x_ref, m_ref, agg_ref, b_ref, cx_ref,
                wself_ref, wbb_ref, wcb_ref,
                msum_ref, wbc_ref, wcc_ref, wh1_ref, wh2_ref,
                out_ref, abc_ref, bp_ref, cnt_ref):
    i = pl.program_id(0)
    x = x_ref[...]
    m = m_ref[...]
    bcol = b_ref[...]

    bf16 = jnp.bfloat16
    h = jnp.dot(x.astype(bf16), wself_ref[...].astype(bf16),
                preferred_element_type=_f32)
    for cb in range(CSH):
        h += jnp.dot(agg_ref[cb].astype(bf16), wbb_ref[cb].astype(bf16),
                     preferred_element_type=_f32)
    msg = jnp.dot(m, cx_ref[...], preferred_element_type=_f32)
    h += jnp.dot(msg.astype(bf16), wcb_ref[...].astype(bf16),
                 preferred_element_type=_f32)
    h = jax.nn.relu(h)

    gi = lax.broadcasted_iota(_i32, (BN, G), 1).astype(_f32)
    bmat = (bcol == gi).astype(_f32)

    @pl.when(i == 0)
    def _init():
        abc_ref[...] = jnp.zeros_like(abc_ref)
        bp_ref[...] = jnp.zeros_like(bp_ref)
        cnt_ref[...] = jnp.zeros_like(cnt_ref)

    abc_ref[...] += lax.dot_general(
        m, h, (((0,), (0,)), ((), ())), preferred_element_type=_f32)
    bp_ref[...] += lax.dot_general(
        bmat, h, (((0,), (0,)), ((), ())), preferred_element_type=_f32)
    ones = jnp.ones((BN, 1), _f32)
    cnt_ref[...] += lax.dot_general(
        bmat, ones, (((0,), (0,)), ((), ())), preferred_element_type=_f32)

    @pl.when(i == NB - 1)
    def _finish():
        cx = cx_ref[...]
        ra = lax.broadcasted_iota(_i32, (GK, GK), 0) // K
        rb = lax.broadcasted_iota(_i32, (GK, GK), 1) // K
        pmat = (ra == rb).astype(_f32)
        gs = jnp.dot(pmat, cx, preferred_element_type=_f32)
        cc = (gs - cx) * (1.0 / (K - 1))

        agg_bc = abc_ref[...] / (msum_ref[...] + 1e-6)
        hc = jnp.dot(cx, wself_ref[...], preferred_element_type=_f32)
        hc += jnp.dot(agg_bc, wbc_ref[...], preferred_element_type=_f32)
        hc += jnp.dot(cc, wcc_ref[...], preferred_element_type=_f32)
        hc = jax.nn.relu(hc)

        qa = lax.broadcasted_iota(_i32, (GK, G), 0) // K
        qg = lax.broadcasted_iota(_i32, (GK, G), 1)
        qmat = (qa == qg).astype(_f32)
        cent_pool = lax.dot_general(
            qmat, hc, (((0,), (0,)), ((), ())),
            preferred_element_type=_f32) * (1.0 / K)

        base_pool = bp_ref[...] / (cnt_ref[...] + 1e-6)
        out = jnp.dot(base_pool, wh1_ref[...], preferred_element_type=_f32)
        out += jnp.dot(cent_pool, wh2_ref[...], preferred_element_type=_f32)
        out_ref[...] = out


def _hbase(x, m, agg4, bcol, cx, w_self, wbb4, w_cb,
           msum, w_bc, w_cc, wh1, wh2):
    full = lambda shp: pl.BlockSpec(shp, lambda i: tuple(0 for _ in shp))
    return pl.pallas_call(
        _hbase_body,
        grid=(NB,),
        in_specs=[
            pl.BlockSpec((BN, D), lambda i: (i, 0)),
            pl.BlockSpec((BN, GK), lambda i: (i, 0)),
            pl.BlockSpec((CSH, BN, CW), lambda i: (0, i, 0)),
            pl.BlockSpec((BN, 1), lambda i: (i, 0)),
            full((GK, D)),
            full((D, D)),
            full((CSH, CW, D)),
            full((D, D)),
            full((GK, 1)),
            full((D, D)),
            full((D, D)),
            full((D, OUT)),
            full((D, OUT)),
        ],
        out_specs=pl.BlockSpec((G, OUT), lambda i: (0, 0)),
        out_shape=jax.ShapeDtypeStruct((G, OUT), _f32),
        scratch_shapes=[
            pltpu.VMEM((GK, D), _f32),
            pltpu.VMEM((G, D), _f32),
            pltpu.VMEM((G, 1), _f32),
        ],
        compiler_params=pltpu.CompilerParams(
            dimension_semantics=("arbitrary",)),
    )(x, m, agg4, bcol, cx, w_self, wbb4, w_cb, msum, w_bc, w_cc, wh1, wh2)


def kernel(x, edge_index, batch, W_score, W_cent, W_self, W_bb, W_cb,
           W_bc, W_cc, W_head):
    x = x.astype(_f32)
    src = edge_index[0].astype(_i32)
    dst = edge_index[1].astype(_i32)

    bcol = batch.astype(_f32).reshape(N, 1)
    m, _, msum, cx, xlin = _router(x, bcol, W_score.astype(_f32),
                                   W_cent.astype(_f32))

    xr = xlin.reshape(2 * CSH2 * N, CW)
    srcr = src.reshape(SC_TILES, EPT // 128, 128)
    dstr = dst.reshape(SC_TILES, EPT // 128, 128)
    agg_flat = _sc_agg(xr, srcr, dstr)
    agg4 = agg_flat.reshape(CSH, N, CW)

    wbb4 = W_bb.astype(_f32).reshape(CSH, CW, D)
    wh = W_head.astype(_f32)
    return _hbase(x, m, agg4, bcol, cx, W_self.astype(_f32),
                  wbb4, W_cb.astype(_f32), msum, W_bc.astype(_f32),
                  W_cc.astype(_f32), wh[:D], wh[D:])

# --- scband reference (transcript-rebuilt; emitter-appended) ---
"""Pipeline reference for scband-hybrid-model-77738908057715 (READ-ONLY COPY).

The authoritative reference and input builder live on the scoring server;
editing this copy changes nothing except your own understanding.
"""

import jax, jax.numpy as jnp
import numpy as np

N = 8192
D = 512
E = 131072
G = 16
K = 8
OUT = 10


def setup_inputs(seed: int = 0) -> dict:
    key = jax.random.key(seed)
    ks = jax.random.split(key, 12)
    s = 1.0 / np.sqrt(D)
    x = jax.random.normal(ks[0], (N, D), dtype=jnp.float32)
    edge_index = jax.random.randint(ks[1], (2, E), 0, N)
    batch = jnp.sort(jax.random.randint(ks[2], (N,), 0, G))
    W_score = jax.random.normal(ks[3], (D, K), dtype=jnp.float32) * s
    W_cent = jax.random.normal(ks[4], (D, D), dtype=jnp.float32) * s
    W_self = jax.random.normal(ks[5], (D, D), dtype=jnp.float32) * s
    W_bb = jax.random.normal(ks[6], (D, D), dtype=jnp.float32) * s
    W_cb = jax.random.normal(ks[7], (D, D), dtype=jnp.float32) * s
    W_bc = jax.random.normal(ks[8], (D, D), dtype=jnp.float32) * s
    W_cc = jax.random.normal(ks[9], (D, D), dtype=jnp.float32) * s
    W_head = jax.random.normal(ks[10], (2 * D, OUT), dtype=jnp.float32) * (1.0 / np.sqrt(2 * D))
    return {"x": x, "edge_index": edge_index, "batch": batch,
            "W_score": W_score, "W_cent": W_cent, "W_self": W_self,
            "W_bb": W_bb, "W_cb": W_cb, "W_bc": W_bc, "W_cc": W_cc,
            "W_head": W_head}


def reference(x, edge_index, batch, W_score, W_cent, W_self, W_bb, W_cb, W_bc, W_cc, W_head):
    # 1) scorer_model: per-node centroid/expert scores (router)
    scores = x @ W_score                                   # [N, K]
    # 2) sampler (Gumbel, relaxed): soft node->centroid assignment mask
    node_mask = jax.nn.softmax(scores, axis=-1)            # [N, K]
    # 3) base2centroid_model: per-graph, per-centroid weighted mean pooling + linear
    weighted = node_mask[:, :, None] * x[:, None, :]       # [N, K, D]
    cent_sum = jax.ops.segment_sum(weighted, batch, num_segments=G)   # [G, K, D]
    mask_sum = jax.ops.segment_sum(node_mask, batch, num_segments=G)  # [G, K]
    centroid_x = cent_sum / (mask_sum[:, :, None] + 1e-6)
    centroid_x = jax.nn.relu(centroid_x @ W_cent)          # [G, K, D]
    # 4) hetero_gnn: one layer over the 4 relations
    src = edge_index[0]
    dst = edge_index[1]
    agg_bb = jax.ops.segment_sum(x[src], dst, num_segments=N)         # base->base
    msg_cb = jnp.einsum('nk,nkd->nd', node_mask, centroid_x[batch])   # centroid->base (edge_weight = node_mask)
    h_base = jax.nn.relu(x @ W_self + agg_bb @ W_bb + msg_cb @ W_cb)  # [N, D]
    agg_bc = jax.ops.segment_sum(node_mask[:, :, None] * h_base[:, None, :], batch, num_segments=G)
    agg_bc = agg_bc / (mask_sum[:, :, None] + 1e-6)                   # base->centroid
    cc = (jnp.sum(centroid_x, axis=1, keepdims=True) - centroid_x) / (K - 1)  # centroid->centroid (fully connected, no self)
    h_cent = jax.nn.relu(centroid_x @ W_self + agg_bc @ W_bc + cc @ W_cc)     # [G, K, D]
    # 5) jk='last', inter_ensemble_pool='mean' (single sample/ensemble), intra_graph_pool='mean'
    counts = jax.ops.segment_sum(jnp.ones((x.shape[0],), dtype=x.dtype), batch, num_segments=G)
    base_pool = jax.ops.segment_sum(h_base, batch, num_segments=G) / (counts[:, None] + 1e-6)  # [G, D]
    cent_pool = jnp.mean(h_cent, axis=1)                   # [G, D]
    # 6) intra_pred_head on concat(base, centroid) -> graph_embedding
    graph_embedding = jnp.concatenate([base_pool, cent_pool], axis=1) @ W_head  # [G, OUT]
    return graph_embedding

if __name__ == "__main__":
    import jax
    _d = setup_inputs()
    print(jax.jit(kernel)(*tuple(_d.values())))

</pallas_src>

<mosaic_0001>
#map = affine_map<(d0, d1) -> (0, 0)>
#map1 = affine_map<(d0, d1) -> (0, 0, 0)>
module attributes {stable_mosaic.version = 14 : i64} {
  func.func @_sc_agg_body(%arg0: i32, %arg1: i32, %arg2: memref<65536x64xf32, #tpu.memory_space<hbm>>, %arg3: memref<16x64x128xi32, #tpu.memory_space<hbm>>, %arg4: memref<16x64x128xi32, #tpu.memory_space<hbm>>, %arg5: memref<65536x64xf32, #tpu.memory_space<hbm>>, %arg6: memref<64x128xi32, #tpu.memory_space<vmem>>, %arg7: memref<64x128xi32, #tpu.memory_space<vmem>>, %arg8: memref<64x128xi32, #tpu.memory_space<vmem>>, %arg9: memref<128x64xf32, #tpu.memory_space<vmem>>, %arg10: memref<8192x64xf32, #tpu.memory_space<vmem_shared>>, %arg11: memref<128x64xf32, #tpu.memory_space<vmem>>, %arg12: memref<128x64xf32, #tpu.memory_space<vmem>>, %arg13: memref<128x64xf32, #tpu.memory_space<vmem>>, %arg14: memref<128x64xf32, #tpu.memory_space<vmem>>, %arg15: memref<128x64xf32, #tpu.memory_space<vmem>>, %arg16: memref<128x64xf32, #tpu.memory_space<vmem>>, %arg17: memref<128x64xf32, #tpu.memory_space<vmem>>, %arg18: memref<128x64xf32, #tpu.memory_space<vmem>>, %arg19: memref<!tpu.dma_semaphore, #tpu.memory_space<semaphore_mem>>, %arg20: memref<!tpu.dma_semaphore, #tpu.memory_space<semaphore_mem>>, %arg21: memref<!tpu.dma_semaphore, #tpu.memory_space<semaphore_mem>>, %arg22: memref<!tpu.dma_semaphore, #tpu.memory_space<semaphore_mem>>, %arg23: memref<!tpu.dma_semaphore, #tpu.memory_space<semaphore_mem>>, %arg24: memref<!tpu.dma_semaphore, #tpu.memory_space<semaphore_mem>>, %arg25: memref<!tpu.dma_semaphore, #tpu.memory_space<semaphore_mem>>, %arg26: memref<!tpu.dma_semaphore, #tpu.memory_space<semaphore_mem>>, %arg27: memref<!tpu.dma_semaphore, #tpu.memory_space<semaphore_mem>>, %arg28: memref<!tpu.dma_semaphore, #tpu.memory_space<semaphore_mem>>, %arg29: memref<!tpu.dma_semaphore, #tpu.memory_space<semaphore_mem>>, %arg30: memref<!tpu.dma_semaphore, #tpu.memory_space<semaphore_mem>>, %arg31: memref<!tpu.dma_semaphore, #tpu.memory_space<semaphore_mem>>, %arg32: memref<!tpu.dma_semaphore, #tpu.memory_space<semaphore_mem>>, %arg33: memref<!tpu.dma_semaphore, #tpu.memory_space<semaphore_mem>>, %arg34: memref<!tpu.dma_semaphore, #tpu.memory_space<semaphore_mem>>, %arg35: memref<!tpu.dma_semaphore, #tpu.memory_space<semaphore_mem>>) attributes {dimension_semantics = [#tpu.dimension_semantics<core_parallel>, #tpu.dimension_semantics<subcore_parallel>], iteration_bounds = array<i64: 2, 16>, scalar_prefetch = 0 : i64, scratch_operands = 30 : i64, tpu.core_type = #tpu.core_type<sc_vector_subcore>, window_params = [{transform_indices = #map}, {transform_indices = #map1}, {transform_indices = #map1}, {transform_indices = #map}]} {
    %scan3A = arith.constant 0 : i32
    %scan3A_0 = arith.constant 128 : i32
    %scan3A_1 = arith.addi %scan3A, %scan3A_0 : i32
    %scan3A_2 = arith.constant 1 : i32
    scf.for %scan3A_627 = %scan3A to %scan3A_1 step %scan3A_2  : i32 {
      %broadcast_in_dim3A = arith.constant 0.000000e+00 : f32
      %broadcast_in_dim3A_628 = vector.broadcast %broadcast_in_dim3A : f32 to vector<16xf32>
      %swap3A = arith.index_cast %scan3A_627 : i32 to index
      %swap3A_629 = arith.constant 0 : index
      %swap3A_630 = tpu.vector_load %arg9[%swap3A, %swap3A_629] {strides = array<i32>} : memref<128x64xf32, #tpu.memory_space<vmem>>, vector<1x16xf32>,
      %swap3A_631 = vector.shape_cast %swap3A_630 : vector<1x16xf32> to vector<16xf32>
      %swap3A_632 = vector.shape_cast %broadcast_in_dim3A_628 : vector<16xf32> to vector<1x16xf32>
      tpu.vector_store %arg9[%swap3A, %swap3A_629], %swap3A_632 {strides = array<i32>} : memref<128x64xf32, #tpu.memory_space<vmem>>, vector<1x16xf32>,
      %broadcast_in_dim3A_633 = arith.constant 0.000000e+00 : f32
      %broadcast_in_dim3A_634 = vector.broadcast %broadcast_in_dim3A_633 : f32 to vector<16xf32>
      %swap3A_635 = arith.index_cast %scan3A_627 : i32 to index
      %swap3A_636 = arith.constant 16 : index
      %swap3A_637 = tpu.vector_load %arg9[%swap3A_635, %swap3A_636] {strides = array<i32>} : memref<128x64xf32, #tpu.memory_space<vmem>>, vector<1x16xf32>,
      %swap3A_638 = vector.shape_cast %swap3A_637 : vector<1x16xf32> to vector<16xf32>
      %swap3A_639 = vector.shape_cast %broadcast_in_dim3A_634 : vector<16xf32> to vector<1x16xf32>
      tpu.vector_store %arg9[%swap3A_635, %swap3A_636], %swap3A_639 {strides = array<i32>} : memref<128x64xf32, #tpu.memory_space<vmem>>, vector<1x16xf32>,
      %broadcast_in_dim3A_640 = arith.constant 0.000000e+00 : f32
      %broadcast_in_dim3A_641 = vector.broadcast %broadcast_in_dim3A_640 : f32 to vector<16xf32>
      %swap3A_642 = arith.index_cast %scan3A_627 : i32 to index
      %swap3A_643 = arith.constant 32 : index
      %swap3A_644 = tpu.vector_load %arg9[%swap3A_642, %swap3A_643] {strides = array<i32>} : memref<128x64xf32, #tpu.memory_space<vmem>>, vector<1x16xf32>,
      %swap3A_645 = vector.shape_cast %swap3A_644 : vector<1x16xf32> to vector<16xf32>
      %swap3A_646 = vector.shape_cast %broadcast_in_dim3A_641 : vector<16xf32> to vector<1x16xf32>
      tpu.vector_store %arg9[%swap3A_642, %swap3A_643], %swap3A_646 {strides = array<i32>} : memref<128x64xf32, #tpu.memory_space<vmem>>, vector<1x16xf32>,
      %broadcast_in_dim3A_647 = arith.constant 0.000000e+00 : f32
      %broadcast_in_dim3A_648 = vector.broadcast %broadcast_in_dim3A_647 : f32 to vector<16xf32>
      %swap3A_649 = arith.index_cast %scan3A_627 : i32 to index
      %swap3A_650 = arith.constant 48 : index
      %swap3A_651 = tpu.vector_load %arg9[%swap3A_649, %swap3A_650] {strides = array<i32>} : memref<128x64xf32, #tpu.memory_space<vmem>>, vector<1x16xf32>,
      %swap3A_652 = vector.shape_cast %swap3A_651 : vector<1x16xf32> to vector<16xf32>
      %swap3A_653 = vector.shape_cast %broadcast_in_dim3A_648 : vector<16xf32> to vector<1x16xf32>
      tpu.vector_store %arg9[%swap3A_649, %swap3A_650], %swap3A_653 {strides = array<i32>} : memref<128x64xf32, #tpu.memory_space<vmem>>, vector<1x16xf32>,
    }
    %scan3A_3 = arith.constant 128 : i32
    "tpu.region"() ({
      %run_scoped3A = tpu.sem_alloc : memref<!tpu.dma_semaphore, #tpu.memory_space<semaphore_mem>>
      %dma_start3A_627 = arith.constant 0 : i32
      %dma_start3A_628 = arith.constant 0 : i32
      %dma_start3A_629 = tpu.memref_slice %arg3[%arg1, %dma_start3A_627, %dma_start3A_628] : memref<16x64x128xi32, #tpu.memory_space<hbm>> -> memref<1x64x128xi32, #tpu.memory_space<hbm>>
      %dma_start3A_630 = tpu.memref_squeeze %dma_start3A_629 : memref<1x64x128xi32, #tpu.memory_space<hbm>> -> memref<64x128xi32, #tpu.memory_space<hbm>>
      %dma_start3A_631 = arith.constant 0 : i32
      %dma_start3A_632 = arith.constant 0 : i32
      %dma_start3A_633 = tpu.memref_slice %arg3[%arg1, %dma_start3A_631, %dma_start3A_632] : memref<16x64x128xi32, #tpu.memory_space<hbm>> -> memref<1x64x128xi32, #tpu.memory_space<hbm>>
      %dma_start3A_634 = tpu.memref_squeeze %dma_start3A_633 : memref<1x64x128xi32, #tpu.memory_space<hbm>> -> memref<64x128xi32, #tpu.memory_space<hbm>>
      tpu.enqueue_dma source(%dma_start3A_634 : memref<64x128xi32, #tpu.memory_space<hbm>>) target(%arg6 : memref<64x128xi32, #tpu.memory_space<vmem>>) target_semaphore(%run_scoped3A : memref<!tpu.dma_semaphore, #tpu.memory_space<semaphore_mem>>)
      %dma_wait3A_635 = arith.constant 0 : i32
      %dma_wait3A_636 = arith.constant 0 : i32
      %dma_wait3A_637 = tpu.memref_slice %arg3[%arg1, %dma_wait3A_635, %dma_wait3A_636] : memref<16x64x128xi32, #tpu.memory_space<hbm>> -> memref<1x64x128xi32, #tpu.memory_space<hbm>>
      %dma_wait3A_638 = tpu.memref_squeeze %dma_wait3A_637 : memref<1x64x128xi32, #tpu.memory_space<hbm>> -> memref<64x128xi32, #tpu.memory_space<hbm>>
      %dma_wait3A_639 = arith.constant 0 : i32
      %dma_wait3A_640 = arith.constant 0 : i32
      %dma_wait3A_641 = tpu.memref_slice %arg3[%arg1, %dma_wait3A_639, %dma_wait3A_640] : memref<16x64x128xi32, #tpu.memory_space<hbm>> -> memref<1x64x128xi32, #tpu.memory_space<hbm>>
      %dma_wait3A_642 = tpu.memref_squeeze %dma_wait3A_641 : memref<1x64x128xi32, #tpu.memory_space<hbm>> -> memref<64x128xi32, #tpu.memory_space<hbm>>
      tpu.wait_dma2 semaphore(%run_scoped3A : memref<!tpu.dma_semaphore, #tpu.memory_space<semaphore_mem>>) src(%dma_wait3A_642 : memref<64x128xi32, #tpu.memory_space<hbm>>) dst(%arg6 : memref<64x128xi32, #tpu.memory_space<vmem>>)
      tpu.yield
    }) : () -> ()
    "tpu.region"() ({
      %run_scoped3A = tpu.sem_alloc : memref<!tpu.dma_semaphore, #tpu.memory_space<semaphore_mem>>
      %dma_start3A_627 = arith.constant 0 : i32
      %dma_start3A_628 = arith.constant 0 : i32
      %dma_start3A_629 = tpu.memref_slice %arg4[%arg1, %dma_start3A_627, %dma_start3A_628] : memref<16x64x128xi32, #tpu.memory_space<hbm>> -> memref<1x64x128xi32, #tpu.memory_space<hbm>>
      %dma_start3A_630 = tpu.memref_squeeze %dma_start3A_629 : memref<1x64x128xi32, #tpu.memory_space<hbm>> -> memref<64x128xi32, #tpu.memory_space<hbm>>
      %dma_start3A_631 = arith.constant 0 : i32
      %dma_start3A_632 = arith.constant 0 : i32
      %dma_start3A_633 = tpu.memref_slice %arg4[%arg1, %dma_start3A_631, %dma_start3A_632] : memref<16x64x128xi32, #tpu.memory_space<hbm>> -> memref<1x64x128xi32, #tpu.memory_space<hbm>>
      %dma_start3A_634 = tpu.memref_squeeze %dma_start3A_633 : memref<1x64x128xi32, #tpu.memory_space<hbm>> -> memref<64x128xi32, #tpu.memory_space<hbm>>
      tpu.enqueue_dma source(%dma_start3A_634 : memref<64x128xi32, #tpu.memory_space<hbm>>) target(%arg7 : memref<64x128xi32, #tpu.memory_space<vmem>>) target_semaphore(%run_scoped3A : memref<!tpu.dma_semaphore, #tpu.memory_space<semaphore_mem>>)
      %dma_wait3A_635 = arith.constant 0 : i32
      %dma_wait3A_636 = arith.constant 0 : i32
      %dma_wait3A_637 = tpu.memref_slice %arg4[%arg1, %dma_wait3A_635, %dma_wait3A_636] : memref<16x64x128xi32, #tpu.memory_space<hbm>> -> memref<1x64x128xi32, #tpu.memory_space<hbm>>
      %dma_wait3A_638 = tpu.memref_squeeze %dma_wait3A_637 : memref<1x64x128xi32, #tpu.memory_space<hbm>> -> memref<64x128xi32, #tpu.memory_space<hbm>>
      %dma_wait3A_639 = arith.constant 0 : i32
      %dma_wait3A_640 = arith.constant 0 : i32
      %dma_wait3A_641 = tpu.memref_slice %arg4[%arg1, %dma_wait3A_639, %dma_wait3A_640] : memref<16x64x128xi32, #tpu.memory_space<hbm>> -> memref<1x64x128xi32, #tpu.memory_space<hbm>>
      %dma_wait3A_642 = tpu.memref_squeeze %dma_wait3A_641 : memref<1x64x128xi32, #tpu.memory_space<hbm>> -> memref<64x128xi32, #tpu.memory_space<hbm>>
      tpu.wait_dma2 semaphore(%run_scoped3A : memref<!tpu.dma_semaphore, #tpu.memory_space<semaphore_mem>>) src(%dma_wait3A_642 : memref<64x128xi32, #tpu.memory_space<hbm>>) dst(%arg7 : memref<64x128xi32, #tpu.memory_space<vmem>>)
      tpu.yield
    }) : () -> ()
    %scan3A_4 = arith.constant 0 : i32
    %scan3A_5 = arith.constant 64 : i32
    %scan3A_6 = arith.addi %scan3A_4, %scan3A_5 : i32
    %scan3A_7 = arith.constant 1 : i32
    scf.for %scan3A_627 = %scan3A_4 to %scan3A_6 step %scan3A_7  : i32 {
      %get3A = arith.index_cast %scan3A_627 : i32 to index
      %get3A_628 = arith.constant 0 : index
      %get3A_629 = tpu.vector_load %arg6[%get3A, %get3A_628] {strides = array<i32>} : memref<64x128xi32, #tpu.memory_space<vmem>>, vector<1x16xi32>,
      %get3A_630 = vector.shape_cast %get3A_629 : vector<1x16xi32> to vector<16xi32>
      %mul3A_631 = arith.constant 2 : i32
      %mul3A_632 = vector.broadcast %mul3A_631 : i32 to vector<16xi32>
      %mul3A_633 = arith.muli %get3A_630, %mul3A_632 : vector<16xi32>
      %add3A_634 = vector.broadcast %arg0 : i32 to vector<16xi32>
      %add3A_635 = arith.addi %mul3A_633, %add3A_634 : vector<16xi32>
      %swap3A = arith.index_cast %scan3A_627 : i32 to index
      %swap3A_636 = arith.constant 0 : index
      %swap3A_637 = tpu.vector_load %arg8[%swap3A, %swap3A_636] {strides = array<i32>} : memref<64x128xi32, #tpu.memory_space<vmem>>, vector<1x16xi32>,
      %swap3A_638 = vector.shape_cast %swap3A_637 : vector<1x16xi32> to vector<16xi32>
      %swap3A_639 = vector.shape_cast %add3A_635 : vector<16xi32> to vector<1x16xi32>
      tpu.vector_store %arg8[%swap3A, %swap3A_636], %swap3A_639 {strides = array<i32>} : memref<64x128xi32, #tpu.memory_space<vmem>>, vector<1x16xi32>,
      %get3A_640 = arith.index_cast %scan3A_627 : i32 to index
      %get3A_641 = arith.constant 16 : index
      %get3A_642 = tpu.vector_load %arg6[%get3A_640, %get3A_641] {strides = array<i32>} : memref<64x128xi32, #tpu.memory_space<vmem>>, vector<1x16xi32>,
      %get3A_643 = vector.shape_cast %get3A_642 : vector<1x16xi32> to vector<16xi32>
      %mul3A_644 = arith.constant 2 : i32
      %mul3A_645 = vector.broadcast %mul3A_644 : i32 to vector<16xi32>
      %mul3A_646 = arith.muli %get3A_643, %mul3A_645 : vector<16xi32>
      %add3A_647 = vector.broadcast %arg0 : i32 to vector<16xi32>
      %add3A_648 = arith.addi %mul3A_646, %add3A_647 : vector<16xi32>
      %swap3A_649 = arith.index_cast %scan3A_627 : i32 to index
      %swap3A_650 = arith.constant 16 : index
      %swap3A_651 = tpu.vector_load %arg8[%swap3A_649, %swap3A_650] {strides = array<i32>} : memref<64x128xi32, #tpu.memory_space<vmem>>, vector<1x16xi32>,
      %swap3A_652 = vector.shape_cast %swap3A_651 : vector<1x16xi32> to vector<16xi32>
      %swap3A_653 = vector.shape_cast %add3A_648 : vector<16xi32> to vector<1x16xi32>
      tpu.vector_store %arg8[%swap3A_649, %swap3A_650], %swap3A_653 {strides = array<i32>} : memref<64x128xi32, #tpu.memory_space<vmem>>, vector<1x16xi32>,
      %get3A_654 = arith.index_cast %scan3A_627 : i32 to index
      %get3A_655 = arith.constant 32 : index
      %get3A_656 = tpu.vector_load %arg6[%get3A_654, %get3A_655] {strides = array<i32>} : memref<64x128xi32, #tpu.memory_space<vmem>>, vector<1x16xi32>,
      %get3A_657 = vector.shape_cast %get3A_656 : vector<1x16xi32> to vector<16xi32>
      %mul3A_658 = arith.constant 2 : i32
      %mul3A_659 = vector.broadcast %mul3A_658 : i32 to vector<16xi32>
      %mul3A_660 = arith.muli %get3A_657, %mul3A_659 : vector<16xi32>
      %add3A_661 = vector.broadcast %arg0 : i32 to vector<16xi32>
      %add3A_662 = arith.addi %mul3A_660, %add3A_661 : vector<16xi32>
      %swap3A_663 = arith.index_cast %scan3A_627 : i32 to index
      %swap3A_664 = arith.constant 32 : index
      %swap3A_665 = tpu.vector_load %arg8[%swap3A_663, %swap3A_664] {strides = array<i32>} : memref<64x128xi32, #tpu.memory_space<vmem>>, vector<1x16xi32>,
      %swap3A_666 = vector.shape_cast %swap3A_665 : vector<1x16xi32> to vector<16xi32>
      %swap3A_667 = vector.shape_cast %add3A_662 : vector<16xi32> to vector<1x16xi32>
      tpu.vector_store %arg8[%swap3A_663, %swap3A_664], %swap3A_667 {strides = array<i32>} : memref<64x128xi32, #tpu.memory_space<vmem>>, vector<1x16xi32>,
      %get3A_668 = arith.index_cast %scan3A_627 : i32 to index
      %get3A_669 = arith.constant 48 : index
      %get3A_670 = tpu.vector_load %arg6[%get3A_668, %get3A_669] {strides = array<i32>} : memref<64x128xi32, #tpu.memory_space<vmem>>, vector<1x16xi32>,
      %get3A_671 = vector.shape_cast %get3A_670 : vector<1x16xi32> to vector<16xi32>
      %mul3A_672 = arith.constant 2 : i32
      %mul3A_673 = vector.broadcast %mul3A_672 : i32 to vector<16xi32>
      %mul3A_674 = arith.muli %get3A_671, %mul3A_673 : vector<16xi32>
      %add3A_675 = vector.broadcast %arg0 : i32 to vector<16xi32>
      %add3A_676 = arith.addi %mul3A_674, %add3A_675 : vector<16xi32>
      %swap3A_677 = arith.index_cast %scan3A_627 : i32 to index
      %swap3A_678 = arith.constant 48 : index
      %swap3A_679 = tpu.vector_load %arg8[%swap3A_677, %swap3A_678] {strides = array<i32>} : memref<64x128xi32, #tpu.memory_space<vmem>>, vector<1x16xi32>,
      %swap3A_680 = vector.shape_cast %swap3A_679 : vector<1x16xi32> to vector<16xi32>
      %swap3A_681 = vector.shape_cast %add3A_676 : vector<16xi32> to vector<1x16xi32>
      tpu.vector_store %arg8[%swap3A_677, %swap3A_678], %swap3A_681 {strides = array<i32>} : memref<64x128xi32, #tpu.memory_space<vmem>>, vector<1x16xi32>,
      %get3A_682 = arith.index_cast %scan3A_627 : i32 to index
      %get3A_683 = arith.constant 64 : index
      %get3A_684 = tpu.vector_load %arg6[%get3A_682, %get3A_683] {strides = array<i32>} : memref<64x128xi32, #tpu.memory_space<vmem>>, vector<1x16xi32>,
      %get3A_685 = vector.shape_cast %get3A_684 : vector<1x16xi32> to vector<16xi32>
      %mul3A_686 = arith.constant 2 : i32
      %mul3A_687 = vector.broadcast %mul3A_686 : i32 to vector<16xi32>
      %mul3A_688 = arith.muli %get3A_685, %mul3A_687 : vector<16xi32>
      %add3A_689 = vector.broadcast %arg0 : i32 to vector<16xi32>
      %add3A_690 = arith.addi %mul3A_688, %add3A_689 : vector<16xi32>
      %swap3A_691 = arith.index_cast %scan3A_627 : i32 to index
      %swap3A_692 = arith.constant 64 : index
      %swap3A_693 = tpu.vector_load %arg8[%swap3A_691, %swap3A_692] {strides = array<i32>} : memref<64x128xi32, #tpu.memory_space<vmem>>, vector<1x16xi32>,
      %swap3A_694 = vector.shape_cast %swap3A_693 : vector<1x16xi32> to vector<16xi32>
      %swap3A_695 = vector.shape_cast %add3A_690 : vector<16xi32> to vector<1x16xi32>
      tpu.vector_store %arg8[%swap3A_691, %swap3A_692], %swap3A_695 {strides = array<i32>} : memref<64x128xi32, #tpu.memory_space<vmem>>, vector<1x16xi32>,
      %get3A_696 = arith.index_cast %scan3A_627 : i32 to index
      %get3A_697 = arith.constant 80 : index
      %get3A_698 = tpu.vector_load %arg6[%get3A_696, %get3A_697] {strides = array<i32>} : memref<64x128xi32, #tpu.memory_space<vmem>>, vector<1x16xi32>,
      %get3A_699 = vector.shape_cast %get3A_698 : vector<1x16xi32> to vector<16xi32>
      %mul3A_700 = arith.constant 2 : i32
      %mul3A_701 = vector.broadcast %mul3A_700 : i32 to vector<16xi32>
      %mul3A_702 = arith.muli %get3A_699, %mul3A_701 : vector<16xi32>
      %add3A_703 = vector.broadcast %arg0 : i32 to vector<16xi32>
      %add3A_704 = arith.addi %mul3A_702, %add3A_703 : vector<16xi32>
      %swap3A_705 = arith.index_cast %scan3A_627 : i32 to index
      %swap3A_706 = arith.constant 80 : index
      %swap3A_707 = tpu.vector_load %arg8[%swap3A_705, %swap3A_706] {strides = array<i32>} : memref<64x128xi32, #tpu.memory_space<vmem>>, vector<1x16xi32>,
      %swap3A_708 = vector.shape_cast %swap3A_707 : vector<1x16xi32> to vector<16xi32>
      %swap3A_709 = vector.shape_cast %add3A_704 : vector<16xi32> to vector<1x16xi32>
      tpu.vector_store %arg8[%swap3A_705, %swap3A_706], %swap3A_709 {strides = array<i32>} : memref<64x128xi32, #tpu.memory_space<vmem>>, vector<1x16xi32>,
      %get3A_710 = arith.index_cast %scan3A_627 : i32 to index
      %get3A_711 = arith.constant 96 : index
      %get3A_712 = tpu.vector_load %arg6[%get3A_710, %get3A_711] {strides = array<i32>} : memref<64x128xi32, #tpu.memory_space<vmem>>, vector<1x16xi32>,
      %get3A_713 = vector.shape_cast %get3A_712 : vector<1x16xi32> to vector<16xi32>
      %mul3A_714 = arith.constant 2 : i32
      %mul3A_715 = vector.broadcast %mul3A_714 : i32 to vector<16xi32>
      %mul3A_716 = arith.muli %get3A_713, %mul3A_715 : vector<16xi32>
      %add3A_717 = vector.broadcast %arg0 : i32 to vector<16xi32>
      %add3A_718 = arith.addi %mul3A_716, %add3A_717 : vector<16xi32>
      %swap3A_719 = arith.index_cast %scan3A_627 : i32 to index
      %swap3A_720 = arith.constant 96 : index
      %swap3A_721 = tpu.vector_load %arg8[%swap3A_719, %swap3A_720] {strides = array<i32>} : memref<64x128xi32, #tpu.memory_space<vmem>>, vector<1x16xi32>,
      %swap3A_722 = vector.shape_cast %swap3A_721 : vector<1x16xi32> to vector<16xi32>
      %swap3A_723 = vector.shape_cast %add3A_718 : vector<16xi32> to vector<1x16xi32>
      tpu.vector_store %arg8[%swap3A_719, %swap3A_720], %swap3A_723 {strides = array<i32>} : memref<64x128xi32, #tpu.memory_space<vmem>>, vector<1x16xi32>,
      %get3A_724 = arith.index_cast %scan3A_627 : i32 to index
      %get3A_725 = arith.constant 112 : index
      %get3A_726 = tpu.vector_load %arg6[%get3A_724, %get3A_725] {strides = array<i32>} : memref<64x128xi32, #tpu.memory_space<vmem>>, vector<1x16xi32>,
      %get3A_727 = vector.shape_cast %get3A_726 : vector<1x16xi32> to vector<16xi32>
      %mul3A_728 = arith.constant 2 : i32
      %mul3A_729 = vector.broadcast %mul3A_728 : i32 to vector<16xi32>
      %mul3A_730 = arith.muli %get3A_727, %mul3A_729 : vector<16xi32>
      %add3A_731 = vector.broadcast %arg0 : i32 to vector<16xi32>
      %add3A_732 = arith.addi %mul3A_730, %add3A_731 : vector<16xi32>
      %swap3A_733 = arith.index_cast %scan3A_627 : i32 to index
      %swap3A_734 = arith.constant 112 : index
      %swap3A_735 = tpu.vector_load %arg8[%swap3A_733, %swap3A_734] {strides = array<i32>} : memref<64x128xi32, #tpu.memory_space<vmem>>, vector<1x16xi32>,
      %swap3A_736 = vector.shape_cast %swap3A_735 : vector<1x16xi32> to vector<16xi32>
      %swap3A_737 = vector.shape_cast %add3A_732 : vector<16xi32> to vector<1x16xi32>
      tpu.vector_store %arg8[%swap3A_733, %swap3A_734], %swap3A_737 {strides = array<i32>} : memref<64x128xi32, #tpu.memory_space<vmem>>, vector<1x16xi32>,
    }
    %scan3A_8 = arith.constant 64 : i32
    %mul3A = arith.constant 512 : i32
    %mul3A_9 = arith.muli %arg1, %mul3A : i32
    %add3A = arith.constant 0 : i32
    %add3A_10 = arith.addi %mul3A_9, %add3A : i32
    "tpu.region"() ({
      %run_scoped3A = tpu.sem_alloc : memref<!tpu.dma_semaphore, #tpu.memory_space<semaphore_mem>>
      %dma_start3A_627 = arith.constant 0 : i32
      %dma_start3A_628 = tpu.memref_slice %arg10[%add3A_10, %dma_start3A_627] : memref<8192x64xf32, #tpu.memory_space<vmem_shared>> -> memref<128x64xf32, #tpu.memory_space<vmem_shared>>
      %dma_start3A_629 = arith.constant 0 : i32
      %dma_start3A_630 = tpu.memref_slice %arg10[%add3A_10, %dma_start3A_629] : memref<8192x64xf32, #tpu.memory_space<vmem_shared>> -> memref<128x64xf32, #tpu.memory_space<vmem_shared>>
      tpu.enqueue_dma source(%arg9 : memref<128x64xf32, #tpu.memory_space<vmem>>) target(%dma_start3A_630 : memref<128x64xf32, #tpu.memory_space<vmem_shared>>) target_semaphore(%run_scoped3A : memref<!tpu.dma_semaphore, #tpu.memory_space<semaphore_mem>>)
      %dma_wait3A_631 = arith.constant 0 : i32
      %dma_wait3A_632 = tpu.memref_slice %arg10[%add3A_10, %dma_wait3A_631] : memref<8192x64xf32, #tpu.memory_space<vmem_shared>> -> memref<128x64xf32, #tpu.memory_space<vmem_shared>>
      %dma_wait3A_633 = arith.constant 0 : i32
      %dma_wait3A_634 = tpu.memref_slice %arg10[%add3A_10, %dma_wait3A_633] : memref<8192x64xf32, #tpu.memory_space<vmem_shared>> -> memref<128x64xf32, #tpu.memory_space<vmem_shared>>
      tpu.wait_dma2 semaphore(%run_scoped3A : memref<!tpu.dma_semaphore, #tpu.memory_space<semaphore_mem>>) src(%arg9 : memref<128x64xf32, #tpu.memory_space<vmem>>) dst(%dma_wait3A_634 : memref<128x64xf32, #tpu.memory_space<vmem_shared>>)
      tpu.yield
    }) : () -> ()
    %mul3A_11 = arith.constant 512 : i32
    %mul3A_12 = arith.muli %arg1, %mul3A_11 : i32
    %add3A_13 = arith.constant 128 : i32
    %add3A_14 = arith.addi %mul3A_12, %add3A_13 : i32
    "tpu.region"() ({
      %run_scoped3A = tpu.sem_alloc : memref<!tpu.dma_semaphore, #tpu.memory_space<semaphore_mem>>
      %dma_start3A_627 = arith.constant 0 : i32
      %dma_start3A_628 = tpu.memref_slice %arg10[%add3A_14, %dma_start3A_627] : memref<8192x64xf32, #tpu.memory_space<vmem_shared>> -> memref<128x64xf32, #tpu.memory_space<vmem_shared>>
      %dma_start3A_629 = arith.constant 0 : i32
      %dma_start3A_630 = tpu.memref_slice %arg10[%add3A_14, %dma_start3A_629] : memref<8192x64xf32, #tpu.memory_space<vmem_shared>> -> memref<128x64xf32, #tpu.memory_space<vmem_shared>>
      tpu.enqueue_dma source(%arg9 : memref<128x64xf32, #tpu.memory_space<vmem>>) target(%dma_start3A_630 : memref<128x64xf32, #tpu.memory_space<vmem_shared>>) target_semaphore(%run_scoped3A : memref<!tpu.dma_semaphore, #tpu.memory_space<semaphore_mem>>)
      %dma_wait3A_631 = arith.constant 0 : i32
      %dma_wait3A_632 = tpu.memref_slice %arg10[%add3A_14, %dma_wait3A_631] : memref<8192x64xf32, #tpu.memory_space<vmem_shared>> -> memref<128x64xf32, #tpu.memory_space<vmem_shared>>
      %dma_wait3A_633 = arith.constant 0 : i32
      %dma_wait3A_634 = tpu.memref_slice %arg10[%add3A_14, %dma_wait3A_633] : memref<8192x64xf32, #tpu.memory_space<vmem_shared>> -> memref<128x64xf32, #tpu.memory_space<vmem_shared>>
      tpu.wait_dma2 semaphore(%run_scoped3A : memref<!tpu.dma_semaphore, #tpu.memory_space<semaphore_mem>>) src(%arg9 : memref<128x64xf32, #tpu.memory_space<vmem>>) dst(%dma_wait3A_634 : memref<128x64xf32, #tpu.memory_space<vmem_shared>>)
      tpu.yield
    }) : () -> ()
    %mul3A_15 = arith.constant 512 : i32
    %mul3A_16 = arith.muli %arg1, %mul3A_15 : i32
    %add3A_17 = arith.constant 256 : i32
    %add3A_18 = arith.addi %mul3A_16, %add3A_17 : i32
    "tpu.region"() ({
      %run_scoped3A = tpu.sem_alloc : memref<!tpu.dma_semaphore, #tpu.memory_space<semaphore_mem>>
      %dma_start3A_627 = arith.constant 0 : i32
      %dma_start3A_628 = tpu.memref_slice %arg10[%add3A_18, %dma_start3A_627] : memref<8192x64xf32, #tpu.memory_space<vmem_shared>> -> memref<128x64xf32, #tpu.memory_space<vmem_shared>>
      %dma_start3A_629 = arith.constant 0 : i32
      %dma_start3A_630 = tpu.memref_slice %arg10[%add3A_18, %dma_start3A_629] : memref<8192x64xf32, #tpu.memory_space<vmem_shared>> -> memref<128x64xf32, #tpu.memory_space<vmem_shared>>
      tpu.enqueue_dma source(%arg9 : memref<128x64xf32, #tpu.memory_space<vmem>>) target(%dma_start3A_630 : memref<128x64xf32, #tpu.memory_space<vmem_shared>>) target_semaphore(%run_scoped3A : memref<!tpu.dma_semaphore, #tpu.memory_space<semaphore_mem>>)
      %dma_wait3A_631 = arith.constant 0 : i32
      %dma_wait3A_632 = tpu.memref_slice %arg10[%add3A_18, %dma_wait3A_631] : memref<8192x64xf32, #tpu.memory_space<vmem_shared>> -> memref<128x64xf32, #tpu.memory_space<vmem_shared>>
      %dma_wait3A_633 = arith.constant 0 : i32
      %dma_wait3A_634 = tpu.memref_slice %arg10[%add3A_18, %dma_wait3A_633] : memref<8192x64xf32, #tpu.memory_space<vmem_shared>> -> memref<128x64xf32, #tpu.memory_space<vmem_shared>>
      tpu.wait_dma2 semaphore(%run_scoped3A : memref<!tpu.dma_semaphore, #tpu.memory_space<semaphore_mem>>) src(%arg9 : memref<128x64xf32, #tpu.memory_space<vmem>>) dst(%dma_wait3A_634 : memref<128x64xf32, #tpu.memory_space<vmem_shared>>)
      tpu.yield
    }) : () -> ()
    %mul3A_19 = arith.constant 512 : i32
    %mul3A_20 = arith.muli %arg1, %mul3A_19 : i32
    %add3A_21 = arith.constant 384 : i32
    %add3A_22 = arith.addi %mul3A_20, %add3A_21 : i32
    "tpu.region"() ({
      %run_scoped3A = tpu.sem_alloc : memref<!tpu.dma_semaphore, #tpu.memory_space<semaphore_mem>>
      %dma_start3A_627 = arith.constant 0 : i32
      %dma_start3A_628 = tpu.memref_slice %arg10[%add3A_22, %dma_start3A_627] : memref<8192x64xf32, #tpu.memory_space<vmem_shared>> -> memref<128x64xf32, #tpu.memory_space<vmem_shared>>
      %dma_start3A_629 = arith.constant 0 : i32
      %dma_start3A_630 = tpu.memref_slice %arg10[%add3A_22, %dma_start3A_629] : memref<8192x64xf32, #tpu.memory_space<vmem_shared>> -> memref<128x64xf32, #tpu.memory_space<vmem_shared>>
      tpu.enqueue_dma source(%arg9 : memref<128x64xf32, #tpu.memory_space<vmem>>) target(%dma_start3A_630 : memref<128x64xf32, #tpu.memory_space<vmem_shared>>) target_semaphore(%run_scoped3A : memref<!tpu.dma_semaphore, #tpu.memory_space<semaphore_mem>>)
      %dma_wait3A_631 = arith.constant 0 : i32
      %dma_wait3A_632 = tpu.memref_slice %arg10[%add3A_22, %dma_wait3A_631] : memref<8192x64xf32, #tpu.memory_space<vmem_shared>> -> memref<128x64xf32, #tpu.memory_space<vmem_shared>>
      %dma_wait3A_633 = arith.constant 0 : i32
      %dma_wait3A_634 = tpu.memref_slice %arg10[%add3A_22, %dma_wait3A_633] : memref<8192x64xf32, #tpu.memory_space<vmem_shared>> -> memref<128x64xf32, #tpu.memory_space<vmem_shared>>
      tpu.wait_dma2 semaphore(%run_scoped3A : memref<!tpu.dma_semaphore, #tpu.memory_space<semaphore_mem>>) src(%arg9 : memref<128x64xf32, #tpu.memory_space<vmem>>) dst(%dma_wait3A_634 : memref<128x64xf32, #tpu.memory_space<vmem_shared>>)
      tpu.yield
    }) : () -> ()
    %barrier3A = arith.constant 0 : index
    tpu.barrier barrier_id(%barrier3A)
    %dma_start3A = arith.constant 0 : i32
    %dma_start3A_23 = arith.constant 0 : i32
    %dma_start3A_24 = tpu.memref_slice %arg8[%dma_start3A, %dma_start3A_23] : memref<64x128xi32, #tpu.memory_space<vmem>> -> memref<1x128xi32, #tpu.memory_space<vmem>>
    %dma_start3A_25 = tpu.memref_squeeze %dma_start3A_24 : memref<1x128xi32, #tpu.memory_space<vmem>> -> memref<128xi32, #tpu.memory_space<vmem>>
    %dma_start3A_26 = arith.constant 0 : i32
    %dma_start3A_27 = arith.constant 0 : i32
    %dma_start3A_28 = tpu.memref_slice %arg2[%dma_start3A_26, %dma_start3A_27] : memref<65536x64xf32, #tpu.memory_space<hbm>> -> memref<65536x64xf32, #tpu.memory_space<hbm>>
    tpu.enqueue_indirect_dma source(%dma_start3A_28 : memref<65536x64xf32, #tpu.memory_space<hbm>>) target(%arg11 : memref<128x64xf32, #tpu.memory_space<vmem>>) offsets(%dma_start3A_25 : memref<128xi32, #tpu.memory_space<vmem>>) semaphore(%arg19 : memref<!tpu.dma_semaphore, #tpu.memory_space<semaphore_mem>>)
    %dma_start3A_29 = arith.constant 1 : i32
    %dma_start3A_30 = arith.constant 0 : i32
    %dma_start3A_31 = tpu.memref_slice %arg8[%dma_start3A_29, %dma_start3A_30] : memref<64x128xi32, #tpu.memory_space<vmem>> -> memref<1x128xi32, #tpu.memory_space<vmem>>
    %dma_start3A_32 = tpu.memref_squeeze %dma_start3A_31 : memref<1x128xi32, #tpu.memory_space<vmem>> -> memref<128xi32, #tpu.memory_space<vmem>>
    %dma_start3A_33 = arith.constant 0 : i32
    %dma_start3A_34 = arith.constant 0 : i32
    %dma_start3A_35 = tpu.memref_slice %arg2[%dma_start3A_33, %dma_start3A_34] : memref<65536x64xf32, #tpu.memory_space<hbm>> -> memref<65536x64xf32, #tpu.memory_space<hbm>>
    tpu.enqueue_indirect_dma source(%dma_start3A_35 : memref<65536x64xf32, #tpu.memory_space<hbm>>) target(%arg12 : memref<128x64xf32, #tpu.memory_space<vmem>>) offsets(%dma_start3A_32 : memref<128xi32, #tpu.memory_space<vmem>>) semaphore(%arg20 : memref<!tpu.dma_semaphore, #tpu.memory_space<semaphore_mem>>)
    %dma_start3A_36 = arith.constant 2 : i32
    %dma_start3A_37 = arith.constant 0 : i32
    %dma_start3A_38 = tpu.memref_slice %arg8[%dma_start3A_36, %dma_start3A_37] : memref<64x128xi32, #tpu.memory_space<vmem>> -> memref<1x128xi32, #tpu.memory_space<vmem>>
    %dma_start3A_39 = tpu.memref_squeeze %dma_start3A_38 : memref<1x128xi32, #tpu.memory_space<vmem>> -> memref<128xi32, #tpu.memory_space<vmem>>
    %dma_start3A_40 = arith.constant 0 : i32
    %dma_start3A_41 = arith.constant 0 : i32
    %dma_start3A_42 = tpu.memref_slice %arg2[%dma_start3A_40, %dma_start3A_41] : memref<65536x64xf32, #tpu.memory_space<hbm>> -> memref<65536x64xf32, #tpu.memory_space<hbm>>
    tpu.enqueue_indirect_dma source(%dma_start3A_42 : memref<65536x64xf32, #tpu.memory_space<hbm>>) target(%arg13 : memref<128x64xf32, #tpu.memory_space<vmem>>) offsets(%dma_start3A_39 : memref<128xi32, #tpu.memory_space<vmem>>) semaphore(%arg21 : memref<!tpu.dma_semaphore, #tpu.memory_space<semaphore_mem>>)
    %dma_start3A_43 = arith.constant 3 : i32
    %dma_start3A_44 = arith.constant 0 : i32
    %dma_start3A_45 = tpu.memref_slice %arg8[%dma_start3A_43, %dma_start3A_44] : memref<64x128xi32, #tpu.memory_space<vmem>> -> memref<1x128xi32, #tpu.memory_space<vmem>>
    %dma_start3A_46 = tpu.memref_squeeze %dma_start3A_45 : memref<1x128xi32, #tpu.memory_space<vmem>> -> memref<128xi32, #tpu.memory_space<vmem>>
    %dma_start3A_47 = arith.constant 0 : i32
    %dma_start3A_48 = arith.constant 0 : i32
    %dma_start3A_49 = tpu.memref_slice %arg2[%dma_start3A_47, %dma_start3A_48] : memref<65536x64xf32, #tpu.memory_space<hbm>> -> memref<65536x64xf32, #tpu.memory_space<hbm>>
    tpu.enqueue_indirect_dma source(%dma_start3A_49 : memref<65536x64xf32, #tpu.memory_space<hbm>>) target(%arg14 : memref<128x64xf32, #tpu.memory_space<vmem>>) offsets(%dma_start3A_46 : memref<128xi32, #tpu.memory_space<vmem>>) semaphore(%arg22 : memref<!tpu.dma_semaphore, #tpu.memory_space<semaphore_mem>>)
    %dma_start3A_50 = arith.constant 4 : i32
    %dma_start3A_51 = arith.constant 0 : i32
    %dma_start3A_52 = tpu.memref_slice %arg8[%dma_start3A_50, %dma_start3A_51] : memref<64x128xi32, #tpu.memory_space<vmem>> -> memref<1x128xi32, #tpu.memory_space<vmem>>
    %dma_start3A_53 = tpu.memref_squeeze %dma_start3A_52 : memref<1x128xi32, #tpu.memory_space<vmem>> -> memref<128xi32, #tpu.memory_space<vmem>>
    %dma_start3A_54 = arith.constant 0 : i32
    %dma_start3A_55 = arith.constant 0 : i32
    %dma_start3A_56 = tpu.memref_slice %arg2[%dma_start3A_54, %dma_start3A_55] : memref<65536x64xf32, #tpu.memory_space<hbm>> -> memref<65536x64xf32, #tpu.memory_space<hbm>>
    tpu.enqueue_indirect_dma source(%dma_start3A_56 : memref<65536x64xf32, #tpu.memory_space<hbm>>) target(%arg15 : memref<128x64xf32, #tpu.memory_space<vmem>>) offsets(%dma_start3A_53 : memref<128xi32, #tpu.memory_space<vmem>>) semaphore(%arg23 : memref<!tpu.dma_semaphore, #tpu.memory_space<semaphore_mem>>)
    %dma_start3A_57 = arith.constant 5 : i32
    %dma_start3A_58 = arith.constant 0 : i32
    %dma_start3A_59 = tpu.memref_slice %arg8[%dma_start3A_57, %dma_start3A_58] : memref<64x128xi32, #tpu.memory_space<vmem>> -> memref<1x128xi32, #tpu.memory_space<vmem>>
    %dma_start3A_60 = tpu.memref_squeeze %dma_start3A_59 : memref<1x128xi32, #tpu.memory_space<vmem>> -> memref<128xi32, #tpu.memory_space<vmem>>
    %dma_start3A_61 = arith.constant 0 : i32
    %dma_start3A_62 = arith.constant 0 : i32
    %dma_start3A_63 = tpu.memref_slice %arg2[%dma_start3A_61, %dma_start3A_62] : memref<65536x64xf32, #tpu.memory_space<hbm>> -> memref<65536x64xf32, #tpu.memory_space<hbm>>
    tpu.enqueue_indirect_dma source(%dma_start3A_63 : memref<65536x64xf32, #tpu.memory_space<hbm>>) target(%arg16 : memref<128x64xf32, #tpu.memory_space<vmem>>) offsets(%dma_start3A_60 : memref<128xi32, #tpu.memory_space<vmem>>) semaphore(%arg24 : memref<!tpu.dma_semaphore, #tpu.memory_space<semaphore_mem>>)
    %dma_start3A_64 = arith.constant 6 : i32
    %dma_start3A_65 = arith.constant 0 : i32
    %dma_start3A_66 = tpu.memref_slice %arg8[%dma_start3A_64, %dma_start3A_65] : memref<64x128xi32, #tpu.memory_space<vmem>> -> memref<1x128xi32, #tpu.memory_space<vmem>>
    %dma_start3A_67 = tpu.memref_squeeze %dma_start3A_66 : memref<1x128xi32, #tpu.memory_space<vmem>> -> memref<128xi32, #tpu.memory_space<vmem>>
    %dma_start3A_68 = arith.constant 0 : i32
    %dma_start3A_69 = arith.constant 0 : i32
    %dma_start3A_70 = tpu.memref_slice %arg2[%dma_start3A_68, %dma_start3A_69] : memref<65536x64xf32, #tpu.memory_space<hbm>> -> memref<65536x64xf32, #tpu.memory_space<hbm>>
    tpu.enqueue_indirect_dma source(%dma_start3A_70 : memref<65536x64xf32, #tpu.memory_space<hbm>>) target(%arg17 : memref<128x64xf32, #tpu.memory_space<vmem>>) offsets(%dma_start3A_67 : memref<128xi32, #tpu.memory_space<vmem>>) semaphore(%arg25 : memref<!tpu.dma_semaphore, #tpu.memory_space<semaphore_mem>>)
    %dma_start3A_71 = arith.constant 7 : i32
    %dma_start3A_72 = arith.constant 0 : i32
    %dma_start3A_73 = tpu.memref_slice %arg8[%dma_start3A_71, %dma_start3A_72] : memref<64x128xi32, #tpu.memory_space<vmem>> -> memref<1x128xi32, #tpu.memory_space<vmem>>
    %dma_start3A_74 = tpu.memref_squeeze %dma_start3A_73 : memref<1x128xi32, #tpu.memory_space<vmem>> -> memref<128xi32, #tpu.memory_space<vmem>>
    %dma_start3A_75 = arith.constant 0 : i32
    %dma_start3A_76 = arith.constant 0 : i32
    %dma_start3A_77 = tpu.memref_slice %arg2[%dma_start3A_75, %dma_start3A_76] : memref<65536x64xf32, #tpu.memory_space<hbm>> -> memref<65536x64xf32, #tpu.memory_space<hbm>>
    tpu.enqueue_indirect_dma source(%dma_start3A_77 : memref<65536x64xf32, #tpu.memory_space<hbm>>) target(%arg18 : memref<128x64xf32, #tpu.memory_space<vmem>>) offsets(%dma_start3A_74 : memref<128xi32, #tpu.memory_space<vmem>>) semaphore(%arg26 : memref<!tpu.dma_semaphore, #tpu.memory_space<semaphore_mem>>)
    %add3A_78 = arith.constant 0 : i32
    %add3A_79 = arith.addi %add3A_78, %arg0 : i32
    %scan3A_80 = arith.constant 0 : i32
    %scan3A_81 = arith.constant 8 : i32
    %scan3A_82 = arith.addi %scan3A_80, %scan3A_81 : i32
    %scan3A_83 = arith.constant 1 : i32
    scf.for %scan3A_627 = %scan3A_80 to %scan3A_82 step %scan3A_83  : i32 {
      %mul3A_628 = arith.constant 8 : i32
      %mul3A_629 = arith.muli %scan3A_627, %mul3A_628 : i32
      %add3A_630 = arith.constant 0 : i32
      %add3A_631 = arith.addi %mul3A_629, %add3A_630 : i32
      %dma_wait3A_632 = arith.constant 0 : i32
      %dma_wait3A_633 = tpu.memref_slice %arg8[%add3A_631, %dma_wait3A_632] : memref<64x128xi32, #tpu.memory_space<vmem>> -> memref<1x128xi32, #tpu.memory_space<vmem>>
      %dma_wait3A_634 = tpu.memref_squeeze %dma_wait3A_633 : memref<1x128xi32, #tpu.memory_space<vmem>> -> memref<128xi32, #tpu.memory_space<vmem>>
      %dma_wait3A_635 = arith.constant 0 : i32
      %dma_wait3A_636 = arith.constant 0 : i32
      %dma_wait3A_637 = tpu.memref_slice %arg2[%dma_wait3A_635, %dma_wait3A_636] : memref<65536x64xf32, #tpu.memory_space<hbm>> -> memref<65536x64xf32, #tpu.memory_space<hbm>>
      tpu.wait_indirect_dma semaphore(%arg19 : memref<!tpu.dma_semaphore, #tpu.memory_space<semaphore_mem>>) src(%dma_wait3A_637 : memref<65536x64xf32, #tpu.memory_space<hbm>>) dst(%arg11 : memref<128x64xf32, #tpu.memory_space<vmem>>)
      %dma_start3A_638 = arith.constant 0 : i32
      %dma_start3A_639 = tpu.memref_slice %arg7[%add3A_631, %dma_start3A_638] : memref<64x128xi32, #tpu.memory_space<vmem>> -> memref<1x128xi32, #tpu.memory_space<vmem>>
      %dma_start3A_640 = tpu.memref_squeeze %dma_start3A_639 : memref<1x128xi32, #tpu.memory_space<vmem>> -> memref<128xi32, #tpu.memory_space<vmem>>
      %dma_start3A_641 = arith.constant 0 : i32
      %dma_start3A_642 = arith.constant 0 : i32
      %dma_start3A_643 = tpu.memref_slice %arg10[%dma_start3A_641, %dma_start3A_642] : memref<8192x64xf32, #tpu.memory_space<vmem_shared>> -> memref<8192x64xf32, #tpu.memory_space<vmem_shared>>
      tpu.enqueue_indirect_dma source(%arg11 : memref<128x64xf32, #tpu.memory_space<vmem>>) target(%dma_start3A_643 : memref<8192x64xf32, #tpu.memory_space<vmem_shared>>) offsets(%dma_start3A_640 : memref<128xi32, #tpu.memory_space<vmem>>) semaphore(%arg27 : memref<!tpu.dma_semaphore, #tpu.memory_space<semaphore_mem>>) {add = true}
      %mul3A_644 = arith.constant 8 : i32
      %mul3A_645 = arith.muli %scan3A_627, %mul3A_644 : i32
      %add3A_646 = arith.constant 1 : i32
      %add3A_647 = arith.addi %mul3A_645, %add3A_646 : i32
      %dma_wait3A_648 = arith.constant 0 : i32
      %dma_wait3A_649 = tpu.memref_slice %arg8[%add3A_647, %dma_wait3A_648] : memref<64x128xi32, #tpu.memory_space<vmem>> -> memref<1x128xi32, #tpu.memory_space<vmem>>
      %dma_wait3A_650 = tpu.memref_squeeze %dma_wait3A_649 : memref<1x128xi32, #tpu.memory_space<vmem>> -> memref<128xi32, #tpu.memory_space<vmem>>
      %dma_wait3A_651 = arith.constant 0 : i32
      %dma_wait3A_652 = arith.constant 0 : i32
      %dma_wait3A_653 = tpu.memref_slice %arg2[%dma_wait3A_651, %dma_wait3A_652] : memref<65536x64xf32, #tpu.memory_space<hbm>> -> memref<65536x64xf32, #tpu.memory_space<hbm>>
      tpu.wait_indirect_dma semaphore(%arg20 : memref<!tpu.dma_semaphore, #tpu.memory_space<semaphore_mem>>) src(%dma_wait3A_653 : memref<65536x64xf32, #tpu.memory_space<hbm>>) dst(%arg12 : memref<128x64xf32, #tpu.memory_space<vmem>>)
      %dma_start3A_654 = arith.constant 0 : i32
      %dma_start3A_655 = tpu.memref_slice %arg7[%add3A_647, %dma_start3A_654] : memref<64x128xi32, #tpu.memory_space<vmem>> -> memref<1x128xi32, #tpu.memory_space<vmem>>
      %dma_start3A_656 = tpu.memref_squeeze %dma_start3A_655 : memref<1x128xi32, #tpu.memory_space<vmem>> -> memref<128xi32, #tpu.memory_space<vmem>>
      %dma_start3A_657 = arith.constant 0 : i32
      %dma_start3A_658 = arith.constant 0 : i32
      %dma_start3A_659 = tpu.memref_slice %arg10[%dma_start3A_657, %dma_start3A_658] : memref<8192x64xf32, #tpu.memory_space<vmem_shared>> -> memref<8192x64xf32, #tpu.memory_space<vmem_shared>>
      tpu.enqueue_indirect_dma source(%arg12 : memref<128x64xf32, #tpu.memory_space<vmem>>) target(%dma_start3A_659 : memref<8192x64xf32, #tpu.memory_space<vmem_shared>>) offsets(%dma_start3A_656 : memref<128xi32, #tpu.memory_space<vmem>>) semaphore(%arg28 : memref<!tpu.dma_semaphore, #tpu.memory_space<semaphore_mem>>) {add = true}
      %mul3A_660 = arith.constant 8 : i32
      %mul3A_661 = arith.muli %scan3A_627, %mul3A_660 : i32
      %add3A_662 = arith.constant 2 : i32
      %add3A_663 = arith.addi %mul3A_661, %add3A_662 : i32
      %dma_wait3A_664 = arith.constant 0 : i32
      %dma_wait3A_665 = tpu.memref_slice %arg8[%add3A_663, %dma_wait3A_664] : memref<64x128xi32, #tpu.memory_space<vmem>> -> memref<1x128xi32, #tpu.memory_space<vmem>>
      %dma_wait3A_666 = tpu.memref_squeeze %dma_wait3A_665 : memref<1x128xi32, #tpu.memory_space<vmem>> -> memref<128xi32, #tpu.memory_space<vmem>>
      %dma_wait3A_667 = arith.constant 0 : i32
      %dma_wait3A_668 = arith.constant 0 : i32
      %dma_wait3A_669 = tpu.memref_slice %arg2[%dma_wait3A_667, %dma_wait3A_668] : memref<65536x64xf32, #tpu.memory_space<hbm>> -> memref<65536x64xf32, #tpu.memory_space<hbm>>
      tpu.wait_indirect_dma semaphore(%arg21 : memref<!tpu.dma_semaphore, #tpu.memory_space<semaphore_mem>>) src(%dma_wait3A_669 : memref<65536x64xf32, #tpu.memory_space<hbm>>) dst(%arg13 : memref<128x64xf32, #tpu.memory_space<vmem>>)
      %dma_start3A_670 = arith.constant 0 : i32
      %dma_start3A_671 = tpu.memref_slice %arg7[%add3A_663, %dma_start3A_670] : memref<64x128xi32, #tpu.memory_space<vmem>> -> memref<1x128xi32, #tpu.memory_space<vmem>>
      %dma_start3A_672 = tpu.memref_squeeze %dma_start3A_671 : memref<1x128xi32, #tpu.memory_space<vmem>> -> memref<128xi32, #tpu.memory_space<vmem>>
      %dma_start3A_673 = arith.constant 0 : i32
      %dma_start3A_674 = arith.constant 0 : i32
      %dma_start3A_675 = tpu.memref_slice %arg10[%dma_start3A_673, %dma_start3A_674] : memref<8192x64xf32, #tpu.memory_space<vmem_shared>> -> memref<8192x64xf32, #tpu.memory_space<vmem_shared>>
      tpu.enqueue_indirect_dma source(%arg13 : memref<128x64xf32, #tpu.memory_space<vmem>>) target(%dma_start3A_675 : memref<8192x64xf32, #tpu.memory_space<vmem_shared>>) offsets(%dma_start3A_672 : memref<128xi32, #tpu.memory_space<vmem>>) semaphore(%arg29 : memref<!tpu.dma_semaphore, #tpu.memory_space<semaphore_mem>>) {add = true}
      %mul3A_676 = arith.constant 8 : i32
      %mul3A_677 = arith.muli %scan3A_627, %mul3A_676 : i32
      %add3A_678 = arith.constant 3 : i32
      %add3A_679 = arith.addi %mul3A_677, %add3A_678 : i32
      %dma_wait3A_680 = arith.constant 0 : i32
      %dma_wait3A_681 = tpu.memref_slice %arg8[%add3A_679, %dma_wait3A_680] : memref<64x128xi32, #tpu.memory_space<vmem>> -> memref<1x128xi32, #tpu.memory_space<vmem>>
      %dma_wait3A_682 = tpu.memref_squeeze %dma_wait3A_681 : memref<1x128xi32, #tpu.memory_space<vmem>> -> memref<128xi32, #tpu.memory_space<vmem>>
      %dma_wait3A_683 = arith.constant 0 : i32
      %dma_wait3A_684 = arith.constant 0 : i32
      %dma_wait3A_685 = tpu.memref_slice %arg2[%dma_wait3A_683, %dma_wait3A_684] : memref<65536x64xf32, #tpu.memory_space<hbm>> -> memref<65536x64xf32, #tpu.memory_space<hbm>>
      tpu.wait_indirect_dma semaphore(%arg22 : memref<!tpu.dma_semaphore, #tpu.memory_space<semaphore_mem>>) src(%dma_wait3A_685 : memref<65536x64xf32, #tpu.memory_space<hbm>>) dst(%arg14 : memref<128x64xf32, #tpu.memory_space<vmem>>)
      %dma_start3A_686 = arith.constant 0 : i32
      %dma_start3A_687 = tpu.memref_slice %arg7[%add3A_679, %dma_start3A_686] : memref<64x128xi32, #tpu.memory_space<vmem>> -> memref<1x128xi32, #tpu.memory_space<vmem>>
      %dma_start3A_688 = tpu.memref_squeeze %dma_start3A_687 : memref<1x128xi32, #tpu.memory_space<vmem>> -> memref<128xi32, #tpu.memory_space<vmem>>
      %dma_start3A_689 = arith.constant 0 : i32
      %dma_start3A_690 = arith.constant 0 : i32
      %dma_start3A_691 = tpu.memref_slice %arg10[%dma_start3A_689, %dma_start3A_690] : memref<8192x64xf32, #tpu.memory_space<vmem_shared>> -> memref<8192x64xf32, #tpu.memory_space<vmem_shared>>
      tpu.enqueue_indirect_dma source(%arg14 : memref<128x64xf32, #tpu.memory_space<vmem>>) target(%dma_start3A_691 : memref<8192x64xf32, #tpu.memory_space<vmem_shared>>) offsets(%dma_start3A_688 : memref<128xi32, #tpu.memory_space<vmem>>) semaphore(%arg30 : memref<!tpu.dma_semaphore, #tpu.memory_space<semaphore_mem>>) {add = true}
      %mul3A_692 = arith.constant 8 : i32
      %mul3A_693 = arith.muli %scan3A_627, %mul3A_692 : i32
      %add3A_694 = arith.constant 4 : i32
      %add3A_695 = arith.addi %mul3A_693, %add3A_694 : i32
      %dma_wait3A_696 = arith.constant 0 : i32
      %dma_wait3A_697 = tpu.memref_slice %arg8[%add3A_695, %dma_wait3A_696] : memref<64x128xi32, #tpu.memory_space<vmem>> -> memref<1x128xi32, #tpu.memory_space<vmem>>
      %dma_wait3A_698 = tpu.memref_squeeze %dma_wait3A_697 : memref<1x128xi32, #tpu.memory_space<vmem>> -> memref<128xi32, #tpu.memory_space<vmem>>
      %dma_wait3A_699 = arith.constant 0 : i32
      %dma_wait3A_700 = arith.constant 0 : i32
      %dma_wait3A_701 = tpu.memref_slice %arg2[%dma_wait3A_699, %dma_wait3A_700] : memref<65536x64xf32, #tpu.memory_space<hbm>> -> memref<65536x64xf32, #tpu.memory_space<hbm>>
      tpu.wait_indirect_dma semaphore(%arg23 : memref<!tpu.dma_semaphore, #tpu.memory_space<semaphore_mem>>) src(%dma_wait3A_701 : memref<65536x64xf32, #tpu.memory_space<hbm>>) dst(%arg15 : memref<128x64xf32, #tpu.memory_space<vmem>>)
      %dma_start3A_702 = arith.constant 0 : i32
      %dma_start3A_703 = tpu.memref_slice %arg7[%add3A_695, %dma_start3A_702] : memref<64x128xi32, #tpu.memory_space<vmem>> -> memref<1x128xi32, #tpu.memory_space<vmem>>
      %dma_start3A_704 = tpu.memref_squeeze %dma_start3A_703 : memref<1x128xi32, #tpu.memory_space<vmem>> -> memref<128xi32, #tpu.memory_space<vmem>>
      %dma_start3A_705 = arith.constant 0 : i32
      %dma_start3A_706 = arith.constant 0 : i32
      %dma_start3A_707 = tpu.memref_slice %arg10[%dma_start3A_705, %dma_start3A_706] : memref<8192x64xf32, #tpu.memory_space<vmem_shared>> -> memref<8192x64xf32, #tpu.memory_space<vmem_shared>>
      tpu.enqueue_indirect_dma source(%arg15 : memref<128x64xf32, #tpu.memory_space<vmem>>) target(%dma_start3A_707 : memref<8192x64xf32, #tpu.memory_space<vmem_shared>>) offsets(%dma_start3A_704 : memref<128xi32, #tpu.memory_space<vmem>>) semaphore(%arg31 : memref<!tpu.dma_semaphore, #tpu.memory_space<semaphore_mem>>) {add = true}
      %mul3A_708 = arith.constant 8 : i32
      %mul3A_709 = arith.muli %scan3A_627, %mul3A_708 : i32
      %add3A_710 = arith.constant 5 : i32
      %add3A_711 = arith.addi %mul3A_709, %add3A_710 : i32
      %dma_wait3A_712 = arith.constant 0 : i32
      %dma_wait3A_713 = tpu.memref_slice %arg8[%add3A_711, %dma_wait3A_712] : memref<64x128xi32, #tpu.memory_space<vmem>> -> memref<1x128xi32, #tpu.memory_space<vmem>>
      %dma_wait3A_714 = tpu.memref_squeeze %dma_wait3A_713 : memref<1x128xi32, #tpu.memory_space<vmem>> -> memref<128xi32, #tpu.memory_space<vmem>>
      %dma_wait3A_715 = arith.constant 0 : i32
      %dma_wait3A_716 = arith.constant 0 : i32
      %dma_wait3A_717 = tpu.memref_slice %arg2[%dma_wait3A_715, %dma_wait3A_716] : memref<65536x64xf32, #tpu.memory_space<hbm>> -> memref<65536x64xf32, #tpu.memory_space<hbm>>
      tpu.wait_indirect_dma semaphore(%arg24 : memref<!tpu.dma_semaphore, #tpu.memory_space<semaphore_mem>>) src(%dma_wait3A_717 : memref<65536x64xf32, #tpu.memory_space<hbm>>) dst(%arg16 : memref<128x64xf32, #tpu.memory_space<vmem>>)
      %dma_start3A_718 = arith.constant 0 : i32
      %dma_start3A_719 = tpu.memref_slice %arg7[%add3A_711, %dma_start3A_718] : memref<64x128xi32, #tpu.memory_space<vmem>> -> memref<1x128xi32, #tpu.memory_space<vmem>>
      %dma_start3A_720 = tpu.memref_squeeze %dma_start3A_719 : memref<1x128xi32, #tpu.memory_space<vmem>> -> memref<128xi32, #tpu.memory_space<vmem>>
      %dma_start3A_721 = arith.constant 0 : i32
      %dma_start3A_722 = arith.constant 0 : i32
      %dma_start3A_723 = tpu.memref_slice %arg10[%dma_start3A_721, %dma_start3A_722] : memref<8192x64xf32, #tpu.memory_space<vmem_shared>> -> memref<8192x64xf32, #tpu.memory_space<vmem_shared>>
      tpu.enqueue_indirect_dma source(%arg16 : memref<128x64xf32, #tpu.memory_space<vmem>>) target(%dma_start3A_723 : memref<8192x64xf32, #tpu.memory_space<vmem_shared>>) offsets(%dma_start3A_720 : memref<128xi32, #tpu.memory_space<vmem>>) semaphore(%arg32 : memref<!tpu.dma_semaphore, #tpu.memory_space<semaphore_mem>>) {add = true}
      %mul3A_724 = arith.constant 8 : i32
      %mul3A_725 = arith.muli %scan3A_627, %mul3A_724 : i32
      %add3A_726 = arith.constant 6 : i32
      %add3A_727 = arith.addi %mul3A_725, %add3A_726 : i32
      %dma_wait3A_728 = arith.constant 0 : i32
      %dma_wait3A_729 = tpu.memref_slice %arg8[%add3A_727, %dma_wait3A_728] : memref<64x128xi32, #tpu.memory_space<vmem>> -> memref<1x128xi32, #tpu.memory_space<vmem>>
      %dma_wait3A_730 = tpu.memref_squeeze %dma_wait3A_729 : memref<1x128xi32, #tpu.memory_space<vmem>> -> memref<128xi32, #tpu.memory_space<vmem>>
      %dma_wait3A_731 = arith.constant 0 : i32
      %dma_wait3A_732 = arith.constant 0 : i32
      %dma_wait3A_733 = tpu.memref_slice %arg2[%dma_wait3A_731, %dma_wait3A_732] : memref<65536x64xf32, #tpu.memory_space<hbm>> -> memref<65536x64xf32, #tpu.memory_space<hbm>>
      tpu.wait_indirect_dma semaphore(%arg25 : memref<!tpu.dma_semaphore, #tpu.memory_space<semaphore_mem>>) src(%dma_wait3A_733 : memref<65536x64xf32, #tpu.memory_space<hbm>>) dst(%arg17 : memref<128x64xf32, #tpu.memory_space<vmem>>)
      %dma_start3A_734 = arith.constant 0 : i32
      %dma_start3A_735 = tpu.memref_slice %arg7[%add3A_727, %dma_start3A_734] : memref<64x128xi32, #tpu.memory_space<vmem>> -> memref<1x128xi32, #tpu.memory_space<vmem>>
      %dma_start3A_736 = tpu.memref_squeeze %dma_start3A_735 : memref<1x128xi32, #tpu.memory_space<vmem>> -> memref<128xi32, #tpu.memory_space<vmem>>
      %dma_start3A_737 = arith.constant 0 : i32
      %dma_start3A_738 = arith.constant 0 : i32
      %dma_start3A_739 = tpu.memref_slice %arg10[%dma_start3A_737, %dma_start3A_738] : memref<8192x64xf32, #tpu.memory_space<vmem_shared>> -> memref<8192x64xf32, #tpu.memory_space<vmem_shared>>
      tpu.enqueue_indirect_dma source(%arg17 : memref<128x64xf32, #tpu.memory_space<vmem>>) target(%dma_start3A_739 : memref<8192x64xf32, #tpu.memory_space<vmem_shared>>) offsets(%dma_start3A_736 : memref<128xi32, #tpu.memory_space<vmem>>) semaphore(%arg33 : memref<!tpu.dma_semaphore, #tpu.memory_space<semaphore_mem>>) {add = true}
      %mul3A_740 = arith.constant 8 : i32
      %mul3A_741 = arith.muli %scan3A_627, %mul3A_740 : i32
      %add3A_742 = arith.constant 7 : i32
      %add3A_743 = arith.addi %mul3A_741, %add3A_742 : i32
      %dma_wait3A_744 = arith.constant 0 : i32
      %dma_wait3A_745 = tpu.memref_slice %arg8[%add3A_743, %dma_wait3A_744] : memref<64x128xi32, #tpu.memory_space<vmem>> -> memref<1x128xi32, #tpu.memory_space<vmem>>
      %dma_wait3A_746 = tpu.memref_squeeze %dma_wait3A_745 : memref<1x128xi32, #tpu.memory_space<vmem>> -> memref<128xi32, #tpu.memory_space<vmem>>
      %dma_wait3A_747 = arith.constant 0 : i32
      %dma_wait3A_748 = arith.constant 0 : i32
      %dma_wait3A_749 = tpu.memref_slice %arg2[%dma_wait3A_747, %dma_wait3A_748] : memref<65536x64xf32, #tpu.memory_space<hbm>> -> memref<65536x64xf32, #tpu.memory_space<hbm>>
      tpu.wait_indirect_dma semaphore(%arg26 : memref<!tpu.dma_semaphore, #tpu.memory_space<semaphore_mem>>) src(%dma_wait3A_749 : memref<65536x64xf32, #tpu.memory_space<hbm>>) dst(%arg18 : memref<128x64xf32, #tpu.memory_space<vmem>>)
      %dma_start3A_750 = arith.constant 0 : i32
      %dma_start3A_751 = tpu.memref_slice %arg7[%add3A_743, %dma_start3A_750] : memref<64x128xi32, #tpu.memory_space<vmem>> -> memref<1x128xi32, #tpu.memory_space<vmem>>
      %dma_start3A_752 = tpu.memref_squeeze %dma_start3A_751 : memref<1x128xi32, #tpu.memory_space<vmem>> -> memref<128xi32, #tpu.memory_space<vmem>>
      %dma_start3A_753 = arith.constant 0 : i32
      %dma_start3A_754 = arith.constant 0 : i32
      %dma_start3A_755 = tpu.memref_slice %arg10[%dma_start3A_753, %dma_start3A_754] : memref<8192x64xf32, #tpu.memory_space<vmem_shared>> -> memref<8192x64xf32, #tpu.memory_space<vmem_shared>>
      tpu.enqueue_indirect_dma source(%arg18 : memref<128x64xf32, #tpu.memory_space<vmem>>) target(%dma_start3A_755 : memref<8192x64xf32, #tpu.memory_space<vmem_shared>>) offsets(%dma_start3A_752 : memref<128xi32, #tpu.memory_space<vmem>>) semaphore(%arg34 : memref<!tpu.dma_semaphore, #tpu.memory_space<semaphore_mem>>) {add = true}
      %mul3A_756 = arith.constant 8 : i32
      %mul3A_757 = arith.muli %scan3A_627, %mul3A_756 : i32
      %add3A_758 = arith.constant 0 : i32
      %add3A_759 = arith.addi %mul3A_757, %add3A_758 : i32
      %lt3A = arith.constant 7 : i32
      %lt3A_760 = arith.cmpi slt, %scan3A_627, %lt3A : i32
      %convert_element_type3A = arith.extui %lt3A_760 : i1 to i32
      %cond3A = arith.constant 0 : i32
      %cond3A_761 = arith.cmpi ne, %convert_element_type3A, %cond3A : i32
      scf.if %cond3A_761 {
        %dma_wait3A_825 = arith.constant 0 : i32
        %dma_wait3A_826 = tpu.memref_slice %arg7[%add3A_759, %dma_wait3A_825] : memref<64x128xi32, #tpu.memory_space<vmem>> -> memref<1x128xi32, #tpu.memory_space<vmem>>
        %dma_wait3A_827 = tpu.memref_squeeze %dma_wait3A_826 : memref<1x128xi32, #tpu.memory_space<vmem>> -> memref<128xi32, #tpu.memory_space<vmem>>
        %dma_wait3A_828 = arith.constant 0 : i32
        %dma_wait3A_829 = arith.constant 0 : i32
        %dma_wait3A_830 = tpu.memref_slice %arg10[%dma_wait3A_828, %dma_wait3A_829] : memref<8192x64xf32, #tpu.memory_space<vmem_shared>> -> memref<8192x64xf32, #tpu.memory_space<vmem_shared>>
        tpu.wait_indirect_dma semaphore(%arg27 : memref<!tpu.dma_semaphore, #tpu.memory_space<semaphore_mem>>) src(%arg11 : memref<128x64xf32, #tpu.memory_space<vmem>>) dst(%dma_wait3A_830 : memref<8192x64xf32, #tpu.memory_space<vmem_shared>>)
        %add3A_831 = arith.constant 8 : i32
        %add3A_832 = arith.addi %add3A_759, %add3A_831 : i32
        %dma_start3A_833 = arith.constant 0 : i32
        %dma_start3A_834 = tpu.memref_slice %arg8[%add3A_832, %dma_start3A_833] : memref<64x128xi32, #tpu.memory_space<vmem>> -> memref<1x128xi32, #tpu.memory_space<vmem>>
        %dma_start3A_835 = tpu.memref_squeeze %dma_start3A_834 : memref<1x128xi32, #tpu.memory_space<vmem>> -> memref<128xi32, #tpu.memory_space<vmem>>
        %dma_start3A_836 = arith.constant 0 : i32
        %dma_start3A_837 = arith.constant 0 : i32
        %dma_start3A_838 = tpu.memref_slice %arg2[%dma_start3A_836, %dma_start3A_837] : memref<65536x64xf32, #tpu.memory_space<hbm>> -> memref<65536x64xf32, #tpu.memory_space<hbm>>
        tpu.enqueue_indirect_dma source(%dma_start3A_838 : memref<65536x64xf32, #tpu.memory_space<hbm>>) target(%arg11 : memref<128x64xf32, #tpu.memory_space<vmem>>) offsets(%dma_start3A_835 : memref<128xi32, #tpu.memory_space<vmem>>) semaphore(%arg19 : memref<!tpu.dma_semaphore, #tpu.memory_space<semaphore_mem>>)
      } else {
      }
      %mul3A_762 = arith.constant 8 : i32
      %mul3A_763 = arith.muli %scan3A_627, %mul3A_762 : i32
      %add3A_764 = arith.constant 1 : i32
      %add3A_765 = arith.addi %mul3A_763, %add3A_764 : i32
      %lt3A_766 = arith.constant 7 : i32
      %lt3A_767 = arith.cmpi slt, %scan3A_627, %lt3A_766 : i32
      %convert_element_type3A_768 = arith.extui %lt3A_767 : i1 to i32
      %cond3A_769 = arith.constant 0 : i32
      %cond3A_770 = arith.cmpi ne, %convert_element_type3A_768, %cond3A_769 : i32
      scf.if %cond3A_770 {
        %dma_wait3A_825 = arith.constant 0 : i32
        %dma_wait3A_826 = tpu.memref_slice %arg7[%add3A_765, %dma_wait3A_825] : memref<64x128xi32, #tpu.memory_space<vmem>> -> memref<1x128xi32, #tpu.memory_space<vmem>>
        %dma_wait3A_827 = tpu.memref_squeeze %dma_wait3A_826 : memref<1x128xi32, #tpu.memory_space<vmem>> -> memref<128xi32, #tpu.memory_space<vmem>>
        %dma_wait3A_828 = arith.constant 0 : i32
        %dma_wait3A_829 = arith.constant 0 : i32
        %dma_wait3A_830 = tpu.memref_slice %arg10[%dma_wait3A_828, %dma_wait3A_829] : memref<8192x64xf32, #tpu.memory_space<vmem_shared>> -> memref<8192x64xf32, #tpu.memory_space<vmem_shared>>
        tpu.wait_indirect_dma semaphore(%arg28 : memref<!tpu.dma_semaphore, #tpu.memory_space<semaphore_mem>>) src(%arg12 : memref<128x64xf32, #tpu.memory_space<vmem>>) dst(%dma_wait3A_830 : memref<8192x64xf32, #tpu.memory_space<vmem_shared>>)
        %add3A_831 = arith.constant 8 : i32
        %add3A_832 = arith.addi %add3A_765, %add3A_831 : i32
        %dma_start3A_833 = arith.constant 0 : i32
        %dma_start3A_834 = tpu.memref_slice %arg8[%add3A_832, %dma_start3A_833] : memref<64x128xi32, #tpu.memory_space<vmem>> -> memref<1x128xi32, #tpu.memory_space<vmem>>
        %dma_start3A_835 = tpu.memref_squeeze %dma_start3A_834 : memref<1x128xi32, #tpu.memory_space<vmem>> -> memref<128xi32, #tpu.memory_space<vmem>>
        %dma_start3A_836 = arith.constant 0 : i32
        %dma_start3A_837 = arith.constant 0 : i32
        %dma_start3A_838 = tpu.memref_slice %arg2[%dma_start3A_836, %dma_start3A_837] : memref<65536x64xf32, #tpu.memory_space<hbm>> -> memref<65536x64xf32, #tpu.memory_space<hbm>>
        tpu.enqueue_indirect_dma source(%dma_start3A_838 : memref<65536x64xf32, #tpu.memory_space<hbm>>) target(%arg12 : memref<128x64xf32, #tpu.memory_space<vmem>>) offsets(%dma_start3A_835 : memref<128xi32, #tpu.memory_space<vmem>>) semaphore(%arg20 : memref<!tpu.dma_semaphore, #tpu.memory_space<semaphore_mem>>)
      } else {
      }
      %mul3A_771 = arith.constant 8 : i32
      %mul3A_772 = arith.muli %scan3A_627, %mul3A_771 : i32
      %add3A_773 = arith.constant 2 : i32
      %add3A_774 = arith.addi %mul3A_772, %add3A_773 : i32
      %lt3A_775 = arith.constant 7 : i32
      %lt3A_776 = arith.cmpi slt, %scan3A_627, %lt3A_775 : i32
      %convert_element_type3A_777 = arith.extui %lt3A_776 : i1 to i32
      %cond3A_778 = arith.constant 0 : i32
      %cond3A_779 = arith.cmpi ne, %convert_element_type3A_777, %cond3A_778 : i32
      scf.if %cond3A_779 {
        %dma_wait3A_825 = arith.constant 0 : i32
        %dma_wait3A_826 = tpu.memref_slice %arg7[%add3A_774, %dma_wait3A_825] : memref<64x128xi32, #tpu.memory_space<vmem>> -> memref<1x128xi32, #tpu.memory_space<vmem>>
        %dma_wait3A_827 = tpu.memref_squeeze %dma_wait3A_826 : memref<1x128xi32, #tpu.memory_space<vmem>> -> memref<128xi32, #tpu.memory_space<vmem>>
        %dma_wait3A_828 = arith.constant 0 : i32
        %dma_wait3A_829 = arith.constant 0 : i32
        %dma_wait3A_830 = tpu.memref_slice %arg10[%dma_wait3A_828, %dma_wait3A_829] : memref<8192x64xf32, #tpu.memory_space<vmem_shared>> -> memref<8192x64xf32, #tpu.memory_space<vmem_shared>>
        tpu.wait_indirect_dma semaphore(%arg29 : memref<!tpu.dma_semaphore, #tpu.memory_space<semaphore_mem>>) src(%arg13 : memref<128x64xf32, #tpu.memory_space<vmem>>) dst(%dma_wait3A_830 : memref<8192x64xf32, #tpu.memory_space<vmem_shared>>)
        %add3A_831 = arith.constant 8 : i32
        %add3A_832 = arith.addi %add3A_774, %add3A_831 : i32
        %dma_start3A_833 = arith.constant 0 : i32
        %dma_start3A_834 = tpu.memref_slice %arg8[%add3A_832, %dma_start3A_833] : memref<64x128xi32, #tpu.memory_space<vmem>> -> memref<1x128xi32, #tpu.memory_space<vmem>>
        %dma_start3A_835 = tpu.memref_squeeze %dma_start3A_834 : memref<1x128xi32, #tpu.memory_space<vmem>> -> memref<128xi32, #tpu.memory_space<vmem>>
        %dma_start3A_836 = arith.constant 0 : i32
        %dma_start3A_837 = arith.constant 0 : i32
        %dma_start3A_838 = tpu.memref_slice %arg2[%dma_start3A_836, %dma_start3A_837] : memref<65536x64xf32, #tpu.memory_space<hbm>> -> memref<65536x64xf32, #tpu.memory_space<hbm>>
        tpu.enqueue_indirect_dma source(%dma_start3A_838 : memref<65536x64xf32, #tpu.memory_space<hbm>>) target(%arg13 : memref<128x64xf32, #tpu.memory_space<vmem>>) offsets(%dma_start3A_835 : memref<128xi32, #tpu.memory_space<vmem>>) semaphore(%arg21 : memref<!tpu.dma_semaphore, #tpu.memory_space<semaphore_mem>>)
      } else {
      }
      %mul3A_780 = arith.constant 8 : i32
      %mul3A_781 = arith.muli %scan3A_627, %mul3A_780 : i32
      %add3A_782 = arith.constant 3 : i32
      %add3A_783 = arith.addi %mul3A_781, %add3A_782 : i32
      %lt3A_784 = arith.constant 7 : i32
      %lt3A_785 = arith.cmpi slt, %scan3A_627, %lt3A_784 : i32
      %convert_element_type3A_786 = arith.extui %lt3A_785 : i1 to i32
      %cond3A_787 = arith.constant 0 : i32
      %cond3A_788 = arith.cmpi ne, %convert_element_type3A_786, %cond3A_787 : i32
      scf.if %cond3A_788 {
        %dma_wait3A_825 = arith.constant 0 : i32
        %dma_wait3A_826 = tpu.memref_slice %arg7[%add3A_783, %dma_wait3A_825] : memref<64x128xi32, #tpu.memory_space<vmem>> -> memref<1x128xi32, #tpu.memory_space<vmem>>
        %dma_wait3A_827 = tpu.memref_squeeze %dma_wait3A_826 : memref<1x128xi32, #tpu.memory_space<vmem>> -> memref<128xi32, #tpu.memory_space<vmem>>
        %dma_wait3A_828 = arith.constant 0 : i32
        %dma_wait3A_829 = arith.constant 0 : i32
        %dma_wait3A_830 = tpu.memref_slice %arg10[%dma_wait3A_828, %dma_wait3A_829] : memref<8192x64xf32, #tpu.memory_space<vmem_shared>> -> memref<8192x64xf32, #tpu.memory_space<vmem_shared>>
        tpu.wait_indirect_dma semaphore(%arg30 : memref<!tpu.dma_semaphore, #tpu.memory_space<semaphore_mem>>) src(%arg14 : memref<128x64xf32, #tpu.memory_space<vmem>>) dst(%dma_wait3A_830 : memref<8192x64xf32, #tpu.memory_space<vmem_shared>>)
        %add3A_831 = arith.constant 8 : i32
        %add3A_832 = arith.addi %add3A_783, %add3A_831 : i32
        %dma_start3A_833 = arith.constant 0 : i32
        %dma_start3A_834 = tpu.memref_slice %arg8[%add3A_832, %dma_start3A_833] : memref<64x128xi32, #tpu.memory_space<vmem>> -> memref<1x128xi32, #tpu.memory_space<vmem>>
        %dma_start3A_835 = tpu.memref_squeeze %dma_start3A_834 : memref<1x128xi32, #tpu.memory_space<vmem>> -> memref<128xi32, #tpu.memory_space<vmem>>
        %dma_start3A_836 = arith.constant 0 : i32
        %dma_start3A_837 = arith.constant 0 : i32
        %dma_start3A_838 = tpu.memref_slice %arg2[%dma_start3A_836, %dma_start3A_837] : memref<65536x64xf32, #tpu.memory_space<hbm>> -> memref<65536x64xf32, #tpu.memory_space<hbm>>
        tpu.enqueue_indirect_dma source(%dma_start3A_838 : memref<65536x64xf32, #tpu.memory_space<hbm>>) target(%arg14 : memref<128x64xf32, #tpu.memory_space<vmem>>) offsets(%dma_start3A_835 : memref<128xi32, #tpu.memory_space<vmem>>) semaphore(%arg22 : memref<!tpu.dma_semaphore, #tpu.memory_space<semaphore_mem>>)
      } else {
      }
      %mul3A_789 = arith.constant 8 : i32
      %mul3A_790 = arith.muli %scan3A_627, %mul3A_789 : i32
      %add3A_791 = arith.constant 4 : i32
      %add3A_792 = arith.addi %mul3A_790, %add3A_791 : i32
      %lt3A_793 = arith.constant 7 : i32
      %lt3A_794 = arith.cmpi slt, %scan3A_627, %lt3A_793 : i32
      %convert_element_type3A_795 = arith.extui %lt3A_794 : i1 to i32
      %cond3A_796 = arith.constant 0 : i32
      %cond3A_797 = arith.cmpi ne, %convert_element_type3A_795, %cond3A_796 : i32
      scf.if %cond3A_797 {
        %dma_wait3A_825 = arith.constant 0 : i32
        %dma_wait3A_826 = tpu.memref_slice %arg7[%add3A_792, %dma_wait3A_825] : memref<64x128xi32, #tpu.memory_space<vmem>> -> memref<1x128xi32, #tpu.memory_space<vmem>>
        %dma_wait3A_827 = tpu.memref_squeeze %dma_wait3A_826 : memref<1x128xi32, #tpu.memory_space<vmem>> -> memref<128xi32, #tpu.memory_space<vmem>>
        %dma_wait3A_828 = arith.constant 0 : i32
        %dma_wait3A_829 = arith.constant 0 : i32
        %dma_wait3A_830 = tpu.memref_slice %arg10[%dma_wait3A_828, %dma_wait3A_829] : memref<8192x64xf32, #tpu.memory_space<vmem_shared>> -> memref<8192x64xf32, #tpu.memory_space<vmem_shared>>
        tpu.wait_indirect_dma semaphore(%arg31 : memref<!tpu.dma_semaphore, #tpu.memory_space<semaphore_mem>>) src(%arg15 : memref<128x64xf32, #tpu.memory_space<vmem>>) dst(%dma_wait3A_830 : memref<8192x64xf32, #tpu.memory_space<vmem_shared>>)
        %add3A_831 = arith.constant 8 : i32
        %add3A_832 = arith.addi %add3A_792, %add3A_831 : i32
        %dma_start3A_833 = arith.constant 0 : i32
        %dma_start3A_834 = tpu.memref_slice %arg8[%add3A_832, %dma_start3A_833] : memref<64x128xi32, #tpu.memory_space<vmem>> -> memref<1x128xi32, #tpu.memory_space<vmem>>
        %dma_start3A_835 = tpu.memref_squeeze %dma_start3A_834 : memref<1x128xi32, #tpu.memory_space<vmem>> -> memref<128xi32, #tpu.memory_space<vmem>>
        %dma_start3A_836 = arith.constant 0 : i32
        %dma_start3A_837 = arith.constant 0 : i32
        %dma_start3A_838 = tpu.memref_slice %arg2[%dma_start3A_836, %dma_start3A_837] : memref<65536x64xf32, #tpu.memory_space<hbm>> -> memref<65536x64xf32, #tpu.memory_space<hbm>>
        tpu.enqueue_indirect_dma source(%dma_start3A_838 : memref<65536x64xf32, #tpu.memory_space<hbm>>) target(%arg15 : memref<128x64xf32, #tpu.memory_space<vmem>>) offsets(%dma_start3A_835 : memref<128xi32, #tpu.memory_space<vmem>>) semaphore(%arg23 : memref<!tpu.dma_semaphore, #tpu.memory_space<semaphore_mem>>)
      } else {
      }
      %mul3A_798 = arith.constant 8 : i32
      %mul3A_799 = arith.muli %scan3A_627, %mul3A_798 : i32
      %add3A_800 = arith.constant 5 : i32
      %add3A_801 = arith.addi %mul3A_799, %add3A_800 : i32
      %lt3A_802 = arith.constant 7 : i32
      %lt3A_803 = arith.cmpi slt, %scan3A_627, %lt3A_802 : i32
      %convert_element_type3A_804 = arith.extui %lt3A_803 : i1 to i32
      %cond3A_805 = arith.constant 0 : i32
      %cond3A_806 = arith.cmpi ne, %convert_element_type3A_804, %cond3A_805 : i32
      scf.if %cond3A_806 {
        %dma_wait3A_825 = arith.constant 0 : i32
        %dma_wait3A_826 = tpu.memref_slice %arg7[%add3A_801, %dma_wait3A_825] : memref<64x128xi32, #tpu.memory_space<vmem>> -> memref<1x128xi32, #tpu.memory_space<vmem>>
        %dma_wait3A_827 = tpu.memref_squeeze %dma_wait3A_826 : memref<1x128xi32, #tpu.memory_space<vmem>> -> memref<128xi32, #tpu.memory_space<vmem>>
        %dma_wait3A_828 = arith.constant 0 : i32
        %dma_wait3A_829 = arith.constant 0 : i32
        %dma_wait3A_830 = tpu.memref_slice %arg10[%dma_wait3A_828, %dma_wait3A_829] : memref<8192x64xf32, #tpu.memory_space<vmem_shared>> -> memref<8192x64xf32, #tpu.memory_space<vmem_shared>>
        tpu.wait_indirect_dma semaphore(%arg32 : memref<!tpu.dma_semaphore, #tpu.memory_space<semaphore_mem>>) src(%arg16 : memref<128x64xf32, #tpu.memory_space<vmem>>) dst(%dma_wait3A_830 : memref<8192x64xf32, #tpu.memory_space<vmem_shared>>)
        %add3A_831 = arith.constant 8 : i32
        %add3A_832 = arith.addi %add3A_801, %add3A_831 : i32
        %dma_start3A_833 = arith.constant 0 : i32
        %dma_start3A_834 = tpu.memref_slice %arg8[%add3A_832, %dma_start3A_833] : memref<64x128xi32, #tpu.memory_space<vmem>> -> memref<1x128xi32, #tpu.memory_space<vmem>>
        %dma_start3A_835 = tpu.memref_squeeze %dma_start3A_834 : memref<1x128xi32, #tpu.memory_space<vmem>> -> memref<128xi32, #tpu.memory_space<vmem>>
        %dma_start3A_836 = arith.constant 0 : i32
        %dma_start3A_837 = arith.constant 0 : i32
        %dma_start3A_838 = tpu.memref_slice %arg2[%dma_start3A_836, %dma_start3A_837] : memref<65536x64xf32, #tpu.memory_space<hbm>> -> memref<65536x64xf32, #tpu.memory_space<hbm>>
        tpu.enqueue_indirect_dma source(%dma_start3A_838 : memref<65536x64xf32, #tpu.memory_space<hbm>>) target(%arg16 : memref<128x64xf32, #tpu.memory_space<vmem>>) offsets(%dma_start3A_835 : memref<128xi32, #tpu.memory_space<vmem>>) semaphore(%arg24 : memref<!tpu.dma_semaphore, #tpu.memory_space<semaphore_mem>>)
      } else {
      }
      %mul3A_807 = arith.constant 8 : i32
      %mul3A_808 = arith.muli %scan3A_627, %mul3A_807 : i32
      %add3A_809 = arith.constant 6 : i32
      %add3A_810 = arith.addi %mul3A_808, %add3A_809 : i32
      %lt3A_811 = arith.constant 7 : i32
      %lt3A_812 = arith.cmpi slt, %scan3A_627, %lt3A_811 : i32
      %convert_element_type3A_813 = arith.extui %lt3A_812 : i1 to i32
      %cond3A_814 = arith.constant 0 : i32
      %cond3A_815 = arith.cmpi ne, %convert_element_type3A_813, %cond3A_814 : i32
      scf.if %cond3A_815 {
        %dma_wait3A_825 = arith.constant 0 : i32
        %dma_wait3A_826 = tpu.memref_slice %arg7[%add3A_810, %dma_wait3A_825] : memref<64x128xi32, #tpu.memory_space<vmem>> -> memref<1x128xi32, #tpu.memory_space<vmem>>
        %dma_wait3A_827 = tpu.memref_squeeze %dma_wait3A_826 : memref<1x128xi32, #tpu.memory_space<vmem>> -> memref<128xi32, #tpu.memory_space<vmem>>
        %dma_wait3A_828 = arith.constant 0 : i32
        %dma_wait3A_829 = arith.constant 0 : i32
        %dma_wait3A_830 = tpu.memref_slice %arg10[%dma_wait3A_828, %dma_wait3A_829] : memref<8192x64xf32, #tpu.memory_space<vmem_shared>> -> memref<8192x64xf32, #tpu.memory_space<vmem_shared>>
        tpu.wait_indirect_dma semaphore(%arg33 : memref<!tpu.dma_semaphore, #tpu.memory_space<semaphore_mem>>) src(%arg17 : memref<128x64xf32, #tpu.memory_space<vmem>>) dst(%dma_wait3A_830 : memref<8192x64xf32, #tpu.memory_space<vmem_shared>>)
        %add3A_831 = arith.constant 8 : i32
        %add3A_832 = arith.addi %add3A_810, %add3A_831 : i32
        %dma_start3A_833 = arith.constant 0 : i32
        %dma_start3A_834 = tpu.memref_slice %arg8[%add3A_832, %dma_start3A_833] : memref<64x128xi32, #tpu.memory_space<vmem>> -> memref<1x128xi32, #tpu.memory_space<vmem>>
        %dma_start3A_835 = tpu.memref_squeeze %dma_start3A_834 : memref<1x128xi32, #tpu.memory_space<vmem>> -> memref<128xi32, #tpu.memory_space<vmem>>
        %dma_start3A_836 = arith.constant 0 : i32
        %dma_start3A_837 = arith.constant 0 : i32
        %dma_start3A_838 = tpu.memref_slice %arg2[%dma_start3A_836, %dma_start3A_837] : memref<65536x64xf32, #tpu.memory_space<hbm>> -> memref<65536x64xf32, #tpu.memory_space<hbm>>
        tpu.enqueue_indirect_dma source(%dma_start3A_838 : memref<65536x64xf32, #tpu.memory_space<hbm>>) target(%arg17 : memref<128x64xf32, #tpu.memory_space<vmem>>) offsets(%dma_start3A_835 : memref<128xi32, #tpu.memory_space<vmem>>) semaphore(%arg25 : memref<!tpu.dma_semaphore, #tpu.memory_space<semaphore_mem>>)
      } else {
      }
      %mul3A_816 = arith.constant 8 : i32
      %mul3A_817 = arith.muli %scan3A_627, %mul3A_816 : i32
      %add3A_818 = arith.constant 7 : i32
      %add3A_819 = arith.addi %mul3A_817, %add3A_818 : i32
      %lt3A_820 = arith.constant 7 : i32
      %lt3A_821 = arith.cmpi slt, %scan3A_627, %lt3A_820 : i32
      %convert_element_type3A_822 = arith.extui %lt3A_821 : i1 to i32
      %cond3A_823 = arith.constant 0 : i32
      %cond3A_824 = arith.cmpi ne, %convert_element_type3A_822, %cond3A_823 : i32
      scf.if %cond3A_824 {
        %dma_wait3A_825 = arith.constant 0 : i32
        %dma_wait3A_826 = tpu.memref_slice %arg7[%add3A_819, %dma_wait3A_825] : memref<64x128xi32, #tpu.memory_space<vmem>> -> memref<1x128xi32, #tpu.memory_space<vmem>>
        %dma_wait3A_827 = tpu.memref_squeeze %dma_wait3A_826 : memref<1x128xi32, #tpu.memory_space<vmem>> -> memref<128xi32, #tpu.memory_space<vmem>>
        %dma_wait3A_828 = arith.constant 0 : i32
        %dma_wait3A_829 = arith.constant 0 : i32
        %dma_wait3A_830 = tpu.memref_slice %arg10[%dma_wait3A_828, %dma_wait3A_829] : memref<8192x64xf32, #tpu.memory_space<vmem_shared>> -> memref<8192x64xf32, #tpu.memory_space<vmem_shared>>
        tpu.wait_indirect_dma semaphore(%arg34 : memref<!tpu.dma_semaphore, #tpu.memory_space<semaphore_mem>>) src(%arg18 : memref<128x64xf32, #tpu.memory_space<vmem>>) dst(%dma_wait3A_830 : memref<8192x64xf32, #tpu.memory_space<vmem_shared>>)
        %add3A_831 = arith.constant 8 : i32
        %add3A_832 = arith.addi %add3A_819, %add3A_831 : i32
        %dma_start3A_833 = arith.constant 0 : i32
        %dma_start3A_834 = tpu.memref_slice %arg8[%add3A_832, %dma_start3A_833] : memref<64x128xi32, #tpu.memory_space<vmem>> -> memref<1x128xi32, #tpu.memory_space<vmem>>
        %dma_start3A_835 = tpu.memref_squeeze %dma_start3A_834 : memref<1x128xi32, #tpu.memory_space<vmem>> -> memref<128xi32, #tpu.memory_space<vmem>>
        %dma_start3A_836 = arith.constant 0 : i32
        %dma_start3A_837 = arith.constant 0 : i32
        %dma_start3A_838 = tpu.memref_slice %arg2[%dma_start3A_836, %dma_start3A_837] : memref<65536x64xf32, #tpu.memory_space<hbm>> -> memref<65536x64xf32, #tpu.memory_space<hbm>>
        tpu.enqueue_indirect_dma source(%dma_start3A_838 : memref<65536x64xf32, #tpu.memory_space<hbm>>) target(%arg18 : memref<128x64xf32, #tpu.memory_space<vmem>>) offsets(%dma_start3A_835 : memref<128xi32, #tpu.memory_space<vmem>>) semaphore(%arg26 : memref<!tpu.dma_semaphore, #tpu.memory_space<semaphore_mem>>)
      } else {
      }
    }
    %scan3A_84 = arith.constant 8 : i32
    %dma_wait3A = arith.constant 0 : i32
    %dma_wait3A_85 = arith.constant 0 : i32
    %dma_wait3A_86 = tpu.memref_slice %arg7[%dma_wait3A, %dma_wait3A_85] : memref<64x128xi32, #tpu.memory_space<vmem>> -> memref<1x128xi32, #tpu.memory_space<vmem>>
    %dma_wait3A_87 = tpu.memref_squeeze %dma_wait3A_86 : memref<1x128xi32, #tpu.memory_space<vmem>> -> memref<128xi32, #tpu.memory_space<vmem>>
    %dma_wait3A_88 = arith.constant 0 : i32
    %dma_wait3A_89 = arith.constant 0 : i32
    %dma_wait3A_90 = tpu.memref_slice %arg10[%dma_wait3A_88, %dma_wait3A_89] : memref<8192x64xf32, #tpu.memory_space<vmem_shared>> -> memref<8192x64xf32, #tpu.memory_space<vmem_shared>>
    tpu.wait_indirect_dma semaphore(%arg27 : memref<!tpu.dma_semaphore, #tpu.memory_space<semaphore_mem>>) src(%arg11 : memref<128x64xf32, #tpu.memory_space<vmem>>) dst(%dma_wait3A_90 : memref<8192x64xf32, #tpu.memory_space<vmem_shared>>)
    %dma_wait3A_91 = arith.constant 1 : i32
    %dma_wait3A_92 = arith.constant 0 : i32
    %dma_wait3A_93 = tpu.memref_slice %arg7[%dma_wait3A_91, %dma_wait3A_92] : memref<64x128xi32, #tpu.memory_space<vmem>> -> memref<1x128xi32, #tpu.memory_space<vmem>>
    %dma_wait3A_94 = tpu.memref_squeeze %dma_wait3A_93 : memref<1x128xi32, #tpu.memory_space<vmem>> -> memref<128xi32, #tpu.memory_space<vmem>>
    %dma_wait3A_95 = arith.constant 0 : i32
    %dma_wait3A_96 = arith.constant 0 : i32
    %dma_wait3A_97 = tpu.memref_slice %arg10[%dma_wait3A_95, %dma_wait3A_96] : memref<8192x64xf32, #tpu.memory_space<vmem_shared>> -> memref<8192x64xf32, #tpu.memory_space<vmem_shared>>
    tpu.wait_indirect_dma semaphore(%arg28 : memref<!tpu.dma_semaphore, #tpu.memory_space<semaphore_mem>>) src(%arg12 : memref<128x64xf32, #tpu.memory_space<vmem>>) dst(%dma_wait3A_97 : memref<8192x64xf32, #tpu.memory_space<vmem_shared>>)
    %dma_wait3A_98 = arith.constant 2 : i32
    %dma_wait3A_99 = arith.constant 0 : i32
    %dma_wait3A_100 = tpu.memref_slice %arg7[%dma_wait3A_98, %dma_wait3A_99] : memref<64x128xi32, #tpu.memory_space<vmem>> -> memref<1x128xi32, #tpu.memory_space<vmem>>
    %dma_wait3A_101 = tpu.memref_squeeze %dma_wait3A_100 : memref<1x128xi32, #tpu.memory_space<vmem>> -> memref<128xi32, #tpu.memory_space<vmem>>
    %dma_wait3A_102 = arith.constant 0 : i32
    %dma_wait3A_103 = arith.constant 0 : i32
    %dma_wait3A_104 = tpu.memref_slice %arg10[%dma_wait3A_102, %dma_wait3A_103] : memref<8192x64xf32, #tpu.memory_space<vmem_shared>> -> memref<8192x64xf32, #tpu.memory_space<vmem_shared>>
    tpu.wait_indirect_dma semaphore(%arg29 : memref<!tpu.dma_semaphore, #tpu.memory_space<semaphore_mem>>) src(%arg13 : memref<128x64xf32, #tpu.memory_space<vmem>>) dst(%dma_wait3A_104 : memref<8192x64xf32, #tpu.memory_space<vmem_shared>>)
    %dma_wait3A_105 = arith.constant 3 : i32
    %dma_wait3A_106 = arith.constant 0 : i32
    %dma_wait3A_107 = tpu.memref_slice %arg7[%dma_wait3A_105, %dma_wait3A_106] : memref<64x128xi32, #tpu.memory_space<vmem>> -> memref<1x128xi32, #tpu.memory_space<vmem>>
    %dma_wait3A_108 = tpu.memref_squeeze %dma_wait3A_107 : memref<1x128xi32, #tpu.memory_space<vmem>> -> memref<128xi32, #tpu.memory_space<vmem>>
    %dma_wait3A_109 = arith.constant 0 : i32
    %dma_wait3A_110 = arith.constant 0 : i32
    %dma_wait3A_111 = tpu.memref_slice %arg10[%dma_wait3A_109, %dma_wait3A_110] : memref<8192x64xf32, #tpu.memory_space<vmem_shared>> -> memref<8192x64xf32, #tpu.memory_space<vmem_shared>>
    tpu.wait_indirect_dma semaphore(%arg30 : memref<!tpu.dma_semaphore, #tpu.memory_space<semaphore_mem>>) src(%arg14 : memref<128x64xf32, #tpu.memory_space<vmem>>) dst(%dma_wait3A_111 : memref<8192x64xf32, #tpu.memory_space<vmem_shared>>)
    %dma_wait3A_112 = arith.constant 4 : i32
    %dma_wait3A_113 = arith.constant 0 : i32
    %dma_wait3A_114 = tpu.memref_slice %arg7[%dma_wait3A_112, %dma_wait3A_113] : memref<64x128xi32, #tpu.memory_space<vmem>> -> memref<1x128xi32, #tpu.memory_space<vmem>>
    %dma_wait3A_115 = tpu.memref_squeeze %dma_wait3A_114 : memref<1x128xi32, #tpu.memory_space<vmem>> -> memref<128xi32, #tpu.memory_space<vmem>>
    %dma_wait3A_116 = arith.constant 0 : i32
    %dma_wait3A_117 = arith.constant 0 : i32
    %dma_wait3A_118 = tpu.memref_slice %arg10[%dma_wait3A_116, %dma_wait3A_117] : memref<8192x64xf32, #tpu.memory_space<vmem_shared>> -> memref<8192x64xf32, #tpu.memory_space<vmem_shared>>
    tpu.wait_indirect_dma semaphore(%arg31 : memref<!tpu.dma_semaphore, #tpu.memory_space<semaphore_mem>>) src(%arg15 : memref<128x64xf32, #tpu.memory_space<vmem>>) dst(%dma_wait3A_118 : memref<8192x64xf32, #tpu.memory_space<vmem_shared>>)
    %dma_wait3A_119 = arith.constant 5 : i32
    %dma_wait3A_120 = arith.constant 0 : i32
    %dma_wait3A_121 = tpu.memref_slice %arg7[%dma_wait3A_119, %dma_wait3A_120] : memref<64x128xi32, #tpu.memory_space<vmem>> -> memref<1x128xi32, #tpu.memory_space<vmem>>
    %dma_wait3A_122 = tpu.memref_squeeze %dma_wait3A_121 : memref<1x128xi32, #tpu.memory_space<vmem>> -> memref<128xi32, #tpu.memory_space<vmem>>
    %dma_wait3A_123 = arith.constant 0 : i32
    %dma_wait3A_124 = arith.constant 0 : i32
    %dma_wait3A_125 = tpu.memref_slice %arg10[%dma_wait3A_123, %dma_wait3A_124] : memref<8192x64xf32, #tpu.memory_space<vmem_shared>> -> memref<8192x64xf32, #tpu.memory_space<vmem_shared>>
    tpu.wait_indirect_dma semaphore(%arg32 : memref<!tpu.dma_semaphore, #tpu.memory_space<semaphore_mem>>) src(%arg16 : memref<128x64xf32, #tpu.memory_space<vmem>>) dst(%dma_wait3A_125 : memref<8192x64xf32, #tpu.memory_space<vmem_shared>>)
    %dma_wait3A_126 = arith.constant 6 : i32
    %dma_wait3A_127 = arith.constant 0 : i32
    %dma_wait3A_128 = tpu.memref_slice %arg7[%dma_wait3A_126, %dma_wait3A_127] : memref<64x128xi32, #tpu.memory_space<vmem>> -> memref<1x128xi32, #tpu.memory_space<vmem>>
    %dma_wait3A_129 = tpu.memref_squeeze %dma_wait3A_128 : memref<1x128xi32, #tpu.memory_space<vmem>> -> memref<128xi32, #tpu.memory_space<vmem>>
    %dma_wait3A_130 = arith.constant 0 : i32
    %dma_wait3A_131 = arith.constant 0 : i32
    %dma_wait3A_132 = tpu.memref_slice %arg10[%dma_wait3A_130, %dma_wait3A_131] : memref<8192x64xf32, #tpu.memory_space<vmem_shared>> -> memref<8192x64xf32, #tpu.memory_space<vmem_shared>>
    tpu.wait_indirect_dma semaphore(%arg33 : memref<!tpu.dma_semaphore, #tpu.memory_space<semaphore_mem>>) src(%arg17 : memref<128x64xf32, #tpu.memory_space<vmem>>) dst(%dma_wait3A_132 : memref<8192x64xf32, #tpu.memory_space<vmem_shared>>)
    %dma_wait3A_133 = arith.constant 7 : i32
    %dma_wait3A_134 = arith.constant 0 : i32
    %dma_wait3A_135 = tpu.memref_slice %arg7[%dma_wait3A_133, %dma_wait3A_134] : memref<64x128xi32, #tpu.memory_space<vmem>> -> memref<1x128xi32, #tpu.memory_space<vmem>>
    %dma_wait3A_136 = tpu.memref_squeeze %dma_wait3A_135 : memref<1x128xi32, #tpu.memory_space<vmem>> -> memref<128xi32, #tpu.memory_space<vmem>>
    %dma_wait3A_137 = arith.constant 0 : i32
    %dma_wait3A_138 = arith.constant 0 : i32
    %dma_wait3A_139 = tpu.memref_slice %arg10[%dma_wait3A_137, %dma_wait3A_138] : memref<8192x64xf32, #tpu.memory_space<vmem_shared>> -> memref<8192x64xf32, #tpu.memory_space<vmem_shared>>
    tpu.wait_indirect_dma semaphore(%arg34 : memref<!tpu.dma_semaphore, #tpu.memory_space<semaphore_mem>>) src(%arg18 : memref<128x64xf32, #tpu.memory_space<vmem>>) dst(%dma_wait3A_139 : memref<8192x64xf32, #tpu.memory_space<vmem_shared>>)
    %barrier3A_140 = arith.constant 0 : index
    tpu.barrier barrier_id(%barrier3A_140)
    %mul3A_141 = arith.constant 512 : i32
    %mul3A_142 = arith.muli %arg1, %mul3A_141 : i32
    %mul3A_143 = arith.constant 8192 : i32
    %mul3A_144 = arith.muli %add3A_79, %mul3A_143 : i32
    %mul3A_145 = arith.constant 512 : i32
    %mul3A_146 = arith.muli %arg1, %mul3A_145 : i32
    %add3A_147 = arith.addi %mul3A_144, %mul3A_146 : i32
    %dma_start3A_148 = arith.constant 0 : i32
    %dma_start3A_149 = tpu.memref_slice %arg5[%add3A_147, %dma_start3A_148] : memref<65536x64xf32, #tpu.memory_space<hbm>> -> memref<512x64xf32, #tpu.memory_space<hbm>>
    %dma_start3A_150 = arith.constant 0 : i32
    %dma_start3A_151 = tpu.memref_slice %arg10[%mul3A_142, %dma_start3A_150] : memref<8192x64xf32, #tpu.memory_space<vmem_shared>> -> memref<512x64xf32, #tpu.memory_space<vmem_shared>>
    tpu.enqueue_dma source(%dma_start3A_151 : memref<512x64xf32, #tpu.memory_space<vmem_shared>>) target(%dma_start3A_149 : memref<512x64xf32, #tpu.memory_space<hbm>>) target_semaphore(%arg35 : memref<!tpu.dma_semaphore, #tpu.memory_space<semaphore_mem>>)
    %scan3A_152 = arith.constant 0 : i32
    %scan3A_153 = arith.constant 64 : i32
    %scan3A_154 = arith.addi %scan3A_152, %scan3A_153 : i32
    %scan3A_155 = arith.constant 1 : i32
    scf.for %scan3A_627 = %scan3A_152 to %scan3A_154 step %scan3A_155  : i32 {
      %get3A = arith.index_cast %scan3A_627 : i32 to index
      %get3A_628 = arith.constant 0 : index
      %get3A_629 = tpu.vector_load %arg8[%get3A, %get3A_628] {strides = array<i32>} : memref<64x128xi32, #tpu.memory_space<vmem>>, vector<1x16xi32>,
      %get3A_630 = vector.shape_cast %get3A_629 : vector<1x16xi32> to vector<16xi32>
      %add3A_631 = arith.constant 16384 : i32
      %add3A_632 = vector.broadcast %add3A_631 : i32 to vector<16xi32>
      %add3A_633 = arith.addi %get3A_630, %add3A_632 : vector<16xi32>
      %swap3A = arith.index_cast %scan3A_627 : i32 to index
      %swap3A_634 = arith.constant 0 : index
      %swap3A_635 = tpu.vector_load %arg8[%swap3A, %swap3A_634] {strides = array<i32>} : memref<64x128xi32, #tpu.memory_space<vmem>>, vector<1x16xi32>,
      %swap3A_636 = vector.shape_cast %swap3A_635 : vector<1x16xi32> to vector<16xi32>
      %swap3A_637 = vector.shape_cast %add3A_633 : vector<16xi32> to vector<1x16xi32>
      tpu.vector_store %arg8[%swap3A, %swap3A_634], %swap3A_637 {strides = array<i32>} : memref<64x128xi32, #tpu.memory_space<vmem>>, vector<1x16xi32>,
      %get3A_638 = arith.index_cast %scan3A_627 : i32 to index
      %get3A_639 = arith.constant 16 : index
      %get3A_640 = tpu.vector_load %arg8[%get3A_638, %get3A_639] {strides = array<i32>} : memref<64x128xi32, #tpu.memory_space<vmem>>, vector<1x16xi32>,
      %get3A_641 = vector.shape_cast %get3A_640 : vector<1x16xi32> to vector<16xi32>
      %add3A_642 = arith.constant 16384 : i32
      %add3A_643 = vector.broadcast %add3A_642 : i32 to vector<16xi32>
      %add3A_644 = arith.addi %get3A_641, %add3A_643 : vector<16xi32>
      %swap3A_645 = arith.index_cast %scan3A_627 : i32 to index
      %swap3A_646 = arith.constant 16 : index
      %swap3A_647 = tpu.vector_load %arg8[%swap3A_645, %swap3A_646] {strides = array<i32>} : memref<64x128xi32, #tpu.memory_space<vmem>>, vector<1x16xi32>,
      %swap3A_648 = vector.shape_cast %swap3A_647 : vector<1x16xi32> to vector<16xi32>
      %swap3A_649 = vector.shape_cast %add3A_644 : vector<16xi32> to vector<1x16xi32>
      tpu.vector_store %arg8[%swap3A_645, %swap3A_646], %swap3A_649 {strides = array<i32>} : memref<64x128xi32, #tpu.memory_space<vmem>>, vector<1x16xi32>,
      %get3A_650 = arith.index_cast %scan3A_627 : i32 to index
      %get3A_651 = arith.constant 32 : index
      %get3A_652 = tpu.vector_load %arg8[%get3A_650, %get3A_651] {strides = array<i32>} : memref<64x128xi32, #tpu.memory_space<vmem>>, vector<1x16xi32>,
      %get3A_653 = vector.shape_cast %get3A_652 : vector<1x16xi32> to vector<16xi32>
      %add3A_654 = arith.constant 16384 : i32
      %add3A_655 = vector.broadcast %add3A_654 : i32 to vector<16xi32>
      %add3A_656 = arith.addi %get3A_653, %add3A_655 : vector<16xi32>
      %swap3A_657 = arith.index_cast %scan3A_627 : i32 to index
      %swap3A_658 = arith.constant 32 : index
      %swap3A_659 = tpu.vector_load %arg8[%swap3A_657, %swap3A_658] {strides = array<i32>} : memref<64x128xi32, #tpu.memory_space<vmem>>, vector<1x16xi32>,
      %swap3A_660 = vector.shape_cast %swap3A_659 : vector<1x16xi32> to vector<16xi32>
      %swap3A_661 = vector.shape_cast %add3A_656 : vector<16xi32> to vector<1x16xi32>
      tpu.vector_store %arg8[%swap3A_657, %swap3A_658], %swap3A_661 {strides = array<i32>} : memref<64x128xi32, #tpu.memory_space<vmem>>, vector<1x16xi32>,
      %get3A_662 = arith.index_cast %scan3A_627 : i32 to index
      %get3A_663 = arith.constant 48 : index
      %get3A_664 = tpu.vector_load %arg8[%get3A_662, %get3A_663] {strides = array<i32>} : memref<64x128xi32, #tpu.memory_space<vmem>>, vector<1x16xi32>,
      %get3A_665 = vector.shape_cast %get3A_664 : vector<1x16xi32> to vector<16xi32>
      %add3A_666 = arith.constant 16384 : i32
      %add3A_667 = vector.broadcast %add3A_666 : i32 to vector<16xi32>
      %add3A_668 = arith.addi %get3A_665, %add3A_667 : vector<16xi32>
      %swap3A_669 = arith.index_cast %scan3A_627 : i32 to index
      %swap3A_670 = arith.constant 48 : index
      %swap3A_671 = tpu.vector_load %arg8[%swap3A_669, %swap3A_670] {strides = array<i32>} : memref<64x128xi32, #tpu.memory_space<vmem>>, vector<1x16xi32>,
      %swap3A_672 = vector.shape_cast %swap3A_671 : vector<1x16xi32> to vector<16xi32>
      %swap3A_673 = vector.shape_cast %add3A_668 : vector<16xi32> to vector<1x16xi32>
      tpu.vector_store %arg8[%swap3A_669, %swap3A_670], %swap3A_673 {strides = array<i32>} : memref<64x128xi32, #tpu.memory_space<vmem>>, vector<1x16xi32>,
      %get3A_674 = arith.index_cast %scan3A_627 : i32 to index
      %get3A_675 = arith.constant 64 : index
      %get3A_676 = tpu.vector_load %arg8[%get3A_674, %get3A_675] {strides = array<i32>} : memref<64x128xi32, #tpu.memory_space<vmem>>, vector<1x16xi32>,
      %get3A_677 = vector.shape_cast %get3A_676 : vector<1x16xi32> to vector<16xi32>
      %add3A_678 = arith.constant 16384 : i32
      %add3A_679 = vector.broadcast %add3A_678 : i32 to vector<16xi32>
      %add3A_680 = arith.addi %get3A_677, %add3A_679 : vector<16xi32>
      %swap3A_681 = arith.index_cast %scan3A_627 : i32 to index
      %swap3A_682 = arith.constant 64 : index
      %swap3A_683 = tpu.vector_load %arg8[%swap3A_681, %swap3A_682] {strides = array<i32>} : memref<64x128xi32, #tpu.memory_space<vmem>>, vector<1x16xi32>,
      %swap3A_684 = vector.shape_cast %swap3A_683 : vector<1x16xi32> to vector<16xi32>
      %swap3A_685 = vector.shape_cast %add3A_680 : vector<16xi32> to vector<1x16xi32>
      tpu.vector_store %arg8[%swap3A_681, %swap3A_682], %swap3A_685 {strides = array<i32>} : memref<64x128xi32, #tpu.memory_space<vmem>>, vector<1x16xi32>,
      %get3A_686 = arith.index_cast %scan3A_627 : i32 to index
      %get3A_687 = arith.constant 80 : index
      %get3A_688 = tpu.vector_load %arg8[%get3A_686, %get3A_687] {strides = array<i32>} : memref<64x128xi32, #tpu.memory_space<vmem>>, vector<1x16xi32>,
      %get3A_689 = vector.shape_cast %get3A_688 : vector<1x16xi32> to vector<16xi32>
      %add3A_690 = arith.constant 16384 : i32
      %add3A_691 = vector.broadcast %add3A_690 : i32 to vector<16xi32>
      %add3A_692 = arith.addi %get3A_689, %add3A_691 : vector<16xi32>
      %swap3A_693 = arith.index_cast %scan3A_627 : i32 to index
      %swap3A_694 = arith.constant 80 : index
      %swap3A_695 = tpu.vector_load %arg8[%swap3A_693, %swap3A_694] {strides = array<i32>} : memref<64x128xi32, #tpu.memory_space<vmem>>, vector<1x16xi32>,
      %swap3A_696 = vector.shape_cast %swap3A_695 : vector<1x16xi32> to vector<16xi32>
      %swap3A_697 = vector.shape_cast %add3A_692 : vector<16xi32> to vector<1x16xi32>
      tpu.vector_store %arg8[%swap3A_693, %swap3A_694], %swap3A_697 {strides = array<i32>} : memref<64x128xi32, #tpu.memory_space<vmem>>, vector<1x16xi32>,
      %get3A_698 = arith.index_cast %scan3A_627 : i32 to index
      %get3A_699 = arith.constant 96 : index
      %get3A_700 = tpu.vector_load %arg8[%get3A_698, %get3A_699] {strides = array<i32>} : memref<64x128xi32, #tpu.memory_space<vmem>>, vector<1x16xi32>,
      %get3A_701 = vector.shape_cast %get3A_700 : vector<1x16xi32> to vector<16xi32>
      %add3A_702 = arith.constant 16384 : i32
      %add3A_703 = vector.broadcast %add3A_702 : i32 to vector<16xi32>
      %add3A_704 = arith.addi %get3A_701, %add3A_703 : vector<16xi32>
      %swap3A_705 = arith.index_cast %scan3A_627 : i32 to index
      %swap3A_706 = arith.constant 96 : index
      %swap3A_707 = tpu.vector_load %arg8[%swap3A_705, %swap3A_706] {strides = array<i32>} : memref<64x128xi32, #tpu.memory_space<vmem>>, vector<1x16xi32>,
      %swap3A_708 = vector.shape_cast %swap3A_707 : vector<1x16xi32> to vector<16xi32>
      %swap3A_709 = vector.shape_cast %add3A_704 : vector<16xi32> to vector<1x16xi32>
      tpu.vector_store %arg8[%swap3A_705, %swap3A_706], %swap3A_709 {strides = array<i32>} : memref<64x128xi32, #tpu.memory_space<vmem>>, vector<1x16xi32>,
      %get3A_710 = arith.index_cast %scan3A_627 : i32 to index
      %get3A_711 = arith.constant 112 : index
      %get3A_712 = tpu.vector_load %arg8[%get3A_710, %get3A_711] {strides = array<i32>} : memref<64x128xi32, #tpu.memory_space<vmem>>, vector<1x16xi32>,
      %get3A_713 = vector.shape_cast %get3A_712 : vector<1x16xi32> to vector<16xi32>
      %add3A_714 = arith.constant 16384 : i32
      %add3A_715 = vector.broadcast %add3A_714 : i32 to vector<16xi32>
      %add3A_716 = arith.addi %get3A_713, %add3A_715 : vector<16xi32>
      %swap3A_717 = arith.index_cast %scan3A_627 : i32 to index
      %swap3A_718 = arith.constant 112 : index
      %swap3A_719 = tpu.vector_load %arg8[%swap3A_717, %swap3A_718] {strides = array<i32>} : memref<64x128xi32, #tpu.memory_space<vmem>>, vector<1x16xi32>,
      %swap3A_720 = vector.shape_cast %swap3A_719 : vector<1x16xi32> to vector<16xi32>
      %swap3A_721 = vector.shape_cast %add3A_716 : vector<16xi32> to vector<1x16xi32>
      tpu.vector_store %arg8[%swap3A_717, %swap3A_718], %swap3A_721 {strides = array<i32>} : memref<64x128xi32, #tpu.memory_space<vmem>>, vector<1x16xi32>,
    }
    %scan3A_156 = arith.constant 64 : i32
    %dma_start3A_157 = arith.constant 0 : i32
    %dma_start3A_158 = arith.constant 0 : i32
    %dma_start3A_159 = tpu.memref_slice %arg8[%dma_start3A_157, %dma_start3A_158] : memref<64x128xi32, #tpu.memory_space<vmem>> -> memref<1x128xi32, #tpu.memory_space<vmem>>
    %dma_start3A_160 = tpu.memref_squeeze %dma_start3A_159 : memref<1x128xi32, #tpu.memory_space<vmem>> -> memref<128xi32, #tpu.memory_space<vmem>>
    %dma_start3A_161 = arith.constant 0 : i32
    %dma_start3A_162 = arith.constant 0 : i32
    %dma_start3A_163 = tpu.memref_slice %arg2[%dma_start3A_161, %dma_start3A_162] : memref<65536x64xf32, #tpu.memory_space<hbm>> -> memref<65536x64xf32, #tpu.memory_space<hbm>>
    tpu.enqueue_indirect_dma source(%dma_start3A_163 : memref<65536x64xf32, #tpu.memory_space<hbm>>) target(%arg11 : memref<128x64xf32, #tpu.memory_space<vmem>>) offsets(%dma_start3A_160 : memref<128xi32, #tpu.memory_space<vmem>>) semaphore(%arg19 : memref<!tpu.dma_semaphore, #tpu.memory_space<semaphore_mem>>)
    %dma_start3A_164 = arith.constant 1 : i32
    %dma_start3A_165 = arith.constant 0 : i32
    %dma_start3A_166 = tpu.memref_slice %arg8[%dma_start3A_164, %dma_start3A_165] : memref<64x128xi32, #tpu.memory_space<vmem>> -> memref<1x128xi32, #tpu.memory_space<vmem>>
    %dma_start3A_167 = tpu.memref_squeeze %dma_start3A_166 : memref<1x128xi32, #tpu.memory_space<vmem>> -> memref<128xi32, #tpu.memory_space<vmem>>
    %dma_start3A_168 = arith.constant 0 : i32
    %dma_start3A_169 = arith.constant 0 : i32
    %dma_start3A_170 = tpu.memref_slice %arg2[%dma_start3A_168, %dma_start3A_169] : memref<65536x64xf32, #tpu.memory_space<hbm>> -> memref<65536x64xf32, #tpu.memory_space<hbm>>
    tpu.enqueue_indirect_dma source(%dma_start3A_170 : memref<65536x64xf32, #tpu.memory_space<hbm>>) target(%arg12 : memref<128x64xf32, #tpu.memory_space<vmem>>) offsets(%dma_start3A_167 : memref<128xi32, #tpu.memory_space<vmem>>) semaphore(%arg20 : memref<!tpu.dma_semaphore, #tpu.memory_space<semaphore_mem>>)
    %dma_start3A_171 = arith.constant 2 : i32
    %dma_start3A_172 = arith.constant 0 : i32
    %dma_start3A_173 = tpu.memref_slice %arg8[%dma_start3A_171, %dma_start3A_172] : memref<64x128xi32, #tpu.memory_space<vmem>> -> memref<1x128xi32, #tpu.memory_space<vmem>>
    %dma_start3A_174 = tpu.memref_squeeze %dma_start3A_173 : memref<1x128xi32, #tpu.memory_space<vmem>> -> memref<128xi32, #tpu.memory_space<vmem>>
    %dma_start3A_175 = arith.constant 0 : i32
    %dma_start3A_176 = arith.constant 0 : i32
    %dma_start3A_177 = tpu.memref_slice %arg2[%dma_start3A_175, %dma_start3A_176] : memref<65536x64xf32, #tpu.memory_space<hbm>> -> memref<65536x64xf32, #tpu.memory_space<hbm>>
    tpu.enqueue_indirect_dma source(%dma_start3A_177 : memref<65536x64xf32, #tpu.memory_space<hbm>>) target(%arg13 : memref<128x64xf32, #tpu.memory_space<vmem>>) offsets(%dma_start3A_174 : memref<128xi32, #tpu.memory_space<vmem>>) semaphore(%arg21 : memref<!tpu.dma_semaphore, #tpu.memory_space<semaphore_mem>>)
    %dma_start3A_178 = arith.constant 3 : i32
    %dma_start3A_179 = arith.constant 0 : i32
    %dma_start3A_180 = tpu.memref_slice %arg8[%dma_start3A_178, %dma_start3A_179] : memref<64x128xi32, #tpu.memory_space<vmem>> -> memref<1x128xi32, #tpu.memory_space<vmem>>
    %dma_start3A_181 = tpu.memref_squeeze %dma_start3A_180 : memref<1x128xi32, #tpu.memory_space<vmem>> -> memref<128xi32, #tpu.memory_space<vmem>>
    %dma_start3A_182 = arith.constant 0 : i32
    %dma_start3A_183 = arith.constant 0 : i32
    %dma_start3A_184 = tpu.memref_slice %arg2[%dma_start3A_182, %dma_start3A_183] : memref<65536x64xf32, #tpu.memory_space<hbm>> -> memref<65536x64xf32, #tpu.memory_space<hbm>>
    tpu.enqueue_indirect_dma source(%dma_start3A_184 : memref<65536x64xf32, #tpu.memory_space<hbm>>) target(%arg14 : memref<128x64xf32, #tpu.memory_space<vmem>>) offsets(%dma_start3A_181 : memref<128xi32, #tpu.memory_space<vmem>>) semaphore(%arg22 : memref<!tpu.dma_semaphore, #tpu.memory_space<semaphore_mem>>)
    %dma_start3A_185 = arith.constant 4 : i32
    %dma_start3A_186 = arith.constant 0 : i32
    %dma_start3A_187 = tpu.memref_slice %arg8[%dma_start3A_185, %dma_start3A_186] : memref<64x128xi32, #tpu.memory_space<vmem>> -> memref<1x128xi32, #tpu.memory_space<vmem>>
    %dma_start3A_188 = tpu.memref_squeeze %dma_start3A_187 : memref<1x128xi32, #tpu.memory_space<vmem>> -> memref<128xi32, #tpu.memory_space<vmem>>
    %dma_start3A_189 = arith.constant 0 : i32
    %dma_start3A_190 = arith.constant 0 : i32
    %dma_start3A_191 = tpu.memref_slice %arg2[%dma_start3A_189, %dma_start3A_190] : memref<65536x64xf32, #tpu.memory_space<hbm>> -> memref<65536x64xf32, #tpu.memory_space<hbm>>
    tpu.enqueue_indirect_dma source(%dma_start3A_191 : memref<65536x64xf32, #tpu.memory_space<hbm>>) target(%arg15 : memref<128x64xf32, #tpu.memory_space<vmem>>) offsets(%dma_start3A_188 : memref<128xi32, #tpu.memory_space<vmem>>) semaphore(%arg23 : memref<!tpu.dma_semaphore, #tpu.memory_space<semaphore_mem>>)
    %dma_start3A_192 = arith.constant 5 : i32
    %dma_start3A_193 = arith.constant 0 : i32
    %dma_start3A_194 = tpu.memref_slice %arg8[%dma_start3A_192, %dma_start3A_193] : memref<64x128xi32, #tpu.memory_space<vmem>> -> memref<1x128xi32, #tpu.memory_space<vmem>>
    %dma_start3A_195 = tpu.memref_squeeze %dma_start3A_194 : memref<1x128xi32, #tpu.memory_space<vmem>> -> memref<128xi32, #tpu.memory_space<vmem>>
    %dma_start3A_196 = arith.constant 0 : i32
    %dma_start3A_197 = arith.constant 0 : i32
    %dma_start3A_198 = tpu.memref_slice %arg2[%dma_start3A_196, %dma_start3A_197] : memref<65536x64xf32, #tpu.memory_space<hbm>> -> memref<65536x64xf32, #tpu.memory_space<hbm>>
    tpu.enqueue_indirect_dma source(%dma_start3A_198 : memref<65536x64xf32, #tpu.memory_space<hbm>>) target(%arg16 : memref<128x64xf32, #tpu.memory_space<vmem>>) offsets(%dma_start3A_195 : memref<128xi32, #tpu.memory_space<vmem>>) semaphore(%arg24 : memref<!tpu.dma_semaphore, #tpu.memory_space<semaphore_mem>>)
    %dma_start3A_199 = arith.constant 6 : i32
    %dma_start3A_200 = arith.constant 0 : i32
    %dma_start3A_201 = tpu.memref_slice %arg8[%dma_start3A_199, %dma_start3A_200] : memref<64x128xi32, #tpu.memory_space<vmem>> -> memref<1x128xi32, #tpu.memory_space<vmem>>
    %dma_start3A_202 = tpu.memref_squeeze %dma_start3A_201 : memref<1x128xi32, #tpu.memory_space<vmem>> -> memref<128xi32, #tpu.memory_space<vmem>>
    %dma_start3A_203 = arith.constant 0 : i32
    %dma_start3A_204 = arith.constant 0 : i32
    %dma_start3A_205 = tpu.memref_slice %arg2[%dma_start3A_203, %dma_start3A_204] : memref<65536x64xf32, #tpu.memory_space<hbm>> -> memref<65536x64xf32, #tpu.memory_space<hbm>>
    tpu.enqueue_indirect_dma source(%dma_start3A_205 : memref<65536x64xf32, #tpu.memory_space<hbm>>) target(%arg17 : memref<128x64xf32, #tpu.memory_space<vmem>>) offsets(%dma_start3A_202 : memref<128xi32, #tpu.memory_space<vmem>>) semaphore(%arg25 : memref<!tpu.dma_semaphore, #tpu.memory_space<semaphore_mem>>)
    %dma_start3A_206 = arith.constant 7 : i32
    %dma_start3A_207 = arith.constant 0 : i32
    %dma_start3A_208 = tpu.memref_slice %arg8[%dma_start3A_206, %dma_start3A_207] : memref<64x128xi32, #tpu.memory_space<vmem>> -> memref<1x128xi32, #tpu.memory_space<vmem>>
    %dma_start3A_209 = tpu.memref_squeeze %dma_start3A_208 : memref<1x128xi32, #tpu.memory_space<vmem>> -> memref<128xi32, #tpu.memory_space<vmem>>
    %dma_start3A_210 = arith.constant 0 : i32
    %dma_start3A_211 = arith.constant 0 : i32
    %dma_start3A_212 = tpu.memref_slice %arg2[%dma_start3A_210, %dma_start3A_211] : memref<65536x64xf32, #tpu.memory_space<hbm>> -> memref<65536x64xf32, #tpu.memory_space<hbm>>
    tpu.enqueue_indirect_dma source(%dma_start3A_212 : memref<65536x64xf32, #tpu.memory_space<hbm>>) target(%arg18 : memref<128x64xf32, #tpu.memory_space<vmem>>) offsets(%dma_start3A_209 : memref<128xi32, #tpu.memory_space<vmem>>) semaphore(%arg26 : memref<!tpu.dma_semaphore, #tpu.memory_space<semaphore_mem>>)
    %dma_wait3A_213 = arith.constant 0 : i32
    %dma_wait3A_214 = tpu.memref_slice %arg5[%add3A_147, %dma_wait3A_213] : memref<65536x64xf32, #tpu.memory_space<hbm>> -> memref<512x64xf32, #tpu.memory_space<hbm>>
    %dma_wait3A_215 = arith.constant 0 : i32
    %dma_wait3A_216 = tpu.memref_slice %arg10[%mul3A_142, %dma_wait3A_215] : memref<8192x64xf32, #tpu.memory_space<vmem_shared>> -> memref<512x64xf32, #tpu.memory_space<vmem_shared>>
    tpu.wait_dma2 semaphore(%arg35 : memref<!tpu.dma_semaphore, #tpu.memory_space<semaphore_mem>>) src(%dma_wait3A_216 : memref<512x64xf32, #tpu.memory_space<vmem_shared>>) dst(%dma_wait3A_214 : memref<512x64xf32, #tpu.memory_space<hbm>>)
    %mul3A_217 = arith.constant 512 : i32
    %mul3A_218 = arith.muli %arg1, %mul3A_217 : i32
    %add3A_219 = arith.constant 0 : i32
    %add3A_220 = arith.addi %mul3A_218, %add3A_219 : i32
    "tpu.region"() ({
      %run_scoped3A = tpu.sem_alloc : memref<!tpu.dma_semaphore, #tpu.memory_space<semaphore_mem>>
      %dma_start3A_627 = arith.constant 0 : i32
      %dma_start3A_628 = tpu.memref_slice %arg10[%add3A_220, %dma_start3A_627] : memref<8192x64xf32, #tpu.memory_space<vmem_shared>> -> memref<128x64xf32, #tpu.memory_space<vmem_shared>>
      %dma_start3A_629 = arith.constant 0 : i32
      %dma_start3A_630 = tpu.memref_slice %arg10[%add3A_220, %dma_start3A_629] : memref<8192x64xf32, #tpu.memory_space<vmem_shared>> -> memref<128x64xf32, #tpu.memory_space<vmem_shared>>
      tpu.enqueue_dma source(%arg9 : memref<128x64xf32, #tpu.memory_space<vmem>>) target(%dma_start3A_630 : memref<128x64xf32, #tpu.memory_space<vmem_shared>>) target_semaphore(%run_scoped3A : memref<!tpu.dma_semaphore, #tpu.memory_space<semaphore_mem>>)
      %dma_wait3A_631 = arith.constant 0 : i32
      %dma_wait3A_632 = tpu.memref_slice %arg10[%add3A_220, %dma_wait3A_631] : memref<8192x64xf32, #tpu.memory_space<vmem_shared>> -> memref<128x64xf32, #tpu.memory_space<vmem_shared>>
      %dma_wait3A_633 = arith.constant 0 : i32
      %dma_wait3A_634 = tpu.memref_slice %arg10[%add3A_220, %dma_wait3A_633] : memref<8192x64xf32, #tpu.memory_space<vmem_shared>> -> memref<128x64xf32, #tpu.memory_space<vmem_shared>>
      tpu.wait_dma2 semaphore(%run_scoped3A : memref<!tpu.dma_semaphore, #tpu.memory_space<semaphore_mem>>) src(%arg9 : memref<128x64xf32, #tpu.memory_space<vmem>>) dst(%dma_wait3A_634 : memref<128x64xf32, #tpu.memory_space<vmem_shared>>)
      tpu.yield
    }) : () -> ()
    %mul3A_221 = arith.constant 512 : i32
    %mul3A_222 = arith.muli %arg1, %mul3A_221 : i32
    %add3A_223 = arith.constant 128 : i32
    %add3A_224 = arith.addi %mul3A_222, %add3A_223 : i32
    "tpu.region"() ({
      %run_scoped3A = tpu.sem_alloc : memref<!tpu.dma_semaphore, #tpu.memory_space<semaphore_mem>>
      %dma_start3A_627 = arith.constant 0 : i32
      %dma_start3A_628 = tpu.memref_slice %arg10[%add3A_224, %dma_start3A_627] : memref<8192x64xf32, #tpu.memory_space<vmem_shared>> -> memref<128x64xf32, #tpu.memory_space<vmem_shared>>
      %dma_start3A_629 = arith.constant 0 : i32
      %dma_start3A_630 = tpu.memref_slice %arg10[%add3A_224, %dma_start3A_629] : memref<8192x64xf32, #tpu.memory_space<vmem_shared>> -> memref<128x64xf32, #tpu.memory_space<vmem_shared>>
      tpu.enqueue_dma source(%arg9 : memref<128x64xf32, #tpu.memory_space<vmem>>) target(%dma_start3A_630 : memref<128x64xf32, #tpu.memory_space<vmem_shared>>) target_semaphore(%run_scoped3A : memref<!tpu.dma_semaphore, #tpu.memory_space<semaphore_mem>>)
      %dma_wait3A_631 = arith.constant 0 : i32
      %dma_wait3A_632 = tpu.memref_slice %arg10[%add3A_224, %dma_wait3A_631] : memref<8192x64xf32, #tpu.memory_space<vmem_shared>> -> memref<128x64xf32, #tpu.memory_space<vmem_shared>>
      %dma_wait3A_633 = arith.constant 0 : i32
      %dma_wait3A_634 = tpu.memref_slice %arg10[%add3A_224, %dma_wait3A_633] : memref<8192x64xf32, #tpu.memory_space<vmem_shared>> -> memref<128x64xf32, #tpu.memory_space<vmem_shared>>
      tpu.wait_dma2 semaphore(%run_scoped3A : memref<!tpu.dma_semaphore, #tpu.memory_space<semaphore_mem>>) src(%arg9 : memref<128x64xf32, #tpu.memory_space<vmem>>) dst(%dma_wait3A_634 : memref<128x64xf32, #tpu.memory_space<vmem_shared>>)
      tpu.yield
    }) : () -> ()
    %mul3A_225 = arith.constant 512 : i32
    %mul3A_226 = arith.muli %arg1, %mul3A_225 : i32
    %add3A_227 = arith.constant 256 : i32
    %add3A_228 = arith.addi %mul3A_226, %add3A_227 : i32
    "tpu.region"() ({
      %run_scoped3A = tpu.sem_alloc : memref<!tpu.dma_semaphore, #tpu.memory_space<semaphore_mem>>
      %dma_start3A_627 = arith.constant 0 : i32
      %dma_start3A_628 = tpu.memref_slice %arg10[%add3A_228, %dma_start3A_627] : memref<8192x64xf32, #tpu.memory_space<vmem_shared>> -> memref<128x64xf32, #tpu.memory_space<vmem_shared>>
      %dma_start3A_629 = arith.constant 0 : i32
      %dma_start3A_630 = tpu.memref_slice %arg10[%add3A_228, %dma_start3A_629] : memref<8192x64xf32, #tpu.memory_space<vmem_shared>> -> memref<128x64xf32, #tpu.memory_space<vmem_shared>>
      tpu.enqueue_dma source(%arg9 : memref<128x64xf32, #tpu.memory_space<vmem>>) target(%dma_start3A_630 : memref<128x64xf32, #tpu.memory_space<vmem_shared>>) target_semaphore(%run_scoped3A : memref<!tpu.dma_semaphore, #tpu.memory_space<semaphore_mem>>)
      %dma_wait3A_631 = arith.constant 0 : i32
      %dma_wait3A_632 = tpu.memref_slice %arg10[%add3A_228, %dma_wait3A_631] : memref<8192x64xf32, #tpu.memory_space<vmem_shared>> -> memref<128x64xf32, #tpu.memory_space<vmem_shared>>
      %dma_wait3A_633 = arith.constant 0 : i32
      %dma_wait3A_634 = tpu.memref_slice %arg10[%add3A_228, %dma_wait3A_633] : memref<8192x64xf32, #tpu.memory_space<vmem_shared>> -> memref<128x64xf32, #tpu.memory_space<vmem_shared>>
      tpu.wait_dma2 semaphore(%run_scoped3A : memref<!tpu.dma_semaphore, #tpu.memory_space<semaphore_mem>>) src(%arg9 : memref<128x64xf32, #tpu.memory_space<vmem>>) dst(%dma_wait3A_634 : memref<128x64xf32, #tpu.memory_space<vmem_shared>>)
      tpu.yield
    }) : () -> ()
    %mul3A_229 = arith.constant 512 : i32
    %mul3A_230 = arith.muli %arg1, %mul3A_229 : i32
    %add3A_231 = arith.constant 384 : i32
    %add3A_232 = arith.addi %mul3A_230, %add3A_231 : i32
    "tpu.region"() ({
      %run_scoped3A = tpu.sem_alloc : memref<!tpu.dma_semaphore, #tpu.memory_space<semaphore_mem>>
      %dma_start3A_627 = arith.constant 0 : i32
      %dma_start3A_628 = tpu.memref_slice %arg10[%add3A_232, %dma_start3A_627] : memref<8192x64xf32, #tpu.memory_space<vmem_shared>> -> memref<128x64xf32, #tpu.memory_space<vmem_shared>>
      %dma_start3A_629 = arith.constant 0 : i32
      %dma_start3A_630 = tpu.memref_slice %arg10[%add3A_232, %dma_start3A_629] : memref<8192x64xf32, #tpu.memory_space<vmem_shared>> -> memref<128x64xf32, #tpu.memory_space<vmem_shared>>
      tpu.enqueue_dma source(%arg9 : memref<128x64xf32, #tpu.memory_space<vmem>>) target(%dma_start3A_630 : memref<128x64xf32, #tpu.memory_space<vmem_shared>>) target_semaphore(%run_scoped3A : memref<!tpu.dma_semaphore, #tpu.memory_space<semaphore_mem>>)
      %dma_wait3A_631 = arith.constant 0 : i32
      %dma_wait3A_632 = tpu.memref_slice %arg10[%add3A_232, %dma_wait3A_631] : memref<8192x64xf32, #tpu.memory_space<vmem_shared>> -> memref<128x64xf32, #tpu.memory_space<vmem_shared>>
      %dma_wait3A_633 = arith.constant 0 : i32
      %dma_wait3A_634 = tpu.memref_slice %arg10[%add3A_232, %dma_wait3A_633] : memref<8192x64xf32, #tpu.memory_space<vmem_shared>> -> memref<128x64xf32, #tpu.memory_space<vmem_shared>>
      tpu.wait_dma2 semaphore(%run_scoped3A : memref<!tpu.dma_semaphore, #tpu.memory_space<semaphore_mem>>) src(%arg9 : memref<128x64xf32, #tpu.memory_space<vmem>>) dst(%dma_wait3A_634 : memref<128x64xf32, #tpu.memory_space<vmem_shared>>)
      tpu.yield
    }) : () -> ()
    %barrier3A_233 = arith.constant 0 : index
    tpu.barrier barrier_id(%barrier3A_233)
    %add3A_234 = arith.constant 2 : i32
    %add3A_235 = arith.addi %add3A_234, %arg0 : i32
    %scan3A_236 = arith.constant 0 : i32
    %scan3A_237 = arith.constant 8 : i32
    %scan3A_238 = arith.addi %scan3A_236, %scan3A_237 : i32
    %scan3A_239 = arith.constant 1 : i32
    scf.for %scan3A_627 = %scan3A_236 to %scan3A_238 step %scan3A_239  : i32 {
      %mul3A_628 = arith.constant 8 : i32
      %mul3A_629 = arith.muli %scan3A_627, %mul3A_628 : i32
      %add3A_630 = arith.constant 0 : i32
      %add3A_631 = arith.addi %mul3A_629, %add3A_630 : i32
      %dma_wait3A_632 = arith.constant 0 : i32
      %dma_wait3A_633 = tpu.memref_slice %arg8[%add3A_631, %dma_wait3A_632] : memref<64x128xi32, #tpu.memory_space<vmem>> -> memref<1x128xi32, #tpu.memory_space<vmem>>
      %dma_wait3A_634 = tpu.memref_squeeze %dma_wait3A_633 : memref<1x128xi32, #tpu.memory_space<vmem>> -> memref<128xi32, #tpu.memory_space<vmem>>
      %dma_wait3A_635 = arith.constant 0 : i32
      %dma_wait3A_636 = arith.constant 0 : i32
      %dma_wait3A_637 = tpu.memref_slice %arg2[%dma_wait3A_635, %dma_wait3A_636] : memref<65536x64xf32, #tpu.memory_space<hbm>> -> memref<65536x64xf32, #tpu.memory_space<hbm>>
      tpu.wait_indirect_dma semaphore(%arg19 : memref<!tpu.dma_semaphore, #tpu.memory_space<semaphore_mem>>) src(%dma_wait3A_637 : memref<65536x64xf32, #tpu.memory_space<hbm>>) dst(%arg11 : memref<128x64xf32, #tpu.memory_space<vmem>>)
      %dma_start3A_638 = arith.constant 0 : i32
      %dma_start3A_639 = tpu.memref_slice %arg7[%add3A_631, %dma_start3A_638] : memref<64x128xi32, #tpu.memory_space<vmem>> -> memref<1x128xi32, #tpu.memory_space<vmem>>
      %dma_start3A_640 = tpu.memref_squeeze %dma_start3A_639 : memref<1x128xi32, #tpu.memory_space<vmem>> -> memref<128xi32, #tpu.memory_space<vmem>>
      %dma_start3A_641 = arith.constant 0 : i32
      %dma_start3A_642 = arith.constant 0 : i32
      %dma_start3A_643 = tpu.memref_slice %arg10[%dma_start3A_641, %dma_start3A_642] : memref<8192x64xf32, #tpu.memory_space<vmem_shared>> -> memref<8192x64xf32, #tpu.memory_space<vmem_shared>>
      tpu.enqueue_indirect_dma source(%arg11 : memref<128x64xf32, #tpu.memory_space<vmem>>) target(%dma_start3A_643 : memref<8192x64xf32, #tpu.memory_space<vmem_shared>>) offsets(%dma_start3A_640 : memref<128xi32, #tpu.memory_space<vmem>>) semaphore(%arg27 : memref<!tpu.dma_semaphore, #tpu.memory_space<semaphore_mem>>) {add = true}
      %mul3A_644 = arith.constant 8 : i32
      %mul3A_645 = arith.muli %scan3A_627, %mul3A_644 : i32
      %add3A_646 = arith.constant 1 : i32
      %add3A_647 = arith.addi %mul3A_645, %add3A_646 : i32
      %dma_wait3A_648 = arith.constant 0 : i32
      %dma_wait3A_649 = tpu.memref_slice %arg8[%add3A_647, %dma_wait3A_648] : memref<64x128xi32, #tpu.memory_space<vmem>> -> memref<1x128xi32, #tpu.memory_space<vmem>>
      %dma_wait3A_650 = tpu.memref_squeeze %dma_wait3A_649 : memref<1x128xi32, #tpu.memory_space<vmem>> -> memref<128xi32, #tpu.memory_space<vmem>>
      %dma_wait3A_651 = arith.constant 0 : i32
      %dma_wait3A_652 = arith.constant 0 : i32
      %dma_wait3A_653 = tpu.memref_slice %arg2[%dma_wait3A_651, %dma_wait3A_652] : memref<65536x64xf32, #tpu.memory_space<hbm>> -> memref<65536x64xf32, #tpu.memory_space<hbm>>
      tpu.wait_indirect_dma semaphore(%arg20 : memref<!tpu.dma_semaphore, #tpu.memory_space<semaphore_mem>>) src(%dma_wait3A_653 : memref<65536x64xf32, #tpu.memory_space<hbm>>) dst(%arg12 : memref<128x64xf32, #tpu.memory_space<vmem>>)
      %dma_start3A_654 = arith.constant 0 : i32
      %dma_start3A_655 = tpu.memref_slice %arg7[%add3A_647, %dma_start3A_654] : memref<64x128xi32, #tpu.memory_space<vmem>> -> memref<1x128xi32, #tpu.memory_space<vmem>>
      %dma_start3A_656 = tpu.memref_squeeze %dma_start3A_655 : memref<1x128xi32, #tpu.memory_space<vmem>> -> memref<128xi32, #tpu.memory_space<vmem>>
      %dma_start3A_657 = arith.constant 0 : i32
      %dma_start3A_658 = arith.constant 0 : i32
      %dma_start3A_659 = tpu.memref_slice %arg10[%dma_start3A_657, %dma_start3A_658] : memref<8192x64xf32, #tpu.memory_space<vmem_shared>> -> memref<8192x64xf32, #tpu.memory_space<vmem_shared>>
      tpu.enqueue_indirect_dma source(%arg12 : memref<128x64xf32, #tpu.memory_space<vmem>>) target(%dma_start3A_659 : memref<8192x64xf32, #tpu.memory_space<vmem_shared>>) offsets(%dma_start3A_656 : memref<128xi32, #tpu.memory_space<vmem>>) semaphore(%arg28 : memref<!tpu.dma_semaphore, #tpu.memory_space<semaphore_mem>>) {add = true}
      %mul3A_660 = arith.constant 8 : i32
      %mul3A_661 = arith.muli %scan3A_627, %mul3A_660 : i32
      %add3A_662 = arith.constant 2 : i32
      %add3A_663 = arith.addi %mul3A_661, %add3A_662 : i32
      %dma_wait3A_664 = arith.constant 0 : i32
      %dma_wait3A_665 = tpu.memref_slice %arg8[%add3A_663, %dma_wait3A_664] : memref<64x128xi32, #tpu.memory_space<vmem>> -> memref<1x128xi32, #tpu.memory_space<vmem>>
      %dma_wait3A_666 = tpu.memref_squeeze %dma_wait3A_665 : memref<1x128xi32, #tpu.memory_space<vmem>> -> memref<128xi32, #tpu.memory_space<vmem>>
      %dma_wait3A_667 = arith.constant 0 : i32
      %dma_wait3A_668 = arith.constant 0 : i32
      %dma_wait3A_669 = tpu.memref_slice %arg2[%dma_wait3A_667, %dma_wait3A_668] : memref<65536x64xf32, #tpu.memory_space<hbm>> -> memref<65536x64xf32, #tpu.memory_space<hbm>>
      tpu.wait_indirect_dma semaphore(%arg21 : memref<!tpu.dma_semaphore, #tpu.memory_space<semaphore_mem>>) src(%dma_wait3A_669 : memref<65536x64xf32, #tpu.memory_space<hbm>>) dst(%arg13 : memref<128x64xf32, #tpu.memory_space<vmem>>)
      %dma_start3A_670 = arith.constant 0 : i32
      %dma_start3A_671 = tpu.memref_slice %arg7[%add3A_663, %dma_start3A_670] : memref<64x128xi32, #tpu.memory_space<vmem>> -> memref<1x128xi32, #tpu.memory_space<vmem>>
      %dma_start3A_672 = tpu.memref_squeeze %dma_start3A_671 : memref<1x128xi32, #tpu.memory_space<vmem>> -> memref<128xi32, #tpu.memory_space<vmem>>
      %dma_start3A_673 = arith.constant 0 : i32
      %dma_start3A_674 = arith.constant 0 : i32
      %dma_start3A_675 = tpu.memref_slice %arg10[%dma_start3A_673, %dma_start3A_674] : memref<8192x64xf32, #tpu.memory_space<vmem_shared>> -> memref<8192x64xf32, #tpu.memory_space<vmem_shared>>
      tpu.enqueue_indirect_dma source(%arg13 : memref<128x64xf32, #tpu.memory_space<vmem>>) target(%dma_start3A_675 : memref<8192x64xf32, #tpu.memory_space<vmem_shared>>) offsets(%dma_start3A_672 : memref<128xi32, #tpu.memory_space<vmem>>) semaphore(%arg29 : memref<!tpu.dma_semaphore, #tpu.memory_space<semaphore_mem>>) {add = true}
      %mul3A_676 = arith.constant 8 : i32
      %mul3A_677 = arith.muli %scan3A_627, %mul3A_676 : i32
      %add3A_678 = arith.constant 3 : i32
      %add3A_679 = arith.addi %mul3A_677, %add3A_678 : i32
      %dma_wait3A_680 = arith.constant 0 : i32
      %dma_wait3A_681 = tpu.memref_slice %arg8[%add3A_679, %dma_wait3A_680] : memref<64x128xi32, #tpu.memory_space<vmem>> -> memref<1x128xi32, #tpu.memory_space<vmem>>
      %dma_wait3A_682 = tpu.memref_squeeze %dma_wait3A_681 : memref<1x128xi32, #tpu.memory_space<vmem>> -> memref<128xi32, #tpu.memory_space<vmem>>
      %dma_wait3A_683 = arith.constant 0 : i32
      %dma_wait3A_684 = arith.constant 0 : i32
      %dma_wait3A_685 = tpu.memref_slice %arg2[%dma_wait3A_683, %dma_wait3A_684] : memref<65536x64xf32, #tpu.memory_space<hbm>> -> memref<65536x64xf32, #tpu.memory_space<hbm>>
      tpu.wait_indirect_dma semaphore(%arg22 : memref<!tpu.dma_semaphore, #tpu.memory_space<semaphore_mem>>) src(%dma_wait3A_685 : memref<65536x64xf32, #tpu.memory_space<hbm>>) dst(%arg14 : memref<128x64xf32, #tpu.memory_space<vmem>>)
      %dma_start3A_686 = arith.constant 0 : i32
      %dma_start3A_687 = tpu.memref_slice %arg7[%add3A_679, %dma_start3A_686] : memref<64x128xi32, #tpu.memory_space<vmem>> -> memref<1x128xi32, #tpu.memory_space<vmem>>
      %dma_start3A_688 = tpu.memref_squeeze %dma_start3A_687 : memref<1x128xi32, #tpu.memory_space<vmem>> -> memref<128xi32, #tpu.memory_space<vmem>>
      %dma_start3A_689 = arith.constant 0 : i32
      %dma_start3A_690 = arith.constant 0 : i32
      %dma_start3A_691 = tpu.memref_slice %arg10[%dma_start3A_689, %dma_start3A_690] : memref<8192x64xf32, #tpu.memory_space<vmem_shared>> -> memref<8192x64xf32, #tpu.memory_space<vmem_shared>>
      tpu.enqueue_indirect_dma source(%arg14 : memref<128x64xf32, #tpu.memory_space<vmem>>) target(%dma_start3A_691 : memref<8192x64xf32, #tpu.memory_space<vmem_shared>>) offsets(%dma_start3A_688 : memref<128xi32, #tpu.memory_space<vmem>>) semaphore(%arg30 : memref<!tpu.dma_semaphore, #tpu.memory_space<semaphore_mem>>) {add = true}
      %mul3A_692 = arith.constant 8 : i32
      %mul3A_693 = arith.muli %scan3A_627, %mul3A_692 : i32
      %add3A_694 = arith.constant 4 : i32
      %add3A_695 = arith.addi %mul3A_693, %add3A_694 : i32
      %dma_wait3A_696 = arith.constant 0 : i32
      %dma_wait3A_697 = tpu.memref_slice %arg8[%add3A_695, %dma_wait3A_696] : memref<64x128xi32, #tpu.memory_space<vmem>> -> memref<1x128xi32, #tpu.memory_space<vmem>>
      %dma_wait3A_698 = tpu.memref_squeeze %dma_wait3A_697 : memref<1x128xi32, #tpu.memory_space<vmem>> -> memref<128xi32, #tpu.memory_space<vmem>>
      %dma_wait3A_699 = arith.constant 0 : i32
      %dma_wait3A_700 = arith.constant 0 : i32
      %dma_wait3A_701 = tpu.memref_slice %arg2[%dma_wait3A_699, %dma_wait3A_700] : memref<65536x64xf32, #tpu.memory_space<hbm>> -> memref<65536x64xf32, #tpu.memory_space<hbm>>
      tpu.wait_indirect_dma semaphore(%arg23 : memref<!tpu.dma_semaphore, #tpu.memory_space<semaphore_mem>>) src(%dma_wait3A_701 : memref<65536x64xf32, #tpu.memory_space<hbm>>) dst(%arg15 : memref<128x64xf32, #tpu.memory_space<vmem>>)
      %dma_start3A_702 = arith.constant 0 : i32
      %dma_start3A_703 = tpu.memref_slice %arg7[%add3A_695, %dma_start3A_702] : memref<64x128xi32, #tpu.memory_space<vmem>> -> memref<1x128xi32, #tpu.memory_space<vmem>>
      %dma_start3A_704 = tpu.memref_squeeze %dma_start3A_703 : memref<1x128xi32, #tpu.memory_space<vmem>> -> memref<128xi32, #tpu.memory_space<vmem>>
      %dma_start3A_705 = arith.constant 0 : i32
      %dma_start3A_706 = arith.constant 0 : i32
      %dma_start3A_707 = tpu.memref_slice %arg10[%dma_start3A_705, %dma_start3A_706] : memref<8192x64xf32, #tpu.memory_space<vmem_shared>> -> memref<8192x64xf32, #tpu.memory_space<vmem_shared>>
      tpu.enqueue_indirect_dma source(%arg15 : memref<128x64xf32, #tpu.memory_space<vmem>>) target(%dma_start3A_707 : memref<8192x64xf32, #tpu.memory_space<vmem_shared>>) offsets(%dma_start3A_704 : memref<128xi32, #tpu.memory_space<vmem>>) semaphore(%arg31 : memref<!tpu.dma_semaphore, #tpu.memory_space<semaphore_mem>>) {add = true}
      %mul3A_708 = arith.constant 8 : i32
      %mul3A_709 = arith.muli %scan3A_627, %mul3A_708 : i32
      %add3A_710 = arith.constant 5 : i32
      %add3A_711 = arith.addi %mul3A_709, %add3A_710 : i32
      %dma_wait3A_712 = arith.constant 0 : i32
      %dma_wait3A_713 = tpu.memref_slice %arg8[%add3A_711, %dma_wait3A_712] : memref<64x128xi32, #tpu.memory_space<vmem>> -> memref<1x128xi32, #tpu.memory_space<vmem>>
      %dma_wait3A_714 = tpu.memref_squeeze %dma_wait3A_713 : memref<1x128xi32, #tpu.memory_space<vmem>> -> memref<128xi32, #tpu.memory_space<vmem>>
      %dma_wait3A_715 = arith.constant 0 : i32
      %dma_wait3A_716 = arith.constant 0 : i32
      %dma_wait3A_717 = tpu.memref_slice %arg2[%dma_wait3A_715, %dma_wait3A_716] : memref<65536x64xf32, #tpu.memory_space<hbm>> -> memref<65536x64xf32, #tpu.memory_space<hbm>>
      tpu.wait_indirect_dma semaphore(%arg24 : memref<!tpu.dma_semaphore, #tpu.memory_space<semaphore_mem>>) src(%dma_wait3A_717 : memref<65536x64xf32, #tpu.memory_space<hbm>>) dst(%arg16 : memref<128x64xf32, #tpu.memory_space<vmem>>)
      %dma_start3A_718 = arith.constant 0 : i32
      %dma_start3A_719 = tpu.memref_slice %arg7[%add3A_711, %dma_start3A_718] : memref<64x128xi32, #tpu.memory_space<vmem>> -> memref<1x128xi32, #tpu.memory_space<vmem>>
      %dma_start3A_720 = tpu.memref_squeeze %dma_start3A_719 : memref<1x128xi32, #tpu.memory_space<vmem>> -> memref<128xi32, #tpu.memory_space<vmem>>
      %dma_start3A_721 = arith.constant 0 : i32
      %dma_start3A_722 = arith.constant 0 : i32
      %dma_start3A_723 = tpu.memref_slice %arg10[%dma_start3A_721, %dma_start3A_722] : memref<8192x64xf32, #tpu.memory_space<vmem_shared>> -> memref<8192x64xf32, #tpu.memory_space<vmem_shared>>
      tpu.enqueue_indirect_dma source(%arg16 : memref<128x64xf32, #tpu.memory_space<vmem>>) target(%dma_start3A_723 : memref<8192x64xf32, #tpu.memory_space<vmem_shared>>) offsets(%dma_start3A_720 : memref<128xi32, #tpu.memory_space<vmem>>) semaphore(%arg32 : memref<!tpu.dma_semaphore, #tpu.memory_space<semaphore_mem>>) {add = true}
      %mul3A_724 = arith.constant 8 : i32
      %mul3A_725 = arith.muli %scan3A_627, %mul3A_724 : i32
      %add3A_726 = arith.constant 6 : i32
      %add3A_727 = arith.addi %mul3A_725, %add3A_726 : i32
      %dma_wait3A_728 = arith.constant 0 : i32
      %dma_wait3A_729 = tpu.memref_slice %arg8[%add3A_727, %dma_wait3A_728] : memref<64x128xi32, #tpu.memory_space<vmem>> -> memref<1x128xi32, #tpu.memory_space<vmem>>
      %dma_wait3A_730 = tpu.memref_squeeze %dma_wait3A_729 : memref<1x128xi32, #tpu.memory_space<vmem>> -> memref<128xi32, #tpu.memory_space<vmem>>
      %dma_wait3A_731 = arith.constant 0 : i32
      %dma_wait3A_732 = arith.constant 0 : i32
      %dma_wait3A_733 = tpu.memref_slice %arg2[%dma_wait3A_731, %dma_wait3A_732] : memref<65536x64xf32, #tpu.memory_space<hbm>> -> memref<65536x64xf32, #tpu.memory_space<hbm>>
      tpu.wait_indirect_dma semaphore(%arg25 : memref<!tpu.dma_semaphore, #tpu.memory_space<semaphore_mem>>) src(%dma_wait3A_733 : memref<65536x64xf32, #tpu.memory_space<hbm>>) dst(%arg17 : memref<128x64xf32, #tpu.memory_space<vmem>>)
      %dma_start3A_734 = arith.constant 0 : i32
      %dma_start3A_735 = tpu.memref_slice %arg7[%add3A_727, %dma_start3A_734] : memref<64x128xi32, #tpu.memory_space<vmem>> -> memref<1x128xi32, #tpu.memory_space<vmem>>
      %dma_start3A_736 = tpu.memref_squeeze %dma_start3A_735 : memref<1x128xi32, #tpu.memory_space<vmem>> -> memref<128xi32, #tpu.memory_space<vmem>>
      %dma_start3A_737 = arith.constant 0 : i32
      %dma_start3A_738 = arith.constant 0 : i32
      %dma_start3A_739 = tpu.memref_slice %arg10[%dma_start3A_737, %dma_start3A_738] : memref<8192x64xf32, #tpu.memory_space<vmem_shared>> -> memref<8192x64xf32, #tpu.memory_space<vmem_shared>>
      tpu.enqueue_indirect_dma source(%arg17 : memref<128x64xf32, #tpu.memory_space<vmem>>) target(%dma_start3A_739 : memref<8192x64xf32, #tpu.memory_space<vmem_shared>>) offsets(%dma_start3A_736 : memref<128xi32, #tpu.memory_space<vmem>>) semaphore(%arg33 : memref<!tpu.dma_semaphore, #tpu.memory_space<semaphore_mem>>) {add = true}
      %mul3A_740 = arith.constant 8 : i32
      %mul3A_741 = arith.muli %scan3A_627, %mul3A_740 : i32
      %add3A_742 = arith.constant 7 : i32
      %add3A_743 = arith.addi %mul3A_741, %add3A_742 : i32
      %dma_wait3A_744 = arith.constant 0 : i32
      %dma_wait3A_745 = tpu.memref_slice %arg8[%add3A_743, %dma_wait3A_744] : memref<64x128xi32, #tpu.memory_space<vmem>> -> memref<1x128xi32, #tpu.memory_space<vmem>>
      %dma_wait3A_746 = tpu.memref_squeeze %dma_wait3A_745 : memref<1x128xi32, #tpu.memory_space<vmem>> -> memref<128xi32, #tpu.memory_space<vmem>>
      %dma_wait3A_747 = arith.constant 0 : i32
      %dma_wait3A_748 = arith.constant 0 : i32
      %dma_wait3A_749 = tpu.memref_slice %arg2[%dma_wait3A_747, %dma_wait3A_748] : memref<65536x64xf32, #tpu.memory_space<hbm>> -> memref<65536x64xf32, #tpu.memory_space<hbm>>
      tpu.wait_indirect_dma semaphore(%arg26 : memref<!tpu.dma_semaphore, #tpu.memory_space<semaphore_mem>>) src(%dma_wait3A_749 : memref<65536x64xf32, #tpu.memory_space<hbm>>) dst(%arg18 : memref<128x64xf32, #tpu.memory_space<vmem>>)
      %dma_start3A_750 = arith.constant 0 : i32
      %dma_start3A_751 = tpu.memref_slice %arg7[%add3A_743, %dma_start3A_750] : memref<64x128xi32, #tpu.memory_space<vmem>> -> memref<1x128xi32, #tpu.memory_space<vmem>>
      %dma_start3A_752 = tpu.memref_squeeze %dma_start3A_751 : memref<1x128xi32, #tpu.memory_space<vmem>> -> memref<128xi32, #tpu.memory_space<vmem>>
      %dma_start3A_753 = arith.constant 0 : i32
      %dma_start3A_754 = arith.constant 0 : i32
      %dma_start3A_755 = tpu.memref_slice %arg10[%dma_start3A_753, %dma_start3A_754] : memref<8192x64xf32, #tpu.memory_space<vmem_shared>> -> memref<8192x64xf32, #tpu.memory_space<vmem_shared>>
      tpu.enqueue_indirect_dma source(%arg18 : memref<128x64xf32, #tpu.memory_space<vmem>>) target(%dma_start3A_755 : memref<8192x64xf32, #tpu.memory_space<vmem_shared>>) offsets(%dma_start3A_752 : memref<128xi32, #tpu.memory_space<vmem>>) semaphore(%arg34 : memref<!tpu.dma_semaphore, #tpu.memory_space<semaphore_mem>>) {add = true}
      %mul3A_756 = arith.constant 8 : i32
      %mul3A_757 = arith.muli %scan3A_627, %mul3A_756 : i32
      %add3A_758 = arith.constant 0 : i32
      %add3A_759 = arith.addi %mul3A_757, %add3A_758 : i32
      %lt3A = arith.constant 7 : i32
      %lt3A_760 = arith.cmpi slt, %scan3A_627, %lt3A : i32
      %convert_element_type3A = arith.extui %lt3A_760 : i1 to i32
      %cond3A = arith.constant 0 : i32
      %cond3A_761 = arith.cmpi ne, %convert_element_type3A, %cond3A : i32
      scf.if %cond3A_761 {
        %dma_wait3A_825 = arith.constant 0 : i32
        %dma_wait3A_826 = tpu.memref_slice %arg7[%add3A_759, %dma_wait3A_825] : memref<64x128xi32, #tpu.memory_space<vmem>> -> memref<1x128xi32, #tpu.memory_space<vmem>>
        %dma_wait3A_827 = tpu.memref_squeeze %dma_wait3A_826 : memref<1x128xi32, #tpu.memory_space<vmem>> -> memref<128xi32, #tpu.memory_space<vmem>>
        %dma_wait3A_828 = arith.constant 0 : i32
        %dma_wait3A_829 = arith.constant 0 : i32
        %dma_wait3A_830 = tpu.memref_slice %arg10[%dma_wait3A_828, %dma_wait3A_829] : memref<8192x64xf32, #tpu.memory_space<vmem_shared>> -> memref<8192x64xf32, #tpu.memory_space<vmem_shared>>
        tpu.wait_indirect_dma semaphore(%arg27 : memref<!tpu.dma_semaphore, #tpu.memory_space<semaphore_mem>>) src(%arg11 : memref<128x64xf32, #tpu.memory_space<vmem>>) dst(%dma_wait3A_830 : memref<8192x64xf32, #tpu.memory_space<vmem_shared>>)
        %add3A_831 = arith.constant 8 : i32
        %add3A_832 = arith.addi %add3A_759, %add3A_831 : i32
        %dma_start3A_833 = arith.constant 0 : i32
        %dma_start3A_834 = tpu.memref_slice %arg8[%add3A_832, %dma_start3A_833] : memref<64x128xi32, #tpu.memory_space<vmem>> -> memref<1x128xi32, #tpu.memory_space<vmem>>
        %dma_start3A_835 = tpu.memref_squeeze %dma_start3A_834 : memref<1x128xi32, #tpu.memory_space<vmem>> -> memref<128xi32, #tpu.memory_space<vmem>>
        %dma_start3A_836 = arith.constant 0 : i32
        %dma_start3A_837 = arith.constant 0 : i32
        %dma_start3A_838 = tpu.memref_slice %arg2[%dma_start3A_836, %dma_start3A_837] : memref<65536x64xf32, #tpu.memory_space<hbm>> -> memref<65536x64xf32, #tpu.memory_space<hbm>>
        tpu.enqueue_indirect_dma source(%dma_start3A_838 : memref<65536x64xf32, #tpu.memory_space<hbm>>) target(%arg11 : memref<128x64xf32, #tpu.memory_space<vmem>>) offsets(%dma_start3A_835 : memref<128xi32, #tpu.memory_space<vmem>>) semaphore(%arg19 : memref<!tpu.dma_semaphore, #tpu.memory_space<semaphore_mem>>)
      } else {
      }
      %mul3A_762 = arith.constant 8 : i32
      %mul3A_763 = arith.muli %scan3A_627, %mul3A_762 : i32
      %add3A_764 = arith.constant 1 : i32
      %add3A_765 = arith.addi %mul3A_763, %add3A_764 : i32
      %lt3A_766 = arith.constant 7 : i32
      %lt3A_767 = arith.cmpi slt, %scan3A_627, %lt3A_766 : i32
      %convert_element_type3A_768 = arith.extui %lt3A_767 : i1 to i32
      %cond3A_769 = arith.constant 0 : i32
      %cond3A_770 = arith.cmpi ne, %convert_element_type3A_768, %cond3A_769 : i32
      scf.if %cond3A_770 {
        %dma_wait3A_825 = arith.constant 0 : i32
        %dma_wait3A_826 = tpu.memref_slice %arg7[%add3A_765, %dma_wait3A_825] : memref<64x128xi32, #tpu.memory_space<vmem>> -> memref<1x128xi32, #tpu.memory_space<vmem>>
        %dma_wait3A_827 = tpu.memref_squeeze %dma_wait3A_826 : memref<1x128xi32, #tpu.memory_space<vmem>> -> memref<128xi32, #tpu.memory_space<vmem>>
        %dma_wait3A_828 = arith.constant 0 : i32
        %dma_wait3A_829 = arith.constant 0 : i32
        %dma_wait3A_830 = tpu.memref_slice %arg10[%dma_wait3A_828, %dma_wait3A_829] : memref<8192x64xf32, #tpu.memory_space<vmem_shared>> -> memref<8192x64xf32, #tpu.memory_space<vmem_shared>>
        tpu.wait_indirect_dma semaphore(%arg28 : memref<!tpu.dma_semaphore, #tpu.memory_space<semaphore_mem>>) src(%arg12 : memref<128x64xf32, #tpu.memory_space<vmem>>) dst(%dma_wait3A_830 : memref<8192x64xf32, #tpu.memory_space<vmem_shared>>)
        %add3A_831 = arith.constant 8 : i32
        %add3A_832 = arith.addi %add3A_765, %add3A_831 : i32
        %dma_start3A_833 = arith.constant 0 : i32
        %dma_start3A_834 = tpu.memref_slice %arg8[%add3A_832, %dma_start3A_833] : memref<64x128xi32, #tpu.memory_space<vmem>> -> memref<1x128xi32, #tpu.memory_space<vmem>>
        %dma_start3A_835 = tpu.memref_squeeze %dma_start3A_834 : memref<1x128xi32, #tpu.memory_space<vmem>> -> memref<128xi32, #tpu.memory_space<vmem>>
        %dma_start3A_836 = arith.constant 0 : i32
        %dma_start3A_837 = arith.constant 0 : i32
        %dma_start3A_838 = tpu.memref_slice %arg2[%dma_start3A_836, %dma_start3A_837] : memref<65536x64xf32, #tpu.memory_space<hbm>> -> memref<65536x64xf32, #tpu.memory_space<hbm>>
        tpu.enqueue_indirect_dma source(%dma_start3A_838 : memref<65536x64xf32, #tpu.memory_space<hbm>>) target(%arg12 : memref<128x64xf32, #tpu.memory_space<vmem>>) offsets(%dma_start3A_835 : memref<128xi32, #tpu.memory_space<vmem>>) semaphore(%arg20 : memref<!tpu.dma_semaphore, #tpu.memory_space<semaphore_mem>>)
      } else {
      }
      %mul3A_771 = arith.constant 8 : i32
      %mul3A_772 = arith.muli %scan3A_627, %mul3A_771 : i32
      %add3A_773 = arith.constant 2 : i32
      %add3A_774 = arith.addi %mul3A_772, %add3A_773 : i32
      %lt3A_775 = arith.constant 7 : i32
      %lt3A_776 = arith.cmpi slt, %scan3A_627, %lt3A_775 : i32
      %convert_element_type3A_777 = arith.extui %lt3A_776 : i1 to i32
      %cond3A_778 = arith.constant 0 : i32
      %cond3A_779 = arith.cmpi ne, %convert_element_type3A_777, %cond3A_778 : i32
      scf.if %cond3A_779 {
        %dma_wait3A_825 = arith.constant 0 : i32
        %dma_wait3A_826 = tpu.memref_slice %arg7[%add3A_774, %dma_wait3A_825] : memref<64x128xi32, #tpu.memory_space<vmem>> -> memref<1x128xi32, #tpu.memory_space<vmem>>
        %dma_wait3A_827 = tpu.memref_squeeze %dma_wait3A_826 : memref<1x128xi32, #tpu.memory_space<vmem>> -> memref<128xi32, #tpu.memory_space<vmem>>
        %dma_wait3A_828 = arith.constant 0 : i32
        %dma_wait3A_829 = arith.constant 0 : i32
        %dma_wait3A_830 = tpu.memref_slice %arg10[%dma_wait3A_828, %dma_wait3A_829] : memref<8192x64xf32, #tpu.memory_space<vmem_shared>> -> memref<8192x64xf32, #tpu.memory_space<vmem_shared>>
        tpu.wait_indirect_dma semaphore(%arg29 : memref<!tpu.dma_semaphore, #tpu.memory_space<semaphore_mem>>) src(%arg13 : memref<128x64xf32, #tpu.memory_space<vmem>>) dst(%dma_wait3A_830 : memref<8192x64xf32, #tpu.memory_space<vmem_shared>>)
        %add3A_831 = arith.constant 8 : i32
        %add3A_832 = arith.addi %add3A_774, %add3A_831 : i32
        %dma_start3A_833 = arith.constant 0 : i32
        %dma_start3A_834 = tpu.memref_slice %arg8[%add3A_832, %dma_start3A_833] : memref<64x128xi32, #tpu.memory_space<vmem>> -> memref<1x128xi32, #tpu.memory_space<vmem>>
        %dma_start3A_835 = tpu.memref_squeeze %dma_start3A_834 : memref<1x128xi32, #tpu.memory_space<vmem>> -> memref<128xi32, #tpu.memory_space<vmem>>
        %dma_start3A_836 = arith.constant 0 : i32
        %dma_start3A_837 = arith.constant 0 : i32
        %dma_start3A_838 = tpu.memref_slice %arg2[%dma_start3A_836, %dma_start3A_837] : memref<65536x64xf32, #tpu.memory_space<hbm>> -> memref<65536x64xf32, #tpu.memory_space<hbm>>
        tpu.enqueue_indirect_dma source(%dma_start3A_838 : memref<65536x64xf32, #tpu.memory_space<hbm>>) target(%arg13 : memref<128x64xf32, #tpu.memory_space<vmem>>) offsets(%dma_start3A_835 : memref<128xi32, #tpu.memory_space<vmem>>) semaphore(%arg21 : memref<!tpu.dma_semaphore, #tpu.memory_space<semaphore_mem>>)
      } else {
      }
      %mul3A_780 = arith.constant 8 : i32
      %mul3A_781 = arith.muli %scan3A_627, %mul3A_780 : i32
      %add3A_782 = arith.constant 3 : i32
      %add3A_783 = arith.addi %mul3A_781, %add3A_782 : i32
      %lt3A_784 = arith.constant 7 : i32
      %lt3A_785 = arith.cmpi slt, %scan3A_627, %lt3A_784 : i32
      %convert_element_type3A_786 = arith.extui %lt3A_785 : i1 to i32
      %cond3A_787 = arith.constant 0 : i32
      %cond3A_788 = arith.cmpi ne, %convert_element_type3A_786, %cond3A_787 : i32
      scf.if %cond3A_788 {
        %dma_wait3A_825 = arith.constant 0 : i32
        %dma_wait3A_826 = tpu.memref_slice %arg7[%add3A_783, %dma_wait3A_825] : memref<64x128xi32, #tpu.memory_space<vmem>> -> memref<1x128xi32, #tpu.memory_space<vmem>>
        %dma_wait3A_827 = tpu.memref_squeeze %dma_wait3A_826 : memref<1x128xi32, #tpu.memory_space<vmem>> -> memref<128xi32, #tpu.memory_space<vmem>>
        %dma_wait3A_828 = arith.constant 0 : i32
        %dma_wait3A_829 = arith.constant 0 : i32
        %dma_wait3A_830 = tpu.memref_slice %arg10[%dma_wait3A_828, %dma_wait3A_829] : memref<8192x64xf32, #tpu.memory_space<vmem_shared>> -> memref<8192x64xf32, #tpu.memory_space<vmem_shared>>
        tpu.wait_indirect_dma semaphore(%arg30 : memref<!tpu.dma_semaphore, #tpu.memory_space<semaphore_mem>>) src(%arg14 : memref<128x64xf32, #tpu.memory_space<vmem>>) dst(%dma_wait3A_830 : memref<8192x64xf32, #tpu.memory_space<vmem_shared>>)
        %add3A_831 = arith.constant 8 : i32
        %add3A_832 = arith.addi %add3A_783, %add3A_831 : i32
        %dma_start3A_833 = arith.constant 0 : i32
        %dma_start3A_834 = tpu.memref_slice %arg8[%add3A_832, %dma_start3A_833] : memref<64x128xi32, #tpu.memory_space<vmem>> -> memref<1x128xi32, #tpu.memory_space<vmem>>
        %dma_start3A_835 = tpu.memref_squeeze %dma_start3A_834 : memref<1x128xi32, #tpu.memory_space<vmem>> -> memref<128xi32, #tpu.memory_space<vmem>>
        %dma_start3A_836 = arith.constant 0 : i32
        %dma_start3A_837 = arith.constant 0 : i32
        %dma_start3A_838 = tpu.memref_slice %arg2[%dma_start3A_836, %dma_start3A_837] : memref<65536x64xf32, #tpu.memory_space<hbm>> -> memref<65536x64xf32, #tpu.memory_space<hbm>>
        tpu.enqueue_indirect_dma source(%dma_start3A_838 : memref<65536x64xf32, #tpu.memory_space<hbm>>) target(%arg14 : memref<128x64xf32, #tpu.memory_space<vmem>>) offsets(%dma_start3A_835 : memref<128xi32, #tpu.memory_space<vmem>>) semaphore(%arg22 : memref<!tpu.dma_semaphore, #tpu.memory_space<semaphore_mem>>)
      } else {
      }
      %mul3A_789 = arith.constant 8 : i32
      %mul3A_790 = arith.muli %scan3A_627, %mul3A_789 : i32
      %add3A_791 = arith.constant 4 : i32
      %add3A_792 = arith.addi %mul3A_790, %add3A_791 : i32
      %lt3A_793 = arith.constant 7 : i32
      %lt3A_794 = arith.cmpi slt, %scan3A_627, %lt3A_793 : i32
      %convert_element_type3A_795 = arith.extui %lt3A_794 : i1 to i32
      %cond3A_796 = arith.constant 0 : i32
      %cond3A_797 = arith.cmpi ne, %convert_element_type3A_795, %cond3A_796 : i32
      scf.if %cond3A_797 {
        %dma_wait3A_825 = arith.constant 0 : i32
        %dma_wait3A_826 = tpu.memref_slice %arg7[%add3A_792, %dma_wait3A_825] : memref<64x128xi32, #tpu.memory_space<vmem>> -> memref<1x128xi32, #tpu.memory_space<vmem>>
        %dma_wait3A_827 = tpu.memref_squeeze %dma_wait3A_826 : memref<1x128xi32, #tpu.memory_space<vmem>> -> memref<128xi32, #tpu.memory_space<vmem>>
        %dma_wait3A_828 = arith.constant 0 : i32
        %dma_wait3A_829 = arith.constant 0 : i32
        %dma_wait3A_830 = tpu.memref_slice %arg10[%dma_wait3A_828, %dma_wait3A_829] : memref<8192x64xf32, #tpu.memory_space<vmem_shared>> -> memref<8192x64xf32, #tpu.memory_space<vmem_shared>>
        tpu.wait_indirect_dma semaphore(%arg31 : memref<!tpu.dma_semaphore, #tpu.memory_space<semaphore_mem>>) src(%arg15 : memref<128x64xf32, #tpu.memory_space<vmem>>) dst(%dma_wait3A_830 : memref<8192x64xf32, #tpu.memory_space<vmem_shared>>)
        %add3A_831 = arith.constant 8 : i32
        %add3A_832 = arith.addi %add3A_792, %add3A_831 : i32
        %dma_start3A_833 = arith.constant 0 : i32
        %dma_start3A_834 = tpu.memref_slice %arg8[%add3A_832, %dma_start3A_833] : memref<64x128xi32, #tpu.memory_space<vmem>> -> memref<1x128xi32, #tpu.memory_space<vmem>>
        %dma_start3A_835 = tpu.memref_squeeze %dma_start3A_834 : memref<1x128xi32, #tpu.memory_space<vmem>> -> memref<128xi32, #tpu.memory_space<vmem>>
        %dma_start3A_836 = arith.constant 0 : i32
        %dma_start3A_837 = arith.constant 0 : i32
        %dma_start3A_838 = tpu.memref_slice %arg2[%dma_start3A_836, %dma_start3A_837] : memref<65536x64xf32, #tpu.memory_space<hbm>> -> memref<65536x64xf32, #tpu.memory_space<hbm>>
        tpu.enqueue_indirect_dma source(%dma_start3A_838 : memref<65536x64xf32, #tpu.memory_space<hbm>>) target(%arg15 : memref<128x64xf32, #tpu.memory_space<vmem>>) offsets(%dma_start3A_835 : memref<128xi32, #tpu.memory_space<vmem>>) semaphore(%arg23 : memref<!tpu.dma_semaphore, #tpu.memory_space<semaphore_mem>>)
      } else {
      }
      %mul3A_798 = arith.constant 8 : i32
      %mul3A_799 = arith.muli %scan3A_627, %mul3A_798 : i32
      %add3A_800 = arith.constant 5 : i32
      %add3A_801 = arith.addi %mul3A_799, %add3A_800 : i32
      %lt3A_802 = arith.constant 7 : i32
      %lt3A_803 = arith.cmpi slt, %scan3A_627, %lt3A_802 : i32
      %convert_element_type3A_804 = arith.extui %lt3A_803 : i1 to i32
      %cond3A_805 = arith.constant 0 : i32
      %cond3A_806 = arith.cmpi ne, %convert_element_type3A_804, %cond3A_805 : i32
      scf.if %cond3A_806 {
        %dma_wait3A_825 = arith.constant 0 : i32
        %dma_wait3A_826 = tpu.memref_slice %arg7[%add3A_801, %dma_wait3A_825] : memref<64x128xi32, #tpu.memory_space<vmem>> -> memref<1x128xi32, #tpu.memory_space<vmem>>
        %dma_wait3A_827 = tpu.memref_squeeze %dma_wait3A_826 : memref<1x128xi32, #tpu.memory_space<vmem>> -> memref<128xi32, #tpu.memory_space<vmem>>
        %dma_wait3A_828 = arith.constant 0 : i32
        %dma_wait3A_829 = arith.constant 0 : i32
        %dma_wait3A_830 = tpu.memref_slice %arg10[%dma_wait3A_828, %dma_wait3A_829] : memref<8192x64xf32, #tpu.memory_space<vmem_shared>> -> memref<8192x64xf32, #tpu.memory_space<vmem_shared>>
        tpu.wait_indirect_dma semaphore(%arg32 : memref<!tpu.dma_semaphore, #tpu.memory_space<semaphore_mem>>) src(%arg16 : memref<128x64xf32, #tpu.memory_space<vmem>>) dst(%dma_wait3A_830 : memref<8192x64xf32, #tpu.memory_space<vmem_shared>>)
        %add3A_831 = arith.constant 8 : i32
        %add3A_832 = arith.addi %add3A_801, %add3A_831 : i32
        %dma_start3A_833 = arith.constant 0 : i32
        %dma_start3A_834 = tpu.memref_slice %arg8[%add3A_832, %dma_start3A_833] : memref<64x128xi32, #tpu.memory_space<vmem>> -> memref<1x128xi32, #tpu.memory_space<vmem>>
        %dma_start3A_835 = tpu.memref_squeeze %dma_start3A_834 : memref<1x128xi32, #tpu.memory_space<vmem>> -> memref<128xi32, #tpu.memory_space<vmem>>
        %dma_start3A_836 = arith.constant 0 : i32
        %dma_start3A_837 = arith.constant 0 : i32
        %dma_start3A_838 = tpu.memref_slice %arg2[%dma_start3A_836, %dma_start3A_837] : memref<65536x64xf32, #tpu.memory_space<hbm>> -> memref<65536x64xf32, #tpu.memory_space<hbm>>
        tpu.enqueue_indirect_dma source(%dma_start3A_838 : memref<65536x64xf32, #tpu.memory_space<hbm>>) target(%arg16 : memref<128x64xf32, #tpu.memory_space<vmem>>) offsets(%dma_start3A_835 : memref<128xi32, #tpu.memory_space<vmem>>) semaphore(%arg24 : memref<!tpu.dma_semaphore, #tpu.memory_space<semaphore_mem>>)
      } else {
      }
      %mul3A_807 = arith.constant 8 : i32
      %mul3A_808 = arith.muli %scan3A_627, %mul3A_807 : i32
      %add3A_809 = arith.constant 6 : i32
      %add3A_810 = arith.addi %mul3A_808, %add3A_809 : i32
      %lt3A_811 = arith.constant 7 : i32
      %lt3A_812 = arith.cmpi slt, %scan3A_627, %lt3A_811 : i32
      %convert_element_type3A_813 = arith.extui %lt3A_812 : i1 to i32
      %cond3A_814 = arith.constant 0 : i32
      %cond3A_815 = arith.cmpi ne, %convert_element_type3A_813, %cond3A_814 : i32
      scf.if %cond3A_815 {
        %dma_wait3A_825 = arith.constant 0 : i32
        %dma_wait3A_826 = tpu.memref_slice %arg7[%add3A_810, %dma_wait3A_825] : memref<64x128xi32, #tpu.memory_space<vmem>> -> memref<1x128xi32, #tpu.memory_space<vmem>>
        %dma_wait3A_827 = tpu.memref_squeeze %dma_wait3A_826 : memref<1x128xi32, #tpu.memory_space<vmem>> -> memref<128xi32, #tpu.memory_space<vmem>>
        %dma_wait3A_828 = arith.constant 0 : i32
        %dma_wait3A_829 = arith.constant 0 : i32
        %dma_wait3A_830 = tpu.memref_slice %arg10[%dma_wait3A_828, %dma_wait3A_829] : memref<8192x64xf32, #tpu.memory_space<vmem_shared>> -> memref<8192x64xf32, #tpu.memory_space<vmem_shared>>
        tpu.wait_indirect_dma semaphore(%arg33 : memref<!tpu.dma_semaphore, #tpu.memory_space<semaphore_mem>>) src(%arg17 : memref<128x64xf32, #tpu.memory_space<vmem>>) dst(%dma_wait3A_830 : memref<8192x64xf32, #tpu.memory_space<vmem_shared>>)
        %add3A_831 = arith.constant 8 : i32
        %add3A_832 = arith.addi %add3A_810, %add3A_831 : i32
        %dma_start3A_833 = arith.constant 0 : i32
        %dma_start3A_834 = tpu.memref_slice %arg8[%add3A_832, %dma_start3A_833] : memref<64x128xi32, #tpu.memory_space<vmem>> -> memref<1x128xi32, #tpu.memory_space<vmem>>
        %dma_start3A_835 = tpu.memref_squeeze %dma_start3A_834 : memref<1x128xi32, #tpu.memory_space<vmem>> -> memref<128xi32, #tpu.memory_space<vmem>>
        %dma_start3A_836 = arith.constant 0 : i32
        %dma_start3A_837 = arith.constant 0 : i32
        %dma_start3A_838 = tpu.memref_slice %arg2[%dma_start3A_836, %dma_start3A_837] : memref<65536x64xf32, #tpu.memory_space<hbm>> -> memref<65536x64xf32, #tpu.memory_space<hbm>>
        tpu.enqueue_indirect_dma source(%dma_start3A_838 : memref<65536x64xf32, #tpu.memory_space<hbm>>) target(%arg17 : memref<128x64xf32, #tpu.memory_space<vmem>>) offsets(%dma_start3A_835 : memref<128xi32, #tpu.memory_space<vmem>>) semaphore(%arg25 : memref<!tpu.dma_semaphore, #tpu.memory_space<semaphore_mem>>)
      } else {
      }
      %mul3A_816 = arith.constant 8 : i32
      %mul3A_817 = arith.muli %scan3A_627, %mul3A_816 : i32
      %add3A_818 = arith.constant 7 : i32
      %add3A_819 = arith.addi %mul3A_817, %add3A_818 : i32
      %lt3A_820 = arith.constant 7 : i32
      %lt3A_821 = arith.cmpi slt, %scan3A_627, %lt3A_820 : i32
      %convert_element_type3A_822 = arith.extui %lt3A_821 : i1 to i32
      %cond3A_823 = arith.constant 0 : i32
      %cond3A_824 = arith.cmpi ne, %convert_element_type3A_822, %cond3A_823 : i32
      scf.if %cond3A_824 {
        %dma_wait3A_825 = arith.constant 0 : i32
        %dma_wait3A_826 = tpu.memref_slice %arg7[%add3A_819, %dma_wait3A_825] : memref<64x128xi32, #tpu.memory_space<vmem>> -> memref<1x128xi32, #tpu.memory_space<vmem>>
        %dma_wait3A_827 = tpu.memref_squeeze %dma_wait3A_826 : memref<1x128xi32, #tpu.memory_space<vmem>> -> memref<128xi32, #tpu.memory_space<vmem>>
        %dma_wait3A_828 = arith.constant 0 : i32
        %dma_wait3A_829 = arith.constant 0 : i32
        %dma_wait3A_830 = tpu.memref_slice %arg10[%dma_wait3A_828, %dma_wait3A_829] : memref<8192x64xf32, #tpu.memory_space<vmem_shared>> -> memref<8192x64xf32, #tpu.memory_space<vmem_shared>>
        tpu.wait_indirect_dma semaphore(%arg34 : memref<!tpu.dma_semaphore, #tpu.memory_space<semaphore_mem>>) src(%arg18 : memref<128x64xf32, #tpu.memory_space<vmem>>) dst(%dma_wait3A_830 : memref<8192x64xf32, #tpu.memory_space<vmem_shared>>)
        %add3A_831 = arith.constant 8 : i32
        %add3A_832 = arith.addi %add3A_819, %add3A_831 : i32
        %dma_start3A_833 = arith.constant 0 : i32
        %dma_start3A_834 = tpu.memref_slice %arg8[%add3A_832, %dma_start3A_833] : memref<64x128xi32, #tpu.memory_space<vmem>> -> memref<1x128xi32, #tpu.memory_space<vmem>>
        %dma_start3A_835 = tpu.memref_squeeze %dma_start3A_834 : memref<1x128xi32, #tpu.memory_space<vmem>> -> memref<128xi32, #tpu.memory_space<vmem>>
        %dma_start3A_836 = arith.constant 0 : i32
        %dma_start3A_837 = arith.constant 0 : i32
        %dma_start3A_838 = tpu.memref_slice %arg2[%dma_start3A_836, %dma_start3A_837] : memref<65536x64xf32, #tpu.memory_space<hbm>> -> memref<65536x64xf32, #tpu.memory_space<hbm>>
        tpu.enqueue_indirect_dma source(%dma_start3A_838 : memref<65536x64xf32, #tpu.memory_space<hbm>>) target(%arg18 : memref<128x64xf32, #tpu.memory_space<vmem>>) offsets(%dma_start3A_835 : memref<128xi32, #tpu.memory_space<vmem>>) semaphore(%arg26 : memref<!tpu.dma_semaphore, #tpu.memory_space<semaphore_mem>>)
      } else {
      }
    }
    %scan3A_240 = arith.constant 8 : i32
    %dma_wait3A_241 = arith.constant 0 : i32
    %dma_wait3A_242 = arith.constant 0 : i32
    %dma_wait3A_243 = tpu.memref_slice %arg7[%dma_wait3A_241, %dma_wait3A_242] : memref<64x128xi32, #tpu.memory_space<vmem>> -> memref<1x128xi32, #tpu.memory_space<vmem>>
    %dma_wait3A_244 = tpu.memref_squeeze %dma_wait3A_243 : memref<1x128xi32, #tpu.memory_space<vmem>> -> memref<128xi32, #tpu.memory_space<vmem>>
    %dma_wait3A_245 = arith.constant 0 : i32
    %dma_wait3A_246 = arith.constant 0 : i32
    %dma_wait3A_247 = tpu.memref_slice %arg10[%dma_wait3A_245, %dma_wait3A_246] : memref<8192x64xf32, #tpu.memory_space<vmem_shared>> -> memref<8192x64xf32, #tpu.memory_space<vmem_shared>>
    tpu.wait_indirect_dma semaphore(%arg27 : memref<!tpu.dma_semaphore, #tpu.memory_space<semaphore_mem>>) src(%arg11 : memref<128x64xf32, #tpu.memory_space<vmem>>) dst(%dma_wait3A_247 : memref<8192x64xf32, #tpu.memory_space<vmem_shared>>)
    %dma_wait3A_248 = arith.constant 1 : i32
    %dma_wait3A_249 = arith.constant 0 : i32
    %dma_wait3A_250 = tpu.memref_slice %arg7[%dma_wait3A_248, %dma_wait3A_249] : memref<64x128xi32, #tpu.memory_space<vmem>> -> memref<1x128xi32, #tpu.memory_space<vmem>>
    %dma_wait3A_251 = tpu.memref_squeeze %dma_wait3A_250 : memref<1x128xi32, #tpu.memory_space<vmem>> -> memref<128xi32, #tpu.memory_space<vmem>>
    %dma_wait3A_252 = arith.constant 0 : i32
    %dma_wait3A_253 = arith.constant 0 : i32
    %dma_wait3A_254 = tpu.memref_slice %arg10[%dma_wait3A_252, %dma_wait3A_253] : memref<8192x64xf32, #tpu.memory_space<vmem_shared>> -> memref<8192x64xf32, #tpu.memory_space<vmem_shared>>
    tpu.wait_indirect_dma semaphore(%arg28 : memref<!tpu.dma_semaphore, #tpu.memory_space<semaphore_mem>>) src(%arg12 : memref<128x64xf32, #tpu.memory_space<vmem>>) dst(%dma_wait3A_254 : memref<8192x64xf32, #tpu.memory_space<vmem_shared>>)
    %dma_wait3A_255 = arith.constant 2 : i32
    %dma_wait3A_256 = arith.constant 0 : i32
    %dma_wait3A_257 = tpu.memref_slice %arg7[%dma_wait3A_255, %dma_wait3A_256] : memref<64x128xi32, #tpu.memory_space<vmem>> -> memref<1x128xi32, #tpu.memory_space<vmem>>
    %dma_wait3A_258 = tpu.memref_squeeze %dma_wait3A_257 : memref<1x128xi32, #tpu.memory_space<vmem>> -> memref<128xi32, #tpu.memory_space<vmem>>
    %dma_wait3A_259 = arith.constant 0 : i32
    %dma_wait3A_260 = arith.constant 0 : i32
    %dma_wait3A_261 = tpu.memref_slice %arg10[%dma_wait3A_259, %dma_wait3A_260] : memref<8192x64xf32, #tpu.memory_space<vmem_shared>> -> memref<8192x64xf32, #tpu.memory_space<vmem_shared>>
    tpu.wait_indirect_dma semaphore(%arg29 : memref<!tpu.dma_semaphore, #tpu.memory_space<semaphore_mem>>) src(%arg13 : memref<128x64xf32, #tpu.memory_space<vmem>>) dst(%dma_wait3A_261 : memref<8192x64xf32, #tpu.memory_space<vmem_shared>>)
    %dma_wait3A_262 = arith.constant 3 : i32
    %dma_wait3A_263 = arith.constant 0 : i32
    %dma_wait3A_264 = tpu.memref_slice %arg7[%dma_wait3A_262, %dma_wait3A_263] : memref<64x128xi32, #tpu.memory_space<vmem>> -> memref<1x128xi32, #tpu.memory_space<vmem>>
    %dma_wait3A_265 = tpu.memref_squeeze %dma_wait3A_264 : memref<1x128xi32, #tpu.memory_space<vmem>> -> memref<128xi32, #tpu.memory_space<vmem>>
    %dma_wait3A_266 = arith.constant 0 : i32
    %dma_wait3A_267 = arith.constant 0 : i32
    %dma_wait3A_268 = tpu.memref_slice %arg10[%dma_wait3A_266, %dma_wait3A_267] : memref<8192x64xf32, #tpu.memory_space<vmem_shared>> -> memref<8192x64xf32, #tpu.memory_space<vmem_shared>>
    tpu.wait_indirect_dma semaphore(%arg30 : memref<!tpu.dma_semaphore, #tpu.memory_space<semaphore_mem>>) src(%arg14 : memref<128x64xf32, #tpu.memory_space<vmem>>) dst(%dma_wait3A_268 : memref<8192x64xf32, #tpu.memory_space<vmem_shared>>)
    %dma_wait3A_269 = arith.constant 4 : i32
    %dma_wait3A_270 = arith.constant 0 : i32
    %dma_wait3A_271 = tpu.memref_slice %arg7[%dma_wait3A_269, %dma_wait3A_270] : memref<64x128xi32, #tpu.memory_space<vmem>> -> memref<1x128xi32, #tpu.memory_space<vmem>>
    %dma_wait3A_272 = tpu.memref_squeeze %dma_wait3A_271 : memref<1x128xi32, #tpu.memory_space<vmem>> -> memref<128xi32, #tpu.memory_space<vmem>>
    %dma_wait3A_273 = arith.constant 0 : i32
    %dma_wait3A_274 = arith.constant 0 : i32
    %dma_wait3A_275 = tpu.memref_slice %arg10[%dma_wait3A_273, %dma_wait3A_274] : memref<8192x64xf32, #tpu.memory_space<vmem_shared>> -> memref<8192x64xf32, #tpu.memory_space<vmem_shared>>
    tpu.wait_indirect_dma semaphore(%arg31 : memref<!tpu.dma_semaphore, #tpu.memory_space<semaphore_mem>>) src(%arg15 : memref<128x64xf32, #tpu.memory_space<vmem>>) dst(%dma_wait3A_275 : memref<8192x64xf32, #tpu.memory_space<vmem_shared>>)
    %dma_wait3A_276 = arith.constant 5 : i32
    %dma_wait3A_277 = arith.constant 0 : i32
    %dma_wait3A_278 = tpu.memref_slice %arg7[%dma_wait3A_276, %dma_wait3A_277] : memref<64x128xi32, #tpu.memory_space<vmem>> -> memref<1x128xi32, #tpu.memory_space<vmem>>
    %dma_wait3A_279 = tpu.memref_squeeze %dma_wait3A_278 : memref<1x128xi32, #tpu.memory_space<vmem>> -> memref<128xi32, #tpu.memory_space<vmem>>
    %dma_wait3A_280 = arith.constant 0 : i32
    %dma_wait3A_281 = arith.constant 0 : i32
    %dma_wait3A_282 = tpu.memref_slice %arg10[%dma_wait3A_280, %dma_wait3A_281] : memref<8192x64xf32, #tpu.memory_space<vmem_shared>> -> memref<8192x64xf32, #tpu.memory_space<vmem_shared>>
    tpu.wait_indirect_dma semaphore(%arg32 : memref<!tpu.dma_semaphore, #tpu.memory_space<semaphore_mem>>) src(%arg16 : memref<128x64xf32, #tpu.memory_space<vmem>>) dst(%dma_wait3A_282 : memref<8192x64xf32, #tpu.memory_space<vmem_shared>>)
    %dma_wait3A_283 = arith.constant 6 : i32
    %dma_wait3A_284 = arith.constant 0 : i32
    %dma_wait3A_285 = tpu.memref_slice %arg7[%dma_wait3A_283, %dma_wait3A_284] : memref<64x128xi32, #tpu.memory_space<vmem>> -> memref<1x128xi32, #tpu.memory_space<vmem>>
    %dma_wait3A_286 = tpu.memref_squeeze %dma_wait3A_285 : memref<1x128xi32, #tpu.memory_space<vmem>> -> memref<128xi32, #tpu.memory_space<vmem>>
    %dma_wait3A_287 = arith.constant 0 : i32
    %dma_wait3A_288 = arith.constant 0 : i32
    %dma_wait3A_289 = tpu.memref_slice %arg10[%dma_wait3A_287, %dma_wait3A_288] : memref<8192x64xf32, #tpu.memory_space<vmem_shared>> -> memref<8192x64xf32, #tpu.memory_space<vmem_shared>>
    tpu.wait_indirect_dma semaphore(%arg33 : memref<!tpu.dma_semaphore, #tpu.memory_space<semaphore_mem>>) src(%arg17 : memref<128x64xf32, #tpu.memory_space<vmem>>) dst(%dma_wait3A_289 : memref<8192x64xf32, #tpu.memory_space<vmem_shared>>)
    %dma_wait3A_290 = arith.constant 7 : i32
    %dma_wait3A_291 = arith.constant 0 : i32
    %dma_wait3A_292 = tpu.memref_slice %arg7[%dma_wait3A_290, %dma_wait3A_291] : memref<64x128xi32, #tpu.memory_space<vmem>> -> memref<1x128xi32, #tpu.memory_space<vmem>>
    %dma_wait3A_293 = tpu.memref_squeeze %dma_wait3A_292 : memref<1x128xi32, #tpu.memory_space<vmem>> -> memref<128xi32, #tpu.memory_space<vmem>>
    %dma_wait3A_294 = arith.constant 0 : i32
    %dma_wait3A_295 = arith.constant 0 : i32
    %dma_wait3A_296 = tpu.memref_slice %arg10[%dma_wait3A_294, %dma_wait3A_295] : memref<8192x64xf32, #tpu.memory_space<vmem_shared>> -> memref<8192x64xf32, #tpu.memory_space<vmem_shared>>
    tpu.wait_indirect_dma semaphore(%arg34 : memref<!tpu.dma_semaphore, #tpu.memory_space<semaphore_mem>>) src(%arg18 : memref<128x64xf32, #tpu.memory_space<vmem>>) dst(%dma_wait3A_296 : memref<8192x64xf32, #tpu.memory_space<vmem_shared>>)
    %barrier3A_297 = arith.constant 0 : index
    tpu.barrier barrier_id(%barrier3A_297)
    %mul3A_298 = arith.constant 512 : i32
    %mul3A_299 = arith.muli %arg1, %mul3A_298 : i32
    %mul3A_300 = arith.constant 8192 : i32
    %mul3A_301 = arith.muli %add3A_235, %mul3A_300 : i32
    %mul3A_302 = arith.constant 512 : i32
    %mul3A_303 = arith.muli %arg1, %mul3A_302 : i32
    %add3A_304 = arith.addi %mul3A_301, %mul3A_303 : i32
    %dma_start3A_305 = arith.constant 0 : i32
    %dma_start3A_306 = tpu.memref_slice %arg5[%add3A_304, %dma_start3A_305] : memref<65536x64xf32, #tpu.memory_space<hbm>> -> memref<512x64xf32, #tpu.memory_space<hbm>>
    %dma_start3A_307 = arith.constant 0 : i32
    %dma_start3A_308 = tpu.memref_slice %arg10[%mul3A_299, %dma_start3A_307] : memref<8192x64xf32, #tpu.memory_space<vmem_shared>> -> memref<512x64xf32, #tpu.memory_space<vmem_shared>>
    tpu.enqueue_dma source(%dma_start3A_308 : memref<512x64xf32, #tpu.memory_space<vmem_shared>>) target(%dma_start3A_306 : memref<512x64xf32, #tpu.memory_space<hbm>>) target_semaphore(%arg35 : memref<!tpu.dma_semaphore, #tpu.memory_space<semaphore_mem>>)
    %scan3A_309 = arith.constant 0 : i32
    %scan3A_310 = arith.constant 64 : i32
    %scan3A_311 = arith.addi %scan3A_309, %scan3A_310 : i32
    %scan3A_312 = arith.constant 1 : i32
    scf.for %scan3A_627 = %scan3A_309 to %scan3A_311 step %scan3A_312  : i32 {
      %get3A = arith.index_cast %scan3A_627 : i32 to index
      %get3A_628 = arith.constant 0 : index
      %get3A_629 = tpu.vector_load %arg8[%get3A, %get3A_628] {strides = array<i32>} : memref<64x128xi32, #tpu.memory_space<vmem>>, vector<1x16xi32>,
      %get3A_630 = vector.shape_cast %get3A_629 : vector<1x16xi32> to vector<16xi32>
      %add3A_631 = arith.constant 16384 : i32
      %add3A_632 = vector.broadcast %add3A_631 : i32 to vector<16xi32>
      %add3A_633 = arith.addi %get3A_630, %add3A_632 : vector<16xi32>
      %swap3A = arith.index_cast %scan3A_627 : i32 to index
      %swap3A_634 = arith.constant 0 : index
      %swap3A_635 = tpu.vector_load %arg8[%swap3A, %swap3A_634] {strides = array<i32>} : memref<64x128xi32, #tpu.memory_space<vmem>>, vector<1x16xi32>,
      %swap3A_636 = vector.shape_cast %swap3A_635 : vector<1x16xi32> to vector<16xi32>
      %swap3A_637 = vector.shape_cast %add3A_633 : vector<16xi32> to vector<1x16xi32>
      tpu.vector_store %arg8[%swap3A, %swap3A_634], %swap3A_637 {strides = array<i32>} : memref<64x128xi32, #tpu.memory_space<vmem>>, vector<1x16xi32>,
      %get3A_638 = arith.index_cast %scan3A_627 : i32 to index
      %get3A_639 = arith.constant 16 : index
      %get3A_640 = tpu.vector_load %arg8[%get3A_638, %get3A_639] {strides = array<i32>} : memref<64x128xi32, #tpu.memory_space<vmem>>, vector<1x16xi32>,
      %get3A_641 = vector.shape_cast %get3A_640 : vector<1x16xi32> to vector<16xi32>
      %add3A_642 = arith.constant 16384 : i32
      %add3A_643 = vector.broadcast %add3A_642 : i32 to vector<16xi32>
      %add3A_644 = arith.addi %get3A_641, %add3A_643 : vector<16xi32>
      %swap3A_645 = arith.index_cast %scan3A_627 : i32 to index
      %swap3A_646 = arith.constant 16 : index
      %swap3A_647 = tpu.vector_load %arg8[%swap3A_645, %swap3A_646] {strides = array<i32>} : memref<64x128xi32, #tpu.memory_space<vmem>>, vector<1x16xi32>,
      %swap3A_648 = vector.shape_cast %swap3A_647 : vector<1x16xi32> to vector<16xi32>
      %swap3A_649 = vector.shape_cast %add3A_644 : vector<16xi32> to vector<1x16xi32>
      tpu.vector_store %arg8[%swap3A_645, %swap3A_646], %swap3A_649 {strides = array<i32>} : memref<64x128xi32, #tpu.memory_space<vmem>>, vector<1x16xi32>,
      %get3A_650 = arith.index_cast %scan3A_627 : i32 to index
      %get3A_651 = arith.constant 32 : index
      %get3A_652 = tpu.vector_load %arg8[%get3A_650, %get3A_651] {strides = array<i32>} : memref<64x128xi32, #tpu.memory_space<vmem>>, vector<1x16xi32>,
      %get3A_653 = vector.shape_cast %get3A_652 : vector<1x16xi32> to vector<16xi32>
      %add3A_654 = arith.constant 16384 : i32
      %add3A_655 = vector.broadcast %add3A_654 : i32 to vector<16xi32>
      %add3A_656 = arith.addi %get3A_653, %add3A_655 : vector<16xi32>
      %swap3A_657 = arith.index_cast %scan3A_627 : i32 to index
      %swap3A_658 = arith.constant 32 : index
      %swap3A_659 = tpu.vector_load %arg8[%swap3A_657, %swap3A_658] {strides = array<i32>} : memref<64x128xi32, #tpu.memory_space<vmem>>, vector<1x16xi32>,
      %swap3A_660 = vector.shape_cast %swap3A_659 : vector<1x16xi32> to vector<16xi32>
      %swap3A_661 = vector.shape_cast %add3A_656 : vector<16xi32> to vector<1x16xi32>
      tpu.vector_store %arg8[%swap3A_657, %swap3A_658], %swap3A_661 {strides = array<i32>} : memref<64x128xi32, #tpu.memory_space<vmem>>, vector<1x16xi32>,
      %get3A_662 = arith.index_cast %scan3A_627 : i32 to index
      %get3A_663 = arith.constant 48 : index
      %get3A_664 = tpu.vector_load %arg8[%get3A_662, %get3A_663] {strides = array<i32>} : memref<64x128xi32, #tpu.memory_space<vmem>>, vector<1x16xi32>,
      %get3A_665 = vector.shape_cast %get3A_664 : vector<1x16xi32> to vector<16xi32>
      %add3A_666 = arith.constant 16384 : i32
      %add3A_667 = vector.broadcast %add3A_666 : i32 to vector<16xi32>
      %add3A_668 = arith.addi %get3A_665, %add3A_667 : vector<16xi32>
      %swap3A_669 = arith.index_cast %scan3A_627 : i32 to index
      %swap3A_670 = arith.constant 48 : index
      %swap3A_671 = tpu.vector_load %arg8[%swap3A_669, %swap3A_670] {strides = array<i32>} : memref<64x128xi32, #tpu.memory_space<vmem>>, vector<1x16xi32>,
      %swap3A_672 = vector.shape_cast %swap3A_671 : vector<1x16xi32> to vector<16xi32>
      %swap3A_673 = vector.shape_cast %add3A_668 : vector<16xi32> to vector<1x16xi32>
      tpu.vector_store %arg8[%swap3A_669, %swap3A_670], %swap3A_673 {strides = array<i32>} : memref<64x128xi32, #tpu.memory_space<vmem>>, vector<1x16xi32>,
      %get3A_674 = arith.index_cast %scan3A_627 : i32 to index
      %get3A_675 = arith.constant 64 : index
      %get3A_676 = tpu.vector_load %arg8[%get3A_674, %get3A_675] {strides = array<i32>} : memref<64x128xi32, #tpu.memory_space<vmem>>, vector<1x16xi32>,
      %get3A_677 = vector.shape_cast %get3A_676 : vector<1x16xi32> to vector<16xi32>
      %add3A_678 = arith.constant 16384 : i32
      %add3A_679 = vector.broadcast %add3A_678 : i32 to vector<16xi32>
      %add3A_680 = arith.addi %get3A_677, %add3A_679 : vector<16xi32>
      %swap3A_681 = arith.index_cast %scan3A_627 : i32 to index
      %swap3A_682 = arith.constant 64 : index
      %swap3A_683 = tpu.vector_load %arg8[%swap3A_681, %swap3A_682] {strides = array<i32>} : memref<64x128xi32, #tpu.memory_space<vmem>>, vector<1x16xi32>,
      %swap3A_684 = vector.shape_cast %swap3A_683 : vector<1x16xi32> to vector<16xi32>
      %swap3A_685 = vector.shape_cast %add3A_680 : vector<16xi32> to vector<1x16xi32>
      tpu.vector_store %arg8[%swap3A_681, %swap3A_682], %swap3A_685 {strides = array<i32>} : memref<64x128xi32, #tpu.memory_space<vmem>>, vector<1x16xi32>,
      %get3A_686 = arith.index_cast %scan3A_627 : i32 to index
      %get3A_687 = arith.constant 80 : index
      %get3A_688 = tpu.vector_load %arg8[%get3A_686, %get3A_687] {strides = array<i32>} : memref<64x128xi32, #tpu.memory_space<vmem>>, vector<1x16xi32>,
      %get3A_689 = vector.shape_cast %get3A_688 : vector<1x16xi32> to vector<16xi32>
      %add3A_690 = arith.constant 16384 : i32
      %add3A_691 = vector.broadcast %add3A_690 : i32 to vector<16xi32>
      %add3A_692 = arith.addi %get3A_689, %add3A_691 : vector<16xi32>
      %swap3A_693 = arith.index_cast %scan3A_627 : i32 to index
      %swap3A_694 = arith.constant 80 : index
      %swap3A_695 = tpu.vector_load %arg8[%swap3A_693, %swap3A_694] {strides = array<i32>} : memref<64x128xi32, #tpu.memory_space<vmem>>, vector<1x16xi32>,
      %swap3A_696 = vector.shape_cast %swap3A_695 : vector<1x16xi32> to vector<16xi32>
      %swap3A_697 = vector.shape_cast %add3A_692 : vector<16xi32> to vector<1x16xi32>
      tpu.vector_store %arg8[%swap3A_693, %swap3A_694], %swap3A_697 {strides = array<i32>} : memref<64x128xi32, #tpu.memory_space<vmem>>, vector<1x16xi32>,
      %get3A_698 = arith.index_cast %scan3A_627 : i32 to index
      %get3A_699 = arith.constant 96 : index
      %get3A_700 = tpu.vector_load %arg8[%get3A_698, %get3A_699] {strides = array<i32>} : memref<64x128xi32, #tpu.memory_space<vmem>>, vector<1x16xi32>,
      %get3A_701 = vector.shape_cast %get3A_700 : vector<1x16xi32> to vector<16xi32>
      %add3A_702 = arith.constant 16384 : i32
      %add3A_703 = vector.broadcast %add3A_702 : i32 to vector<16xi32>
      %add3A_704 = arith.addi %get3A_701, %add3A_703 : vector<16xi32>
      %swap3A_705 = arith.index_cast %scan3A_627 : i32 to index
      %swap3A_706 = arith.constant 96 : index
      %swap3A_707 = tpu.vector_load %arg8[%swap3A_705, %swap3A_706] {strides = array<i32>} : memref<64x128xi32, #tpu.memory_space<vmem>>, vector<1x16xi32>,
      %swap3A_708 = vector.shape_cast %swap3A_707 : vector<1x16xi32> to vector<16xi32>
      %swap3A_709 = vector.shape_cast %add3A_704 : vector<16xi32> to vector<1x16xi32>
      tpu.vector_store %arg8[%swap3A_705, %swap3A_706], %swap3A_709 {strides = array<i32>} : memref<64x128xi32, #tpu.memory_space<vmem>>, vector<1x16xi32>,
      %get3A_710 = arith.index_cast %scan3A_627 : i32 to index
      %get3A_711 = arith.constant 112 : index
      %get3A_712 = tpu.vector_load %arg8[%get3A_710, %get3A_711] {strides = array<i32>} : memref<64x128xi32, #tpu.memory_space<vmem>>, vector<1x16xi32>,
      %get3A_713 = vector.shape_cast %get3A_712 : vector<1x16xi32> to vector<16xi32>
      %add3A_714 = arith.constant 16384 : i32
      %add3A_715 = vector.broadcast %add3A_714 : i32 to vector<16xi32>
      %add3A_716 = arith.addi %get3A_713, %add3A_715 : vector<16xi32>
      %swap3A_717 = arith.index_cast %scan3A_627 : i32 to index
      %swap3A_718 = arith.constant 112 : index
      %swap3A_719 = tpu.vector_load %arg8[%swap3A_717, %swap3A_718] {strides = array<i32>} : memref<64x128xi32, #tpu.memory_space<vmem>>, vector<1x16xi32>,
      %swap3A_720 = vector.shape_cast %swap3A_719 : vector<1x16xi32> to vector<16xi32>
      %swap3A_721 = vector.shape_cast %add3A_716 : vector<16xi32> to vector<1x16xi32>
      tpu.vector_store %arg8[%swap3A_717, %swap3A_718], %swap3A_721 {strides = array<i32>} : memref<64x128xi32, #tpu.memory_space<vmem>>, vector<1x16xi32>,
    }
    %scan3A_313 = arith.constant 64 : i32
    %dma_start3A_314 = arith.constant 0 : i32
    %dma_start3A_315 = arith.constant 0 : i32
    %dma_start3A_316 = tpu.memref_slice %arg8[%dma_start3A_314, %dma_start3A_315] : memref<64x128xi32, #tpu.memory_space<vmem>> -> memref<1x128xi32, #tpu.memory_space<vmem>>
    %dma_start3A_317 = tpu.memref_squeeze %dma_start3A_316 : memref<1x128xi32, #tpu.memory_space<vmem>> -> memref<128xi32, #tpu.memory_space<vmem>>
    %dma_start3A_318 = arith.constant 0 : i32
    %dma_start3A_319 = arith.constant 0 : i32
    %dma_start3A_320 = tpu.memref_slice %arg2[%dma_start3A_318, %dma_start3A_319] : memref<65536x64xf32, #tpu.memory_space<hbm>> -> memref<65536x64xf32, #tpu.memory_space<hbm>>
    tpu.enqueue_indirect_dma source(%dma_start3A_320 : memref<65536x64xf32, #tpu.memory_space<hbm>>) target(%arg11 : memref<128x64xf32, #tpu.memory_space<vmem>>) offsets(%dma_start3A_317 : memref<128xi32, #tpu.memory_space<vmem>>) semaphore(%arg19 : memref<!tpu.dma_semaphore, #tpu.memory_space<semaphore_mem>>)
    %dma_start3A_321 = arith.constant 1 : i32
    %dma_start3A_322 = arith.constant 0 : i32
    %dma_start3A_323 = tpu.memref_slice %arg8[%dma_start3A_321, %dma_start3A_322] : memref<64x128xi32, #tpu.memory_space<vmem>> -> memref<1x128xi32, #tpu.memory_space<vmem>>
    %dma_start3A_324 = tpu.memref_squeeze %dma_start3A_323 : memref<1x128xi32, #tpu.memory_space<vmem>> -> memref<128xi32, #tpu.memory_space<vmem>>
    %dma_start3A_325 = arith.constant 0 : i32
    %dma_start3A_326 = arith.constant 0 : i32
    %dma_start3A_327 = tpu.memref_slice %arg2[%dma_start3A_325, %dma_start3A_326] : memref<65536x64xf32, #tpu.memory_space<hbm>> -> memref<65536x64xf32, #tpu.memory_space<hbm>>
    tpu.enqueue_indirect_dma source(%dma_start3A_327 : memref<65536x64xf32, #tpu.memory_space<hbm>>) target(%arg12 : memref<128x64xf32, #tpu.memory_space<vmem>>) offsets(%dma_start3A_324 : memref<128xi32, #tpu.memory_space<vmem>>) semaphore(%arg20 : memref<!tpu.dma_semaphore, #tpu.memory_space<semaphore_mem>>)
    %dma_start3A_328 = arith.constant 2 : i32
    %dma_start3A_329 = arith.constant 0 : i32
    %dma_start3A_330 = tpu.memref_slice %arg8[%dma_start3A_328, %dma_start3A_329] : memref<64x128xi32, #tpu.memory_space<vmem>> -> memref<1x128xi32, #tpu.memory_space<vmem>>
    %dma_start3A_331 = tpu.memref_squeeze %dma_start3A_330 : memref<1x128xi32, #tpu.memory_space<vmem>> -> memref<128xi32, #tpu.memory_space<vmem>>
    %dma_start3A_332 = arith.constant 0 : i32
    %dma_start3A_333 = arith.constant 0 : i32
    %dma_start3A_334 = tpu.memref_slice %arg2[%dma_start3A_332, %dma_start3A_333] : memref<65536x64xf32, #tpu.memory_space<hbm>> -> memref<65536x64xf32, #tpu.memory_space<hbm>>
    tpu.enqueue_indirect_dma source(%dma_start3A_334 : memref<65536x64xf32, #tpu.memory_space<hbm>>) target(%arg13 : memref<128x64xf32, #tpu.memory_space<vmem>>) offsets(%dma_start3A_331 : memref<128xi32, #tpu.memory_space<vmem>>) semaphore(%arg21 : memref<!tpu.dma_semaphore, #tpu.memory_space<semaphore_mem>>)
    %dma_start3A_335 = arith.constant 3 : i32
    %dma_start3A_336 = arith.constant 0 : i32
    %dma_start3A_337 = tpu.memref_slice %arg8[%dma_start3A_335, %dma_start3A_336] : memref<64x128xi32, #tpu.memory_space<vmem>> -> memref<1x128xi32, #tpu.memory_space<vmem>>
    %dma_start3A_338 = tpu.memref_squeeze %dma_start3A_337 : memref<1x128xi32, #tpu.memory_space<vmem>> -> memref<128xi32, #tpu.memory_space<vmem>>
    %dma_start3A_339 = arith.constant 0 : i32
    %dma_start3A_340 = arith.constant 0 : i32
    %dma_start3A_341 = tpu.memref_slice %arg2[%dma_start3A_339, %dma_start3A_340] : memref<65536x64xf32, #tpu.memory_space<hbm>> -> memref<65536x64xf32, #tpu.memory_space<hbm>>
    tpu.enqueue_indirect_dma source(%dma_start3A_341 : memref<65536x64xf32, #tpu.memory_space<hbm>>) target(%arg14 : memref<128x64xf32, #tpu.memory_space<vmem>>) offsets(%dma_start3A_338 : memref<128xi32, #tpu.memory_space<vmem>>) semaphore(%arg22 : memref<!tpu.dma_semaphore, #tpu.memory_space<semaphore_mem>>)
    %dma_start3A_342 = arith.constant 4 : i32
    %dma_start3A_343 = arith.constant 0 : i32
    %dma_start3A_344 = tpu.memref_slice %arg8[%dma_start3A_342, %dma_start3A_343] : memref<64x128xi32, #tpu.memory_space<vmem>> -> memref<1x128xi32, #tpu.memory_space<vmem>>
    %dma_start3A_345 = tpu.memref_squeeze %dma_start3A_344 : memref<1x128xi32, #tpu.memory_space<vmem>> -> memref<128xi32, #tpu.memory_space<vmem>>
    %dma_start3A_346 = arith.constant 0 : i32
    %dma_start3A_347 = arith.constant 0 : i32
    %dma_start3A_348 = tpu.memref_slice %arg2[%dma_start3A_346, %dma_start3A_347] : memref<65536x64xf32, #tpu.memory_space<hbm>> -> memref<65536x64xf32, #tpu.memory_space<hbm>>
    tpu.enqueue_indirect_dma source(%dma_start3A_348 : memref<65536x64xf32, #tpu.memory_space<hbm>>) target(%arg15 : memref<128x64xf32, #tpu.memory_space<vmem>>) offsets(%dma_start3A_345 : memref<128xi32, #tpu.memory_space<vmem>>) semaphore(%arg23 : memref<!tpu.dma_semaphore, #tpu.memory_space<semaphore_mem>>)
    %dma_start3A_349 = arith.constant 5 : i32
    %dma_start3A_350 = arith.constant 0 : i32
    %dma_start3A_351 = tpu.memref_slice %arg8[%dma_start3A_349, %dma_start3A_350] : memref<64x128xi32, #tpu.memory_space<vmem>> -> memref<1x128xi32, #tpu.memory_space<vmem>>
    %dma_start3A_352 = tpu.memref_squeeze %dma_start3A_351 : memref<1x128xi32, #tpu.memory_space<vmem>> -> memref<128xi32, #tpu.memory_space<vmem>>
    %dma_start3A_353 = arith.constant 0 : i32
    %dma_start3A_354 = arith.constant 0 : i32
    %dma_start3A_355 = tpu.memref_slice %arg2[%dma_start3A_353, %dma_start3A_354] : memref<65536x64xf32, #tpu.memory_space<hbm>> -> memref<65536x64xf32, #tpu.memory_space<hbm>>
    tpu.enqueue_indirect_dma source(%dma_start3A_355 : memref<65536x64xf32, #tpu.memory_space<hbm>>) target(%arg16 : memref<128x64xf32, #tpu.memory_space<vmem>>) offsets(%dma_start3A_352 : memref<128xi32, #tpu.memory_space<vmem>>) semaphore(%arg24 : memref<!tpu.dma_semaphore, #tpu.memory_space<semaphore_mem>>)
    %dma_start3A_356 = arith.constant 6 : i32
    %dma_start3A_357 = arith.constant 0 : i32
    %dma_start3A_358 = tpu.memref_slice %arg8[%dma_start3A_356, %dma_start3A_357] : memref<64x128xi32, #tpu.memory_space<vmem>> -> memref<1x128xi32, #tpu.memory_space<vmem>>
    %dma_start3A_359 = tpu.memref_squeeze %dma_start3A_358 : memref<1x128xi32, #tpu.memory_space<vmem>> -> memref<128xi32, #tpu.memory_space<vmem>>
    %dma_start3A_360 = arith.constant 0 : i32
    %dma_start3A_361 = arith.constant 0 : i32
    %dma_start3A_362 = tpu.memref_slice %arg2[%dma_start3A_360, %dma_start3A_361] : memref<65536x64xf32, #tpu.memory_space<hbm>> -> memref<65536x64xf32, #tpu.memory_space<hbm>>
    tpu.enqueue_indirect_dma source(%dma_start3A_362 : memref<65536x64xf32, #tpu.memory_space<hbm>>) target(%arg17 : memref<128x64xf32, #tpu.memory_space<vmem>>) offsets(%dma_start3A_359 : memref<128xi32, #tpu.memory_space<vmem>>) semaphore(%arg25 : memref<!tpu.dma_semaphore, #tpu.memory_space<semaphore_mem>>)
    %dma_start3A_363 = arith.constant 7 : i32
    %dma_start3A_364 = arith.constant 0 : i32
    %dma_start3A_365 = tpu.memref_slice %arg8[%dma_start3A_363, %dma_start3A_364] : memref<64x128xi32, #tpu.memory_space<vmem>> -> memref<1x128xi32, #tpu.memory_space<vmem>>
    %dma_start3A_366 = tpu.memref_squeeze %dma_start3A_365 : memref<1x128xi32, #tpu.memory_space<vmem>> -> memref<128xi32, #tpu.memory_space<vmem>>
    %dma_start3A_367 = arith.constant 0 : i32
    %dma_start3A_368 = arith.constant 0 : i32
    %dma_start3A_369 = tpu.memref_slice %arg2[%dma_start3A_367, %dma_start3A_368] : memref<65536x64xf32, #tpu.memory_space<hbm>> -> memref<65536x64xf32, #tpu.memory_space<hbm>>
    tpu.enqueue_indirect_dma source(%dma_start3A_369 : memref<65536x64xf32, #tpu.memory_space<hbm>>) target(%arg18 : memref<128x64xf32, #tpu.memory_space<vmem>>) offsets(%dma_start3A_366 : memref<128xi32, #tpu.memory_space<vmem>>) semaphore(%arg26 : memref<!tpu.dma_semaphore, #tpu.memory_space<semaphore_mem>>)
    %dma_wait3A_370 = arith.constant 0 : i32
    %dma_wait3A_371 = tpu.memref_slice %arg5[%add3A_304, %dma_wait3A_370] : memref<65536x64xf32, #tpu.memory_space<hbm>> -> memref<512x64xf32, #tpu.memory_space<hbm>>
    %dma_wait3A_372 = arith.constant 0 : i32
    %dma_wait3A_373 = tpu.memref_slice %arg10[%mul3A_299, %dma_wait3A_372] : memref<8192x64xf32, #tpu.memory_space<vmem_shared>> -> memref<512x64xf32, #tpu.memory_space<vmem_shared>>
    tpu.wait_dma2 semaphore(%arg35 : memref<!tpu.dma_semaphore, #tpu.memory_space<semaphore_mem>>) src(%dma_wait3A_373 : memref<512x64xf32, #tpu.memory_space<vmem_shared>>) dst(%dma_wait3A_371 : memref<512x64xf32, #tpu.memory_space<hbm>>)
    %mul3A_374 = arith.constant 512 : i32
    %mul3A_375 = arith.muli %arg1, %mul3A_374 : i32
    %add3A_376 = arith.constant 0 : i32
    %add3A_377 = arith.addi %mul3A_375, %add3A_376 : i32
    "tpu.region"() ({
      %run_scoped3A = tpu.sem_alloc : memref<!tpu.dma_semaphore, #tpu.memory_space<semaphore_mem>>
      %dma_start3A_627 = arith.constant 0 : i32
      %dma_start3A_628 = tpu.memref_slice %arg10[%add3A_377, %dma_start3A_627] : memref<8192x64xf32, #tpu.memory_space<vmem_shared>> -> memref<128x64xf32, #tpu.memory_space<vmem_shared>>
      %dma_start3A_629 = arith.constant 0 : i32
      %dma_start3A_630 = tpu.memref_slice %arg10[%add3A_377, %dma_start3A_629] : memref<8192x64xf32, #tpu.memory_space<vmem_shared>> -> memref<128x64xf32, #tpu.memory_space<vmem_shared>>
      tpu.enqueue_dma source(%arg9 : memref<128x64xf32, #tpu.memory_space<vmem>>) target(%dma_start3A_630 : memref<128x64xf32, #tpu.memory_space<vmem_shared>>) target_semaphore(%run_scoped3A : memref<!tpu.dma_semaphore, #tpu.memory_space<semaphore_mem>>)
      %dma_wait3A_631 = arith.constant 0 : i32
      %dma_wait3A_632 = tpu.memref_slice %arg10[%add3A_377, %dma_wait3A_631] : memref<8192x64xf32, #tpu.memory_space<vmem_shared>> -> memref<128x64xf32, #tpu.memory_space<vmem_shared>>
      %dma_wait3A_633 = arith.constant 0 : i32
      %dma_wait3A_634 = tpu.memref_slice %arg10[%add3A_377, %dma_wait3A_633] : memref<8192x64xf32, #tpu.memory_space<vmem_shared>> -> memref<128x64xf32, #tpu.memory_space<vmem_shared>>
      tpu.wait_dma2 semaphore(%run_scoped3A : memref<!tpu.dma_semaphore, #tpu.memory_space<semaphore_mem>>) src(%arg9 : memref<128x64xf32, #tpu.memory_space<vmem>>) dst(%dma_wait3A_634 : memref<128x64xf32, #tpu.memory_space<vmem_shared>>)
      tpu.yield
    }) : () -> ()
    %mul3A_378 = arith.constant 512 : i32
    %mul3A_379 = arith.muli %arg1, %mul3A_378 : i32
    %add3A_380 = arith.constant 128 : i32
    %add3A_381 = arith.addi %mul3A_379, %add3A_380 : i32
    "tpu.region"() ({
      %run_scoped3A = tpu.sem_alloc : memref<!tpu.dma_semaphore, #tpu.memory_space<semaphore_mem>>
      %dma_start3A_627 = arith.constant 0 : i32
      %dma_start3A_628 = tpu.memref_slice %arg10[%add3A_381, %dma_start3A_627] : memref<8192x64xf32, #tpu.memory_space<vmem_shared>> -> memref<128x64xf32, #tpu.memory_space<vmem_shared>>
      %dma_start3A_629 = arith.constant 0 : i32
      %dma_start3A_630 = tpu.memref_slice %arg10[%add3A_381, %dma_start3A_629] : memref<8192x64xf32, #tpu.memory_space<vmem_shared>> -> memref<128x64xf32, #tpu.memory_space<vmem_shared>>
      tpu.enqueue_dma source(%arg9 : memref<128x64xf32, #tpu.memory_space<vmem>>) target(%dma_start3A_630 : memref<128x64xf32, #tpu.memory_space<vmem_shared>>) target_semaphore(%run_scoped3A : memref<!tpu.dma_semaphore, #tpu.memory_space<semaphore_mem>>)
      %dma_wait3A_631 = arith.constant 0 : i32
      %dma_wait3A_632 = tpu.memref_slice %arg10[%add3A_381, %dma_wait3A_631] : memref<8192x64xf32, #tpu.memory_space<vmem_shared>> -> memref<128x64xf32, #tpu.memory_space<vmem_shared>>
      %dma_wait3A_633 = arith.constant 0 : i32
      %dma_wait3A_634 = tpu.memref_slice %arg10[%add3A_381, %dma_wait3A_633] : memref<8192x64xf32, #tpu.memory_space<vmem_shared>> -> memref<128x64xf32, #tpu.memory_space<vmem_shared>>
      tpu.wait_dma2 semaphore(%run_scoped3A : memref<!tpu.dma_semaphore, #tpu.memory_space<semaphore_mem>>) src(%arg9 : memref<128x64xf32, #tpu.memory_space<vmem>>) dst(%dma_wait3A_634 : memref<128x64xf32, #tpu.memory_space<vmem_shared>>)
      tpu.yield
    }) : () -> ()
    %mul3A_382 = arith.constant 512 : i32
    %mul3A_383 = arith.muli %arg1, %mul3A_382 : i32
    %add3A_384 = arith.constant 256 : i32
    %add3A_385 = arith.addi %mul3A_383, %add3A_384 : i32
    "tpu.region"() ({
      %run_scoped3A = tpu.sem_alloc : memref<!tpu.dma_semaphore, #tpu.memory_space<semaphore_mem>>
      %dma_start3A_627 = arith.constant 0 : i32
      %dma_start3A_628 = tpu.memref_slice %arg10[%add3A_385, %dma_start3A_627] : memref<8192x64xf32, #tpu.memory_space<vmem_shared>> -> memref<128x64xf32, #tpu.memory_space<vmem_shared>>
      %dma_start3A_629 = arith.constant 0 : i32
      %dma_start3A_630 = tpu.memref_slice %arg10[%add3A_385, %dma_start3A_629] : memref<8192x64xf32, #tpu.memory_space<vmem_shared>> -> memref<128x64xf32, #tpu.memory_space<vmem_shared>>
      tpu.enqueue_dma source(%arg9 : memref<128x64xf32, #tpu.memory_space<vmem>>) target(%dma_start3A_630 : memref<128x64xf32, #tpu.memory_space<vmem_shared>>) target_semaphore(%run_scoped3A : memref<!tpu.dma_semaphore, #tpu.memory_space<semaphore_mem>>)
      %dma_wait3A_631 = arith.constant 0 : i32
      %dma_wait3A_632 = tpu.memref_slice %arg10[%add3A_385, %dma_wait3A_631] : memref<8192x64xf32, #tpu.memory_space<vmem_shared>> -> memref<128x64xf32, #tpu.memory_space<vmem_shared>>
      %dma_wait3A_633 = arith.constant 0 : i32
      %dma_wait3A_634 = tpu.memref_slice %arg10[%add3A_385, %dma_wait3A_633] : memref<8192x64xf32, #tpu.memory_space<vmem_shared>> -> memref<128x64xf32, #tpu.memory_space<vmem_shared>>
      tpu.wait_dma2 semaphore(%run_scoped3A : memref<!tpu.dma_semaphore, #tpu.memory_space<semaphore_mem>>) src(%arg9 : memref<128x64xf32, #tpu.memory_space<vmem>>) dst(%dma_wait3A_634 : memref<128x64xf32, #tpu.memory_space<vmem_shared>>)
      tpu.yield
    }) : () -> ()
    %mul3A_386 = arith.constant 512 : i32
    %mul3A_387 = arith.muli %arg1, %mul3A_386 : i32
    %add3A_388 = arith.constant 384 : i32
    %add3A_389 = arith.addi %mul3A_387, %add3A_388 : i32
    "tpu.region"() ({
      %run_scoped3A = tpu.sem_alloc : memref<!tpu.dma_semaphore, #tpu.memory_space<semaphore_mem>>
      %dma_start3A_627 = arith.constant 0 : i32
      %dma_start3A_628 = tpu.memref_slice %arg10[%add3A_389, %dma_start3A_627] : memref<8192x64xf32, #tpu.memory_space<vmem_shared>> -> memref<128x64xf32, #tpu.memory_space<vmem_shared>>
      %dma_start3A_629 = arith.constant 0 : i32
      %dma_start3A_630 = tpu.memref_slice %arg10[%add3A_389, %dma_start3A_629] : memref<8192x64xf32, #tpu.memory_space<vmem_shared>> -> memref<128x64xf32, #tpu.memory_space<vmem_shared>>
      tpu.enqueue_dma source(%arg9 : memref<128x64xf32, #tpu.memory_space<vmem>>) target(%dma_start3A_630 : memref<128x64xf32, #tpu.memory_space<vmem_shared>>) target_semaphore(%run_scoped3A : memref<!tpu.dma_semaphore, #tpu.memory_space<semaphore_mem>>)
      %dma_wait3A_631 = arith.constant 0 : i32
      %dma_wait3A_632 = tpu.memref_slice %arg10[%add3A_389, %dma_wait3A_631] : memref<8192x64xf32, #tpu.memory_space<vmem_shared>> -> memref<128x64xf32, #tpu.memory_space<vmem_shared>>
      %dma_wait3A_633 = arith.constant 0 : i32
      %dma_wait3A_634 = tpu.memref_slice %arg10[%add3A_389, %dma_wait3A_633] : memref<8192x64xf32, #tpu.memory_space<vmem_shared>> -> memref<128x64xf32, #tpu.memory_space<vmem_shared>>
      tpu.wait_dma2 semaphore(%run_scoped3A : memref<!tpu.dma_semaphore, #tpu.memory_space<semaphore_mem>>) src(%arg9 : memref<128x64xf32, #tpu.memory_space<vmem>>) dst(%dma_wait3A_634 : memref<128x64xf32, #tpu.memory_space<vmem_shared>>)
      tpu.yield
    }) : () -> ()
    %barrier3A_390 = arith.constant 0 : index
    tpu.barrier barrier_id(%barrier3A_390)
    %add3A_391 = arith.constant 4 : i32
    %add3A_392 = arith.addi %add3A_391, %arg0 : i32
    %scan3A_393 = arith.constant 0 : i32
    %scan3A_394 = arith.constant 8 : i32
    %scan3A_395 = arith.addi %scan3A_393, %scan3A_394 : i32
    %scan3A_396 = arith.constant 1 : i32
    scf.for %scan3A_627 = %scan3A_393 to %scan3A_395 step %scan3A_396  : i32 {
      %mul3A_628 = arith.constant 8 : i32
      %mul3A_629 = arith.muli %scan3A_627, %mul3A_628 : i32
      %add3A_630 = arith.constant 0 : i32
      %add3A_631 = arith.addi %mul3A_629, %add3A_630 : i32
      %dma_wait3A_632 = arith.constant 0 : i32
      %dma_wait3A_633 = tpu.memref_slice %arg8[%add3A_631, %dma_wait3A_632] : memref<64x128xi32, #tpu.memory_space<vmem>> -> memref<1x128xi32, #tpu.memory_space<vmem>>
      %dma_wait3A_634 = tpu.memref_squeeze %dma_wait3A_633 : memref<1x128xi32, #tpu.memory_space<vmem>> -> memref<128xi32, #tpu.memory_space<vmem>>
      %dma_wait3A_635 = arith.constant 0 : i32
      %dma_wait3A_636 = arith.constant 0 : i32
      %dma_wait3A_637 = tpu.memref_slice %arg2[%dma_wait3A_635, %dma_wait3A_636] : memref<65536x64xf32, #tpu.memory_space<hbm>> -> memref<65536x64xf32, #tpu.memory_space<hbm>>
      tpu.wait_indirect_dma semaphore(%arg19 : memref<!tpu.dma_semaphore, #tpu.memory_space<semaphore_mem>>) src(%dma_wait3A_637 : memref<65536x64xf32, #tpu.memory_space<hbm>>) dst(%arg11 : memref<128x64xf32, #tpu.memory_space<vmem>>)
      %dma_start3A_638 = arith.constant 0 : i32
      %dma_start3A_639 = tpu.memref_slice %arg7[%add3A_631, %dma_start3A_638] : memref<64x128xi32, #tpu.memory_space<vmem>> -> memref<1x128xi32, #tpu.memory_space<vmem>>
      %dma_start3A_640 = tpu.memref_squeeze %dma_start3A_639 : memref<1x128xi32, #tpu.memory_space<vmem>> -> memref<128xi32, #tpu.memory_space<vmem>>
      %dma_start3A_641 = arith.constant 0 : i32
      %dma_start3A_642 = arith.constant 0 : i32
      %dma_start3A_643 = tpu.memref_slice %arg10[%dma_start3A_641, %dma_start3A_642] : memref<8192x64xf32, #tpu.memory_space<vmem_shared>> -> memref<8192x64xf32, #tpu.memory_space<vmem_shared>>
      tpu.enqueue_indirect_dma source(%arg11 : memref<128x64xf32, #tpu.memory_space<vmem>>) target(%dma_start3A_643 : memref<8192x64xf32, #tpu.memory_space<vmem_shared>>) offsets(%dma_start3A_640 : memref<128xi32, #tpu.memory_space<vmem>>) semaphore(%arg27 : memref<!tpu.dma_semaphore, #tpu.memory_space<semaphore_mem>>) {add = true}
      %mul3A_644 = arith.constant 8 : i32
      %mul3A_645 = arith.muli %scan3A_627, %mul3A_644 : i32
      %add3A_646 = arith.constant 1 : i32
      %add3A_647 = arith.addi %mul3A_645, %add3A_646 : i32
      %dma_wait3A_648 = arith.constant 0 : i32
      %dma_wait3A_649 = tpu.memref_slice %arg8[%add3A_647, %dma_wait3A_648] : memref<64x128xi32, #tpu.memory_space<vmem>> -> memref<1x128xi32, #tpu.memory_space<vmem>>
      %dma_wait3A_650 = tpu.memref_squeeze %dma_wait3A_649 : memref<1x128xi32, #tpu.memory_space<vmem>> -> memref<128xi32, #tpu.memory_space<vmem>>
      %dma_wait3A_651 = arith.constant 0 : i32
      %dma_wait3A_652 = arith.constant 0 : i32
      %dma_wait3A_653 = tpu.memref_slice %arg2[%dma_wait3A_651, %dma_wait3A_652] : memref<65536x64xf32, #tpu.memory_space<hbm>> -> memref<65536x64xf32, #tpu.memory_space<hbm>>
      tpu.wait_indirect_dma semaphore(%arg20 : memref<!tpu.dma_semaphore, #tpu.memory_space<semaphore_mem>>) src(%dma_wait3A_653 : memref<65536x64xf32, #tpu.memory_space<hbm>>) dst(%arg12 : memref<128x64xf32, #tpu.memory_space<vmem>>)
      %dma_start3A_654 = arith.constant 0 : i32
      %dma_start3A_655 = tpu.memref_slice %arg7[%add3A_647, %dma_start3A_654] : memref<64x128xi32, #tpu.memory_space<vmem>> -> memref<1x128xi32, #tpu.memory_space<vmem>>
      %dma_start3A_656 = tpu.memref_squeeze %dma_start3A_655 : memref<1x128xi32, #tpu.memory_space<vmem>> -> memref<128xi32, #tpu.memory_space<vmem>>
      %dma_start3A_657 = arith.constant 0 : i32
      %dma_start3A_658 = arith.constant 0 : i32
      %dma_start3A_659 = tpu.memref_slice %arg10[%dma_start3A_657, %dma_start3A_658] : memref<8192x64xf32, #tpu.memory_space<vmem_shared>> -> memref<8192x64xf32, #tpu.memory_space<vmem_shared>>
      tpu.enqueue_indirect_dma source(%arg12 : memref<128x64xf32, #tpu.memory_space<vmem>>) target(%dma_start3A_659 : memref<8192x64xf32, #tpu.memory_space<vmem_shared>>) offsets(%dma_start3A_656 : memref<128xi32, #tpu.memory_space<vmem>>) semaphore(%arg28 : memref<!tpu.dma_semaphore, #tpu.memory_space<semaphore_mem>>) {add = true}
      %mul3A_660 = arith.constant 8 : i32
      %mul3A_661 = arith.muli %scan3A_627, %mul3A_660 : i32
      %add3A_662 = arith.constant 2 : i32
      %add3A_663 = arith.addi %mul3A_661, %add3A_662 : i32
      %dma_wait3A_664 = arith.constant 0 : i32
      %dma_wait3A_665 = tpu.memref_slice %arg8[%add3A_663, %dma_wait3A_664] : memref<64x128xi32, #tpu.memory_space<vmem>> -> memref<1x128xi32, #tpu.memory_space<vmem>>
      %dma_wait3A_666 = tpu.memref_squeeze %dma_wait3A_665 : memref<1x128xi32, #tpu.memory_space<vmem>> -> memref<128xi32, #tpu.memory_space<vmem>>
      %dma_wait3A_667 = arith.constant 0 : i32
      %dma_wait3A_668 = arith.constant 0 : i32
      %dma_wait3A_669 = tpu.memref_slice %arg2[%dma_wait3A_667, %dma_wait3A_668] : memref<65536x64xf32, #tpu.memory_space<hbm>> -> memref<65536x64xf32, #tpu.memory_space<hbm>>
      tpu.wait_indirect_dma semaphore(%arg21 : memref<!tpu.dma_semaphore, #tpu.memory_space<semaphore_mem>>) src(%dma_wait3A_669 : memref<65536x64xf32, #tpu.memory_space<hbm>>) dst(%arg13 : memref<128x64xf32, #tpu.memory_space<vmem>>)
      %dma_start3A_670 = arith.constant 0 : i32
      %dma_start3A_671 = tpu.memref_slice %arg7[%add3A_663, %dma_start3A_670] : memref<64x128xi32, #tpu.memory_space<vmem>> -> memref<1x128xi32, #tpu.memory_space<vmem>>
      %dma_start3A_672 = tpu.memref_squeeze %dma_start3A_671 : memref<1x128xi32, #tpu.memory_space<vmem>> -> memref<128xi32, #tpu.memory_space<vmem>>
      %dma_start3A_673 = arith.constant 0 : i32
      %dma_start3A_674 = arith.constant 0 : i32
      %dma_start3A_675 = tpu.memref_slice %arg10[%dma_start3A_673, %dma_start3A_674] : memref<8192x64xf32, #tpu.memory_space<vmem_shared>> -> memref<8192x64xf32, #tpu.memory_space<vmem_shared>>
      tpu.enqueue_indirect_dma source(%arg13 : memref<128x64xf32, #tpu.memory_space<vmem>>) target(%dma_start3A_675 : memref<8192x64xf32, #tpu.memory_space<vmem_shared>>) offsets(%dma_start3A_672 : memref<128xi32, #tpu.memory_space<vmem>>) semaphore(%arg29 : memref<!tpu.dma_semaphore, #tpu.memory_space<semaphore_mem>>) {add = true}
      %mul3A_676 = arith.constant 8 : i32
      %mul3A_677 = arith.muli %scan3A_627, %mul3A_676 : i32
      %add3A_678 = arith.constant 3 : i32
      %add3A_679 = arith.addi %mul3A_677, %add3A_678 : i32
      %dma_wait3A_680 = arith.constant 0 : i32
      %dma_wait3A_681 = tpu.memref_slice %arg8[%add3A_679, %dma_wait3A_680] : memref<64x128xi32, #tpu.memory_space<vmem>> -> memref<1x128xi32, #tpu.memory_space<vmem>>
      %dma_wait3A_682 = tpu.memref_squeeze %dma_wait3A_681 : memref<1x128xi32, #tpu.memory_space<vmem>> -> memref<128xi32, #tpu.memory_space<vmem>>
      %dma_wait3A_683 = arith.constant 0 : i32
      %dma_wait3A_684 = arith.constant 0 : i32
      %dma_wait3A_685 = tpu.memref_slice %arg2[%dma_wait3A_683, %dma_wait3A_684] : memref<65536x64xf32, #tpu.memory_space<hbm>> -> memref<65536x64xf32, #tpu.memory_space<hbm>>
      tpu.wait_indirect_dma semaphore(%arg22 : memref<!tpu.dma_semaphore, #tpu.memory_space<semaphore_mem>>) src(%dma_wait3A_685 : memref<65536x64xf32, #tpu.memory_space<hbm>>) dst(%arg14 : memref<128x64xf32, #tpu.memory_space<vmem>>)
      %dma_start3A_686 = arith.constant 0 : i32
      %dma_start3A_687 = tpu.memref_slice %arg7[%add3A_679, %dma_start3A_686] : memref<64x128xi32, #tpu.memory_space<vmem>> -> memref<1x128xi32, #tpu.memory_space<vmem>>
      %dma_start3A_688 = tpu.memref_squeeze %dma_start3A_687 : memref<1x128xi32, #tpu.memory_space<vmem>> -> memref<128xi32, #tpu.memory_space<vmem>>
      %dma_start3A_689 = arith.constant 0 : i32
      %dma_start3A_690 = arith.constant 0 : i32
      %dma_start3A_691 = tpu.memref_slice %arg10[%dma_start3A_689, %dma_start3A_690] : memref<8192x64xf32, #tpu.memory_space<vmem_shared>> -> memref<8192x64xf32, #tpu.memory_space<vmem_shared>>
      tpu.enqueue_indirect_dma source(%arg14 : memref<128x64xf32, #tpu.memory_space<vmem>>) target(%dma_start3A_691 : memref<8192x64xf32, #tpu.memory_space<vmem_shared>>) offsets(%dma_start3A_688 : memref<128xi32, #tpu.memory_space<vmem>>) semaphore(%arg30 : memref<!tpu.dma_semaphore, #tpu.memory_space<semaphore_mem>>) {add = true}
      %mul3A_692 = arith.constant 8 : i32
      %mul3A_693 = arith.muli %scan3A_627, %mul3A_692 : i32
      %add3A_694 = arith.constant 4 : i32
      %add3A_695 = arith.addi %mul3A_693, %add3A_694 : i32
      %dma_wait3A_696 = arith.constant 0 : i32
      %dma_wait3A_697 = tpu.memref_slice %arg8[%add3A_695, %dma_wait3A_696] : memref<64x128xi32, #tpu.memory_space<vmem>> -> memref<1x128xi32, #tpu.memory_space<vmem>>
      %dma_wait3A_698 = tpu.memref_squeeze %dma_wait3A_697 : memref<1x128xi32, #tpu.memory_space<vmem>> -> memref<128xi32, #tpu.memory_space<vmem>>
      %dma_wait3A_699 = arith.constant 0 : i32
      %dma_wait3A_700 = arith.constant 0 : i32
      %dma_wait3A_701 = tpu.memref_slice %arg2[%dma_wait3A_699, %dma_wait3A_700] : memref<65536x64xf32, #tpu.memory_space<hbm>> -> memref<65536x64xf32, #tpu.memory_space<hbm>>
      tpu.wait_indirect_dma semaphore(%arg23 : memref<!tpu.dma_semaphore, #tpu.memory_space<semaphore_mem>>) src(%dma_wait3A_701 : memref<65536x64xf32, #tpu.memory_space<hbm>>) dst(%arg15 : memref<128x64xf32, #tpu.memory_space<vmem>>)
      %dma_start3A_702 = arith.constant 0 : i32
      %dma_start3A_703 = tpu.memref_slice %arg7[%add3A_695, %dma_start3A_702] : memref<64x128xi32, #tpu.memory_space<vmem>> -> memref<1x128xi32, #tpu.memory_space<vmem>>
      %dma_start3A_704 = tpu.memref_squeeze %dma_start3A_703 : memref<1x128xi32, #tpu.memory_space<vmem>> -> memref<128xi32, #tpu.memory_space<vmem>>
      %dma_start3A_705 = arith.constant 0 : i32
      %dma_start3A_706 = arith.constant 0 : i32
      %dma_start3A_707 = tpu.memref_slice %arg10[%dma_start3A_705, %dma_start3A_706] : memref<8192x64xf32, #tpu.memory_space<vmem_shared>> -> memref<8192x64xf32, #tpu.memory_space<vmem_shared>>
      tpu.enqueue_indirect_dma source(%arg15 : memref<128x64xf32, #tpu.memory_space<vmem>>) target(%dma_start3A_707 : memref<8192x64xf32, #tpu.memory_space<vmem_shared>>) offsets(%dma_start3A_704 : memref<128xi32, #tpu.memory_space<vmem>>) semaphore(%arg31 : memref<!tpu.dma_semaphore, #tpu.memory_space<semaphore_mem>>) {add = true}
      %mul3A_708 = arith.constant 8 : i32
      %mul3A_709 = arith.muli %scan3A_627, %mul3A_708 : i32
      %add3A_710 = arith.constant 5 : i32
      %add3A_711 = arith.addi %mul3A_709, %add3A_710 : i32
      %dma_wait3A_712 = arith.constant 0 : i32
      %dma_wait3A_713 = tpu.memref_slice %arg8[%add3A_711, %dma_wait3A_712] : memref<64x128xi32, #tpu.memory_space<vmem>> -> memref<1x128xi32, #tpu.memory_space<vmem>>
      %dma_wait3A_714 = tpu.memref_squeeze %dma_wait3A_713 : memref<1x128xi32, #tpu.memory_space<vmem>> -> memref<128xi32, #tpu.memory_space<vmem>>
      %dma_wait3A_715 = arith.constant 0 : i32
      %dma_wait3A_716 = arith.constant 0 : i32
      %dma_wait3A_717 = tpu.memref_slice %arg2[%dma_wait3A_715, %dma_wait3A_716] : memref<65536x64xf32, #tpu.memory_space<hbm>> -> memref<65536x64xf32, #tpu.memory_space<hbm>>
      tpu.wait_indirect_dma semaphore(%arg24 : memref<!tpu.dma_semaphore, #tpu.memory_space<semaphore_mem>>) src(%dma_wait3A_717 : memref<65536x64xf32, #tpu.memory_space<hbm>>) dst(%arg16 : memref<128x64xf32, #tpu.memory_space<vmem>>)
      %dma_start3A_718 = arith.constant 0 : i32
      %dma_start3A_719 = tpu.memref_slice %arg7[%add3A_711, %dma_start3A_718] : memref<64x128xi32, #tpu.memory_space<vmem>> -> memref<1x128xi32, #tpu.memory_space<vmem>>
      %dma_start3A_720 = tpu.memref_squeeze %dma_start3A_719 : memref<1x128xi32, #tpu.memory_space<vmem>> -> memref<128xi32, #tpu.memory_space<vmem>>
      %dma_start3A_721 = arith.constant 0 : i32
      %dma_start3A_722 = arith.constant 0 : i32
      %dma_start3A_723 = tpu.memref_slice %arg10[%dma_start3A_721, %dma_start3A_722] : memref<8192x64xf32, #tpu.memory_space<vmem_shared>> -> memref<8192x64xf32, #tpu.memory_space<vmem_shared>>
      tpu.enqueue_indirect_dma source(%arg16 : memref<128x64xf32, #tpu.memory_space<vmem>>) target(%dma_start3A_723 : memref<8192x64xf32, #tpu.memory_space<vmem_shared>>) offsets(%dma_start3A_720 : memref<128xi32, #tpu.memory_space<vmem>>) semaphore(%arg32 : memref<!tpu.dma_semaphore, #tpu.memory_space<semaphore_mem>>) {add = true}
      %mul3A_724 = arith.constant 8 : i32
      %mul3A_725 = arith.muli %scan3A_627, %mul3A_724 : i32
      %add3A_726 = arith.constant 6 : i32
      %add3A_727 = arith.addi %mul3A_725, %add3A_726 : i32
      %dma_wait3A_728 = arith.constant 0 : i32
      %dma_wait3A_729 = tpu.memref_slice %arg8[%add3A_727, %dma_wait3A_728] : memref<64x128xi32, #tpu.memory_space<vmem>> -> memref<1x128xi32, #tpu.memory_space<vmem>>
      %dma_wait3A_730 = tpu.memref_squeeze %dma_wait3A_729 : memref<1x128xi32, #tpu.memory_space<vmem>> -> memref<128xi32, #tpu.memory_space<vmem>>
      %dma_wait3A_731 = arith.constant 0 : i32
      %dma_wait3A_732 = arith.constant 0 : i32
      %dma_wait3A_733 = tpu.memref_slice %arg2[%dma_wait3A_731, %dma_wait3A_732] : memref<65536x64xf32, #tpu.memory_space<hbm>> -> memref<65536x64xf32, #tpu.memory_space<hbm>>
      tpu.wait_indirect_dma semaphore(%arg25 : memref<!tpu.dma_semaphore, #tpu.memory_space<semaphore_mem>>) src(%dma_wait3A_733 : memref<65536x64xf32, #tpu.memory_space<hbm>>) dst(%arg17 : memref<128x64xf32, #tpu.memory_space<vmem>>)
      %dma_start3A_734 = arith.constant 0 : i32
      %dma_start3A_735 = tpu.memref_slice %arg7[%add3A_727, %dma_start3A_734] : memref<64x128xi32, #tpu.memory_space<vmem>> -> memref<1x128xi32, #tpu.memory_space<vmem>>
      %dma_start3A_736 = tpu.memref_squeeze %dma_start3A_735 : memref<1x128xi32, #tpu.memory_space<vmem>> -> memref<128xi32, #tpu.memory_space<vmem>>
      %dma_start3A_737 = arith.constant 0 : i32
      %dma_start3A_738 = arith.constant 0 : i32
      %dma_start3A_739 = tpu.memref_slice %arg10[%dma_start3A_737, %dma_start3A_738] : memref<8192x64xf32, #tpu.memory_space<vmem_shared>> -> memref<8192x64xf32, #tpu.memory_space<vmem_shared>>
      tpu.enqueue_indirect_dma source(%arg17 : memref<128x64xf32, #tpu.memory_space<vmem>>) target(%dma_start3A_739 : memref<8192x64xf32, #tpu.memory_space<vmem_shared>>) offsets(%dma_start3A_736 : memref<128xi32, #tpu.memory_space<vmem>>) semaphore(%arg33 : memref<!tpu.dma_semaphore, #tpu.memory_space<semaphore_mem>>) {add = true}
      %mul3A_740 = arith.constant 8 : i32
      %mul3A_741 = arith.muli %scan3A_627, %mul3A_740 : i32
      %add3A_742 = arith.constant 7 : i32
      %add3A_743 = arith.addi %mul3A_741, %add3A_742 : i32
      %dma_wait3A_744 = arith.constant 0 : i32
      %dma_wait3A_745 = tpu.memref_slice %arg8[%add3A_743, %dma_wait3A_744] : memref<64x128xi32, #tpu.memory_space<vmem>> -> memref<1x128xi32, #tpu.memory_space<vmem>>
      %dma_wait3A_746 = tpu.memref_squeeze %dma_wait3A_745 : memref<1x128xi32, #tpu.memory_space<vmem>> -> memref<128xi32, #tpu.memory_space<vmem>>
      %dma_wait3A_747 = arith.constant 0 : i32
      %dma_wait3A_748 = arith.constant 0 : i32
      %dma_wait3A_749 = tpu.memref_slice %arg2[%dma_wait3A_747, %dma_wait3A_748] : memref<65536x64xf32, #tpu.memory_space<hbm>> -> memref<65536x64xf32, #tpu.memory_space<hbm>>
      tpu.wait_indirect_dma semaphore(%arg26 : memref<!tpu.dma_semaphore, #tpu.memory_space<semaphore_mem>>) src(%dma_wait3A_749 : memref<65536x64xf32, #tpu.memory_space<hbm>>) dst(%arg18 : memref<128x64xf32, #tpu.memory_space<vmem>>)
      %dma_start3A_750 = arith.constant 0 : i32
      %dma_start3A_751 = tpu.memref_slice %arg7[%add3A_743, %dma_start3A_750] : memref<64x128xi32, #tpu.memory_space<vmem>> -> memref<1x128xi32, #tpu.memory_space<vmem>>
      %dma_start3A_752 = tpu.memref_squeeze %dma_start3A_751 : memref<1x128xi32, #tpu.memory_space<vmem>> -> memref<128xi32, #tpu.memory_space<vmem>>
      %dma_start3A_753 = arith.constant 0 : i32
      %dma_start3A_754 = arith.constant 0 : i32
      %dma_start3A_755 = tpu.memref_slice %arg10[%dma_start3A_753, %dma_start3A_754] : memref<8192x64xf32, #tpu.memory_space<vmem_shared>> -> memref<8192x64xf32, #tpu.memory_space<vmem_shared>>
      tpu.enqueue_indirect_dma source(%arg18 : memref<128x64xf32, #tpu.memory_space<vmem>>) target(%dma_start3A_755 : memref<8192x64xf32, #tpu.memory_space<vmem_shared>>) offsets(%dma_start3A_752 : memref<128xi32, #tpu.memory_space<vmem>>) semaphore(%arg34 : memref<!tpu.dma_semaphore, #tpu.memory_space<semaphore_mem>>) {add = true}
      %mul3A_756 = arith.constant 8 : i32
      %mul3A_757 = arith.muli %scan3A_627, %mul3A_756 : i32
      %add3A_758 = arith.constant 0 : i32
      %add3A_759 = arith.addi %mul3A_757, %add3A_758 : i32
      %lt3A = arith.constant 7 : i32
      %lt3A_760 = arith.cmpi slt, %scan3A_627, %lt3A : i32
      %convert_element_type3A = arith.extui %lt3A_760 : i1 to i32
      %cond3A = arith.constant 0 : i32
      %cond3A_761 = arith.cmpi ne, %convert_element_type3A, %cond3A : i32
      scf.if %cond3A_761 {
        %dma_wait3A_825 = arith.constant 0 : i32
        %dma_wait3A_826 = tpu.memref_slice %arg7[%add3A_759, %dma_wait3A_825] : memref<64x128xi32, #tpu.memory_space<vmem>> -> memref<1x128xi32, #tpu.memory_space<vmem>>
        %dma_wait3A_827 = tpu.memref_squeeze %dma_wait3A_826 : memref<1x128xi32, #tpu.memory_space<vmem>> -> memref<128xi32, #tpu.memory_space<vmem>>
        %dma_wait3A_828 = arith.constant 0 : i32
        %dma_wait3A_829 = arith.constant 0 : i32
        %dma_wait3A_830 = tpu.memref_slice %arg10[%dma_wait3A_828, %dma_wait3A_829] : memref<8192x64xf32, #tpu.memory_space<vmem_shared>> -> memref<8192x64xf32, #tpu.memory_space<vmem_shared>>
        tpu.wait_indirect_dma semaphore(%arg27 : memref<!tpu.dma_semaphore, #tpu.memory_space<semaphore_mem>>) src(%arg11 : memref<128x64xf32, #tpu.memory_space<vmem>>) dst(%dma_wait3A_830 : memref<8192x64xf32, #tpu.memory_space<vmem_shared>>)
        %add3A_831 = arith.constant 8 : i32
        %add3A_832 = arith.addi %add3A_759, %add3A_831 : i32
        %dma_start3A_833 = arith.constant 0 : i32
        %dma_start3A_834 = tpu.memref_slice %arg8[%add3A_832, %dma_start3A_833] : memref<64x128xi32, #tpu.memory_space<vmem>> -> memref<1x128xi32, #tpu.memory_space<vmem>>
        %dma_start3A_835 = tpu.memref_squeeze %dma_start3A_834 : memref<1x128xi32, #tpu.memory_space<vmem>> -> memref<128xi32, #tpu.memory_space<vmem>>
        %dma_start3A_836 = arith.constant 0 : i32
        %dma_start3A_837 = arith.constant 0 : i32
        %dma_start3A_838 = tpu.memref_slice %arg2[%dma_start3A_836, %dma_start3A_837] : memref<65536x64xf32, #tpu.memory_space<hbm>> -> memref<65536x64xf32, #tpu.memory_space<hbm>>
        tpu.enqueue_indirect_dma source(%dma_start3A_838 : memref<65536x64xf32, #tpu.memory_space<hbm>>) target(%arg11 : memref<128x64xf32, #tpu.memory_space<vmem>>) offsets(%dma_start3A_835 : memref<128xi32, #tpu.memory_space<vmem>>) semaphore(%arg19 : memref<!tpu.dma_semaphore, #tpu.memory_space<semaphore_mem>>)
      } else {
      }
      %mul3A_762 = arith.constant 8 : i32
      %mul3A_763 = arith.muli %scan3A_627, %mul3A_762 : i32
      %add3A_764 = arith.constant 1 : i32
      %add3A_765 = arith.addi %mul3A_763, %add3A_764 : i32
      %lt3A_766 = arith.constant 7 : i32
      %lt3A_767 = arith.cmpi slt, %scan3A_627, %lt3A_766 : i32
      %convert_element_type3A_768 = arith.extui %lt3A_767 : i1 to i32
      %cond3A_769 = arith.constant 0 : i32
      %cond3A_770 = arith.cmpi ne, %convert_element_type3A_768, %cond3A_769 : i32
      scf.if %cond3A_770 {
        %dma_wait3A_825 = arith.constant 0 : i32
        %dma_wait3A_826 = tpu.memref_slice %arg7[%add3A_765, %dma_wait3A_825] : memref<64x128xi32, #tpu.memory_space<vmem>> -> memref<1x128xi32, #tpu.memory_space<vmem>>
        %dma_wait3A_827 = tpu.memref_squeeze %dma_wait3A_826 : memref<1x128xi32, #tpu.memory_space<vmem>> -> memref<128xi32, #tpu.memory_space<vmem>>
        %dma_wait3A_828 = arith.constant 0 : i32
        %dma_wait3A_829 = arith.constant 0 : i32
        %dma_wait3A_830 = tpu.memref_slice %arg10[%dma_wait3A_828, %dma_wait3A_829] : memref<8192x64xf32, #tpu.memory_space<vmem_shared>> -> memref<8192x64xf32, #tpu.memory_space<vmem_shared>>
        tpu.wait_indirect_dma semaphore(%arg28 : memref<!tpu.dma_semaphore, #tpu.memory_space<semaphore_mem>>) src(%arg12 : memref<128x64xf32, #tpu.memory_space<vmem>>) dst(%dma_wait3A_830 : memref<8192x64xf32, #tpu.memory_space<vmem_shared>>)
        %add3A_831 = arith.constant 8 : i32
        %add3A_832 = arith.addi %add3A_765, %add3A_831 : i32
        %dma_start3A_833 = arith.constant 0 : i32
        %dma_start3A_834 = tpu.memref_slice %arg8[%add3A_832, %dma_start3A_833] : memref<64x128xi32, #tpu.memory_space<vmem>> -> memref<1x128xi32, #tpu.memory_space<vmem>>
        %dma_start3A_835 = tpu.memref_squeeze %dma_start3A_834 : memref<1x128xi32, #tpu.memory_space<vmem>> -> memref<128xi32, #tpu.memory_space<vmem>>
        %dma_start3A_836 = arith.constant 0 : i32
        %dma_start3A_837 = arith.constant 0 : i32
        %dma_start3A_838 = tpu.memref_slice %arg2[%dma_start3A_836, %dma_start3A_837] : memref<65536x64xf32, #tpu.memory_space<hbm>> -> memref<65536x64xf32, #tpu.memory_space<hbm>>
        tpu.enqueue_indirect_dma source(%dma_start3A_838 : memref<65536x64xf32, #tpu.memory_space<hbm>>) target(%arg12 : memref<128x64xf32, #tpu.memory_space<vmem>>) offsets(%dma_start3A_835 : memref<128xi32, #tpu.memory_space<vmem>>) semaphore(%arg20 : memref<!tpu.dma_semaphore, #tpu.memory_space<semaphore_mem>>)
      } else {
      }
      %mul3A_771 = arith.constant 8 : i32
      %mul3A_772 = arith.muli %scan3A_627, %mul3A_771 : i32
      %add3A_773 = arith.constant 2 : i32
      %add3A_774 = arith.addi %mul3A_772, %add3A_773 : i32
      %lt3A_775 = arith.constant 7 : i32
      %lt3A_776 = arith.cmpi slt, %scan3A_627, %lt3A_775 : i32
      %convert_element_type3A_777 = arith.extui %lt3A_776 : i1 to i32
      %cond3A_778 = arith.constant 0 : i32
      %cond3A_779 = arith.cmpi ne, %convert_element_type3A_777, %cond3A_778 : i32
      scf.if %cond3A_779 {
        %dma_wait3A_825 = arith.constant 0 : i32
        %dma_wait3A_826 = tpu.memref_slice %arg7[%add3A_774, %dma_wait3A_825] : memref<64x128xi32, #tpu.memory_space<vmem>> -> memref<1x128xi32, #tpu.memory_space<vmem>>
        %dma_wait3A_827 = tpu.memref_squeeze %dma_wait3A_826 : memref<1x128xi32, #tpu.memory_space<vmem>> -> memref<128xi32, #tpu.memory_space<vmem>>
        %dma_wait3A_828 = arith.constant 0 : i32
        %dma_wait3A_829 = arith.constant 0 : i32
        %dma_wait3A_830 = tpu.memref_slice %arg10[%dma_wait3A_828, %dma_wait3A_829] : memref<8192x64xf32, #tpu.memory_space<vmem_shared>> -> memref<8192x64xf32, #tpu.memory_space<vmem_shared>>
        tpu.wait_indirect_dma semaphore(%arg29 : memref<!tpu.dma_semaphore, #tpu.memory_space<semaphore_mem>>) src(%arg13 : memref<128x64xf32, #tpu.memory_space<vmem>>) dst(%dma_wait3A_830 : memref<8192x64xf32, #tpu.memory_space<vmem_shared>>)
        %add3A_831 = arith.constant 8 : i32
        %add3A_832 = arith.addi %add3A_774, %add3A_831 : i32
        %dma_start3A_833 = arith.constant 0 : i32
        %dma_start3A_834 = tpu.memref_slice %arg8[%add3A_832, %dma_start3A_833] : memref<64x128xi32, #tpu.memory_space<vmem>> -> memref<1x128xi32, #tpu.memory_space<vmem>>
        %dma_start3A_835 = tpu.memref_squeeze %dma_start3A_834 : memref<1x128xi32, #tpu.memory_space<vmem>> -> memref<128xi32, #tpu.memory_space<vmem>>
        %dma_start3A_836 = arith.constant 0 : i32
        %dma_start3A_837 = arith.constant 0 : i32
        %dma_start3A_838 = tpu.memref_slice %arg2[%dma_start3A_836, %dma_start3A_837] : memref<65536x64xf32, #tpu.memory_space<hbm>> -> memref<65536x64xf32, #tpu.memory_space<hbm>>
        tpu.enqueue_indirect_dma source(%dma_start3A_838 : memref<65536x64xf32, #tpu.memory_space<hbm>>) target(%arg13 : memref<128x64xf32, #tpu.memory_space<vmem>>) offsets(%dma_start3A_835 : memref<128xi32, #tpu.memory_space<vmem>>) semaphore(%arg21 : memref<!tpu.dma_semaphore, #tpu.memory_space<semaphore_mem>>)
      } else {
      }
      %mul3A_780 = arith.constant 8 : i32
      %mul3A_781 = arith.muli %scan3A_627, %mul3A_780 : i32
      %add3A_782 = arith.constant 3 : i32
      %add3A_783 = arith.addi %mul3A_781, %add3A_782 : i32
      %lt3A_784 = arith.constant 7 : i32
      %lt3A_785 = arith.cmpi slt, %scan3A_627, %lt3A_784 : i32
      %convert_element_type3A_786 = arith.extui %lt3A_785 : i1 to i32
      %cond3A_787 = arith.constant 0 : i32
      %cond3A_788 = arith.cmpi ne, %convert_element_type3A_786, %cond3A_787 : i32
      scf.if %cond3A_788 {
        %dma_wait3A_825 = arith.constant 0 : i32
        %dma_wait3A_826 = tpu.memref_slice %arg7[%add3A_783, %dma_wait3A_825] : memref<64x128xi32, #tpu.memory_space<vmem>> -> memref<1x128xi32, #tpu.memory_space<vmem>>
        %dma_wait3A_827 = tpu.memref_squeeze %dma_wait3A_826 : memref<1x128xi32, #tpu.memory_space<vmem>> -> memref<128xi32, #tpu.memory_space<vmem>>
        %dma_wait3A_828 = arith.constant 0 : i32
        %dma_wait3A_829 = arith.constant 0 : i32
        %dma_wait3A_830 = tpu.memref_slice %arg10[%dma_wait3A_828, %dma_wait3A_829] : memref<8192x64xf32, #tpu.memory_space<vmem_shared>> -> memref<8192x64xf32, #tpu.memory_space<vmem_shared>>
        tpu.wait_indirect_dma semaphore(%arg30 : memref<!tpu.dma_semaphore, #tpu.memory_space<semaphore_mem>>) src(%arg14 : memref<128x64xf32, #tpu.memory_space<vmem>>) dst(%dma_wait3A_830 : memref<8192x64xf32, #tpu.memory_space<vmem_shared>>)
        %add3A_831 = arith.constant 8 : i32
        %add3A_832 = arith.addi %add3A_783, %add3A_831 : i32
        %dma_start3A_833 = arith.constant 0 : i32
        %dma_start3A_834 = tpu.memref_slice %arg8[%add3A_832, %dma_start3A_833] : memref<64x128xi32, #tpu.memory_space<vmem>> -> memref<1x128xi32, #tpu.memory_space<vmem>>
        %dma_start3A_835 = tpu.memref_squeeze %dma_start3A_834 : memref<1x128xi32, #tpu.memory_space<vmem>> -> memref<128xi32, #tpu.memory_space<vmem>>
        %dma_start3A_836 = arith.constant 0 : i32
        %dma_start3A_837 = arith.constant 0 : i32
        %dma_start3A_838 = tpu.memref_slice %arg2[%dma_start3A_836, %dma_start3A_837] : memref<65536x64xf32, #tpu.memory_space<hbm>> -> memref<65536x64xf32, #tpu.memory_space<hbm>>
        tpu.enqueue_indirect_dma source(%dma_start3A_838 : memref<65536x64xf32, #tpu.memory_space<hbm>>) target(%arg14 : memref<128x64xf32, #tpu.memory_space<vmem>>) offsets(%dma_start3A_835 : memref<128xi32, #tpu.memory_space<vmem>>) semaphore(%arg22 : memref<!tpu.dma_semaphore, #tpu.memory_space<semaphore_mem>>)
      } else {
      }
      %mul3A_789 = arith.constant 8 : i32
      %mul3A_790 = arith.muli %scan3A_627, %mul3A_789 : i32
      %add3A_791 = arith.constant 4 : i32
      %add3A_792 = arith.addi %mul3A_790, %add3A_791 : i32
      %lt3A_793 = arith.constant 7 : i32
      %lt3A_794 = arith.cmpi slt, %scan3A_627, %lt3A_793 : i32
      %convert_element_type3A_795 = arith.extui %lt3A_794 : i1 to i32
      %cond3A_796 = arith.constant 0 : i32
      %cond3A_797 = arith.cmpi ne, %convert_element_type3A_795, %cond3A_796 : i32
      scf.if %cond3A_797 {
        %dma_wait3A_825 = arith.constant 0 : i32
        %dma_wait3A_826 = tpu.memref_slice %arg7[%add3A_792, %dma_wait3A_825] : memref<64x128xi32, #tpu.memory_space<vmem>> -> memref<1x128xi32, #tpu.memory_space<vmem>>
        %dma_wait3A_827 = tpu.memref_squeeze %dma_wait3A_826 : memref<1x128xi32, #tpu.memory_space<vmem>> -> memref<128xi32, #tpu.memory_space<vmem>>
        %dma_wait3A_828 = arith.constant 0 : i32
        %dma_wait3A_829 = arith.constant 0 : i32
        %dma_wait3A_830 = tpu.memref_slice %arg10[%dma_wait3A_828, %dma_wait3A_829] : memref<8192x64xf32, #tpu.memory_space<vmem_shared>> -> memref<8192x64xf32, #tpu.memory_space<vmem_shared>>
        tpu.wait_indirect_dma semaphore(%arg31 : memref<!tpu.dma_semaphore, #tpu.memory_space<semaphore_mem>>) src(%arg15 : memref<128x64xf32, #tpu.memory_space<vmem>>) dst(%dma_wait3A_830 : memref<8192x64xf32, #tpu.memory_space<vmem_shared>>)
        %add3A_831 = arith.constant 8 : i32
        %add3A_832 = arith.addi %add3A_792, %add3A_831 : i32
        %dma_start3A_833 = arith.constant 0 : i32
        %dma_start3A_834 = tpu.memref_slice %arg8[%add3A_832, %dma_start3A_833] : memref<64x128xi32, #tpu.memory_space<vmem>> -> memref<1x128xi32, #tpu.memory_space<vmem>>
        %dma_start3A_835 = tpu.memref_squeeze %dma_start3A_834 : memref<1x128xi32, #tpu.memory_space<vmem>> -> memref<128xi32, #tpu.memory_space<vmem>>
        %dma_start3A_836 = arith.constant 0 : i32
        %dma_start3A_837 = arith.constant 0 : i32
        %dma_start3A_838 = tpu.memref_slice %arg2[%dma_start3A_836, %dma_start3A_837] : memref<65536x64xf32, #tpu.memory_space<hbm>> -> memref<65536x64xf32, #tpu.memory_space<hbm>>
        tpu.enqueue_indirect_dma source(%dma_start3A_838 : memref<65536x64xf32, #tpu.memory_space<hbm>>) target(%arg15 : memref<128x64xf32, #tpu.memory_space<vmem>>) offsets(%dma_start3A_835 : memref<128xi32, #tpu.memory_space<vmem>>) semaphore(%arg23 : memref<!tpu.dma_semaphore, #tpu.memory_space<semaphore_mem>>)
      } else {
      }
      %mul3A_798 = arith.constant 8 : i32
      %mul3A_799 = arith.muli %scan3A_627, %mul3A_798 : i32
      %add3A_800 = arith.constant 5 : i32
      %add3A_801 = arith.addi %mul3A_799, %add3A_800 : i32
      %lt3A_802 = arith.constant 7 : i32
      %lt3A_803 = arith.cmpi slt, %scan3A_627, %lt3A_802 : i32
      %convert_element_type3A_804 = arith.extui %lt3A_803 : i1 to i32
      %cond3A_805 = arith.constant 0 : i32
      %cond3A_806 = arith.cmpi ne, %convert_element_type3A_804, %cond3A_805 : i32
      scf.if %cond3A_806 {
        %dma_wait3A_825 = arith.constant 0 : i32
        %dma_wait3A_826 = tpu.memref_slice %arg7[%add3A_801, %dma_wait3A_825] : memref<64x128xi32, #tpu.memory_space<vmem>> -> memref<1x128xi32, #tpu.memory_space<vmem>>
        %dma_wait3A_827 = tpu.memref_squeeze %dma_wait3A_826 : memref<1x128xi32, #tpu.memory_space<vmem>> -> memref<128xi32, #tpu.memory_space<vmem>>
        %dma_wait3A_828 = arith.constant 0 : i32
        %dma_wait3A_829 = arith.constant 0 : i32
        %dma_wait3A_830 = tpu.memref_slice %arg10[%dma_wait3A_828, %dma_wait3A_829] : memref<8192x64xf32, #tpu.memory_space<vmem_shared>> -> memref<8192x64xf32, #tpu.memory_space<vmem_shared>>
        tpu.wait_indirect_dma semaphore(%arg32 : memref<!tpu.dma_semaphore, #tpu.memory_space<semaphore_mem>>) src(%arg16 : memref<128x64xf32, #tpu.memory_space<vmem>>) dst(%dma_wait3A_830 : memref<8192x64xf32, #tpu.memory_space<vmem_shared>>)
        %add3A_831 = arith.constant 8 : i32
        %add3A_832 = arith.addi %add3A_801, %add3A_831 : i32
        %dma_start3A_833 = arith.constant 0 : i32
        %dma_start3A_834 = tpu.memref_slice %arg8[%add3A_832, %dma_start3A_833] : memref<64x128xi32, #tpu.memory_space<vmem>> -> memref<1x128xi32, #tpu.memory_space<vmem>>
        %dma_start3A_835 = tpu.memref_squeeze %dma_start3A_834 : memref<1x128xi32, #tpu.memory_space<vmem>> -> memref<128xi32, #tpu.memory_space<vmem>>
        %dma_start3A_836 = arith.constant 0 : i32
        %dma_start3A_837 = arith.constant 0 : i32
        %dma_start3A_838 = tpu.memref_slice %arg2[%dma_start3A_836, %dma_start3A_837] : memref<65536x64xf32, #tpu.memory_space<hbm>> -> memref<65536x64xf32, #tpu.memory_space<hbm>>
        tpu.enqueue_indirect_dma source(%dma_start3A_838 : memref<65536x64xf32, #tpu.memory_space<hbm>>) target(%arg16 : memref<128x64xf32, #tpu.memory_space<vmem>>) offsets(%dma_start3A_835 : memref<128xi32, #tpu.memory_space<vmem>>) semaphore(%arg24 : memref<!tpu.dma_semaphore, #tpu.memory_space<semaphore_mem>>)
      } else {
      }
      %mul3A_807 = arith.constant 8 : i32
      %mul3A_808 = arith.muli %scan3A_627, %mul3A_807 : i32
      %add3A_809 = arith.constant 6 : i32
      %add3A_810 = arith.addi %mul3A_808, %add3A_809 : i32
      %lt3A_811 = arith.constant 7 : i32
      %lt3A_812 = arith.cmpi slt, %scan3A_627, %lt3A_811 : i32
      %convert_element_type3A_813 = arith.extui %lt3A_812 : i1 to i32
      %cond3A_814 = arith.constant 0 : i32
      %cond3A_815 = arith.cmpi ne, %convert_element_type3A_813, %cond3A_814 : i32
      scf.if %cond3A_815 {
        %dma_wait3A_825 = arith.constant 0 : i32
        %dma_wait3A_826 = tpu.memref_slice %arg7[%add3A_810, %dma_wait3A_825] : memref<64x128xi32, #tpu.memory_space<vmem>> -> memref<1x128xi32, #tpu.memory_space<vmem>>
        %dma_wait3A_827 = tpu.memref_squeeze %dma_wait3A_826 : memref<1x128xi32, #tpu.memory_space<vmem>> -> memref<128xi32, #tpu.memory_space<vmem>>
        %dma_wait3A_828 = arith.constant 0 : i32
        %dma_wait3A_829 = arith.constant 0 : i32
        %dma_wait3A_830 = tpu.memref_slice %arg10[%dma_wait3A_828, %dma_wait3A_829] : memref<8192x64xf32, #tpu.memory_space<vmem_shared>> -> memref<8192x64xf32, #tpu.memory_space<vmem_shared>>
        tpu.wait_indirect_dma semaphore(%arg33 : memref<!tpu.dma_semaphore, #tpu.memory_space<semaphore_mem>>) src(%arg17 : memref<128x64xf32, #tpu.memory_space<vmem>>) dst(%dma_wait3A_830 : memref<8192x64xf32, #tpu.memory_space<vmem_shared>>)
        %add3A_831 = arith.constant 8 : i32
        %add3A_832 = arith.addi %add3A_810, %add3A_831 : i32
        %dma_start3A_833 = arith.constant 0 : i32
        %dma_start3A_834 = tpu.memref_slice %arg8[%add3A_832, %dma_start3A_833] : memref<64x128xi32, #tpu.memory_space<vmem>> -> memref<1x128xi32, #tpu.memory_space<vmem>>
        %dma_start3A_835 = tpu.memref_squeeze %dma_start3A_834 : memref<1x128xi32, #tpu.memory_space<vmem>> -> memref<128xi32, #tpu.memory_space<vmem>>
        %dma_start3A_836 = arith.constant 0 : i32
        %dma_start3A_837 = arith.constant 0 : i32
        %dma_start3A_838 = tpu.memref_slice %arg2[%dma_start3A_836, %dma_start3A_837] : memref<65536x64xf32, #tpu.memory_space<hbm>> -> memref<65536x64xf32, #tpu.memory_space<hbm>>
        tpu.enqueue_indirect_dma source(%dma_start3A_838 : memref<65536x64xf32, #tpu.memory_space<hbm>>) target(%arg17 : memref<128x64xf32, #tpu.memory_space<vmem>>) offsets(%dma_start3A_835 : memref<128xi32, #tpu.memory_space<vmem>>) semaphore(%arg25 : memref<!tpu.dma_semaphore, #tpu.memory_space<semaphore_mem>>)
      } else {
      }
      %mul3A_816 = arith.constant 8 : i32
      %mul3A_817 = arith.muli %scan3A_627, %mul3A_816 : i32
      %add3A_818 = arith.constant 7 : i32
      %add3A_819 = arith.addi %mul3A_817, %add3A_818 : i32
      %lt3A_820 = arith.constant 7 : i32
      %lt3A_821 = arith.cmpi slt, %scan3A_627, %lt3A_820 : i32
      %convert_element_type3A_822 = arith.extui %lt3A_821 : i1 to i32
      %cond3A_823 = arith.constant 0 : i32
      %cond3A_824 = arith.cmpi ne, %convert_element_type3A_822, %cond3A_823 : i32
      scf.if %cond3A_824 {
        %dma_wait3A_825 = arith.constant 0 : i32
        %dma_wait3A_826 = tpu.memref_slice %arg7[%add3A_819, %dma_wait3A_825] : memref<64x128xi32, #tpu.memory_space<vmem>> -> memref<1x128xi32, #tpu.memory_space<vmem>>
        %dma_wait3A_827 = tpu.memref_squeeze %dma_wait3A_826 : memref<1x128xi32, #tpu.memory_space<vmem>> -> memref<128xi32, #tpu.memory_space<vmem>>
        %dma_wait3A_828 = arith.constant 0 : i32
        %dma_wait3A_829 = arith.constant 0 : i32
        %dma_wait3A_830 = tpu.memref_slice %arg10[%dma_wait3A_828, %dma_wait3A_829] : memref<8192x64xf32, #tpu.memory_space<vmem_shared>> -> memref<8192x64xf32, #tpu.memory_space<vmem_shared>>
        tpu.wait_indirect_dma semaphore(%arg34 : memref<!tpu.dma_semaphore, #tpu.memory_space<semaphore_mem>>) src(%arg18 : memref<128x64xf32, #tpu.memory_space<vmem>>) dst(%dma_wait3A_830 : memref<8192x64xf32, #tpu.memory_space<vmem_shared>>)
        %add3A_831 = arith.constant 8 : i32
        %add3A_832 = arith.addi %add3A_819, %add3A_831 : i32
        %dma_start3A_833 = arith.constant 0 : i32
        %dma_start3A_834 = tpu.memref_slice %arg8[%add3A_832, %dma_start3A_833] : memref<64x128xi32, #tpu.memory_space<vmem>> -> memref<1x128xi32, #tpu.memory_space<vmem>>
        %dma_start3A_835 = tpu.memref_squeeze %dma_start3A_834 : memref<1x128xi32, #tpu.memory_space<vmem>> -> memref<128xi32, #tpu.memory_space<vmem>>
        %dma_start3A_836 = arith.constant 0 : i32
        %dma_start3A_837 = arith.constant 0 : i32
        %dma_start3A_838 = tpu.memref_slice %arg2[%dma_start3A_836, %dma_start3A_837] : memref<65536x64xf32, #tpu.memory_space<hbm>> -> memref<65536x64xf32, #tpu.memory_space<hbm>>
        tpu.enqueue_indirect_dma source(%dma_start3A_838 : memref<65536x64xf32, #tpu.memory_space<hbm>>) target(%arg18 : memref<128x64xf32, #tpu.memory_space<vmem>>) offsets(%dma_start3A_835 : memref<128xi32, #tpu.memory_space<vmem>>) semaphore(%arg26 : memref<!tpu.dma_semaphore, #tpu.memory_space<semaphore_mem>>)
      } else {
      }
    }
    %scan3A_397 = arith.constant 8 : i32
    %dma_wait3A_398 = arith.constant 0 : i32
    %dma_wait3A_399 = arith.constant 0 : i32
    %dma_wait3A_400 = tpu.memref_slice %arg7[%dma_wait3A_398, %dma_wait3A_399] : memref<64x128xi32, #tpu.memory_space<vmem>> -> memref<1x128xi32, #tpu.memory_space<vmem>>
    %dma_wait3A_401 = tpu.memref_squeeze %dma_wait3A_400 : memref<1x128xi32, #tpu.memory_space<vmem>> -> memref<128xi32, #tpu.memory_space<vmem>>
    %dma_wait3A_402 = arith.constant 0 : i32
    %dma_wait3A_403 = arith.constant 0 : i32
    %dma_wait3A_404 = tpu.memref_slice %arg10[%dma_wait3A_402, %dma_wait3A_403] : memref<8192x64xf32, #tpu.memory_space<vmem_shared>> -> memref<8192x64xf32, #tpu.memory_space<vmem_shared>>
    tpu.wait_indirect_dma semaphore(%arg27 : memref<!tpu.dma_semaphore, #tpu.memory_space<semaphore_mem>>) src(%arg11 : memref<128x64xf32, #tpu.memory_space<vmem>>) dst(%dma_wait3A_404 : memref<8192x64xf32, #tpu.memory_space<vmem_shared>>)
    %dma_wait3A_405 = arith.constant 1 : i32
    %dma_wait3A_406 = arith.constant 0 : i32
    %dma_wait3A_407 = tpu.memref_slice %arg7[%dma_wait3A_405, %dma_wait3A_406] : memref<64x128xi32, #tpu.memory_space<vmem>> -> memref<1x128xi32, #tpu.memory_space<vmem>>
    %dma_wait3A_408 = tpu.memref_squeeze %dma_wait3A_407 : memref<1x128xi32, #tpu.memory_space<vmem>> -> memref<128xi32, #tpu.memory_space<vmem>>
    %dma_wait3A_409 = arith.constant 0 : i32
    %dma_wait3A_410 = arith.constant 0 : i32
    %dma_wait3A_411 = tpu.memref_slice %arg10[%dma_wait3A_409, %dma_wait3A_410] : memref<8192x64xf32, #tpu.memory_space<vmem_shared>> -> memref<8192x64xf32, #tpu.memory_space<vmem_shared>>
    tpu.wait_indirect_dma semaphore(%arg28 : memref<!tpu.dma_semaphore, #tpu.memory_space<semaphore_mem>>) src(%arg12 : memref<128x64xf32, #tpu.memory_space<vmem>>) dst(%dma_wait3A_411 : memref<8192x64xf32, #tpu.memory_space<vmem_shared>>)
    %dma_wait3A_412 = arith.constant 2 : i32
    %dma_wait3A_413 = arith.constant 0 : i32
    %dma_wait3A_414 = tpu.memref_slice %arg7[%dma_wait3A_412, %dma_wait3A_413] : memref<64x128xi32, #tpu.memory_space<vmem>> -> memref<1x128xi32, #tpu.memory_space<vmem>>
    %dma_wait3A_415 = tpu.memref_squeeze %dma_wait3A_414 : memref<1x128xi32, #tpu.memory_space<vmem>> -> memref<128xi32, #tpu.memory_space<vmem>>
    %dma_wait3A_416 = arith.constant 0 : i32
    %dma_wait3A_417 = arith.constant 0 : i32
    %dma_wait3A_418 = tpu.memref_slice %arg10[%dma_wait3A_416, %dma_wait3A_417] : memref<8192x64xf32, #tpu.memory_space<vmem_shared>> -> memref<8192x64xf32, #tpu.memory_space<vmem_shared>>
    tpu.wait_indirect_dma semaphore(%arg29 : memref<!tpu.dma_semaphore, #tpu.memory_space<semaphore_mem>>) src(%arg13 : memref<128x64xf32, #tpu.memory_space<vmem>>) dst(%dma_wait3A_418 : memref<8192x64xf32, #tpu.memory_space<vmem_shared>>)
    %dma_wait3A_419 = arith.constant 3 : i32
    %dma_wait3A_420 = arith.constant 0 : i32
    %dma_wait3A_421 = tpu.memref_slice %arg7[%dma_wait3A_419, %dma_wait3A_420] : memref<64x128xi32, #tpu.memory_space<vmem>> -> memref<1x128xi32, #tpu.memory_space<vmem>>
    %dma_wait3A_422 = tpu.memref_squeeze %dma_wait3A_421 : memref<1x128xi32, #tpu.memory_space<vmem>> -> memref<128xi32, #tpu.memory_space<vmem>>
    %dma_wait3A_423 = arith.constant 0 : i32
    %dma_wait3A_424 = arith.constant 0 : i32
    %dma_wait3A_425 = tpu.memref_slice %arg10[%dma_wait3A_423, %dma_wait3A_424] : memref<8192x64xf32, #tpu.memory_space<vmem_shared>> -> memref<8192x64xf32, #tpu.memory_space<vmem_shared>>
    tpu.wait_indirect_dma semaphore(%arg30 : memref<!tpu.dma_semaphore, #tpu.memory_space<semaphore_mem>>) src(%arg14 : memref<128x64xf32, #tpu.memory_space<vmem>>) dst(%dma_wait3A_425 : memref<8192x64xf32, #tpu.memory_space<vmem_shared>>)
    %dma_wait3A_426 = arith.constant 4 : i32
    %dma_wait3A_427 = arith.constant 0 : i32
    %dma_wait3A_428 = tpu.memref_slice %arg7[%dma_wait3A_426, %dma_wait3A_427] : memref<64x128xi32, #tpu.memory_space<vmem>> -> memref<1x128xi32, #tpu.memory_space<vmem>>
    %dma_wait3A_429 = tpu.memref_squeeze %dma_wait3A_428 : memref<1x128xi32, #tpu.memory_space<vmem>> -> memref<128xi32, #tpu.memory_space<vmem>>
    %dma_wait3A_430 = arith.constant 0 : i32
    %dma_wait3A_431 = arith.constant 0 : i32
    %dma_wait3A_432 = tpu.memref_slice %arg10[%dma_wait3A_430, %dma_wait3A_431] : memref<8192x64xf32, #tpu.memory_space<vmem_shared>> -> memref<8192x64xf32, #tpu.memory_space<vmem_shared>>
    tpu.wait_indirect_dma semaphore(%arg31 : memref<!tpu.dma_semaphore, #tpu.memory_space<semaphore_mem>>) src(%arg15 : memref<128x64xf32, #tpu.memory_space<vmem>>) dst(%dma_wait3A_432 : memref<8192x64xf32, #tpu.memory_space<vmem_shared>>)
    %dma_wait3A_433 = arith.constant 5 : i32
    %dma_wait3A_434 = arith.constant 0 : i32
    %dma_wait3A_435 = tpu.memref_slice %arg7[%dma_wait3A_433, %dma_wait3A_434] : memref<64x128xi32, #tpu.memory_space<vmem>> -> memref<1x128xi32, #tpu.memory_space<vmem>>
    %dma_wait3A_436 = tpu.memref_squeeze %dma_wait3A_435 : memref<1x128xi32, #tpu.memory_space<vmem>> -> memref<128xi32, #tpu.memory_space<vmem>>
    %dma_wait3A_437 = arith.constant 0 : i32
    %dma_wait3A_438 = arith.constant 0 : i32
    %dma_wait3A_439 = tpu.memref_slice %arg10[%dma_wait3A_437, %dma_wait3A_438] : memref<8192x64xf32, #tpu.memory_space<vmem_shared>> -> memref<8192x64xf32, #tpu.memory_space<vmem_shared>>
    tpu.wait_indirect_dma semaphore(%arg32 : memref<!tpu.dma_semaphore, #tpu.memory_space<semaphore_mem>>) src(%arg16 : memref<128x64xf32, #tpu.memory_space<vmem>>) dst(%dma_wait3A_439 : memref<8192x64xf32, #tpu.memory_space<vmem_shared>>)
    %dma_wait3A_440 = arith.constant 6 : i32
    %dma_wait3A_441 = arith.constant 0 : i32
    %dma_wait3A_442 = tpu.memref_slice %arg7[%dma_wait3A_440, %dma_wait3A_441] : memref<64x128xi32, #tpu.memory_space<vmem>> -> memref<1x128xi32, #tpu.memory_space<vmem>>
    %dma_wait3A_443 = tpu.memref_squeeze %dma_wait3A_442 : memref<1x128xi32, #tpu.memory_space<vmem>> -> memref<128xi32, #tpu.memory_space<vmem>>
    %dma_wait3A_444 = arith.constant 0 : i32
    %dma_wait3A_445 = arith.constant 0 : i32
    %dma_wait3A_446 = tpu.memref_slice %arg10[%dma_wait3A_444, %dma_wait3A_445] : memref<8192x64xf32, #tpu.memory_space<vmem_shared>> -> memref<8192x64xf32, #tpu.memory_space<vmem_shared>>
    tpu.wait_indirect_dma semaphore(%arg33 : memref<!tpu.dma_semaphore, #tpu.memory_space<semaphore_mem>>) src(%arg17 : memref<128x64xf32, #tpu.memory_space<vmem>>) dst(%dma_wait3A_446 : memref<8192x64xf32, #tpu.memory_space<vmem_shared>>)
    %dma_wait3A_447 = arith.constant 7 : i32
    %dma_wait3A_448 = arith.constant 0 : i32
    %dma_wait3A_449 = tpu.memref_slice %arg7[%dma_wait3A_447, %dma_wait3A_448] : memref<64x128xi32, #tpu.memory_space<vmem>> -> memref<1x128xi32, #tpu.memory_space<vmem>>
    %dma_wait3A_450 = tpu.memref_squeeze %dma_wait3A_449 : memref<1x128xi32, #tpu.memory_space<vmem>> -> memref<128xi32, #tpu.memory_space<vmem>>
    %dma_wait3A_451 = arith.constant 0 : i32
    %dma_wait3A_452 = arith.constant 0 : i32
    %dma_wait3A_453 = tpu.memref_slice %arg10[%dma_wait3A_451, %dma_wait3A_452] : memref<8192x64xf32, #tpu.memory_space<vmem_shared>> -> memref<8192x64xf32, #tpu.memory_space<vmem_shared>>
    tpu.wait_indirect_dma semaphore(%arg34 : memref<!tpu.dma_semaphore, #tpu.memory_space<semaphore_mem>>) src(%arg18 : memref<128x64xf32, #tpu.memory_space<vmem>>) dst(%dma_wait3A_453 : memref<8192x64xf32, #tpu.memory_space<vmem_shared>>)
    %barrier3A_454 = arith.constant 0 : index
    tpu.barrier barrier_id(%barrier3A_454)
    %mul3A_455 = arith.constant 512 : i32
    %mul3A_456 = arith.muli %arg1, %mul3A_455 : i32
    %mul3A_457 = arith.constant 8192 : i32
    %mul3A_458 = arith.muli %add3A_392, %mul3A_457 : i32
    %mul3A_459 = arith.constant 512 : i32
    %mul3A_460 = arith.muli %arg1, %mul3A_459 : i32
    %add3A_461 = arith.addi %mul3A_458, %mul3A_460 : i32
    %dma_start3A_462 = arith.constant 0 : i32
    %dma_start3A_463 = tpu.memref_slice %arg5[%add3A_461, %dma_start3A_462] : memref<65536x64xf32, #tpu.memory_space<hbm>> -> memref<512x64xf32, #tpu.memory_space<hbm>>
    %dma_start3A_464 = arith.constant 0 : i32
    %dma_start3A_465 = tpu.memref_slice %arg10[%mul3A_456, %dma_start3A_464] : memref<8192x64xf32, #tpu.memory_space<vmem_shared>> -> memref<512x64xf32, #tpu.memory_space<vmem_shared>>
    tpu.enqueue_dma source(%dma_start3A_465 : memref<512x64xf32, #tpu.memory_space<vmem_shared>>) target(%dma_start3A_463 : memref<512x64xf32, #tpu.memory_space<hbm>>) target_semaphore(%arg35 : memref<!tpu.dma_semaphore, #tpu.memory_space<semaphore_mem>>)
    %scan3A_466 = arith.constant 0 : i32
    %scan3A_467 = arith.constant 64 : i32
    %scan3A_468 = arith.addi %scan3A_466, %scan3A_467 : i32
    %scan3A_469 = arith.constant 1 : i32
    scf.for %scan3A_627 = %scan3A_466 to %scan3A_468 step %scan3A_469  : i32 {
      %get3A = arith.index_cast %scan3A_627 : i32 to index
      %get3A_628 = arith.constant 0 : index
      %get3A_629 = tpu.vector_load %arg8[%get3A, %get3A_628] {strides = array<i32>} : memref<64x128xi32, #tpu.memory_space<vmem>>, vector<1x16xi32>,
      %get3A_630 = vector.shape_cast %get3A_629 : vector<1x16xi32> to vector<16xi32>
      %add3A_631 = arith.constant 16384 : i32
      %add3A_632 = vector.broadcast %add3A_631 : i32 to vector<16xi32>
      %add3A_633 = arith.addi %get3A_630, %add3A_632 : vector<16xi32>
      %swap3A = arith.index_cast %scan3A_627 : i32 to index
      %swap3A_634 = arith.constant 0 : index
      %swap3A_635 = tpu.vector_load %arg8[%swap3A, %swap3A_634] {strides = array<i32>} : memref<64x128xi32, #tpu.memory_space<vmem>>, vector<1x16xi32>,
      %swap3A_636 = vector.shape_cast %swap3A_635 : vector<1x16xi32> to vector<16xi32>
      %swap3A_637 = vector.shape_cast %add3A_633 : vector<16xi32> to vector<1x16xi32>
      tpu.vector_store %arg8[%swap3A, %swap3A_634], %swap3A_637 {strides = array<i32>} : memref<64x128xi32, #tpu.memory_space<vmem>>, vector<1x16xi32>,
      %get3A_638 = arith.index_cast %scan3A_627 : i32 to index
      %get3A_639 = arith.constant 16 : index
      %get3A_640 = tpu.vector_load %arg8[%get3A_638, %get3A_639] {strides = array<i32>} : memref<64x128xi32, #tpu.memory_space<vmem>>, vector<1x16xi32>,
      %get3A_641 = vector.shape_cast %get3A_640 : vector<1x16xi32> to vector<16xi32>
      %add3A_642 = arith.constant 16384 : i32
      %add3A_643 = vector.broadcast %add3A_642 : i32 to vector<16xi32>
      %add3A_644 = arith.addi %get3A_641, %add3A_643 : vector<16xi32>
      %swap3A_645 = arith.index_cast %scan3A_627 : i32 to index
      %swap3A_646 = arith.constant 16 : index
      %swap3A_647 = tpu.vector_load %arg8[%swap3A_645, %swap3A_646] {strides = array<i32>} : memref<64x128xi32, #tpu.memory_space<vmem>>, vector<1x16xi32>,
      %swap3A_648 = vector.shape_cast %swap3A_647 : vector<1x16xi32> to vector<16xi32>
      %swap3A_649 = vector.shape_cast %add3A_644 : vector<16xi32> to vector<1x16xi32>
      tpu.vector_store %arg8[%swap3A_645, %swap3A_646], %swap3A_649 {strides = array<i32>} : memref<64x128xi32, #tpu.memory_space<vmem>>, vector<1x16xi32>,
      %get3A_650 = arith.index_cast %scan3A_627 : i32 to index
      %get3A_651 = arith.constant 32 : index
      %get3A_652 = tpu.vector_load %arg8[%get3A_650, %get3A_651] {strides = array<i32>} : memref<64x128xi32, #tpu.memory_space<vmem>>, vector<1x16xi32>,
      %get3A_653 = vector.shape_cast %get3A_652 : vector<1x16xi32> to vector<16xi32>
      %add3A_654 = arith.constant 16384 : i32
      %add3A_655 = vector.broadcast %add3A_654 : i32 to vector<16xi32>
      %add3A_656 = arith.addi %get3A_653, %add3A_655 : vector<16xi32>
      %swap3A_657 = arith.index_cast %scan3A_627 : i32 to index
      %swap3A_658 = arith.constant 32 : index
      %swap3A_659 = tpu.vector_load %arg8[%swap3A_657, %swap3A_658] {strides = array<i32>} : memref<64x128xi32, #tpu.memory_space<vmem>>, vector<1x16xi32>,
      %swap3A_660 = vector.shape_cast %swap3A_659 : vector<1x16xi32> to vector<16xi32>
      %swap3A_661 = vector.shape_cast %add3A_656 : vector<16xi32> to vector<1x16xi32>
      tpu.vector_store %arg8[%swap3A_657, %swap3A_658], %swap3A_661 {strides = array<i32>} : memref<64x128xi32, #tpu.memory_space<vmem>>, vector<1x16xi32>,
      %get3A_662 = arith.index_cast %scan3A_627 : i32 to index
      %get3A_663 = arith.constant 48 : index
      %get3A_664 = tpu.vector_load %arg8[%get3A_662, %get3A_663] {strides = array<i32>} : memref<64x128xi32, #tpu.memory_space<vmem>>, vector<1x16xi32>,
      %get3A_665 = vector.shape_cast %get3A_664 : vector<1x16xi32> to vector<16xi32>
      %add3A_666 = arith.constant 16384 : i32
      %add3A_667 = vector.broadcast %add3A_666 : i32 to vector<16xi32>
      %add3A_668 = arith.addi %get3A_665, %add3A_667 : vector<16xi32>
      %swap3A_669 = arith.index_cast %scan3A_627 : i32 to index
      %swap3A_670 = arith.constant 48 : index
      %swap3A_671 = tpu.vector_load %arg8[%swap3A_669, %swap3A_670] {strides = array<i32>} : memref<64x128xi32, #tpu.memory_space<vmem>>, vector<1x16xi32>,
      %swap3A_672 = vector.shape_cast %swap3A_671 : vector<1x16xi32> to vector<16xi32>
      %swap3A_673 = vector.shape_cast %add3A_668 : vector<16xi32> to vector<1x16xi32>
      tpu.vector_store %arg8[%swap3A_669, %swap3A_670], %swap3A_673 {strides = array<i32>} : memref<64x128xi32, #tpu.memory_space<vmem>>, vector<1x16xi32>,
      %get3A_674 = arith.index_cast %scan3A_627 : i32 to index
      %get3A_675 = arith.constant 64 : index
      %get3A_676 = tpu.vector_load %arg8[%get3A_674, %get3A_675] {strides = array<i32>} : memref<64x128xi32, #tpu.memory_space<vmem>>, vector<1x16xi32>,
      %get3A_677 = vector.shape_cast %get3A_676 : vector<1x16xi32> to vector<16xi32>
      %add3A_678 = arith.constant 16384 : i32
      %add3A_679 = vector.broadcast %add3A_678 : i32 to vector<16xi32>
      %add3A_680 = arith.addi %get3A_677, %add3A_679 : vector<16xi32>
      %swap3A_681 = arith.index_cast %scan3A_627 : i32 to index
      %swap3A_682 = arith.constant 64 : index
      %swap3A_683 = tpu.vector_load %arg8[%swap3A_681, %swap3A_682] {strides = array<i32>} : memref<64x128xi32, #tpu.memory_space<vmem>>, vector<1x16xi32>,
      %swap3A_684 = vector.shape_cast %swap3A_683 : vector<1x16xi32> to vector<16xi32>
      %swap3A_685 = vector.shape_cast %add3A_680 : vector<16xi32> to vector<1x16xi32>
      tpu.vector_store %arg8[%swap3A_681, %swap3A_682], %swap3A_685 {strides = array<i32>} : memref<64x128xi32, #tpu.memory_space<vmem>>, vector<1x16xi32>,
      %get3A_686 = arith.index_cast %scan3A_627 : i32 to index
      %get3A_687 = arith.constant 80 : index
      %get3A_688 = tpu.vector_load %arg8[%get3A_686, %get3A_687] {strides = array<i32>} : memref<64x128xi32, #tpu.memory_space<vmem>>, vector<1x16xi32>,
      %get3A_689 = vector.shape_cast %get3A_688 : vector<1x16xi32> to vector<16xi32>
      %add3A_690 = arith.constant 16384 : i32
      %add3A_691 = vector.broadcast %add3A_690 : i32 to vector<16xi32>
      %add3A_692 = arith.addi %get3A_689, %add3A_691 : vector<16xi32>
      %swap3A_693 = arith.index_cast %scan3A_627 : i32 to index
      %swap3A_694 = arith.constant 80 : index
      %swap3A_695 = tpu.vector_load %arg8[%swap3A_693, %swap3A_694] {strides = array<i32>} : memref<64x128xi32, #tpu.memory_space<vmem>>, vector<1x16xi32>,
      %swap3A_696 = vector.shape_cast %swap3A_695 : vector<1x16xi32> to vector<16xi32>
      %swap3A_697 = vector.shape_cast %add3A_692 : vector<16xi32> to vector<1x16xi32>
      tpu.vector_store %arg8[%swap3A_693, %swap3A_694], %swap3A_697 {strides = array<i32>} : memref<64x128xi32, #tpu.memory_space<vmem>>, vector<1x16xi32>,
      %get3A_698 = arith.index_cast %scan3A_627 : i32 to index
      %get3A_699 = arith.constant 96 : index
      %get3A_700 = tpu.vector_load %arg8[%get3A_698, %get3A_699] {strides = array<i32>} : memref<64x128xi32, #tpu.memory_space<vmem>>, vector<1x16xi32>,
      %get3A_701 = vector.shape_cast %get3A_700 : vector<1x16xi32> to vector<16xi32>
      %add3A_702 = arith.constant 16384 : i32
      %add3A_703 = vector.broadcast %add3A_702 : i32 to vector<16xi32>
      %add3A_704 = arith.addi %get3A_701, %add3A_703 : vector<16xi32>
      %swap3A_705 = arith.index_cast %scan3A_627 : i32 to index
      %swap3A_706 = arith.constant 96 : index
      %swap3A_707 = tpu.vector_load %arg8[%swap3A_705, %swap3A_706] {strides = array<i32>} : memref<64x128xi32, #tpu.memory_space<vmem>>, vector<1x16xi32>,
      %swap3A_708 = vector.shape_cast %swap3A_707 : vector<1x16xi32> to vector<16xi32>
      %swap3A_709 = vector.shape_cast %add3A_704 : vector<16xi32> to vector<1x16xi32>
      tpu.vector_store %arg8[%swap3A_705, %swap3A_706], %swap3A_709 {strides = array<i32>} : memref<64x128xi32, #tpu.memory_space<vmem>>, vector<1x16xi32>,
      %get3A_710 = arith.index_cast %scan3A_627 : i32 to index
      %get3A_711 = arith.constant 112 : index
      %get3A_712 = tpu.vector_load %arg8[%get3A_710, %get3A_711] {strides = array<i32>} : memref<64x128xi32, #tpu.memory_space<vmem>>, vector<1x16xi32>,
      %get3A_713 = vector.shape_cast %get3A_712 : vector<1x16xi32> to vector<16xi32>
      %add3A_714 = arith.constant 16384 : i32
      %add3A_715 = vector.broadcast %add3A_714 : i32 to vector<16xi32>
      %add3A_716 = arith.addi %get3A_713, %add3A_715 : vector<16xi32>
      %swap3A_717 = arith.index_cast %scan3A_627 : i32 to index
      %swap3A_718 = arith.constant 112 : index
      %swap3A_719 = tpu.vector_load %arg8[%swap3A_717, %swap3A_718] {strides = array<i32>} : memref<64x128xi32, #tpu.memory_space<vmem>>, vector<1x16xi32>,
      %swap3A_720 = vector.shape_cast %swap3A_719 : vector<1x16xi32> to vector<16xi32>
      %swap3A_721 = vector.shape_cast %add3A_716 : vector<16xi32> to vector<1x16xi32>
      tpu.vector_store %arg8[%swap3A_717, %swap3A_718], %swap3A_721 {strides = array<i32>} : memref<64x128xi32, #tpu.memory_space<vmem>>, vector<1x16xi32>,
    }
    %scan3A_470 = arith.constant 64 : i32
    %dma_start3A_471 = arith.constant 0 : i32
    %dma_start3A_472 = arith.constant 0 : i32
    %dma_start3A_473 = tpu.memref_slice %arg8[%dma_start3A_471, %dma_start3A_472] : memref<64x128xi32, #tpu.memory_space<vmem>> -> memref<1x128xi32, #tpu.memory_space<vmem>>
    %dma_start3A_474 = tpu.memref_squeeze %dma_start3A_473 : memref<1x128xi32, #tpu.memory_space<vmem>> -> memref<128xi32, #tpu.memory_space<vmem>>
    %dma_start3A_475 = arith.constant 0 : i32
    %dma_start3A_476 = arith.constant 0 : i32
    %dma_start3A_477 = tpu.memref_slice %arg2[%dma_start3A_475, %dma_start3A_476] : memref<65536x64xf32, #tpu.memory_space<hbm>> -> memref<65536x64xf32, #tpu.memory_space<hbm>>
    tpu.enqueue_indirect_dma source(%dma_start3A_477 : memref<65536x64xf32, #tpu.memory_space<hbm>>) target(%arg11 : memref<128x64xf32, #tpu.memory_space<vmem>>) offsets(%dma_start3A_474 : memref<128xi32, #tpu.memory_space<vmem>>) semaphore(%arg19 : memref<!tpu.dma_semaphore, #tpu.memory_space<semaphore_mem>>)
    %dma_start3A_478 = arith.constant 1 : i32
    %dma_start3A_479 = arith.constant 0 : i32
    %dma_start3A_480 = tpu.memref_slice %arg8[%dma_start3A_478, %dma_start3A_479] : memref<64x128xi32, #tpu.memory_space<vmem>> -> memref<1x128xi32, #tpu.memory_space<vmem>>
    %dma_start3A_481 = tpu.memref_squeeze %dma_start3A_480 : memref<1x128xi32, #tpu.memory_space<vmem>> -> memref<128xi32, #tpu.memory_space<vmem>>
    %dma_start3A_482 = arith.constant 0 : i32
    %dma_start3A_483 = arith.constant 0 : i32
    %dma_start3A_484 = tpu.memref_slice %arg2[%dma_start3A_482, %dma_start3A_483] : memref<65536x64xf32, #tpu.memory_space<hbm>> -> memref<65536x64xf32, #tpu.memory_space<hbm>>
    tpu.enqueue_indirect_dma source(%dma_start3A_484 : memref<65536x64xf32, #tpu.memory_space<hbm>>) target(%arg12 : memref<128x64xf32, #tpu.memory_space<vmem>>) offsets(%dma_start3A_481 : memref<128xi32, #tpu.memory_space<vmem>>) semaphore(%arg20 : memref<!tpu.dma_semaphore, #tpu.memory_space<semaphore_mem>>)
    %dma_start3A_485 = arith.constant 2 : i32
    %dma_start3A_486 = arith.constant 0 : i32
    %dma_start3A_487 = tpu.memref_slice %arg8[%dma_start3A_485, %dma_start3A_486] : memref<64x128xi32, #tpu.memory_space<vmem>> -> memref<1x128xi32, #tpu.memory_space<vmem>>
    %dma_start3A_488 = tpu.memref_squeeze %dma_start3A_487 : memref<1x128xi32, #tpu.memory_space<vmem>> -> memref<128xi32, #tpu.memory_space<vmem>>
    %dma_start3A_489 = arith.constant 0 : i32
    %dma_start3A_490 = arith.constant 0 : i32
    %dma_start3A_491 = tpu.memref_slice %arg2[%dma_start3A_489, %dma_start3A_490] : memref<65536x64xf32, #tpu.memory_space<hbm>> -> memref<65536x64xf32, #tpu.memory_space<hbm>>
    tpu.enqueue_indirect_dma source(%dma_start3A_491 : memref<65536x64xf32, #tpu.memory_space<hbm>>) target(%arg13 : memref<128x64xf32, #tpu.memory_space<vmem>>) offsets(%dma_start3A_488 : memref<128xi32, #tpu.memory_space<vmem>>) semaphore(%arg21 : memref<!tpu.dma_semaphore, #tpu.memory_space<semaphore_mem>>)
    %dma_start3A_492 = arith.constant 3 : i32
    %dma_start3A_493 = arith.constant 0 : i32
    %dma_start3A_494 = tpu.memref_slice %arg8[%dma_start3A_492, %dma_start3A_493] : memref<64x128xi32, #tpu.memory_space<vmem>> -> memref<1x128xi32, #tpu.memory_space<vmem>>
    %dma_start3A_495 = tpu.memref_squeeze %dma_start3A_494 : memref<1x128xi32, #tpu.memory_space<vmem>> -> memref<128xi32, #tpu.memory_space<vmem>>
    %dma_start3A_496 = arith.constant 0 : i32
    %dma_start3A_497 = arith.constant 0 : i32
    %dma_start3A_498 = tpu.memref_slice %arg2[%dma_start3A_496, %dma_start3A_497] : memref<65536x64xf32, #tpu.memory_space<hbm>> -> memref<65536x64xf32, #tpu.memory_space<hbm>>
    tpu.enqueue_indirect_dma source(%dma_start3A_498 : memref<65536x64xf32, #tpu.memory_space<hbm>>) target(%arg14 : memref<128x64xf32, #tpu.memory_space<vmem>>) offsets(%dma_start3A_495 : memref<128xi32, #tpu.memory_space<vmem>>) semaphore(%arg22 : memref<!tpu.dma_semaphore, #tpu.memory_space<semaphore_mem>>)
    %dma_start3A_499 = arith.constant 4 : i32
    %dma_start3A_500 = arith.constant 0 : i32
    %dma_start3A_501 = tpu.memref_slice %arg8[%dma_start3A_499, %dma_start3A_500] : memref<64x128xi32, #tpu.memory_space<vmem>> -> memref<1x128xi32, #tpu.memory_space<vmem>>
    %dma_start3A_502 = tpu.memref_squeeze %dma_start3A_501 : memref<1x128xi32, #tpu.memory_space<vmem>> -> memref<128xi32, #tpu.memory_space<vmem>>
    %dma_start3A_503 = arith.constant 0 : i32
    %dma_start3A_504 = arith.constant 0 : i32
    %dma_start3A_505 = tpu.memref_slice %arg2[%dma_start3A_503, %dma_start3A_504] : memref<65536x64xf32, #tpu.memory_space<hbm>> -> memref<65536x64xf32, #tpu.memory_space<hbm>>
    tpu.enqueue_indirect_dma source(%dma_start3A_505 : memref<65536x64xf32, #tpu.memory_space<hbm>>) target(%arg15 : memref<128x64xf32, #tpu.memory_space<vmem>>) offsets(%dma_start3A_502 : memref<128xi32, #tpu.memory_space<vmem>>) semaphore(%arg23 : memref<!tpu.dma_semaphore, #tpu.memory_space<semaphore_mem>>)
    %dma_start3A_506 = arith.constant 5 : i32
    %dma_start3A_507 = arith.constant 0 : i32
    %dma_start3A_508 = tpu.memref_slice %arg8[%dma_start3A_506, %dma_start3A_507] : memref<64x128xi32, #tpu.memory_space<vmem>> -> memref<1x128xi32, #tpu.memory_space<vmem>>
    %dma_start3A_509 = tpu.memref_squeeze %dma_start3A_508 : memref<1x128xi32, #tpu.memory_space<vmem>> -> memref<128xi32, #tpu.memory_space<vmem>>
    %dma_start3A_510 = arith.constant 0 : i32
    %dma_start3A_511 = arith.constant 0 : i32
    %dma_start3A_512 = tpu.memref_slice %arg2[%dma_start3A_510, %dma_start3A_511] : memref<65536x64xf32, #tpu.memory_space<hbm>> -> memref<65536x64xf32, #tpu.memory_space<hbm>>
    tpu.enqueue_indirect_dma source(%dma_start3A_512 : memref<65536x64xf32, #tpu.memory_space<hbm>>) target(%arg16 : memref<128x64xf32, #tpu.memory_space<vmem>>) offsets(%dma_start3A_509 : memref<128xi32, #tpu.memory_space<vmem>>) semaphore(%arg24 : memref<!tpu.dma_semaphore, #tpu.memory_space<semaphore_mem>>)
    %dma_start3A_513 = arith.constant 6 : i32
    %dma_start3A_514 = arith.constant 0 : i32
    %dma_start3A_515 = tpu.memref_slice %arg8[%dma_start3A_513, %dma_start3A_514] : memref<64x128xi32, #tpu.memory_space<vmem>> -> memref<1x128xi32, #tpu.memory_space<vmem>>
    %dma_start3A_516 = tpu.memref_squeeze %dma_start3A_515 : memref<1x128xi32, #tpu.memory_space<vmem>> -> memref<128xi32, #tpu.memory_space<vmem>>
    %dma_start3A_517 = arith.constant 0 : i32
    %dma_start3A_518 = arith.constant 0 : i32
    %dma_start3A_519 = tpu.memref_slice %arg2[%dma_start3A_517, %dma_start3A_518] : memref<65536x64xf32, #tpu.memory_space<hbm>> -> memref<65536x64xf32, #tpu.memory_space<hbm>>
    tpu.enqueue_indirect_dma source(%dma_start3A_519 : memref<65536x64xf32, #tpu.memory_space<hbm>>) target(%arg17 : memref<128x64xf32, #tpu.memory_space<vmem>>) offsets(%dma_start3A_516 : memref<128xi32, #tpu.memory_space<vmem>>) semaphore(%arg25 : memref<!tpu.dma_semaphore, #tpu.memory_space<semaphore_mem>>)
    %dma_start3A_520 = arith.constant 7 : i32
    %dma_start3A_521 = arith.constant 0 : i32
    %dma_start3A_522 = tpu.memref_slice %arg8[%dma_start3A_520, %dma_start3A_521] : memref<64x128xi32, #tpu.memory_space<vmem>> -> memref<1x128xi32, #tpu.memory_space<vmem>>
    %dma_start3A_523 = tpu.memref_squeeze %dma_start3A_522 : memref<1x128xi32, #tpu.memory_space<vmem>> -> memref<128xi32, #tpu.memory_space<vmem>>
    %dma_start3A_524 = arith.constant 0 : i32
    %dma_start3A_525 = arith.constant 0 : i32
    %dma_start3A_526 = tpu.memref_slice %arg2[%dma_start3A_524, %dma_start3A_525] : memref<65536x64xf32, #tpu.memory_space<hbm>> -> memref<65536x64xf32, #tpu.memory_space<hbm>>
    tpu.enqueue_indirect_dma source(%dma_start3A_526 : memref<65536x64xf32, #tpu.memory_space<hbm>>) target(%arg18 : memref<128x64xf32, #tpu.memory_space<vmem>>) offsets(%dma_start3A_523 : memref<128xi32, #tpu.memory_space<vmem>>) semaphore(%arg26 : memref<!tpu.dma_semaphore, #tpu.memory_space<semaphore_mem>>)
    %dma_wait3A_527 = arith.constant 0 : i32
    %dma_wait3A_528 = tpu.memref_slice %arg5[%add3A_461, %dma_wait3A_527] : memref<65536x64xf32, #tpu.memory_space<hbm>> -> memref<512x64xf32, #tpu.memory_space<hbm>>
    %dma_wait3A_529 = arith.constant 0 : i32
    %dma_wait3A_530 = tpu.memref_slice %arg10[%mul3A_456, %dma_wait3A_529] : memref<8192x64xf32, #tpu.memory_space<vmem_shared>> -> memref<512x64xf32, #tpu.memory_space<vmem_shared>>
    tpu.wait_dma2 semaphore(%arg35 : memref<!tpu.dma_semaphore, #tpu.memory_space<semaphore_mem>>) src(%dma_wait3A_530 : memref<512x64xf32, #tpu.memory_space<vmem_shared>>) dst(%dma_wait3A_528 : memref<512x64xf32, #tpu.memory_space<hbm>>)
    %mul3A_531 = arith.constant 512 : i32
    %mul3A_532 = arith.muli %arg1, %mul3A_531 : i32
    %add3A_533 = arith.constant 0 : i32
    %add3A_534 = arith.addi %mul3A_532, %add3A_533 : i32
    "tpu.region"() ({
      %run_scoped3A = tpu.sem_alloc : memref<!tpu.dma_semaphore, #tpu.memory_space<semaphore_mem>>
      %dma_start3A_627 = arith.constant 0 : i32
      %dma_start3A_628 = tpu.memref_slice %arg10[%add3A_534, %dma_start3A_627] : memref<8192x64xf32, #tpu.memory_space<vmem_shared>> -> memref<128x64xf32, #tpu.memory_space<vmem_shared>>
      %dma_start3A_629 = arith.constant 0 : i32
      %dma_start3A_630 = tpu.memref_slice %arg10[%add3A_534, %dma_start3A_629] : memref<8192x64xf32, #tpu.memory_space<vmem_shared>> -> memref<128x64xf32, #tpu.memory_space<vmem_shared>>
      tpu.enqueue_dma source(%arg9 : memref<128x64xf32, #tpu.memory_space<vmem>>) target(%dma_start3A_630 : memref<128x64xf32, #tpu.memory_space<vmem_shared>>) target_semaphore(%run_scoped3A : memref<!tpu.dma_semaphore, #tpu.memory_space<semaphore_mem>>)
      %dma_wait3A_631 = arith.constant 0 : i32
      %dma_wait3A_632 = tpu.memref_slice %arg10[%add3A_534, %dma_wait3A_631] : memref<8192x64xf32, #tpu.memory_space<vmem_shared>> -> memref<128x64xf32, #tpu.memory_space<vmem_shared>>
      %dma_wait3A_633 = arith.constant 0 : i32
      %dma_wait3A_634 = tpu.memref_slice %arg10[%add3A_534, %dma_wait3A_633] : memref<8192x64xf32, #tpu.memory_space<vmem_shared>> -> memref<128x64xf32, #tpu.memory_space<vmem_shared>>
      tpu.wait_dma2 semaphore(%run_scoped3A : memref<!tpu.dma_semaphore, #tpu.memory_space<semaphore_mem>>) src(%arg9 : memref<128x64xf32, #tpu.memory_space<vmem>>) dst(%dma_wait3A_634 : memref<128x64xf32, #tpu.memory_space<vmem_shared>>)
      tpu.yield
    }) : () -> ()
    %mul3A_535 = arith.constant 512 : i32
    %mul3A_536 = arith.muli %arg1, %mul3A_535 : i32
    %add3A_537 = arith.constant 128 : i32
    %add3A_538 = arith.addi %mul3A_536, %add3A_537 : i32
    "tpu.region"() ({
      %run_scoped3A = tpu.sem_alloc : memref<!tpu.dma_semaphore, #tpu.memory_space<semaphore_mem>>
      %dma_start3A_627 = arith.constant 0 : i32
      %dma_start3A_628 = tpu.memref_slice %arg10[%add3A_538, %dma_start3A_627] : memref<8192x64xf32, #tpu.memory_space<vmem_shared>> -> memref<128x64xf32, #tpu.memory_space<vmem_shared>>
      %dma_start3A_629 = arith.constant 0 : i32
      %dma_start3A_630 = tpu.memref_slice %arg10[%add3A_538, %dma_start3A_629] : memref<8192x64xf32, #tpu.memory_space<vmem_shared>> -> memref<128x64xf32, #tpu.memory_space<vmem_shared>>
      tpu.enqueue_dma source(%arg9 : memref<128x64xf32, #tpu.memory_space<vmem>>) target(%dma_start3A_630 : memref<128x64xf32, #tpu.memory_space<vmem_shared>>) target_semaphore(%run_scoped3A : memref<!tpu.dma_semaphore, #tpu.memory_space<semaphore_mem>>)
      %dma_wait3A_631 = arith.constant 0 : i32
      %dma_wait3A_632 = tpu.memref_slice %arg10[%add3A_538, %dma_wait3A_631] : memref<8192x64xf32, #tpu.memory_space<vmem_shared>> -> memref<128x64xf32, #tpu.memory_space<vmem_shared>>
      %dma_wait3A_633 = arith.constant 0 : i32
      %dma_wait3A_634 = tpu.memref_slice %arg10[%add3A_538, %dma_wait3A_633] : memref<8192x64xf32, #tpu.memory_space<vmem_shared>> -> memref<128x64xf32, #tpu.memory_space<vmem_shared>>
      tpu.wait_dma2 semaphore(%run_scoped3A : memref<!tpu.dma_semaphore, #tpu.memory_space<semaphore_mem>>) src(%arg9 : memref<128x64xf32, #tpu.memory_space<vmem>>) dst(%dma_wait3A_634 : memref<128x64xf32, #tpu.memory_space<vmem_shared>>)
      tpu.yield
    }) : () -> ()
    %mul3A_539 = arith.constant 512 : i32
    %mul3A_540 = arith.muli %arg1, %mul3A_539 : i32
    %add3A_541 = arith.constant 256 : i32
    %add3A_542 = arith.addi %mul3A_540, %add3A_541 : i32
    "tpu.region"() ({
      %run_scoped3A = tpu.sem_alloc : memref<!tpu.dma_semaphore, #tpu.memory_space<semaphore_mem>>
      %dma_start3A_627 = arith.constant 0 : i32
      %dma_start3A_628 = tpu.memref_slice %arg10[%add3A_542, %dma_start3A_627] : memref<8192x64xf32, #tpu.memory_space<vmem_shared>> -> memref<128x64xf32, #tpu.memory_space<vmem_shared>>
      %dma_start3A_629 = arith.constant 0 : i32
      %dma_start3A_630 = tpu.memref_slice %arg10[%add3A_542, %dma_start3A_629] : memref<8192x64xf32, #tpu.memory_space<vmem_shared>> -> memref<128x64xf32, #tpu.memory_space<vmem_shared>>
      tpu.enqueue_dma source(%arg9 : memref<128x64xf32, #tpu.memory_space<vmem>>) target(%dma_start3A_630 : memref<128x64xf32, #tpu.memory_space<vmem_shared>>) target_semaphore(%run_scoped3A : memref<!tpu.dma_semaphore, #tpu.memory_space<semaphore_mem>>)
      %dma_wait3A_631 = arith.constant 0 : i32
      %dma_wait3A_632 = tpu.memref_slice %arg10[%add3A_542, %dma_wait3A_631] : memref<8192x64xf32, #tpu.memory_space<vmem_shared>> -> memref<128x64xf32, #tpu.memory_space<vmem_shared>>
      %dma_wait3A_633 = arith.constant 0 : i32
      %dma_wait3A_634 = tpu.memref_slice %arg10[%add3A_542, %dma_wait3A_633] : memref<8192x64xf32, #tpu.memory_space<vmem_shared>> -> memref<128x64xf32, #tpu.memory_space<vmem_shared>>
      tpu.wait_dma2 semaphore(%run_scoped3A : memref<!tpu.dma_semaphore, #tpu.memory_space<semaphore_mem>>) src(%arg9 : memref<128x64xf32, #tpu.memory_space<vmem>>) dst(%dma_wait3A_634 : memref<128x64xf32, #tpu.memory_space<vmem_shared>>)
      tpu.yield
    }) : () -> ()
    %mul3A_543 = arith.constant 512 : i32
    %mul3A_544 = arith.muli %arg1, %mul3A_543 : i32
    %add3A_545 = arith.constant 384 : i32
    %add3A_546 = arith.addi %mul3A_544, %add3A_545 : i32
    "tpu.region"() ({
      %run_scoped3A = tpu.sem_alloc : memref<!tpu.dma_semaphore, #tpu.memory_space<semaphore_mem>>
      %dma_start3A_627 = arith.constant 0 : i32
      %dma_start3A_628 = tpu.memref_slice %arg10[%add3A_546, %dma_start3A_627] : memref<8192x64xf32, #tpu.memory_space<vmem_shared>> -> memref<128x64xf32, #tpu.memory_space<vmem_shared>>
      %dma_start3A_629 = arith.constant 0 : i32
      %dma_start3A_630 = tpu.memref_slice %arg10[%add3A_546, %dma_start3A_629] : memref<8192x64xf32, #tpu.memory_space<vmem_shared>> -> memref<128x64xf32, #tpu.memory_space<vmem_shared>>
      tpu.enqueue_dma source(%arg9 : memref<128x64xf32, #tpu.memory_space<vmem>>) target(%dma_start3A_630 : memref<128x64xf32, #tpu.memory_space<vmem_shared>>) target_semaphore(%run_scoped3A : memref<!tpu.dma_semaphore, #tpu.memory_space<semaphore_mem>>)
      %dma_wait3A_631 = arith.constant 0 : i32
      %dma_wait3A_632 = tpu.memref_slice %arg10[%add3A_546, %dma_wait3A_631] : memref<8192x64xf32, #tpu.memory_space<vmem_shared>> -> memref<128x64xf32, #tpu.memory_space<vmem_shared>>
      %dma_wait3A_633 = arith.constant 0 : i32
      %dma_wait3A_634 = tpu.memref_slice %arg10[%add3A_546, %dma_wait3A_633] : memref<8192x64xf32, #tpu.memory_space<vmem_shared>> -> memref<128x64xf32, #tpu.memory_space<vmem_shared>>
      tpu.wait_dma2 semaphore(%run_scoped3A : memref<!tpu.dma_semaphore, #tpu.memory_space<semaphore_mem>>) src(%arg9 : memref<128x64xf32, #tpu.memory_space<vmem>>) dst(%dma_wait3A_634 : memref<128x64xf32, #tpu.memory_space<vmem_shared>>)
      tpu.yield
    }) : () -> ()
    %barrier3A_547 = arith.constant 0 : index
    tpu.barrier barrier_id(%barrier3A_547)
    %add3A_548 = arith.constant 6 : i32
    %add3A_549 = arith.addi %add3A_548, %arg0 : i32
    %scan3A_550 = arith.constant 0 : i32
    %scan3A_551 = arith.constant 8 : i32
    %scan3A_552 = arith.addi %scan3A_550, %scan3A_551 : i32
    %scan3A_553 = arith.constant 1 : i32
    scf.for %scan3A_627 = %scan3A_550 to %scan3A_552 step %scan3A_553  : i32 {
      %mul3A_628 = arith.constant 8 : i32
      %mul3A_629 = arith.muli %scan3A_627, %mul3A_628 : i32
      %add3A_630 = arith.constant 0 : i32
      %add3A_631 = arith.addi %mul3A_629, %add3A_630 : i32
      %dma_wait3A_632 = arith.constant 0 : i32
      %dma_wait3A_633 = tpu.memref_slice %arg8[%add3A_631, %dma_wait3A_632] : memref<64x128xi32, #tpu.memory_space<vmem>> -> memref<1x128xi32, #tpu.memory_space<vmem>>
      %dma_wait3A_634 = tpu.memref_squeeze %dma_wait3A_633 : memref<1x128xi32, #tpu.memory_space<vmem>> -> memref<128xi32, #tpu.memory_space<vmem>>
      %dma_wait3A_635 = arith.constant 0 : i32
      %dma_wait3A_636 = arith.constant 0 : i32
      %dma_wait3A_637 = tpu.memref_slice %arg2[%dma_wait3A_635, %dma_wait3A_636] : memref<65536x64xf32, #tpu.memory_space<hbm>> -> memref<65536x64xf32, #tpu.memory_space<hbm>>
      tpu.wait_indirect_dma semaphore(%arg19 : memref<!tpu.dma_semaphore, #tpu.memory_space<semaphore_mem>>) src(%dma_wait3A_637 : memref<65536x64xf32, #tpu.memory_space<hbm>>) dst(%arg11 : memref<128x64xf32, #tpu.memory_space<vmem>>)
      %dma_start3A_638 = arith.constant 0 : i32
      %dma_start3A_639 = tpu.memref_slice %arg7[%add3A_631, %dma_start3A_638] : memref<64x128xi32, #tpu.memory_space<vmem>> -> memref<1x128xi32, #tpu.memory_space<vmem>>
      %dma_start3A_640 = tpu.memref_squeeze %dma_start3A_639 : memref<1x128xi32, #tpu.memory_space<vmem>> -> memref<128xi32, #tpu.memory_space<vmem>>
      %dma_start3A_641 = arith.constant 0 : i32
      %dma_start3A_642 = arith.constant 0 : i32
      %dma_start3A_643 = tpu.memref_slice %arg10[%dma_start3A_641, %dma_start3A_642] : memref<8192x64xf32, #tpu.memory_space<vmem_shared>> -> memref<8192x64xf32, #tpu.memory_space<vmem_shared>>
      tpu.enqueue_indirect_dma source(%arg11 : memref<128x64xf32, #tpu.memory_space<vmem>>) target(%dma_start3A_643 : memref<8192x64xf32, #tpu.memory_space<vmem_shared>>) offsets(%dma_start3A_640 : memref<128xi32, #tpu.memory_space<vmem>>) semaphore(%arg27 : memref<!tpu.dma_semaphore, #tpu.memory_space<semaphore_mem>>) {add = true}
      %mul3A_644 = arith.constant 8 : i32
      %mul3A_645 = arith.muli %scan3A_627, %mul3A_644 : i32
      %add3A_646 = arith.constant 1 : i32
      %add3A_647 = arith.addi %mul3A_645, %add3A_646 : i32
      %dma_wait3A_648 = arith.constant 0 : i32
      %dma_wait3A_649 = tpu.memref_slice %arg8[%add3A_647, %dma_wait3A_648] : memref<64x128xi32, #tpu.memory_space<vmem>> -> memref<1x128xi32, #tpu.memory_space<vmem>>
      %dma_wait3A_650 = tpu.memref_squeeze %dma_wait3A_649 : memref<1x128xi32, #tpu.memory_space<vmem>> -> memref<128xi32, #tpu.memory_space<vmem>>
      %dma_wait3A_651 = arith.constant 0 : i32
      %dma_wait3A_652 = arith.constant 0 : i32
      %dma_wait3A_653 = tpu.memref_slice %arg2[%dma_wait3A_651, %dma_wait3A_652] : memref<65536x64xf32, #tpu.memory_space<hbm>> -> memref<65536x64xf32, #tpu.memory_space<hbm>>
      tpu.wait_indirect_dma semaphore(%arg20 : memref<!tpu.dma_semaphore, #tpu.memory_space<semaphore_mem>>) src(%dma_wait3A_653 : memref<65536x64xf32, #tpu.memory_space<hbm>>) dst(%arg12 : memref<128x64xf32, #tpu.memory_space<vmem>>)
      %dma_start3A_654 = arith.constant 0 : i32
      %dma_start3A_655 = tpu.memref_slice %arg7[%add3A_647, %dma_start3A_654] : memref<64x128xi32, #tpu.memory_space<vmem>> -> memref<1x128xi32, #tpu.memory_space<vmem>>
      %dma_start3A_656 = tpu.memref_squeeze %dma_start3A_655 : memref<1x128xi32, #tpu.memory_space<vmem>> -> memref<128xi32, #tpu.memory_space<vmem>>
      %dma_start3A_657 = arith.constant 0 : i32
      %dma_start3A_658 = arith.constant 0 : i32
      %dma_start3A_659 = tpu.memref_slice %arg10[%dma_start3A_657, %dma_start3A_658] : memref<8192x64xf32, #tpu.memory_space<vmem_shared>> -> memref<8192x64xf32, #tpu.memory_space<vmem_shared>>
      tpu.enqueue_indirect_dma source(%arg12 : memref<128x64xf32, #tpu.memory_space<vmem>>) target(%dma_start3A_659 : memref<8192x64xf32, #tpu.memory_space<vmem_shared>>) offsets(%dma_start3A_656 : memref<128xi32, #tpu.memory_space<vmem>>) semaphore(%arg28 : memref<!tpu.dma_semaphore, #tpu.memory_space<semaphore_mem>>) {add = true}
      %mul3A_660 = arith.constant 8 : i32
      %mul3A_661 = arith.muli %scan3A_627, %mul3A_660 : i32
      %add3A_662 = arith.constant 2 : i32
      %add3A_663 = arith.addi %mul3A_661, %add3A_662 : i32
      %dma_wait3A_664 = arith.constant 0 : i32
      %dma_wait3A_665 = tpu.memref_slice %arg8[%add3A_663, %dma_wait3A_664] : memref<64x128xi32, #tpu.memory_space<vmem>> -> memref<1x128xi32, #tpu.memory_space<vmem>>
      %dma_wait3A_666 = tpu.memref_squeeze %dma_wait3A_665 : memref<1x128xi32, #tpu.memory_space<vmem>> -> memref<128xi32, #tpu.memory_space<vmem>>
      %dma_wait3A_667 = arith.constant 0 : i32
      %dma_wait3A_668 = arith.constant 0 : i32
      %dma_wait3A_669 = tpu.memref_slice %arg2[%dma_wait3A_667, %dma_wait3A_668] : memref<65536x64xf32, #tpu.memory_space<hbm>> -> memref<65536x64xf32, #tpu.memory_space<hbm>>
      tpu.wait_indirect_dma semaphore(%arg21 : memref<!tpu.dma_semaphore, #tpu.memory_space<semaphore_mem>>) src(%dma_wait3A_669 : memref<65536x64xf32, #tpu.memory_space<hbm>>) dst(%arg13 : memref<128x64xf32, #tpu.memory_space<vmem>>)
      %dma_start3A_670 = arith.constant 0 : i32
      %dma_start3A_671 = tpu.memref_slice %arg7[%add3A_663, %dma_start3A_670] : memref<64x128xi32, #tpu.memory_space<vmem>> -> memref<1x128xi32, #tpu.memory_space<vmem>>
      %dma_start3A_672 = tpu.memref_squeeze %dma_start3A_671 : memref<1x128xi32, #tpu.memory_space<vmem>> -> memref<128xi32, #tpu.memory_space<vmem>>
      %dma_start3A_673 = arith.constant 0 : i32
      %dma_start3A_674 = arith.constant 0 : i32
      %dma_start3A_675 = tpu.memref_slice %arg10[%dma_start3A_673, %dma_start3A_674] : memref<8192x64xf32, #tpu.memory_space<vmem_shared>> -> memref<8192x64xf32, #tpu.memory_space<vmem_shared>>
      tpu.enqueue_indirect_dma source(%arg13 : memref<128x64xf32, #tpu.memory_space<vmem>>) target(%dma_start3A_675 : memref<8192x64xf32, #tpu.memory_space<vmem_shared>>) offsets(%dma_start3A_672 : memref<128xi32, #tpu.memory_space<vmem>>) semaphore(%arg29 : memref<!tpu.dma_semaphore, #tpu.memory_space<semaphore_mem>>) {add = true}
      %mul3A_676 = arith.constant 8 : i32
      %mul3A_677 = arith.muli %scan3A_627, %mul3A_676 : i32
      %add3A_678 = arith.constant 3 : i32
      %add3A_679 = arith.addi %mul3A_677, %add3A_678 : i32
      %dma_wait3A_680 = arith.constant 0 : i32
      %dma_wait3A_681 = tpu.memref_slice %arg8[%add3A_679, %dma_wait3A_680] : memref<64x128xi32, #tpu.memory_space<vmem>> -> memref<1x128xi32, #tpu.memory_space<vmem>>
      %dma_wait3A_682 = tpu.memref_squeeze %dma_wait3A_681 : memref<1x128xi32, #tpu.memory_space<vmem>> -> memref<128xi32, #tpu.memory_space<vmem>>
      %dma_wait3A_683 = arith.constant 0 : i32
      %dma_wait3A_684 = arith.constant 0 : i32
      %dma_wait3A_685 = tpu.memref_slice %arg2[%dma_wait3A_683, %dma_wait3A_684] : memref<65536x64xf32, #tpu.memory_space<hbm>> -> memref<65536x64xf32, #tpu.memory_space<hbm>>
      tpu.wait_indirect_dma semaphore(%arg22 : memref<!tpu.dma_semaphore, #tpu.memory_space<semaphore_mem>>) src(%dma_wait3A_685 : memref<65536x64xf32, #tpu.memory_space<hbm>>) dst(%arg14 : memref<128x64xf32, #tpu.memory_space<vmem>>)
      %dma_start3A_686 = arith.constant 0 : i32
      %dma_start3A_687 = tpu.memref_slice %arg7[%add3A_679, %dma_start3A_686] : memref<64x128xi32, #tpu.memory_space<vmem>> -> memref<1x128xi32, #tpu.memory_space<vmem>>
      %dma_start3A_688 = tpu.memref_squeeze %dma_start3A_687 : memref<1x128xi32, #tpu.memory_space<vmem>> -> memref<128xi32, #tpu.memory_space<vmem>>
      %dma_start3A_689 = arith.constant 0 : i32
      %dma_start3A_690 = arith.constant 0 : i32
      %dma_start3A_691 = tpu.memref_slice %arg10[%dma_start3A_689, %dma_start3A_690] : memref<8192x64xf32, #tpu.memory_space<vmem_shared>> -> memref<8192x64xf32, #tpu.memory_space<vmem_shared>>
      tpu.enqueue_indirect_dma source(%arg14 : memref<128x64xf32, #tpu.memory_space<vmem>>) target(%dma_start3A_691 : memref<8192x64xf32, #tpu.memory_space<vmem_shared>>) offsets(%dma_start3A_688 : memref<128xi32, #tpu.memory_space<vmem>>) semaphore(%arg30 : memref<!tpu.dma_semaphore, #tpu.memory_space<semaphore_mem>>) {add = true}
      %mul3A_692 = arith.constant 8 : i32
      %mul3A_693 = arith.muli %scan3A_627, %mul3A_692 : i32
      %add3A_694 = arith.constant 4 : i32
      %add3A_695 = arith.addi %mul3A_693, %add3A_694 : i32
      %dma_wait3A_696 = arith.constant 0 : i32
      %dma_wait3A_697 = tpu.memref_slice %arg8[%add3A_695, %dma_wait3A_696] : memref<64x128xi32, #tpu.memory_space<vmem>> -> memref<1x128xi32, #tpu.memory_space<vmem>>
      %dma_wait3A_698 = tpu.memref_squeeze %dma_wait3A_697 : memref<1x128xi32, #tpu.memory_space<vmem>> -> memref<128xi32, #tpu.memory_space<vmem>>
      %dma_wait3A_699 = arith.constant 0 : i32
      %dma_wait3A_700 = arith.constant 0 : i32
      %dma_wait3A_701 = tpu.memref_slice %arg2[%dma_wait3A_699, %dma_wait3A_700] : memref<65536x64xf32, #tpu.memory_space<hbm>> -> memref<65536x64xf32, #tpu.memory_space<hbm>>
      tpu.wait_indirect_dma semaphore(%arg23 : memref<!tpu.dma_semaphore, #tpu.memory_space<semaphore_mem>>) src(%dma_wait3A_701 : memref<65536x64xf32, #tpu.memory_space<hbm>>) dst(%arg15 : memref<128x64xf32, #tpu.memory_space<vmem>>)
      %dma_start3A_702 = arith.constant 0 : i32
      %dma_start3A_703 = tpu.memref_slice %arg7[%add3A_695, %dma_start3A_702] : memref<64x128xi32, #tpu.memory_space<vmem>> -> memref<1x128xi32, #tpu.memory_space<vmem>>
      %dma_start3A_704 = tpu.memref_squeeze %dma_start3A_703 : memref<1x128xi32, #tpu.memory_space<vmem>> -> memref<128xi32, #tpu.memory_space<vmem>>
      %dma_start3A_705 = arith.constant 0 : i32
      %dma_start3A_706 = arith.constant 0 : i32
      %dma_start3A_707 = tpu.memref_slice %arg10[%dma_start3A_705, %dma_start3A_706] : memref<8192x64xf32, #tpu.memory_space<vmem_shared>> -> memref<8192x64xf32, #tpu.memory_space<vmem_shared>>
      tpu.enqueue_indirect_dma source(%arg15 : memref<128x64xf32, #tpu.memory_space<vmem>>) target(%dma_start3A_707 : memref<8192x64xf32, #tpu.memory_space<vmem_shared>>) offsets(%dma_start3A_704 : memref<128xi32, #tpu.memory_space<vmem>>) semaphore(%arg31 : memref<!tpu.dma_semaphore, #tpu.memory_space<semaphore_mem>>) {add = true}
      %mul3A_708 = arith.constant 8 : i32
      %mul3A_709 = arith.muli %scan3A_627, %mul3A_708 : i32
      %add3A_710 = arith.constant 5 : i32
      %add3A_711 = arith.addi %mul3A_709, %add3A_710 : i32
      %dma_wait3A_712 = arith.constant 0 : i32
      %dma_wait3A_713 = tpu.memref_slice %arg8[%add3A_711, %dma_wait3A_712] : memref<64x128xi32, #tpu.memory_space<vmem>> -> memref<1x128xi32, #tpu.memory_space<vmem>>
      %dma_wait3A_714 = tpu.memref_squeeze %dma_wait3A_713 : memref<1x128xi32, #tpu.memory_space<vmem>> -> memref<128xi32, #tpu.memory_space<vmem>>
      %dma_wait3A_715 = arith.constant 0 : i32
      %dma_wait3A_716 = arith.constant 0 : i32
      %dma_wait3A_717 = tpu.memref_slice %arg2[%dma_wait3A_715, %dma_wait3A_716] : memref<65536x64xf32, #tpu.memory_space<hbm>> -> memref<65536x64xf32, #tpu.memory_space<hbm>>
      tpu.wait_indirect_dma semaphore(%arg24 : memref<!tpu.dma_semaphore, #tpu.memory_space<semaphore_mem>>) src(%dma_wait3A_717 : memref<65536x64xf32, #tpu.memory_space<hbm>>) dst(%arg16 : memref<128x64xf32, #tpu.memory_space<vmem>>)
      %dma_start3A_718 = arith.constant 0 : i32
      %dma_start3A_719 = tpu.memref_slice %arg7[%add3A_711, %dma_start3A_718] : memref<64x128xi32, #tpu.memory_space<vmem>> -> memref<1x128xi32, #tpu.memory_space<vmem>>
      %dma_start3A_720 = tpu.memref_squeeze %dma_start3A_719 : memref<1x128xi32, #tpu.memory_space<vmem>> -> memref<128xi32, #tpu.memory_space<vmem>>
      %dma_start3A_721 = arith.constant 0 : i32
      %dma_start3A_722 = arith.constant 0 : i32
      %dma_start3A_723 = tpu.memref_slice %arg10[%dma_start3A_721, %dma_start3A_722] : memref<8192x64xf32, #tpu.memory_space<vmem_shared>> -> memref<8192x64xf32, #tpu.memory_space<vmem_shared>>
      tpu.enqueue_indirect_dma source(%arg16 : memref<128x64xf32, #tpu.memory_space<vmem>>) target(%dma_start3A_723 : memref<8192x64xf32, #tpu.memory_space<vmem_shared>>) offsets(%dma_start3A_720 : memref<128xi32, #tpu.memory_space<vmem>>) semaphore(%arg32 : memref<!tpu.dma_semaphore, #tpu.memory_space<semaphore_mem>>) {add = true}
      %mul3A_724 = arith.constant 8 : i32
      %mul3A_725 = arith.muli %scan3A_627, %mul3A_724 : i32
      %add3A_726 = arith.constant 6 : i32
      %add3A_727 = arith.addi %mul3A_725, %add3A_726 : i32
      %dma_wait3A_728 = arith.constant 0 : i32
      %dma_wait3A_729 = tpu.memref_slice %arg8[%add3A_727, %dma_wait3A_728] : memref<64x128xi32, #tpu.memory_space<vmem>> -> memref<1x128xi32, #tpu.memory_space<vmem>>
      %dma_wait3A_730 = tpu.memref_squeeze %dma_wait3A_729 : memref<1x128xi32, #tpu.memory_space<vmem>> -> memref<128xi32, #tpu.memory_space<vmem>>
      %dma_wait3A_731 = arith.constant 0 : i32
      %dma_wait3A_732 = arith.constant 0 : i32
      %dma_wait3A_733 = tpu.memref_slice %arg2[%dma_wait3A_731, %dma_wait3A_732] : memref<65536x64xf32, #tpu.memory_space<hbm>> -> memref<65536x64xf32, #tpu.memory_space<hbm>>
      tpu.wait_indirect_dma semaphore(%arg25 : memref<!tpu.dma_semaphore, #tpu.memory_space<semaphore_mem>>) src(%dma_wait3A_733 : memref<65536x64xf32, #tpu.memory_space<hbm>>) dst(%arg17 : memref<128x64xf32, #tpu.memory_space<vmem>>)
      %dma_start3A_734 = arith.constant 0 : i32
      %dma_start3A_735 = tpu.memref_slice %arg7[%add3A_727, %dma_start3A_734] : memref<64x128xi32, #tpu.memory_space<vmem>> -> memref<1x128xi32, #tpu.memory_space<vmem>>
      %dma_start3A_736 = tpu.memref_squeeze %dma_start3A_735 : memref<1x128xi32, #tpu.memory_space<vmem>> -> memref<128xi32, #tpu.memory_space<vmem>>
      %dma_start3A_737 = arith.constant 0 : i32
      %dma_start3A_738 = arith.constant 0 : i32
      %dma_start3A_739 = tpu.memref_slice %arg10[%dma_start3A_737, %dma_start3A_738] : memref<8192x64xf32, #tpu.memory_space<vmem_shared>> -> memref<8192x64xf32, #tpu.memory_space<vmem_shared>>
      tpu.enqueue_indirect_dma source(%arg17 : memref<128x64xf32, #tpu.memory_space<vmem>>) target(%dma_start3A_739 : memref<8192x64xf32, #tpu.memory_space<vmem_shared>>) offsets(%dma_start3A_736 : memref<128xi32, #tpu.memory_space<vmem>>) semaphore(%arg33 : memref<!tpu.dma_semaphore, #tpu.memory_space<semaphore_mem>>) {add = true}
      %mul3A_740 = arith.constant 8 : i32
      %mul3A_741 = arith.muli %scan3A_627, %mul3A_740 : i32
      %add3A_742 = arith.constant 7 : i32
      %add3A_743 = arith.addi %mul3A_741, %add3A_742 : i32
      %dma_wait3A_744 = arith.constant 0 : i32
      %dma_wait3A_745 = tpu.memref_slice %arg8[%add3A_743, %dma_wait3A_744] : memref<64x128xi32, #tpu.memory_space<vmem>> -> memref<1x128xi32, #tpu.memory_space<vmem>>
      %dma_wait3A_746 = tpu.memref_squeeze %dma_wait3A_745 : memref<1x128xi32, #tpu.memory_space<vmem>> -> memref<128xi32, #tpu.memory_space<vmem>>
      %dma_wait3A_747 = arith.constant 0 : i32
      %dma_wait3A_748 = arith.constant 0 : i32
      %dma_wait3A_749 = tpu.memref_slice %arg2[%dma_wait3A_747, %dma_wait3A_748] : memref<65536x64xf32, #tpu.memory_space<hbm>> -> memref<65536x64xf32, #tpu.memory_space<hbm>>
      tpu.wait_indirect_dma semaphore(%arg26 : memref<!tpu.dma_semaphore, #tpu.memory_space<semaphore_mem>>) src(%dma_wait3A_749 : memref<65536x64xf32, #tpu.memory_space<hbm>>) dst(%arg18 : memref<128x64xf32, #tpu.memory_space<vmem>>)
      %dma_start3A_750 = arith.constant 0 : i32
      %dma_start3A_751 = tpu.memref_slice %arg7[%add3A_743, %dma_start3A_750] : memref<64x128xi32, #tpu.memory_space<vmem>> -> memref<1x128xi32, #tpu.memory_space<vmem>>
      %dma_start3A_752 = tpu.memref_squeeze %dma_start3A_751 : memref<1x128xi32, #tpu.memory_space<vmem>> -> memref<128xi32, #tpu.memory_space<vmem>>
      %dma_start3A_753 = arith.constant 0 : i32
      %dma_start3A_754 = arith.constant 0 : i32
      %dma_start3A_755 = tpu.memref_slice %arg10[%dma_start3A_753, %dma_start3A_754] : memref<8192x64xf32, #tpu.memory_space<vmem_shared>> -> memref<8192x64xf32, #tpu.memory_space<vmem_shared>>
      tpu.enqueue_indirect_dma source(%arg18 : memref<128x64xf32, #tpu.memory_space<vmem>>) target(%dma_start3A_755 : memref<8192x64xf32, #tpu.memory_space<vmem_shared>>) offsets(%dma_start3A_752 : memref<128xi32, #tpu.memory_space<vmem>>) semaphore(%arg34 : memref<!tpu.dma_semaphore, #tpu.memory_space<semaphore_mem>>) {add = true}
      %mul3A_756 = arith.constant 8 : i32
      %mul3A_757 = arith.muli %scan3A_627, %mul3A_756 : i32
      %add3A_758 = arith.constant 0 : i32
      %add3A_759 = arith.addi %mul3A_757, %add3A_758 : i32
      %lt3A = arith.constant 7 : i32
      %lt3A_760 = arith.cmpi slt, %scan3A_627, %lt3A : i32
      %convert_element_type3A = arith.extui %lt3A_760 : i1 to i32
      %cond3A = arith.constant 0 : i32
      %cond3A_761 = arith.cmpi ne, %convert_element_type3A, %cond3A : i32
      scf.if %cond3A_761 {
        %dma_wait3A_825 = arith.constant 0 : i32
        %dma_wait3A_826 = tpu.memref_slice %arg7[%add3A_759, %dma_wait3A_825] : memref<64x128xi32, #tpu.memory_space<vmem>> -> memref<1x128xi32, #tpu.memory_space<vmem>>
        %dma_wait3A_827 = tpu.memref_squeeze %dma_wait3A_826 : memref<1x128xi32, #tpu.memory_space<vmem>> -> memref<128xi32, #tpu.memory_space<vmem>>
        %dma_wait3A_828 = arith.constant 0 : i32
        %dma_wait3A_829 = arith.constant 0 : i32
        %dma_wait3A_830 = tpu.memref_slice %arg10[%dma_wait3A_828, %dma_wait3A_829] : memref<8192x64xf32, #tpu.memory_space<vmem_shared>> -> memref<8192x64xf32, #tpu.memory_space<vmem_shared>>
        tpu.wait_indirect_dma semaphore(%arg27 : memref<!tpu.dma_semaphore, #tpu.memory_space<semaphore_mem>>) src(%arg11 : memref<128x64xf32, #tpu.memory_space<vmem>>) dst(%dma_wait3A_830 : memref<8192x64xf32, #tpu.memory_space<vmem_shared>>)
        %add3A_831 = arith.constant 8 : i32
        %add3A_832 = arith.addi %add3A_759, %add3A_831 : i32
        %dma_start3A_833 = arith.constant 0 : i32
        %dma_start3A_834 = tpu.memref_slice %arg8[%add3A_832, %dma_start3A_833] : memref<64x128xi32, #tpu.memory_space<vmem>> -> memref<1x128xi32, #tpu.memory_space<vmem>>
        %dma_start3A_835 = tpu.memref_squeeze %dma_start3A_834 : memref<1x128xi32, #tpu.memory_space<vmem>> -> memref<128xi32, #tpu.memory_space<vmem>>
        %dma_start3A_836 = arith.constant 0 : i32
        %dma_start3A_837 = arith.constant 0 : i32
        %dma_start3A_838 = tpu.memref_slice %arg2[%dma_start3A_836, %dma_start3A_837] : memref<65536x64xf32, #tpu.memory_space<hbm>> -> memref<65536x64xf32, #tpu.memory_space<hbm>>
        tpu.enqueue_indirect_dma source(%dma_start3A_838 : memref<65536x64xf32, #tpu.memory_space<hbm>>) target(%arg11 : memref<128x64xf32, #tpu.memory_space<vmem>>) offsets(%dma_start3A_835 : memref<128xi32, #tpu.memory_space<vmem>>) semaphore(%arg19 : memref<!tpu.dma_semaphore, #tpu.memory_space<semaphore_mem>>)
      } else {
      }
      %mul3A_762 = arith.constant 8 : i32
      %mul3A_763 = arith.muli %scan3A_627, %mul3A_762 : i32
      %add3A_764 = arith.constant 1 : i32
      %add3A_765 = arith.addi %mul3A_763, %add3A_764 : i32
      %lt3A_766 = arith.constant 7 : i32
      %lt3A_767 = arith.cmpi slt, %scan3A_627, %lt3A_766 : i32
      %convert_element_type3A_768 = arith.extui %lt3A_767 : i1 to i32
      %cond3A_769 = arith.constant 0 : i32
      %cond3A_770 = arith.cmpi ne, %convert_element_type3A_768, %cond3A_769 : i32
      scf.if %cond3A_770 {
        %dma_wait3A_825 = arith.constant 0 : i32
        %dma_wait3A_826 = tpu.memref_slice %arg7[%add3A_765, %dma_wait3A_825] : memref<64x128xi32, #tpu.memory_space<vmem>> -> memref<1x128xi32, #tpu.memory_space<vmem>>
        %dma_wait3A_827 = tpu.memref_squeeze %dma_wait3A_826 : memref<1x128xi32, #tpu.memory_space<vmem>> -> memref<128xi32, #tpu.memory_space<vmem>>
        %dma_wait3A_828 = arith.constant 0 : i32
        %dma_wait3A_829 = arith.constant 0 : i32
        %dma_wait3A_830 = tpu.memref_slice %arg10[%dma_wait3A_828, %dma_wait3A_829] : memref<8192x64xf32, #tpu.memory_space<vmem_shared>> -> memref<8192x64xf32, #tpu.memory_space<vmem_shared>>
        tpu.wait_indirect_dma semaphore(%arg28 : memref<!tpu.dma_semaphore, #tpu.memory_space<semaphore_mem>>) src(%arg12 : memref<128x64xf32, #tpu.memory_space<vmem>>) dst(%dma_wait3A_830 : memref<8192x64xf32, #tpu.memory_space<vmem_shared>>)
        %add3A_831 = arith.constant 8 : i32
        %add3A_832 = arith.addi %add3A_765, %add3A_831 : i32
        %dma_start3A_833 = arith.constant 0 : i32
        %dma_start3A_834 = tpu.memref_slice %arg8[%add3A_832, %dma_start3A_833] : memref<64x128xi32, #tpu.memory_space<vmem>> -> memref<1x128xi32, #tpu.memory_space<vmem>>
        %dma_start3A_835 = tpu.memref_squeeze %dma_start3A_834 : memref<1x128xi32, #tpu.memory_space<vmem>> -> memref<128xi32, #tpu.memory_space<vmem>>
        %dma_start3A_836 = arith.constant 0 : i32
        %dma_start3A_837 = arith.constant 0 : i32
        %dma_start3A_838 = tpu.memref_slice %arg2[%dma_start3A_836, %dma_start3A_837] : memref<65536x64xf32, #tpu.memory_space<hbm>> -> memref<65536x64xf32, #tpu.memory_space<hbm>>
        tpu.enqueue_indirect_dma source(%dma_start3A_838 : memref<65536x64xf32, #tpu.memory_space<hbm>>) target(%arg12 : memref<128x64xf32, #tpu.memory_space<vmem>>) offsets(%dma_start3A_835 : memref<128xi32, #tpu.memory_space<vmem>>) semaphore(%arg20 : memref<!tpu.dma_semaphore, #tpu.memory_space<semaphore_mem>>)
      } else {
      }
      %mul3A_771 = arith.constant 8 : i32
      %mul3A_772 = arith.muli %scan3A_627, %mul3A_771 : i32
      %add3A_773 = arith.constant 2 : i32
      %add3A_774 = arith.addi %mul3A_772, %add3A_773 : i32
      %lt3A_775 = arith.constant 7 : i32
      %lt3A_776 = arith.cmpi slt, %scan3A_627, %lt3A_775 : i32
      %convert_element_type3A_777 = arith.extui %lt3A_776 : i1 to i32
      %cond3A_778 = arith.constant 0 : i32
      %cond3A_779 = arith.cmpi ne, %convert_element_type3A_777, %cond3A_778 : i32
      scf.if %cond3A_779 {
        %dma_wait3A_825 = arith.constant 0 : i32
        %dma_wait3A_826 = tpu.memref_slice %arg7[%add3A_774, %dma_wait3A_825] : memref<64x128xi32, #tpu.memory_space<vmem>> -> memref<1x128xi32, #tpu.memory_space<vmem>>
        %dma_wait3A_827 = tpu.memref_squeeze %dma_wait3A_826 : memref<1x128xi32, #tpu.memory_space<vmem>> -> memref<128xi32, #tpu.memory_space<vmem>>
        %dma_wait3A_828 = arith.constant 0 : i32
        %dma_wait3A_829 = arith.constant 0 : i32
        %dma_wait3A_830 = tpu.memref_slice %arg10[%dma_wait3A_828, %dma_wait3A_829] : memref<8192x64xf32, #tpu.memory_space<vmem_shared>> -> memref<8192x64xf32, #tpu.memory_space<vmem_shared>>
        tpu.wait_indirect_dma semaphore(%arg29 : memref<!tpu.dma_semaphore, #tpu.memory_space<semaphore_mem>>) src(%arg13 : memref<128x64xf32, #tpu.memory_space<vmem>>) dst(%dma_wait3A_830 : memref<8192x64xf32, #tpu.memory_space<vmem_shared>>)
        %add3A_831 = arith.constant 8 : i32
        %add3A_832 = arith.addi %add3A_774, %add3A_831 : i32
        %dma_start3A_833 = arith.constant 0 : i32
        %dma_start3A_834 = tpu.memref_slice %arg8[%add3A_832, %dma_start3A_833] : memref<64x128xi32, #tpu.memory_space<vmem>> -> memref<1x128xi32, #tpu.memory_space<vmem>>
        %dma_start3A_835 = tpu.memref_squeeze %dma_start3A_834 : memref<1x128xi32, #tpu.memory_space<vmem>> -> memref<128xi32, #tpu.memory_space<vmem>>
        %dma_start3A_836 = arith.constant 0 : i32
        %dma_start3A_837 = arith.constant 0 : i32
        %dma_start3A_838 = tpu.memref_slice %arg2[%dma_start3A_836, %dma_start3A_837] : memref<65536x64xf32, #tpu.memory_space<hbm>> -> memref<65536x64xf32, #tpu.memory_space<hbm>>
        tpu.enqueue_indirect_dma source(%dma_start3A_838 : memref<65536x64xf32, #tpu.memory_space<hbm>>) target(%arg13 : memref<128x64xf32, #tpu.memory_space<vmem>>) offsets(%dma_start3A_835 : memref<128xi32, #tpu.memory_space<vmem>>) semaphore(%arg21 : memref<!tpu.dma_semaphore, #tpu.memory_space<semaphore_mem>>)
      } else {
      }
      %mul3A_780 = arith.constant 8 : i32
      %mul3A_781 = arith.muli %scan3A_627, %mul3A_780 : i32
      %add3A_782 = arith.constant 3 : i32
      %add3A_783 = arith.addi %mul3A_781, %add3A_782 : i32
      %lt3A_784 = arith.constant 7 : i32
      %lt3A_785 = arith.cmpi slt, %scan3A_627, %lt3A_784 : i32
      %convert_element_type3A_786 = arith.extui %lt3A_785 : i1 to i32
      %cond3A_787 = arith.constant 0 : i32
      %cond3A_788 = arith.cmpi ne, %convert_element_type3A_786, %cond3A_787 : i32
      scf.if %cond3A_788 {
        %dma_wait3A_825 = arith.constant 0 : i32
        %dma_wait3A_826 = tpu.memref_slice %arg7[%add3A_783, %dma_wait3A_825] : memref<64x128xi32, #tpu.memory_space<vmem>> -> memref<1x128xi32, #tpu.memory_space<vmem>>
        %dma_wait3A_827 = tpu.memref_squeeze %dma_wait3A_826 : memref<1x128xi32, #tpu.memory_space<vmem>> -> memref<128xi32, #tpu.memory_space<vmem>>
        %dma_wait3A_828 = arith.constant 0 : i32
        %dma_wait3A_829 = arith.constant 0 : i32
        %dma_wait3A_830 = tpu.memref_slice %arg10[%dma_wait3A_828, %dma_wait3A_829] : memref<8192x64xf32, #tpu.memory_space<vmem_shared>> -> memref<8192x64xf32, #tpu.memory_space<vmem_shared>>
        tpu.wait_indirect_dma semaphore(%arg30 : memref<!tpu.dma_semaphore, #tpu.memory_space<semaphore_mem>>) src(%arg14 : memref<128x64xf32, #tpu.memory_space<vmem>>) dst(%dma_wait3A_830 : memref<8192x64xf32, #tpu.memory_space<vmem_shared>>)
        %add3A_831 = arith.constant 8 : i32
        %add3A_832 = arith.addi %add3A_783, %add3A_831 : i32
        %dma_start3A_833 = arith.constant 0 : i32
        %dma_start3A_834 = tpu.memref_slice %arg8[%add3A_832, %dma_start3A_833] : memref<64x128xi32, #tpu.memory_space<vmem>> -> memref<1x128xi32, #tpu.memory_space<vmem>>
        %dma_start3A_835 = tpu.memref_squeeze %dma_start3A_834 : memref<1x128xi32, #tpu.memory_space<vmem>> -> memref<128xi32, #tpu.memory_space<vmem>>
        %dma_start3A_836 = arith.constant 0 : i32
        %dma_start3A_837 = arith.constant 0 : i32
        %dma_start3A_838 = tpu.memref_slice %arg2[%dma_start3A_836, %dma_start3A_837] : memref<65536x64xf32, #tpu.memory_space<hbm>> -> memref<65536x64xf32, #tpu.memory_space<hbm>>
        tpu.enqueue_indirect_dma source(%dma_start3A_838 : memref<65536x64xf32, #tpu.memory_space<hbm>>) target(%arg14 : memref<128x64xf32, #tpu.memory_space<vmem>>) offsets(%dma_start3A_835 : memref<128xi32, #tpu.memory_space<vmem>>) semaphore(%arg22 : memref<!tpu.dma_semaphore, #tpu.memory_space<semaphore_mem>>)
      } else {
      }
      %mul3A_789 = arith.constant 8 : i32
      %mul3A_790 = arith.muli %scan3A_627, %mul3A_789 : i32
      %add3A_791 = arith.constant 4 : i32
      %add3A_792 = arith.addi %mul3A_790, %add3A_791 : i32
      %lt3A_793 = arith.constant 7 : i32
      %lt3A_794 = arith.cmpi slt, %scan3A_627, %lt3A_793 : i32
      %convert_element_type3A_795 = arith.extui %lt3A_794 : i1 to i32
      %cond3A_796 = arith.constant 0 : i32
      %cond3A_797 = arith.cmpi ne, %convert_element_type3A_795, %cond3A_796 : i32
      scf.if %cond3A_797 {
        %dma_wait3A_825 = arith.constant 0 : i32
        %dma_wait3A_826 = tpu.memref_slice %arg7[%add3A_792, %dma_wait3A_825] : memref<64x128xi32, #tpu.memory_space<vmem>> -> memref<1x128xi32, #tpu.memory_space<vmem>>
        %dma_wait3A_827 = tpu.memref_squeeze %dma_wait3A_826 : memref<1x128xi32, #tpu.memory_space<vmem>> -> memref<128xi32, #tpu.memory_space<vmem>>
        %dma_wait3A_828 = arith.constant 0 : i32
        %dma_wait3A_829 = arith.constant 0 : i32
        %dma_wait3A_830 = tpu.memref_slice %arg10[%dma_wait3A_828, %dma_wait3A_829] : memref<8192x64xf32, #tpu.memory_space<vmem_shared>> -> memref<8192x64xf32, #tpu.memory_space<vmem_shared>>
        tpu.wait_indirect_dma semaphore(%arg31 : memref<!tpu.dma_semaphore, #tpu.memory_space<semaphore_mem>>) src(%arg15 : memref<128x64xf32, #tpu.memory_space<vmem>>) dst(%dma_wait3A_830 : memref<8192x64xf32, #tpu.memory_space<vmem_shared>>)
        %add3A_831 = arith.constant 8 : i32
        %add3A_832 = arith.addi %add3A_792, %add3A_831 : i32
        %dma_start3A_833 = arith.constant 0 : i32
        %dma_start3A_834 = tpu.memref_slice %arg8[%add3A_832, %dma_start3A_833] : memref<64x128xi32, #tpu.memory_space<vmem>> -> memref<1x128xi32, #tpu.memory_space<vmem>>
        %dma_start3A_835 = tpu.memref_squeeze %dma_start3A_834 : memref<1x128xi32, #tpu.memory_space<vmem>> -> memref<128xi32, #tpu.memory_space<vmem>>
        %dma_start3A_836 = arith.constant 0 : i32
        %dma_start3A_837 = arith.constant 0 : i32
        %dma_start3A_838 = tpu.memref_slice %arg2[%dma_start3A_836, %dma_start3A_837] : memref<65536x64xf32, #tpu.memory_space<hbm>> -> memref<65536x64xf32, #tpu.memory_space<hbm>>
        tpu.enqueue_indirect_dma source(%dma_start3A_838 : memref<65536x64xf32, #tpu.memory_space<hbm>>) target(%arg15 : memref<128x64xf32, #tpu.memory_space<vmem>>) offsets(%dma_start3A_835 : memref<128xi32, #tpu.memory_space<vmem>>) semaphore(%arg23 : memref<!tpu.dma_semaphore, #tpu.memory_space<semaphore_mem>>)
      } else {
      }
      %mul3A_798 = arith.constant 8 : i32
      %mul3A_799 = arith.muli %scan3A_627, %mul3A_798 : i32
      %add3A_800 = arith.constant 5 : i32
      %add3A_801 = arith.addi %mul3A_799, %add3A_800 : i32
      %lt3A_802 = arith.constant 7 : i32
      %lt3A_803 = arith.cmpi slt, %scan3A_627, %lt3A_802 : i32
      %convert_element_type3A_804 = arith.extui %lt3A_803 : i1 to i32
      %cond3A_805 = arith.constant 0 : i32
      %cond3A_806 = arith.cmpi ne, %convert_element_type3A_804, %cond3A_805 : i32
      scf.if %cond3A_806 {
        %dma_wait3A_825 = arith.constant 0 : i32
        %dma_wait3A_826 = tpu.memref_slice %arg7[%add3A_801, %dma_wait3A_825] : memref<64x128xi32, #tpu.memory_space<vmem>> -> memref<1x128xi32, #tpu.memory_space<vmem>>
        %dma_wait3A_827 = tpu.memref_squeeze %dma_wait3A_826 : memref<1x128xi32, #tpu.memory_space<vmem>> -> memref<128xi32, #tpu.memory_space<vmem>>
        %dma_wait3A_828 = arith.constant 0 : i32
        %dma_wait3A_829 = arith.constant 0 : i32
        %dma_wait3A_830 = tpu.memref_slice %arg10[%dma_wait3A_828, %dma_wait3A_829] : memref<8192x64xf32, #tpu.memory_space<vmem_shared>> -> memref<8192x64xf32, #tpu.memory_space<vmem_shared>>
        tpu.wait_indirect_dma semaphore(%arg32 : memref<!tpu.dma_semaphore, #tpu.memory_space<semaphore_mem>>) src(%arg16 : memref<128x64xf32, #tpu.memory_space<vmem>>) dst(%dma_wait3A_830 : memref<8192x64xf32, #tpu.memory_space<vmem_shared>>)
        %add3A_831 = arith.constant 8 : i32
        %add3A_832 = arith.addi %add3A_801, %add3A_831 : i32
        %dma_start3A_833 = arith.constant 0 : i32
        %dma_start3A_834 = tpu.memref_slice %arg8[%add3A_832, %dma_start3A_833] : memref<64x128xi32, #tpu.memory_space<vmem>> -> memref<1x128xi32, #tpu.memory_space<vmem>>
        %dma_start3A_835 = tpu.memref_squeeze %dma_start3A_834 : memref<1x128xi32, #tpu.memory_space<vmem>> -> memref<128xi32, #tpu.memory_space<vmem>>
        %dma_start3A_836 = arith.constant 0 : i32
        %dma_start3A_837 = arith.constant 0 : i32
        %dma_start3A_838 = tpu.memref_slice %arg2[%dma_start3A_836, %dma_start3A_837] : memref<65536x64xf32, #tpu.memory_space<hbm>> -> memref<65536x64xf32, #tpu.memory_space<hbm>>
        tpu.enqueue_indirect_dma source(%dma_start3A_838 : memref<65536x64xf32, #tpu.memory_space<hbm>>) target(%arg16 : memref<128x64xf32, #tpu.memory_space<vmem>>) offsets(%dma_start3A_835 : memref<128xi32, #tpu.memory_space<vmem>>) semaphore(%arg24 : memref<!tpu.dma_semaphore, #tpu.memory_space<semaphore_mem>>)
      } else {
      }
      %mul3A_807 = arith.constant 8 : i32
      %mul3A_808 = arith.muli %scan3A_627, %mul3A_807 : i32
      %add3A_809 = arith.constant 6 : i32
      %add3A_810 = arith.addi %mul3A_808, %add3A_809 : i32
      %lt3A_811 = arith.constant 7 : i32
      %lt3A_812 = arith.cmpi slt, %scan3A_627, %lt3A_811 : i32
      %convert_element_type3A_813 = arith.extui %lt3A_812 : i1 to i32
      %cond3A_814 = arith.constant 0 : i32
      %cond3A_815 = arith.cmpi ne, %convert_element_type3A_813, %cond3A_814 : i32
      scf.if %cond3A_815 {
        %dma_wait3A_825 = arith.constant 0 : i32
        %dma_wait3A_826 = tpu.memref_slice %arg7[%add3A_810, %dma_wait3A_825] : memref<64x128xi32, #tpu.memory_space<vmem>> -> memref<1x128xi32, #tpu.memory_space<vmem>>
        %dma_wait3A_827 = tpu.memref_squeeze %dma_wait3A_826 : memref<1x128xi32, #tpu.memory_space<vmem>> -> memref<128xi32, #tpu.memory_space<vmem>>
        %dma_wait3A_828 = arith.constant 0 : i32
        %dma_wait3A_829 = arith.constant 0 : i32
        %dma_wait3A_830 = tpu.memref_slice %arg10[%dma_wait3A_828, %dma_wait3A_829] : memref<8192x64xf32, #tpu.memory_space<vmem_shared>> -> memref<8192x64xf32, #tpu.memory_space<vmem_shared>>
        tpu.wait_indirect_dma semaphore(%arg33 : memref<!tpu.dma_semaphore, #tpu.memory_space<semaphore_mem>>) src(%arg17 : memref<128x64xf32, #tpu.memory_space<vmem>>) dst(%dma_wait3A_830 : memref<8192x64xf32, #tpu.memory_space<vmem_shared>>)
        %add3A_831 = arith.constant 8 : i32
        %add3A_832 = arith.addi %add3A_810, %add3A_831 : i32
        %dma_start3A_833 = arith.constant 0 : i32
        %dma_start3A_834 = tpu.memref_slice %arg8[%add3A_832, %dma_start3A_833] : memref<64x128xi32, #tpu.memory_space<vmem>> -> memref<1x128xi32, #tpu.memory_space<vmem>>
        %dma_start3A_835 = tpu.memref_squeeze %dma_start3A_834 : memref<1x128xi32, #tpu.memory_space<vmem>> -> memref<128xi32, #tpu.memory_space<vmem>>
        %dma_start3A_836 = arith.constant 0 : i32
        %dma_start3A_837 = arith.constant 0 : i32
        %dma_start3A_838 = tpu.memref_slice %arg2[%dma_start3A_836, %dma_start3A_837] : memref<65536x64xf32, #tpu.memory_space<hbm>> -> memref<65536x64xf32, #tpu.memory_space<hbm>>
        tpu.enqueue_indirect_dma source(%dma_start3A_838 : memref<65536x64xf32, #tpu.memory_space<hbm>>) target(%arg17 : memref<128x64xf32, #tpu.memory_space<vmem>>) offsets(%dma_start3A_835 : memref<128xi32, #tpu.memory_space<vmem>>) semaphore(%arg25 : memref<!tpu.dma_semaphore, #tpu.memory_space<semaphore_mem>>)
      } else {
      }
      %mul3A_816 = arith.constant 8 : i32
      %mul3A_817 = arith.muli %scan3A_627, %mul3A_816 : i32
      %add3A_818 = arith.constant 7 : i32
      %add3A_819 = arith.addi %mul3A_817, %add3A_818 : i32
      %lt3A_820 = arith.constant 7 : i32
      %lt3A_821 = arith.cmpi slt, %scan3A_627, %lt3A_820 : i32
      %convert_element_type3A_822 = arith.extui %lt3A_821 : i1 to i32
      %cond3A_823 = arith.constant 0 : i32
      %cond3A_824 = arith.cmpi ne, %convert_element_type3A_822, %cond3A_823 : i32
      scf.if %cond3A_824 {
        %dma_wait3A_825 = arith.constant 0 : i32
        %dma_wait3A_826 = tpu.memref_slice %arg7[%add3A_819, %dma_wait3A_825] : memref<64x128xi32, #tpu.memory_space<vmem>> -> memref<1x128xi32, #tpu.memory_space<vmem>>
        %dma_wait3A_827 = tpu.memref_squeeze %dma_wait3A_826 : memref<1x128xi32, #tpu.memory_space<vmem>> -> memref<128xi32, #tpu.memory_space<vmem>>
        %dma_wait3A_828 = arith.constant 0 : i32
        %dma_wait3A_829 = arith.constant 0 : i32
        %dma_wait3A_830 = tpu.memref_slice %arg10[%dma_wait3A_828, %dma_wait3A_829] : memref<8192x64xf32, #tpu.memory_space<vmem_shared>> -> memref<8192x64xf32, #tpu.memory_space<vmem_shared>>
        tpu.wait_indirect_dma semaphore(%arg34 : memref<!tpu.dma_semaphore, #tpu.memory_space<semaphore_mem>>) src(%arg18 : memref<128x64xf32, #tpu.memory_space<vmem>>) dst(%dma_wait3A_830 : memref<8192x64xf32, #tpu.memory_space<vmem_shared>>)
        %add3A_831 = arith.constant 8 : i32
        %add3A_832 = arith.addi %add3A_819, %add3A_831 : i32
        %dma_start3A_833 = arith.constant 0 : i32
        %dma_start3A_834 = tpu.memref_slice %arg8[%add3A_832, %dma_start3A_833] : memref<64x128xi32, #tpu.memory_space<vmem>> -> memref<1x128xi32, #tpu.memory_space<vmem>>
        %dma_start3A_835 = tpu.memref_squeeze %dma_start3A_834 : memref<1x128xi32, #tpu.memory_space<vmem>> -> memref<128xi32, #tpu.memory_space<vmem>>
        %dma_start3A_836 = arith.constant 0 : i32
        %dma_start3A_837 = arith.constant 0 : i32
        %dma_start3A_838 = tpu.memref_slice %arg2[%dma_start3A_836, %dma_start3A_837] : memref<65536x64xf32, #tpu.memory_space<hbm>> -> memref<65536x64xf32, #tpu.memory_space<hbm>>
        tpu.enqueue_indirect_dma source(%dma_start3A_838 : memref<65536x64xf32, #tpu.memory_space<hbm>>) target(%arg18 : memref<128x64xf32, #tpu.memory_space<vmem>>) offsets(%dma_start3A_835 : memref<128xi32, #tpu.memory_space<vmem>>) semaphore(%arg26 : memref<!tpu.dma_semaphore, #tpu.memory_space<semaphore_mem>>)
      } else {
      }
    }
    %scan3A_554 = arith.constant 8 : i32
    %dma_wait3A_555 = arith.constant 0 : i32
    %dma_wait3A_556 = arith.constant 0 : i32
    %dma_wait3A_557 = tpu.memref_slice %arg7[%dma_wait3A_555, %dma_wait3A_556] : memref<64x128xi32, #tpu.memory_space<vmem>> -> memref<1x128xi32, #tpu.memory_space<vmem>>
    %dma_wait3A_558 = tpu.memref_squeeze %dma_wait3A_557 : memref<1x128xi32, #tpu.memory_space<vmem>> -> memref<128xi32, #tpu.memory_space<vmem>>
    %dma_wait3A_559 = arith.constant 0 : i32
    %dma_wait3A_560 = arith.constant 0 : i32
    %dma_wait3A_561 = tpu.memref_slice %arg10[%dma_wait3A_559, %dma_wait3A_560] : memref<8192x64xf32, #tpu.memory_space<vmem_shared>> -> memref<8192x64xf32, #tpu.memory_space<vmem_shared>>
    tpu.wait_indirect_dma semaphore(%arg27 : memref<!tpu.dma_semaphore, #tpu.memory_space<semaphore_mem>>) src(%arg11 : memref<128x64xf32, #tpu.memory_space<vmem>>) dst(%dma_wait3A_561 : memref<8192x64xf32, #tpu.memory_space<vmem_shared>>)
    %dma_wait3A_562 = arith.constant 1 : i32
    %dma_wait3A_563 = arith.constant 0 : i32
    %dma_wait3A_564 = tpu.memref_slice %arg7[%dma_wait3A_562, %dma_wait3A_563] : memref<64x128xi32, #tpu.memory_space<vmem>> -> memref<1x128xi32, #tpu.memory_space<vmem>>
    %dma_wait3A_565 = tpu.memref_squeeze %dma_wait3A_564 : memref<1x128xi32, #tpu.memory_space<vmem>> -> memref<128xi32, #tpu.memory_space<vmem>>
    %dma_wait3A_566 = arith.constant 0 : i32
    %dma_wait3A_567 = arith.constant 0 : i32
    %dma_wait3A_568 = tpu.memref_slice %arg10[%dma_wait3A_566, %dma_wait3A_567] : memref<8192x64xf32, #tpu.memory_space<vmem_shared>> -> memref<8192x64xf32, #tpu.memory_space<vmem_shared>>
    tpu.wait_indirect_dma semaphore(%arg28 : memref<!tpu.dma_semaphore, #tpu.memory_space<semaphore_mem>>) src(%arg12 : memref<128x64xf32, #tpu.memory_space<vmem>>) dst(%dma_wait3A_568 : memref<8192x64xf32, #tpu.memory_space<vmem_shared>>)
    %dma_wait3A_569 = arith.constant 2 : i32
    %dma_wait3A_570 = arith.constant 0 : i32
    %dma_wait3A_571 = tpu.memref_slice %arg7[%dma_wait3A_569, %dma_wait3A_570] : memref<64x128xi32, #tpu.memory_space<vmem>> -> memref<1x128xi32, #tpu.memory_space<vmem>>
    %dma_wait3A_572 = tpu.memref_squeeze %dma_wait3A_571 : memref<1x128xi32, #tpu.memory_space<vmem>> -> memref<128xi32, #tpu.memory_space<vmem>>
    %dma_wait3A_573 = arith.constant 0 : i32
    %dma_wait3A_574 = arith.constant 0 : i32
    %dma_wait3A_575 = tpu.memref_slice %arg10[%dma_wait3A_573, %dma_wait3A_574] : memref<8192x64xf32, #tpu.memory_space<vmem_shared>> -> memref<8192x64xf32, #tpu.memory_space<vmem_shared>>
    tpu.wait_indirect_dma semaphore(%arg29 : memref<!tpu.dma_semaphore, #tpu.memory_space<semaphore_mem>>) src(%arg13 : memref<128x64xf32, #tpu.memory_space<vmem>>) dst(%dma_wait3A_575 : memref<8192x64xf32, #tpu.memory_space<vmem_shared>>)
    %dma_wait3A_576 = arith.constant 3 : i32
    %dma_wait3A_577 = arith.constant 0 : i32
    %dma_wait3A_578 = tpu.memref_slice %arg7[%dma_wait3A_576, %dma_wait3A_577] : memref<64x128xi32, #tpu.memory_space<vmem>> -> memref<1x128xi32, #tpu.memory_space<vmem>>
    %dma_wait3A_579 = tpu.memref_squeeze %dma_wait3A_578 : memref<1x128xi32, #tpu.memory_space<vmem>> -> memref<128xi32, #tpu.memory_space<vmem>>
    %dma_wait3A_580 = arith.constant 0 : i32
    %dma_wait3A_581 = arith.constant 0 : i32
    %dma_wait3A_582 = tpu.memref_slice %arg10[%dma_wait3A_580, %dma_wait3A_581] : memref<8192x64xf32, #tpu.memory_space<vmem_shared>> -> memref<8192x64xf32, #tpu.memory_space<vmem_shared>>
    tpu.wait_indirect_dma semaphore(%arg30 : memref<!tpu.dma_semaphore, #tpu.memory_space<semaphore_mem>>) src(%arg14 : memref<128x64xf32, #tpu.memory_space<vmem>>) dst(%dma_wait3A_582 : memref<8192x64xf32, #tpu.memory_space<vmem_shared>>)
    %dma_wait3A_583 = arith.constant 4 : i32
    %dma_wait3A_584 = arith.constant 0 : i32
    %dma_wait3A_585 = tpu.memref_slice %arg7[%dma_wait3A_583, %dma_wait3A_584] : memref<64x128xi32, #tpu.memory_space<vmem>> -> memref<1x128xi32, #tpu.memory_space<vmem>>
    %dma_wait3A_586 = tpu.memref_squeeze %dma_wait3A_585 : memref<1x128xi32, #tpu.memory_space<vmem>> -> memref<128xi32, #tpu.memory_space<vmem>>
    %dma_wait3A_587 = arith.constant 0 : i32
    %dma_wait3A_588 = arith.constant 0 : i32
    %dma_wait3A_589 = tpu.memref_slice %arg10[%dma_wait3A_587, %dma_wait3A_588] : memref<8192x64xf32, #tpu.memory_space<vmem_shared>> -> memref<8192x64xf32, #tpu.memory_space<vmem_shared>>
    tpu.wait_indirect_dma semaphore(%arg31 : memref<!tpu.dma_semaphore, #tpu.memory_space<semaphore_mem>>) src(%arg15 : memref<128x64xf32, #tpu.memory_space<vmem>>) dst(%dma_wait3A_589 : memref<8192x64xf32, #tpu.memory_space<vmem_shared>>)
    %dma_wait3A_590 = arith.constant 5 : i32
    %dma_wait3A_591 = arith.constant 0 : i32
    %dma_wait3A_592 = tpu.memref_slice %arg7[%dma_wait3A_590, %dma_wait3A_591] : memref<64x128xi32, #tpu.memory_space<vmem>> -> memref<1x128xi32, #tpu.memory_space<vmem>>
    %dma_wait3A_593 = tpu.memref_squeeze %dma_wait3A_592 : memref<1x128xi32, #tpu.memory_space<vmem>> -> memref<128xi32, #tpu.memory_space<vmem>>
    %dma_wait3A_594 = arith.constant 0 : i32
    %dma_wait3A_595 = arith.constant 0 : i32
    %dma_wait3A_596 = tpu.memref_slice %arg10[%dma_wait3A_594, %dma_wait3A_595] : memref<8192x64xf32, #tpu.memory_space<vmem_shared>> -> memref<8192x64xf32, #tpu.memory_space<vmem_shared>>
    tpu.wait_indirect_dma semaphore(%arg32 : memref<!tpu.dma_semaphore, #tpu.memory_space<semaphore_mem>>) src(%arg16 : memref<128x64xf32, #tpu.memory_space<vmem>>) dst(%dma_wait3A_596 : memref<8192x64xf32, #tpu.memory_space<vmem_shared>>)
    %dma_wait3A_597 = arith.constant 6 : i32
    %dma_wait3A_598 = arith.constant 0 : i32
    %dma_wait3A_599 = tpu.memref_slice %arg7[%dma_wait3A_597, %dma_wait3A_598] : memref<64x128xi32, #tpu.memory_space<vmem>> -> memref<1x128xi32, #tpu.memory_space<vmem>>
    %dma_wait3A_600 = tpu.memref_squeeze %dma_wait3A_599 : memref<1x128xi32, #tpu.memory_space<vmem>> -> memref<128xi32, #tpu.memory_space<vmem>>
    %dma_wait3A_601 = arith.constant 0 : i32
    %dma_wait3A_602 = arith.constant 0 : i32
    %dma_wait3A_603 = tpu.memref_slice %arg10[%dma_wait3A_601, %dma_wait3A_602] : memref<8192x64xf32, #tpu.memory_space<vmem_shared>> -> memref<8192x64xf32, #tpu.memory_space<vmem_shared>>
    tpu.wait_indirect_dma semaphore(%arg33 : memref<!tpu.dma_semaphore, #tpu.memory_space<semaphore_mem>>) src(%arg17 : memref<128x64xf32, #tpu.memory_space<vmem>>) dst(%dma_wait3A_603 : memref<8192x64xf32, #tpu.memory_space<vmem_shared>>)
    %dma_wait3A_604 = arith.constant 7 : i32
    %dma_wait3A_605 = arith.constant 0 : i32
    %dma_wait3A_606 = tpu.memref_slice %arg7[%dma_wait3A_604, %dma_wait3A_605] : memref<64x128xi32, #tpu.memory_space<vmem>> -> memref<1x128xi32, #tpu.memory_space<vmem>>
    %dma_wait3A_607 = tpu.memref_squeeze %dma_wait3A_606 : memref<1x128xi32, #tpu.memory_space<vmem>> -> memref<128xi32, #tpu.memory_space<vmem>>
    %dma_wait3A_608 = arith.constant 0 : i32
    %dma_wait3A_609 = arith.constant 0 : i32
    %dma_wait3A_610 = tpu.memref_slice %arg10[%dma_wait3A_608, %dma_wait3A_609] : memref<8192x64xf32, #tpu.memory_space<vmem_shared>> -> memref<8192x64xf32, #tpu.memory_space<vmem_shared>>
    tpu.wait_indirect_dma semaphore(%arg34 : memref<!tpu.dma_semaphore, #tpu.memory_space<semaphore_mem>>) src(%arg18 : memref<128x64xf32, #tpu.memory_space<vmem>>) dst(%dma_wait3A_610 : memref<8192x64xf32, #tpu.memory_space<vmem_shared>>)
    %barrier3A_611 = arith.constant 0 : index
    tpu.barrier barrier_id(%barrier3A_611)
    %mul3A_612 = arith.constant 512 : i32
    %mul3A_613 = arith.muli %arg1, %mul3A_612 : i32
    %mul3A_614 = arith.constant 8192 : i32
    %mul3A_615 = arith.muli %add3A_549, %mul3A_614 : i32
    %mul3A_616 = arith.constant 512 : i32
    %mul3A_617 = arith.muli %arg1, %mul3A_616 : i32
    %add3A_618 = arith.addi %mul3A_615, %mul3A_617 : i32
    %dma_start3A_619 = arith.constant 0 : i32
    %dma_start3A_620 = tpu.memref_slice %arg5[%add3A_618, %dma_start3A_619] : memref<65536x64xf32, #tpu.memory_space<hbm>> -> memref<512x64xf32, #tpu.memory_space<hbm>>
    %dma_start3A_621 = arith.constant 0 : i32
    %dma_start3A_622 = tpu.memref_slice %arg10[%mul3A_613, %dma_start3A_621] : memref<8192x64xf32, #tpu.memory_space<vmem_shared>> -> memref<512x64xf32, #tpu.memory_space<vmem_shared>>
    tpu.enqueue_dma source(%dma_start3A_622 : memref<512x64xf32, #tpu.memory_space<vmem_shared>>) target(%dma_start3A_620 : memref<512x64xf32, #tpu.memory_space<hbm>>) target_semaphore(%arg35 : memref<!tpu.dma_semaphore, #tpu.memory_space<semaphore_mem>>)
    %dma_wait3A_623 = arith.constant 0 : i32
    %dma_wait3A_624 = tpu.memref_slice %arg5[%add3A_618, %dma_wait3A_623] : memref<65536x64xf32, #tpu.memory_space<hbm>> -> memref<512x64xf32, #tpu.memory_space<hbm>>
    %dma_wait3A_625 = arith.constant 0 : i32
    %dma_wait3A_626 = tpu.memref_slice %arg10[%mul3A_613, %dma_wait3A_625] : memref<8192x64xf32, #tpu.memory_space<vmem_shared>> -> memref<512x64xf32, #tpu.memory_space<vmem_shared>>
    tpu.wait_dma2 semaphore(%arg35 : memref<!tpu.dma_semaphore, #tpu.memory_space<semaphore_mem>>) src(%dma_wait3A_626 : memref<512x64xf32, #tpu.memory_space<vmem_shared>>) dst(%dma_wait3A_624 : memref<512x64xf32, #tpu.memory_space<hbm>>)
    return
  }
}

module attributes {stable_mosaic.version = 14 : i64} {
  func.func @_router_body(%arg0: i32, %arg1: memref<1024x512xf32, #tpu.memory_space<vmem>>, %arg2: memref<1024x1xf32, #tpu.memory_space<vmem>>, %arg3: memref<512x8xf32, #tpu.memory_space<vmem>>, %arg4: memref<512x512xf32, #tpu.memory_space<vmem>>, %arg5: memref<1024x128xf32, #tpu.memory_space<vmem>>, %arg6: memref<128x512xf32, #tpu.memory_space<vmem>>, %arg7: memref<128x1xf32, #tpu.memory_space<vmem>>, %arg8: memref<128x512xf32, #tpu.memory_space<vmem>>, %arg9: memref<4x1024x128xf32, #tpu.memory_space<vmem>>) attributes {dimension_semantics = [#tpu.dimension_semantics<arbitrary>], iteration_bounds = array<i64: 8>, scalar_prefetch = 0 : i64, scratch_operands = 0 : i64, tpu.core_type = #tpu.core_type<tc>, window_params = [{transform_indices = @transform_0, window_bounds = array<i64: 1024, 512>}, {transform_indices = @transform_1, window_bounds = array<i64: 1024, 1>}, {pipeline_mode = #tpu.pipeline_mode<synchronous>, transform_indices = @transform_2, window_bounds = array<i64: 512, 8>}, {pipeline_mode = #tpu.pipeline_mode<synchronous>, transform_indices = @transform_3, window_bounds = array<i64: 512, 512>}, {transform_indices = @transform_4, window_bounds = array<i64: 1024, 128>}, {pipeline_mode = #tpu.pipeline_mode<synchronous>, transform_indices = @transform_5, window_bounds = array<i64: 128, 512>}, {pipeline_mode = #tpu.pipeline_mode<synchronous>, transform_indices = @transform_6, window_bounds = array<i64: 128, 1>}, {pipeline_mode = #tpu.pipeline_mode<synchronous>, transform_indices = @transform_7, window_bounds = array<i64: 128, 512>}, {transform_indices = @transform_8, window_bounds = array<i64: 4, 1024, 128>}]} {
    %get3A = arith.constant 0 : index
    %get3A_0 = arith.constant 0 : index
    %get3A_1 = vector.load %arg1[%get3A, %get3A_0] : memref<1024x512xf32, #tpu.memory_space<vmem>>, vector<1024x512xf32>
    %get3A_2 = arith.constant 0 : index
    %get3A_3 = arith.constant 0 : index
    %get3A_4 = vector.load %arg2[%get3A_2, %get3A_3] : memref<1024x1xf32, #tpu.memory_space<vmem>>, vector<1024x1xf32>
    %get3A_5 = arith.constant 0 : index
    %get3A_6 = arith.constant 0 : index
    %get3A_7 = vector.load %arg3[%get3A_5, %get3A_6] : memref<512x8xf32, #tpu.memory_space<vmem>>, vector<512x8xf32>
    %dot_general3A = arith.constant dense<0.000000e+00> : vector<1024x8xf32>
    %dot_general3A_8 = tpu.matmul %get3A_1, %get3A_7, %dot_general3A {dimension_numbers = #tpu.dot_dimension_numbers<[1], [0], [0], [1], [0, 0, 1, 1], [], []>, transpose_lhs_hint = false} : vector<1024x512xf32>, vector<512x8xf32>, vector<1024x8xf32> -> vector<1024x8xf32>
    %reduce_max3A = arith.constant dense<0xFF800000> : vector<1024xf32>
    %reduce_max3A_9 = vector.multi_reduction <maximumf>, %dot_general3A_8, %reduce_max3A [1] : vector<1024x8xf32> to vector<1024xf32>
    %broadcast_in_dim3A = vector.shape_cast %reduce_max3A_9 : vector<1024xf32> to vector<1024x1xf32>
    %sub3A = vector.broadcast %broadcast_in_dim3A : vector<1024x1xf32> to vector<1024x8xf32>
    %sub3A_10 = arith.subf %dot_general3A_8, %sub3A : vector<1024x8xf32>
    %exp3A = math.exp %sub3A_10 : vector<1024x8xf32>
    %reduce_sum3A = arith.constant dense<0.000000e+00> : vector<1024xf32>
    %reduce_sum3A_11 = vector.multi_reduction <add>, %exp3A, %reduce_sum3A [1] : vector<1024x8xf32> to vector<1024xf32>
    %broadcast_in_dim3A_12 = vector.shape_cast %reduce_sum3A_11 : vector<1024xf32> to vector<1024x1xf32>
    %div3A = vector.broadcast %broadcast_in_dim3A_12 : vector<1024x1xf32> to vector<1024x8xf32>
    %div3A_13 = arith.divf %exp3A, %div3A : vector<1024x8xf32>
    %iota3A = tpu.iota {dimensions = array<i32: 1>} : vector<8x128xi32>
    %jit3A = arith.constant 8 : i32
    %eq3A = arith.constant 0 : i32
    %eq3A_14 = arith.cmpi eq, %jit3A, %eq3A : i32
    %jit3A_15 = arith.constant 1 : i32
    %select_n3A = arith.select %eq3A_14, %jit3A_15, %jit3A : i32
    %rem3A = vector.broadcast %select_n3A : i32 to vector<8x128xi32>
    %rem3A_16 = arith.remsi %iota3A, %rem3A : vector<8x128xi32>
    %ne3A = arith.constant 0 : i32
    %ne3A_17 = vector.broadcast %ne3A : i32 to vector<8x128xi32>
    %ne3A_18 = arith.cmpi ne, %rem3A_16, %ne3A_17 : vector<8x128xi32>
    %lt3A = arith.constant 0 : i32
    %lt3A_19 = vector.broadcast %lt3A : i32 to vector<8x128xi32>
    %lt3A_20 = arith.cmpi slt, %rem3A_16, %lt3A_19 : vector<8x128xi32>
    %lt3A_21 = arith.constant 0 : i32
    %lt3A_22 = arith.cmpi slt, %select_n3A, %lt3A_21 : i32
    %ne3A_23 = vector.broadcast %lt3A_22 : i1 to vector<8x128xi1>
    %ne3A_24 = vector.broadcast %ne3A_23 : vector<8x128xi1> to vector<8x128xi1>
    %ne3A_25 = arith.xori %lt3A_20, %ne3A_24 : vector<8x128xi1>
    %and3A = arith.andi %ne3A_25, %ne3A_18 : vector<8x128xi1>
    %add3A = vector.broadcast %select_n3A : i32 to vector<8x128xi32>
    %add3A_26 = arith.addi %rem3A_16, %add3A : vector<8x128xi32>
    %select_n3A_27 = arith.select %and3A, %add3A_26, %rem3A_16 : vector<8x128xi1>, vector<8x128xi32>
    %iota3A_28 = tpu.iota {dimensions = array<i32: 0>} : vector<8x128xi32>
    %eq3A_29 = arith.cmpi eq, %select_n3A_27, %iota3A_28 : vector<8x128xi32>
    %convert_element_type3A = arith.extui %eq3A_29 : vector<8x128xi1> to vector<8x128xi32>
    %convert_element_type3A_30 = arith.sitofp %convert_element_type3A : vector<8x128xi32> to vector<8x128xf32>
    %dot_general3A_31 = arith.constant dense<0.000000e+00> : vector<1024x128xf32>
    %dot_general3A_32 = tpu.matmul %div3A_13, %convert_element_type3A_30, %dot_general3A_31 {dimension_numbers = #tpu.dot_dimension_numbers<[1], [0], [0], [1], [0, 0, 1, 1], [], []>, transpose_lhs_hint = false} : vector<1024x8xf32>, vector<8x128xf32>, vector<1024x128xf32> -> vector<1024x128xf32>
    %iota3A_33 = tpu.iota {dimensions = array<i32: 1>} : vector<1024x128xi32>
    %jit3A_34 = arith.constant 8 : i32
    %div3A_35 = vector.broadcast %jit3A_34 : i32 to vector<1024x128xi32>
    %div3A_36 = arith.divsi %iota3A_33, %div3A_35 : vector<1024x128xi32>
    %sign3A = arith.constant 0 : i32
    %sign3A_37 = vector.broadcast %sign3A : i32 to vector<1024x128xi32>
    %sign3A_38 = arith.cmpi sgt, %iota3A_33, %sign3A_37 : vector<1024x128xi32>
    %sign3A_39 = arith.extui %sign3A_38 : vector<1024x128xi1> to vector<1024x128xi32>
    %sign3A_40 = arith.constant 0 : i32
    %sign3A_41 = vector.broadcast %sign3A_40 : i32 to vector<1024x128xi32>
    %sign3A_42 = arith.cmpi slt, %iota3A_33, %sign3A_41 : vector<1024x128xi32>
    %sign3A_43 = arith.extui %sign3A_42 : vector<1024x128xi1> to vector<1024x128xi32>
    %sign3A_44 = arith.subi %sign3A_39, %sign3A_43 : vector<1024x128xi32>
    %sign3A_45 = arith.constant 0 : i32
    %sign3A_46 = arith.cmpi sgt, %jit3A_34, %sign3A_45 : i32
    %sign3A_47 = arith.extui %sign3A_46 : i1 to i32
    %sign3A_48 = arith.constant 0 : i32
    %sign3A_49 = arith.cmpi slt, %jit3A_34, %sign3A_48 : i32
    %sign3A_50 = arith.extui %sign3A_49 : i1 to i32
    %sign3A_51 = arith.subi %sign3A_47, %sign3A_50 : i32
    %ne3A_52 = vector.broadcast %sign3A_51 : i32 to vector<1024x128xi32>
    %ne3A_53 = arith.cmpi ne, %sign3A_44, %ne3A_52 : vector<1024x128xi32>
    %rem3A_54 = vector.broadcast %jit3A_34 : i32 to vector<1024x128xi32>
    %rem3A_55 = arith.remsi %iota3A_33, %rem3A_54 : vector<1024x128xi32>
    %ne3A_56 = arith.constant 0 : i32
    %ne3A_57 = vector.broadcast %ne3A_56 : i32 to vector<1024x128xi32>
    %ne3A_58 = arith.cmpi ne, %rem3A_55, %ne3A_57 : vector<1024x128xi32>
    %and3A_59 = arith.andi %ne3A_53, %ne3A_58 : vector<1024x128xi1>
    %sub3A_60 = arith.constant 1 : i32
    %sub3A_61 = vector.broadcast %sub3A_60 : i32 to vector<1024x128xi32>
    %sub3A_62 = arith.subi %div3A_36, %sub3A_61 : vector<1024x128xi32>
    %select_n3A_63 = arith.select %and3A_59, %sub3A_62, %div3A_36 : vector<1024x128xi1>, vector<1024x128xi32>
    %convert_element_type3A_64 = arith.sitofp %select_n3A_63 : vector<1024x128xi32> to vector<1024x128xf32>
    %eq3A_65 = vector.broadcast %get3A_4 : vector<1024x1xf32> to vector<1024x128xf32>
    %eq3A_66 = arith.cmpf oeq, %eq3A_65, %convert_element_type3A_64 : vector<1024x128xf32>
    %convert_element_type3A_67 = arith.extui %eq3A_66 : vector<1024x128xi1> to vector<1024x128xi32>
    %convert_element_type3A_68 = arith.sitofp %convert_element_type3A_67 : vector<1024x128xi32> to vector<1024x128xf32>
    %mul3A = arith.mulf %dot_general3A_32, %convert_element_type3A_68 : vector<1024x128xf32>
    %swap3A = arith.constant 0 : index
    %swap3A_69 = arith.constant 0 : index
    %swap3A_70 = vector.load %arg5[%swap3A, %swap3A_69] : memref<1024x128xf32, #tpu.memory_space<vmem>>, vector<1024x128xf32>
    tpu.vector_store %arg5[%swap3A, %swap3A_69], %mul3A {strides = array<i32>} : memref<1024x128xf32, #tpu.memory_space<vmem>>, vector<1024x128xf32>,
    %slice3A = vector.extract_strided_slice %get3A_1 {offsets = [0, 0], sizes = [1024, 128], strides = [1, 1]} : vector<1024x512xf32> to vector<1024x128xf32>
    %swap3A_71 = arith.constant 0 : index
    %swap3A_72 = arith.constant 0 : index
    %swap3A_73 = arith.constant 0 : index
    %swap3A_74 = vector.load %arg9[%swap3A_71, %swap3A_72, %swap3A_73] : memref<4x1024x128xf32, #tpu.memory_space<vmem>>, vector<1x1024x128xf32>
    %swap3A_75 = vector.shape_cast %swap3A_74 : vector<1x1024x128xf32> to vector<1024x128xf32>
    %swap3A_76 = vector.shape_cast %slice3A : vector<1024x128xf32> to vector<1x1024x128xf32>
    tpu.vector_store %arg9[%swap3A_71, %swap3A_72, %swap3A_73], %swap3A_76 {strides = array<i32>} : memref<4x1024x128xf32, #tpu.memory_space<vmem>>, vector<1x1024x128xf32>,
    %slice3A_77 = vector.extract_strided_slice %get3A_1 {offsets = [0, 128], sizes = [1024, 128], strides = [1, 1]} : vector<1024x512xf32> to vector<1024x128xf32>
    %swap3A_78 = arith.constant 1 : index
    %swap3A_79 = arith.constant 0 : index
    %swap3A_80 = arith.constant 0 : index
    %swap3A_81 = vector.load %arg9[%swap3A_78, %swap3A_79, %swap3A_80] : memref<4x1024x128xf32, #tpu.memory_space<vmem>>, vector<1x1024x128xf32>
    %swap3A_82 = vector.shape_cast %swap3A_81 : vector<1x1024x128xf32> to vector<1024x128xf32>
    %swap3A_83 = vector.shape_cast %slice3A_77 : vector<1024x128xf32> to vector<1x1024x128xf32>
    tpu.vector_store %arg9[%swap3A_78, %swap3A_79, %swap3A_80], %swap3A_83 {strides = array<i32>} : memref<4x1024x128xf32, #tpu.memory_space<vmem>>, vector<1x1024x128xf32>,
    %slice3A_84 = vector.extract_strided_slice %get3A_1 {offsets = [0, 256], sizes = [1024, 128], strides = [1, 1]} : vector<1024x512xf32> to vector<1024x128xf32>
    %swap3A_85 = arith.constant 2 : index
    %swap3A_86 = arith.constant 0 : index
    %swap3A_87 = arith.constant 0 : index
    %swap3A_88 = vector.load %arg9[%swap3A_85, %swap3A_86, %swap3A_87] : memref<4x1024x128xf32, #tpu.memory_space<vmem>>, vector<1x1024x128xf32>
    %swap3A_89 = vector.shape_cast %swap3A_88 : vector<1x1024x128xf32> to vector<1024x128xf32>
    %swap3A_90 = vector.shape_cast %slice3A_84 : vector<1024x128xf32> to vector<1x1024x128xf32>
    tpu.vector_store %arg9[%swap3A_85, %swap3A_86, %swap3A_87], %swap3A_90 {strides = array<i32>} : memref<4x1024x128xf32, #tpu.memory_space<vmem>>, vector<1x1024x128xf32>,
    %slice3A_91 = vector.extract_strided_slice %get3A_1 {offsets = [0, 384], sizes = [1024, 128], strides = [1, 1]} : vector<1024x512xf32> to vector<1024x128xf32>
    %swap3A_92 = arith.constant 3 : index
    %swap3A_93 = arith.constant 0 : index
    %swap3A_94 = arith.constant 0 : index
    %swap3A_95 = vector.load %arg9[%swap3A_92, %swap3A_93, %swap3A_94] : memref<4x1024x128xf32, #tpu.memory_space<vmem>>, vector<1x1024x128xf32>
    %swap3A_96 = vector.shape_cast %swap3A_95 : vector<1x1024x128xf32> to vector<1024x128xf32>
    %swap3A_97 = vector.shape_cast %slice3A_91 : vector<1024x128xf32> to vector<1x1024x128xf32>
    tpu.vector_store %arg9[%swap3A_92, %swap3A_93, %swap3A_94], %swap3A_97 {strides = array<i32>} : memref<4x1024x128xf32, #tpu.memory_space<vmem>>, vector<1x1024x128xf32>,
    %eq3A_98 = arith.constant 0 : i32
    %eq3A_99 = arith.cmpi eq, %arg0, %eq3A_98 : i32
    %convert_element_type3A_100 = arith.extui %eq3A_99 : i1 to i32
    %cond3A = arith.constant 0 : i32
    %cond3A_101 = arith.cmpi ne, %convert_element_type3A_100, %cond3A : i32
    scf.if %cond3A_101 {
      %broadcast_in_dim3A_127 = arith.constant 0.000000e+00 : f32
      %broadcast_in_dim3A_128 = vector.broadcast %broadcast_in_dim3A_127 : f32 to vector<128x512xf32>
      %swap3A_129 = arith.constant 0 : index
      %swap3A_130 = arith.constant 0 : index
      %swap3A_131 = vector.load %arg6[%swap3A_129, %swap3A_130] : memref<128x512xf32, #tpu.memory_space<vmem>>, vector<128x512xf32>
      tpu.vector_store %arg6[%swap3A_129, %swap3A_130], %broadcast_in_dim3A_128 {strides = array<i32>} : memref<128x512xf32, #tpu.memory_space<vmem>>, vector<128x512xf32>,
      %broadcast_in_dim3A_132 = arith.constant 0.000000e+00 : f32
      %broadcast_in_dim3A_133 = vector.broadcast %broadcast_in_dim3A_132 : f32 to vector<128x1xf32>
      %swap3A_134 = arith.constant 0 : index
      %swap3A_135 = arith.constant 0 : index
      %swap3A_136 = vector.load %arg7[%swap3A_134, %swap3A_135] : memref<128x1xf32, #tpu.memory_space<vmem>>, vector<128x1xf32>
      tpu.vector_store %arg7[%swap3A_134, %swap3A_135], %broadcast_in_dim3A_133 {strides = array<i32>} : memref<128x1xf32, #tpu.memory_space<vmem>>, vector<128x1xf32>,
    } else {
    }
    %get3A_102 = arith.constant 0 : index
    %get3A_103 = arith.constant 0 : index
    %get3A_104 = vector.load %arg6[%get3A_102, %get3A_103] : memref<128x512xf32, #tpu.memory_space<vmem>>, vector<128x512xf32>
    %dot_general3A_105 = arith.constant dense<0.000000e+00> : vector<128x512xf32>
    %dot_general3A_106 = tpu.matmul %mul3A, %get3A_1, %dot_general3A_105 {dimension_numbers = #tpu.dot_dimension_numbers<[0], [0], [1], [1], [0, 1, 1, 1], [], []>, transpose_lhs_hint = false} : vector<1024x128xf32>, vector<1024x512xf32>, vector<128x512xf32> -> vector<128x512xf32>
    %add3A_107 = arith.addf %get3A_104, %dot_general3A_106 : vector<128x512xf32>
    %swap3A_108 = arith.constant 0 : index
    %swap3A_109 = arith.constant 0 : index
    %swap3A_110 = vector.load %arg6[%swap3A_108, %swap3A_109] : memref<128x512xf32, #tpu.memory_space<vmem>>, vector<128x512xf32>
    tpu.vector_store %arg6[%swap3A_108, %swap3A_109], %add3A_107 {strides = array<i32>} : memref<128x512xf32, #tpu.memory_space<vmem>>, vector<128x512xf32>,
    %broadcast_in_dim3A_111 = arith.constant 1.000000e+00 : f32
    %broadcast_in_dim3A_112 = vector.broadcast %broadcast_in_dim3A_111 : f32 to vector<1024x1xf32>
    %get3A_113 = arith.constant 0 : index
    %get3A_114 = arith.constant 0 : index
    %get3A_115 = vector.load %arg7[%get3A_113, %get3A_114] : memref<128x1xf32, #tpu.memory_space<vmem>>, vector<128x1xf32>
    %dot_general3A_116 = arith.constant dense<0.000000e+00> : vector<128x1xf32>
    %dot_general3A_117 = tpu.matmul %mul3A, %broadcast_in_dim3A_112, %dot_general3A_116 {dimension_numbers = #tpu.dot_dimension_numbers<[0], [0], [1], [1], [0, 1, 1, 1], [], []>, transpose_lhs_hint = false} : vector<1024x128xf32>, vector<1024x1xf32>, vector<128x1xf32> -> vector<128x1xf32>
    %add3A_118 = arith.addf %get3A_115, %dot_general3A_117 : vector<128x1xf32>
    %swap3A_119 = arith.constant 0 : index
    %swap3A_120 = arith.constant 0 : index
    %swap3A_121 = vector.load %arg7[%swap3A_119, %swap3A_120] : memref<128x1xf32, #tpu.memory_space<vmem>>, vector<128x1xf32>
    tpu.vector_store %arg7[%swap3A_119, %swap3A_120], %add3A_118 {strides = array<i32>} : memref<128x1xf32, #tpu.memory_space<vmem>>, vector<128x1xf32>,
    %eq3A_122 = arith.constant 7 : i32
    %eq3A_123 = arith.cmpi eq, %arg0, %eq3A_122 : i32
    %convert_element_type3A_124 = arith.extui %eq3A_123 : i1 to i32
    %cond3A_125 = arith.constant 0 : i32
    %cond3A_126 = arith.cmpi ne, %convert_element_type3A_124, %cond3A_125 : i32
    scf.if %cond3A_126 {
      %get3A_127 = arith.constant 0 : index
      %get3A_128 = arith.constant 0 : index
      %get3A_129 = vector.load %arg6[%get3A_127, %get3A_128] : memref<128x512xf32, #tpu.memory_space<vmem>>, vector<128x512xf32>
      %get3A_130 = arith.constant 0 : index
      %get3A_131 = arith.constant 0 : index
      %get3A_132 = vector.load %arg7[%get3A_130, %get3A_131] : memref<128x1xf32, #tpu.memory_space<vmem>>, vector<128x1xf32>
      %add3A_133 = arith.constant 9.99999997E-7 : f32
      %add3A_134 = vector.broadcast %add3A_133 : f32 to vector<128x1xf32>
      %add3A_135 = arith.addf %get3A_132, %add3A_134 : vector<128x1xf32>
      %div3A_136 = vector.broadcast %add3A_135 : vector<128x1xf32> to vector<128x512xf32>
      %div3A_137 = arith.divf %get3A_129, %div3A_136 : vector<128x512xf32>
      %get3A_138 = arith.constant 0 : index
      %get3A_139 = arith.constant 0 : index
      %get3A_140 = vector.load %arg4[%get3A_138, %get3A_139] : memref<512x512xf32, #tpu.memory_space<vmem>>, vector<512x512xf32>
      %dot_general3A_141 = arith.constant dense<0.000000e+00> : vector<128x512xf32>
      %dot_general3A_142 = tpu.matmul %div3A_137, %get3A_140, %dot_general3A_141 {dimension_numbers = #tpu.dot_dimension_numbers<[1], [0], [0], [1], [0, 0, 1, 1], [], []>, transpose_lhs_hint = false} : vector<128x512xf32>, vector<512x512xf32>, vector<128x512xf32> -> vector<128x512xf32>
      %max3A = arith.constant 0.000000e+00 : f32
      %max3A_143 = vector.broadcast %max3A : f32 to vector<128x512xf32>
      %max3A_144 = arith.maximumf %dot_general3A_142, %max3A_143 : vector<128x512xf32>
      %swap3A_145 = arith.constant 0 : index
      %swap3A_146 = arith.constant 0 : index
      %swap3A_147 = vector.load %arg8[%swap3A_145, %swap3A_146] : memref<128x512xf32, #tpu.memory_space<vmem>>, vector<128x512xf32>
      tpu.vector_store %arg8[%swap3A_145, %swap3A_146], %max3A_144 {strides = array<i32>} : memref<128x512xf32, #tpu.memory_space<vmem>>, vector<128x512xf32>,
    } else {
    }
    return
  }
  func.func @transform_0(%arg0: i32) -> (i32, i32) {
    %c0_i32 = arith.constant 0 : i32
    %c0_i32_0 = arith.constant 0 : i32
    return %arg0, %c0_i32 : i32, i32
  }
  func.func @transform_1(%arg0: i32) -> (i32, i32) {
    %c0_i32 = arith.constant 0 : i32
    %c0_i32_0 = arith.constant 0 : i32
    return %arg0, %c0_i32 : i32, i32
  }
  func.func @transform_2(%arg0: i32) -> (i32, i32) {
    %c0_i32 = arith.constant 0 : i32
    %c0_i32_0 = arith.constant 0 : i32
    %c0_i32_1 = arith.constant 0 : i32
    return %c0_i32, %c0_i32_0 : i32, i32
  }
  func.func @transform_3(%arg0: i32) -> (i32, i32) {
    %c0_i32 = arith.constant 0 : i32
    %c0_i32_0 = arith.constant 0 : i32
    %c0_i32_1 = arith.constant 0 : i32
    return %c0_i32, %c0_i32_0 : i32, i32
  }
  func.func @transform_4(%arg0: i32) -> (i32, i32) {
    %c0_i32 = arith.constant 0 : i32
    %c0_i32_0 = arith.constant 0 : i32
    return %arg0, %c0_i32 : i32, i32
  }
  func.func @transform_5(%arg0: i32) -> (i32, i32) {
    %c0_i32 = arith.constant 0 : i32
    %c0_i32_0 = arith.constant 0 : i32
    %c0_i32_1 = arith.constant 0 : i32
    return %c0_i32, %c0_i32_0 : i32, i32
  }
  func.func @transform_6(%arg0: i32) -> (i32, i32) {
    %c0_i32 = arith.constant 0 : i32
    %c0_i32_0 = arith.constant 0 : i32
    %c0_i32_1 = arith.constant 0 : i32
    return %c0_i32, %c0_i32_0 : i32, i32
  }
  func.func @transform_7(%arg0: i32) -> (i32, i32) {
    %c0_i32 = arith.constant 0 : i32
    %c0_i32_0 = arith.constant 0 : i32
    %c0_i32_1 = arith.constant 0 : i32
    return %c0_i32, %c0_i32_0 : i32, i32
  }
  func.func @transform_8(%arg0: i32) -> (i32, i32, i32) {
    %c0_i32 = arith.constant 0 : i32
    %c0_i32_0 = arith.constant 0 : i32
    %c0_i32_1 = arith.constant 0 : i32
    return %c0_i32, %arg0, %c0_i32_0 : i32, i32, i32
  }
}

module attributes {stable_mosaic.version = 14 : i64} {
  func.func @_hbase_body(%arg0: i32, %arg1: memref<1024x512xf32, #tpu.memory_space<vmem>>, %arg2: memref<1024x128xf32, #tpu.memory_space<vmem>>, %arg3: memref<8x1024x64xf32, #tpu.memory_space<vmem>>, %arg4: memref<1024x1xf32, #tpu.memory_space<vmem>>, %arg5: memref<128x512xf32, #tpu.memory_space<vmem>>, %arg6: memref<512x512xf32, #tpu.memory_space<vmem>>, %arg7: memref<8x64x512xf32, #tpu.memory_space<vmem>>, %arg8: memref<512x512xf32, #tpu.memory_space<vmem>>, %arg9: memref<128x1xf32, #tpu.memory_space<vmem>>, %arg10: memref<512x512xf32, #tpu.memory_space<vmem>>, %arg11: memref<512x512xf32, #tpu.memory_space<vmem>>, %arg12: memref<512x10xf32, #tpu.memory_space<vmem>>, %arg13: memref<512x10xf32, #tpu.memory_space<vmem>>, %arg14: memref<16x10xf32, #tpu.memory_space<vmem>>, %arg15: memref<128x512xf32, #tpu.memory_space<vmem>>, %arg16: memref<16x512xf32, #tpu.memory_space<vmem>>, %arg17: memref<16x1xf32, #tpu.memory_space<vmem>>) attributes {dimension_semantics = [#tpu.dimension_semantics<arbitrary>], iteration_bounds = array<i64: 8>, scalar_prefetch = 0 : i64, scratch_operands = 3 : i64, tpu.core_type = #tpu.core_type<tc>, window_params = [{transform_indices = @transform_0, window_bounds = array<i64: 1024, 512>}, {transform_indices = @transform_1, window_bounds = array<i64: 1024, 128>}, {transform_indices = @transform_2, window_bounds = array<i64: 8, 1024, 64>}, {transform_indices = @transform_3, window_bounds = array<i64: 1024, 1>}, {pipeline_mode = #tpu.pipeline_mode<synchronous>, transform_indices = @transform_4, window_bounds = array<i64: 128, 512>}, {pipeline_mode = #tpu.pipeline_mode<synchronous>, transform_indices = @transform_5, window_bounds = array<i64: 512, 512>}, {pipeline_mode = #tpu.pipeline_mode<synchronous>, transform_indices = @transform_6, window_bounds = array<i64: 8, 64, 512>}, {pipeline_mode = #tpu.pipeline_mode<synchronous>, transform_indices = @transform_7, window_bounds = array<i64: 512, 512>}, {pipeline_mode = #tpu.pipeline_mode<synchronous>, transform_indices = @transform_8, window_bounds = array<i64: 128, 1>}, {pipeline_mode = #tpu.pipeline_mode<synchronous>, transform_indices = @transform_9, window_bounds = array<i64: 512, 512>}, {pipeline_mode = #tpu.pipeline_mode<synchronous>, transform_indices = @transform_10, window_bounds = array<i64: 512, 512>}, {pipeline_mode = #tpu.pipeline_mode<synchronous>, transform_indices = @transform_11, window_bounds = array<i64: 512, 10>}, {pipeline_mode = #tpu.pipeline_mode<synchronous>, transform_indices = @transform_12, window_bounds = array<i64: 512, 10>}, {pipeline_mode = #tpu.pipeline_mode<synchronous>, transform_indices = @transform_13, window_bounds = array<i64: 16, 10>}]} {
    %get3A = arith.constant 0 : index
    %get3A_0 = arith.constant 0 : index
    %get3A_1 = vector.load %arg1[%get3A, %get3A_0] : memref<1024x512xf32, #tpu.memory_space<vmem>>, vector<1024x512xf32>
    %get3A_2 = arith.constant 0 : index
    %get3A_3 = arith.constant 0 : index
    %get3A_4 = vector.load %arg2[%get3A_2, %get3A_3] : memref<1024x128xf32, #tpu.memory_space<vmem>>, vector<1024x128xf32>
    %get3A_5 = arith.constant 0 : index
    %get3A_6 = arith.constant 0 : index
    %get3A_7 = vector.load %arg4[%get3A_5, %get3A_6] : memref<1024x1xf32, #tpu.memory_space<vmem>>, vector<1024x1xf32>
    %convert_element_type3A = arith.truncf %get3A_1 : vector<1024x512xf32> to vector<1024x512xbf16>
    %get3A_8 = arith.constant 0 : index
    %get3A_9 = arith.constant 0 : index
    %get3A_10 = vector.load %arg6[%get3A_8, %get3A_9] : memref<512x512xf32, #tpu.memory_space<vmem>>, vector<512x512xf32>
    %convert_element_type3A_11 = arith.truncf %get3A_10 : vector<512x512xf32> to vector<512x512xbf16>
    %dot_general3A = arith.constant dense<0.000000e+00> : vector<1024x512xf32>
    %dot_general3A_12 = tpu.matmul %convert_element_type3A, %convert_element_type3A_11, %dot_general3A {dimension_numbers = #tpu.dot_dimension_numbers<[1], [0], [0], [1], [0, 0, 1, 1], [], []>, transpose_lhs_hint = false} : vector<1024x512xbf16>, vector<512x512xbf16>, vector<1024x512xf32> -> vector<1024x512xf32>
    %get3A_13 = arith.constant 0 : index
    %get3A_14 = arith.constant 0 : index
    %get3A_15 = arith.constant 0 : index
    %get3A_16 = vector.load %arg3[%get3A_13, %get3A_14, %get3A_15] : memref<8x1024x64xf32, #tpu.memory_space<vmem>>, vector<1x1024x64xf32>
    %get3A_17 = vector.shape_cast %get3A_16 : vector<1x1024x64xf32> to vector<1024x64xf32>
    %convert_element_type3A_18 = arith.truncf %get3A_17 : vector<1024x64xf32> to vector<1024x64xbf16>
    %get3A_19 = arith.constant 0 : index
    %get3A_20 = arith.constant 0 : index
    %get3A_21 = arith.constant 0 : index
    %get3A_22 = vector.load %arg7[%get3A_19, %get3A_20, %get3A_21] : memref<8x64x512xf32, #tpu.memory_space<vmem>>, vector<1x64x512xf32>
    %get3A_23 = vector.shape_cast %get3A_22 : vector<1x64x512xf32> to vector<64x512xf32>
    %convert_element_type3A_24 = arith.truncf %get3A_23 : vector<64x512xf32> to vector<64x512xbf16>
    %dot_general3A_25 = arith.constant dense<0.000000e+00> : vector<1024x512xf32>
    %dot_general3A_26 = tpu.matmul %convert_element_type3A_18, %convert_element_type3A_24, %dot_general3A_25 {dimension_numbers = #tpu.dot_dimension_numbers<[1], [0], [0], [1], [0, 0, 1, 1], [], []>, transpose_lhs_hint = false} : vector<1024x64xbf16>, vector<64x512xbf16>, vector<1024x512xf32> -> vector<1024x512xf32>
    %add3A = arith.addf %dot_general3A_12, %dot_general3A_26 : vector<1024x512xf32>
    %get3A_27 = arith.constant 1 : index
    %get3A_28 = arith.constant 0 : index
    %get3A_29 = arith.constant 0 : index
    %get3A_30 = vector.load %arg3[%get3A_27, %get3A_28, %get3A_29] : memref<8x1024x64xf32, #tpu.memory_space<vmem>>, vector<1x1024x64xf32>
    %get3A_31 = vector.shape_cast %get3A_30 : vector<1x1024x64xf32> to vector<1024x64xf32>
    %convert_element_type3A_32 = arith.truncf %get3A_31 : vector<1024x64xf32> to vector<1024x64xbf16>
    %get3A_33 = arith.constant 1 : index
    %get3A_34 = arith.constant 0 : index
    %get3A_35 = arith.constant 0 : index
    %get3A_36 = vector.load %arg7[%get3A_33, %get3A_34, %get3A_35] : memref<8x64x512xf32, #tpu.memory_space<vmem>>, vector<1x64x512xf32>
    %get3A_37 = vector.shape_cast %get3A_36 : vector<1x64x512xf32> to vector<64x512xf32>
    %convert_element_type3A_38 = arith.truncf %get3A_37 : vector<64x512xf32> to vector<64x512xbf16>
    %dot_general3A_39 = arith.constant dense<0.000000e+00> : vector<1024x512xf32>
    %dot_general3A_40 = tpu.matmul %convert_element_type3A_32, %convert_element_type3A_38, %dot_general3A_39 {dimension_numbers = #tpu.dot_dimension_numbers<[1], [0], [0], [1], [0, 0, 1, 1], [], []>, transpose_lhs_hint = false} : vector<1024x64xbf16>, vector<64x512xbf16>, vector<1024x512xf32> -> vector<1024x512xf32>
    %add3A_41 = arith.addf %add3A, %dot_general3A_40 : vector<1024x512xf32>
    %get3A_42 = arith.constant 2 : index
    %get3A_43 = arith.constant 0 : index
    %get3A_44 = arith.constant 0 : index
    %get3A_45 = vector.load %arg3[%get3A_42, %get3A_43, %get3A_44] : memref<8x1024x64xf32, #tpu.memory_space<vmem>>, vector<1x1024x64xf32>
    %get3A_46 = vector.shape_cast %get3A_45 : vector<1x1024x64xf32> to vector<1024x64xf32>
    %convert_element_type3A_47 = arith.truncf %get3A_46 : vector<1024x64xf32> to vector<1024x64xbf16>
    %get3A_48 = arith.constant 2 : index
    %get3A_49 = arith.constant 0 : index
    %get3A_50 = arith.constant 0 : index
    %get3A_51 = vector.load %arg7[%get3A_48, %get3A_49, %get3A_50] : memref<8x64x512xf32, #tpu.memory_space<vmem>>, vector<1x64x512xf32>
    %get3A_52 = vector.shape_cast %get3A_51 : vector<1x64x512xf32> to vector<64x512xf32>
    %convert_element_type3A_53 = arith.truncf %get3A_52 : vector<64x512xf32> to vector<64x512xbf16>
    %dot_general3A_54 = arith.constant dense<0.000000e+00> : vector<1024x512xf32>
    %dot_general3A_55 = tpu.matmul %convert_element_type3A_47, %convert_element_type3A_53, %dot_general3A_54 {dimension_numbers = #tpu.dot_dimension_numbers<[1], [0], [0], [1], [0, 0, 1, 1], [], []>, transpose_lhs_hint = false} : vector<1024x64xbf16>, vector<64x512xbf16>, vector<1024x512xf32> -> vector<1024x512xf32>
    %add3A_56 = arith.addf %add3A_41, %dot_general3A_55 : vector<1024x512xf32>
    %get3A_57 = arith.constant 3 : index
    %get3A_58 = arith.constant 0 : index
    %get3A_59 = arith.constant 0 : index
    %get3A_60 = vector.load %arg3[%get3A_57, %get3A_58, %get3A_59] : memref<8x1024x64xf32, #tpu.memory_space<vmem>>, vector<1x1024x64xf32>
    %get3A_61 = vector.shape_cast %get3A_60 : vector<1x1024x64xf32> to vector<1024x64xf32>
    %convert_element_type3A_62 = arith.truncf %get3A_61 : vector<1024x64xf32> to vector<1024x64xbf16>
    %get3A_63 = arith.constant 3 : index
    %get3A_64 = arith.constant 0 : index
    %get3A_65 = arith.constant 0 : index
    %get3A_66 = vector.load %arg7[%get3A_63, %get3A_64, %get3A_65] : memref<8x64x512xf32, #tpu.memory_space<vmem>>, vector<1x64x512xf32>
    %get3A_67 = vector.shape_cast %get3A_66 : vector<1x64x512xf32> to vector<64x512xf32>
    %convert_element_type3A_68 = arith.truncf %get3A_67 : vector<64x512xf32> to vector<64x512xbf16>
    %dot_general3A_69 = arith.constant dense<0.000000e+00> : vector<1024x512xf32>
    %dot_general3A_70 = tpu.matmul %convert_element_type3A_62, %convert_element_type3A_68, %dot_general3A_69 {dimension_numbers = #tpu.dot_dimension_numbers<[1], [0], [0], [1], [0, 0, 1, 1], [], []>, transpose_lhs_hint = false} : vector<1024x64xbf16>, vector<64x512xbf16>, vector<1024x512xf32> -> vector<1024x512xf32>
    %add3A_71 = arith.addf %add3A_56, %dot_general3A_70 : vector<1024x512xf32>
    %get3A_72 = arith.constant 4 : index
    %get3A_73 = arith.constant 0 : index
    %get3A_74 = arith.constant 0 : index
    %get3A_75 = vector.load %arg3[%get3A_72, %get3A_73, %get3A_74] : memref<8x1024x64xf32, #tpu.memory_space<vmem>>, vector<1x1024x64xf32>
    %get3A_76 = vector.shape_cast %get3A_75 : vector<1x1024x64xf32> to vector<1024x64xf32>
    %convert_element_type3A_77 = arith.truncf %get3A_76 : vector<1024x64xf32> to vector<1024x64xbf16>
    %get3A_78 = arith.constant 4 : index
    %get3A_79 = arith.constant 0 : index
    %get3A_80 = arith.constant 0 : index
    %get3A_81 = vector.load %arg7[%get3A_78, %get3A_79, %get3A_80] : memref<8x64x512xf32, #tpu.memory_space<vmem>>, vector<1x64x512xf32>
    %get3A_82 = vector.shape_cast %get3A_81 : vector<1x64x512xf32> to vector<64x512xf32>
    %convert_element_type3A_83 = arith.truncf %get3A_82 : vector<64x512xf32> to vector<64x512xbf16>
    %dot_general3A_84 = arith.constant dense<0.000000e+00> : vector<1024x512xf32>
    %dot_general3A_85 = tpu.matmul %convert_element_type3A_77, %convert_element_type3A_83, %dot_general3A_84 {dimension_numbers = #tpu.dot_dimension_numbers<[1], [0], [0], [1], [0, 0, 1, 1], [], []>, transpose_lhs_hint = false} : vector<1024x64xbf16>, vector<64x512xbf16>, vector<1024x512xf32> -> vector<1024x512xf32>
    %add3A_86 = arith.addf %add3A_71, %dot_general3A_85 : vector<1024x512xf32>
    %get3A_87 = arith.constant 5 : index
    %get3A_88 = arith.constant 0 : index
    %get3A_89 = arith.constant 0 : index
    %get3A_90 = vector.load %arg3[%get3A_87, %get3A_88, %get3A_89] : memref<8x1024x64xf32, #tpu.memory_space<vmem>>, vector<1x1024x64xf32>
    %get3A_91 = vector.shape_cast %get3A_90 : vector<1x1024x64xf32> to vector<1024x64xf32>
    %convert_element_type3A_92 = arith.truncf %get3A_91 : vector<1024x64xf32> to vector<1024x64xbf16>
    %get3A_93 = arith.constant 5 : index
    %get3A_94 = arith.constant 0 : index
    %get3A_95 = arith.constant 0 : index
    %get3A_96 = vector.load %arg7[%get3A_93, %get3A_94, %get3A_95] : memref<8x64x512xf32, #tpu.memory_space<vmem>>, vector<1x64x512xf32>
    %get3A_97 = vector.shape_cast %get3A_96 : vector<1x64x512xf32> to vector<64x512xf32>
    %convert_element_type3A_98 = arith.truncf %get3A_97 : vector<64x512xf32> to vector<64x512xbf16>
    %dot_general3A_99 = arith.constant dense<0.000000e+00> : vector<1024x512xf32>
    %dot_general3A_100 = tpu.matmul %convert_element_type3A_92, %convert_element_type3A_98, %dot_general3A_99 {dimension_numbers = #tpu.dot_dimension_numbers<[1], [0], [0], [1], [0, 0, 1, 1], [], []>, transpose_lhs_hint = false} : vector<1024x64xbf16>, vector<64x512xbf16>, vector<1024x512xf32> -> vector<1024x512xf32>
    %add3A_101 = arith.addf %add3A_86, %dot_general3A_100 : vector<1024x512xf32>
    %get3A_102 = arith.constant 6 : index
    %get3A_103 = arith.constant 0 : index
    %get3A_104 = arith.constant 0 : index
    %get3A_105 = vector.load %arg3[%get3A_102, %get3A_103, %get3A_104] : memref<8x1024x64xf32, #tpu.memory_space<vmem>>, vector<1x1024x64xf32>
    %get3A_106 = vector.shape_cast %get3A_105 : vector<1x1024x64xf32> to vector<1024x64xf32>
    %convert_element_type3A_107 = arith.truncf %get3A_106 : vector<1024x64xf32> to vector<1024x64xbf16>
    %get3A_108 = arith.constant 6 : index
    %get3A_109 = arith.constant 0 : index
    %get3A_110 = arith.constant 0 : index
    %get3A_111 = vector.load %arg7[%get3A_108, %get3A_109, %get3A_110] : memref<8x64x512xf32, #tpu.memory_space<vmem>>, vector<1x64x512xf32>
    %get3A_112 = vector.shape_cast %get3A_111 : vector<1x64x512xf32> to vector<64x512xf32>
    %convert_element_type3A_113 = arith.truncf %get3A_112 : vector<64x512xf32> to vector<64x512xbf16>
    %dot_general3A_114 = arith.constant dense<0.000000e+00> : vector<1024x512xf32>
    %dot_general3A_115 = tpu.matmul %convert_element_type3A_107, %convert_element_type3A_113, %dot_general3A_114 {dimension_numbers = #tpu.dot_dimension_numbers<[1], [0], [0], [1], [0, 0, 1, 1], [], []>, transpose_lhs_hint = false} : vector<1024x64xbf16>, vector<64x512xbf16>, vector<1024x512xf32> -> vector<1024x512xf32>
    %add3A_116 = arith.addf %add3A_101, %dot_general3A_115 : vector<1024x512xf32>
    %get3A_117 = arith.constant 7 : index
    %get3A_118 = arith.constant 0 : index
    %get3A_119 = arith.constant 0 : index
    %get3A_120 = vector.load %arg3[%get3A_117, %get3A_118, %get3A_119] : memref<8x1024x64xf32, #tpu.memory_space<vmem>>, vector<1x1024x64xf32>
    %get3A_121 = vector.shape_cast %get3A_120 : vector<1x1024x64xf32> to vector<1024x64xf32>
    %convert_element_type3A_122 = arith.truncf %get3A_121 : vector<1024x64xf32> to vector<1024x64xbf16>
    %get3A_123 = arith.constant 7 : index
    %get3A_124 = arith.constant 0 : index
    %get3A_125 = arith.constant 0 : index
    %get3A_126 = vector.load %arg7[%get3A_123, %get3A_124, %get3A_125] : memref<8x64x512xf32, #tpu.memory_space<vmem>>, vector<1x64x512xf32>
    %get3A_127 = vector.shape_cast %get3A_126 : vector<1x64x512xf32> to vector<64x512xf32>
    %convert_element_type3A_128 = arith.truncf %get3A_127 : vector<64x512xf32> to vector<64x512xbf16>
    %dot_general3A_129 = arith.constant dense<0.000000e+00> : vector<1024x512xf32>
    %dot_general3A_130 = tpu.matmul %convert_element_type3A_122, %convert_element_type3A_128, %dot_general3A_129 {dimension_numbers = #tpu.dot_dimension_numbers<[1], [0], [0], [1], [0, 0, 1, 1], [], []>, transpose_lhs_hint = false} : vector<1024x64xbf16>, vector<64x512xbf16>, vector<1024x512xf32> -> vector<1024x512xf32>
    %add3A_131 = arith.addf %add3A_116, %dot_general3A_130 : vector<1024x512xf32>
    %get3A_132 = arith.constant 0 : index
    %get3A_133 = arith.constant 0 : index
    %get3A_134 = vector.load %arg5[%get3A_132, %get3A_133] : memref<128x512xf32, #tpu.memory_space<vmem>>, vector<128x512xf32>
    %dot_general3A_135 = arith.constant dense<0.000000e+00> : vector<1024x512xf32>
    %dot_general3A_136 = tpu.matmul %get3A_4, %get3A_134, %dot_general3A_135 {dimension_numbers = #tpu.dot_dimension_numbers<[1], [0], [0], [1], [0, 0, 1, 1], [], []>, transpose_lhs_hint = false} : vector<1024x128xf32>, vector<128x512xf32>, vector<1024x512xf32> -> vector<1024x512xf32>
    %convert_element_type3A_137 = arith.truncf %dot_general3A_136 : vector<1024x512xf32> to vector<1024x512xbf16>
    %get3A_138 = arith.constant 0 : index
    %get3A_139 = arith.constant 0 : index
    %get3A_140 = vector.load %arg8[%get3A_138, %get3A_139] : memref<512x512xf32, #tpu.memory_space<vmem>>, vector<512x512xf32>
    %convert_element_type3A_141 = arith.truncf %get3A_140 : vector<512x512xf32> to vector<512x512xbf16>
    %dot_general3A_142 = arith.constant dense<0.000000e+00> : vector<1024x512xf32>
    %dot_general3A_143 = tpu.matmul %convert_element_type3A_137, %convert_element_type3A_141, %dot_general3A_142 {dimension_numbers = #tpu.dot_dimension_numbers<[1], [0], [0], [1], [0, 0, 1, 1], [], []>, transpose_lhs_hint = false} : vector<1024x512xbf16>, vector<512x512xbf16>, vector<1024x512xf32> -> vector<1024x512xf32>
    %add3A_144 = arith.addf %add3A_131, %dot_general3A_143 : vector<1024x512xf32>
    %max3A = arith.constant 0.000000e+00 : f32
    %max3A_145 = vector.broadcast %max3A : f32 to vector<1024x512xf32>
    %max3A_146 = arith.maximumf %add3A_144, %max3A_145 : vector<1024x512xf32>
    %iota3A = tpu.iota {dimensions = array<i32: 1>} : vector<1024x16xi32>
    %convert_element_type3A_147 = arith.sitofp %iota3A : vector<1024x16xi32> to vector<1024x16xf32>
    %eq3A = vector.broadcast %get3A_7 : vector<1024x1xf32> to vector<1024x16xf32>
    %eq3A_148 = arith.cmpf oeq, %eq3A, %convert_element_type3A_147 : vector<1024x16xf32>
    %convert_element_type3A_149 = arith.extui %eq3A_148 : vector<1024x16xi1> to vector<1024x16xi32>
    %convert_element_type3A_150 = arith.sitofp %convert_element_type3A_149 : vector<1024x16xi32> to vector<1024x16xf32>
    %eq3A_151 = arith.constant 0 : i32
    %eq3A_152 = arith.cmpi eq, %arg0, %eq3A_151 : i32
    %convert_element_type3A_153 = arith.extui %eq3A_152 : i1 to i32
    %cond3A = arith.constant 0 : i32
    %cond3A_154 = arith.cmpi ne, %convert_element_type3A_153, %cond3A : i32
    scf.if %cond3A_154 {
      %broadcast_in_dim3A_187 = arith.constant 0.000000e+00 : f32
      %broadcast_in_dim3A_188 = vector.broadcast %broadcast_in_dim3A_187 : f32 to vector<128x512xf32>
      %swap3A_189 = arith.constant 0 : index
      %swap3A_190 = arith.constant 0 : index
      %swap3A_191 = vector.load %arg15[%swap3A_189, %swap3A_190] : memref<128x512xf32, #tpu.memory_space<vmem>>, vector<128x512xf32>
      tpu.vector_store %arg15[%swap3A_189, %swap3A_190], %broadcast_in_dim3A_188 {strides = array<i32>} : memref<128x512xf32, #tpu.memory_space<vmem>>, vector<128x512xf32>,
      %broadcast_in_dim3A_192 = arith.constant 0.000000e+00 : f32
      %broadcast_in_dim3A_193 = vector.broadcast %broadcast_in_dim3A_192 : f32 to vector<16x512xf32>
      %swap3A_194 = arith.constant 0 : index
      %swap3A_195 = arith.constant 0 : index
      %swap3A_196 = vector.load %arg16[%swap3A_194, %swap3A_195] : memref<16x512xf32, #tpu.memory_space<vmem>>, vector<16x512xf32>
      tpu.vector_store %arg16[%swap3A_194, %swap3A_195], %broadcast_in_dim3A_193 {strides = array<i32>} : memref<16x512xf32, #tpu.memory_space<vmem>>, vector<16x512xf32>,
      %broadcast_in_dim3A_197 = arith.constant 0.000000e+00 : f32
      %broadcast_in_dim3A_198 = vector.broadcast %broadcast_in_dim3A_197 : f32 to vector<16x1xf32>
      %swap3A_199 = arith.constant 0 : index
      %swap3A_200 = arith.constant 0 : index
      %swap3A_201 = vector.load %arg17[%swap3A_199, %swap3A_200] : memref<16x1xf32, #tpu.memory_space<vmem>>, vector<16x1xf32>
      tpu.vector_store %arg17[%swap3A_199, %swap3A_200], %broadcast_in_dim3A_198 {strides = array<i32>} : memref<16x1xf32, #tpu.memory_space<vmem>>, vector<16x1xf32>,
    } else {
    }
    %get3A_155 = arith.constant 0 : index
    %get3A_156 = arith.constant 0 : index
    %get3A_157 = vector.load %arg15[%get3A_155, %get3A_156] : memref<128x512xf32, #tpu.memory_space<vmem>>, vector<128x512xf32>
    %dot_general3A_158 = arith.constant dense<0.000000e+00> : vector<128x512xf32>
    %dot_general3A_159 = tpu.matmul %get3A_4, %max3A_146, %dot_general3A_158 {dimension_numbers = #tpu.dot_dimension_numbers<[0], [0], [1], [1], [0, 1, 1, 1], [], []>, transpose_lhs_hint = false} : vector<1024x128xf32>, vector<1024x512xf32>, vector<128x512xf32> -> vector<128x512xf32>
    %add3A_160 = arith.addf %get3A_157, %dot_general3A_159 : vector<128x512xf32>
    %swap3A = arith.constant 0 : index
    %swap3A_161 = arith.constant 0 : index
    %swap3A_162 = vector.load %arg15[%swap3A, %swap3A_161] : memref<128x512xf32, #tpu.memory_space<vmem>>, vector<128x512xf32>
    tpu.vector_store %arg15[%swap3A, %swap3A_161], %add3A_160 {strides = array<i32>} : memref<128x512xf32, #tpu.memory_space<vmem>>, vector<128x512xf32>,
    %get3A_163 = arith.constant 0 : index
    %get3A_164 = arith.constant 0 : index
    %get3A_165 = vector.load %arg16[%get3A_163, %get3A_164] : memref<16x512xf32, #tpu.memory_space<vmem>>, vector<16x512xf32>
    %dot_general3A_166 = arith.constant dense<0.000000e+00> : vector<16x512xf32>
    %dot_general3A_167 = tpu.matmul %convert_element_type3A_150, %max3A_146, %dot_general3A_166 {dimension_numbers = #tpu.dot_dimension_numbers<[0], [0], [1], [1], [0, 1, 1, 1], [], []>, transpose_lhs_hint = false} : vector<1024x16xf32>, vector<1024x512xf32>, vector<16x512xf32> -> vector<16x512xf32>
    %add3A_168 = arith.addf %get3A_165, %dot_general3A_167 : vector<16x512xf32>
    %swap3A_169 = arith.constant 0 : index
    %swap3A_170 = arith.constant 0 : index
    %swap3A_171 = vector.load %arg16[%swap3A_169, %swap3A_170] : memref<16x512xf32, #tpu.memory_space<vmem>>, vector<16x512xf32>
    tpu.vector_store %arg16[%swap3A_169, %swap3A_170], %add3A_168 {strides = array<i32>} : memref<16x512xf32, #tpu.memory_space<vmem>>, vector<16x512xf32>,
    %broadcast_in_dim3A = arith.constant 1.000000e+00 : f32
    %broadcast_in_dim3A_172 = vector.broadcast %broadcast_in_dim3A : f32 to vector<1024x1xf32>
    %get3A_173 = arith.constant 0 : index
    %get3A_174 = arith.constant 0 : index
    %get3A_175 = vector.load %arg17[%get3A_173, %get3A_174] : memref<16x1xf32, #tpu.memory_space<vmem>>, vector<16x1xf32>
    %dot_general3A_176 = arith.constant dense<0.000000e+00> : vector<16x1xf32>
    %dot_general3A_177 = tpu.matmul %convert_element_type3A_150, %broadcast_in_dim3A_172, %dot_general3A_176 {dimension_numbers = #tpu.dot_dimension_numbers<[0], [0], [1], [1], [0, 1, 1, 1], [], []>, transpose_lhs_hint = false} : vector<1024x16xf32>, vector<1024x1xf32>, vector<16x1xf32> -> vector<16x1xf32>
    %add3A_178 = arith.addf %get3A_175, %dot_general3A_177 : vector<16x1xf32>
    %swap3A_179 = arith.constant 0 : index
    %swap3A_180 = arith.constant 0 : index
    %swap3A_181 = vector.load %arg17[%swap3A_179, %swap3A_180] : memref<16x1xf32, #tpu.memory_space<vmem>>, vector<16x1xf32>
    tpu.vector_store %arg17[%swap3A_179, %swap3A_180], %add3A_178 {strides = array<i32>} : memref<16x1xf32, #tpu.memory_space<vmem>>, vector<16x1xf32>,
    %eq3A_182 = arith.constant 7 : i32
    %eq3A_183 = arith.cmpi eq, %arg0, %eq3A_182 : i32
    %convert_element_type3A_184 = arith.extui %eq3A_183 : i1 to i32
    %cond3A_185 = arith.constant 0 : i32
    %cond3A_186 = arith.cmpi ne, %convert_element_type3A_184, %cond3A_185 : i32
    scf.if %cond3A_186 {
      %get3A_187 = arith.constant 0 : index
      %get3A_188 = arith.constant 0 : index
      %get3A_189 = vector.load %arg5[%get3A_187, %get3A_188] : memref<128x512xf32, #tpu.memory_space<vmem>>, vector<128x512xf32>
      %iota3A_190 = tpu.iota {dimensions = array<i32: 0>} : vector<128x128xi32>
      %jit3A = arith.constant 8 : i32
      %div3A = vector.broadcast %jit3A : i32 to vector<128x128xi32>
      %div3A_191 = arith.divsi %iota3A_190, %div3A : vector<128x128xi32>
      %sign3A = arith.constant 0 : i32
      %sign3A_192 = vector.broadcast %sign3A : i32 to vector<128x128xi32>
      %sign3A_193 = arith.cmpi sgt, %iota3A_190, %sign3A_192 : vector<128x128xi32>
      %sign3A_194 = arith.extui %sign3A_193 : vector<128x128xi1> to vector<128x128xi32>
      %sign3A_195 = arith.constant 0 : i32
      %sign3A_196 = vector.broadcast %sign3A_195 : i32 to vector<128x128xi32>
      %sign3A_197 = arith.cmpi slt, %iota3A_190, %sign3A_196 : vector<128x128xi32>
      %sign3A_198 = arith.extui %sign3A_197 : vector<128x128xi1> to vector<128x128xi32>
      %sign3A_199 = arith.subi %sign3A_194, %sign3A_198 : vector<128x128xi32>
      %sign3A_200 = arith.constant 0 : i32
      %sign3A_201 = arith.cmpi sgt, %jit3A, %sign3A_200 : i32
      %sign3A_202 = arith.extui %sign3A_201 : i1 to i32
      %sign3A_203 = arith.constant 0 : i32
      %sign3A_204 = arith.cmpi slt, %jit3A, %sign3A_203 : i32
      %sign3A_205 = arith.extui %sign3A_204 : i1 to i32
      %sign3A_206 = arith.subi %sign3A_202, %sign3A_205 : i32
      %ne3A = vector.broadcast %sign3A_206 : i32 to vector<128x128xi32>
      %ne3A_207 = arith.cmpi ne, %sign3A_199, %ne3A : vector<128x128xi32>
      %rem3A = vector.broadcast %jit3A : i32 to vector<128x128xi32>
      %rem3A_208 = arith.remsi %iota3A_190, %rem3A : vector<128x128xi32>
      %ne3A_209 = arith.constant 0 : i32
      %ne3A_210 = vector.broadcast %ne3A_209 : i32 to vector<128x128xi32>
      %ne3A_211 = arith.cmpi ne, %rem3A_208, %ne3A_210 : vector<128x128xi32>
      %and3A = arith.andi %ne3A_207, %ne3A_211 : vector<128x128xi1>
      %sub3A = arith.constant 1 : i32
      %sub3A_212 = vector.broadcast %sub3A : i32 to vector<128x128xi32>
      %sub3A_213 = arith.subi %div3A_191, %sub3A_212 : vector<128x128xi32>
      %select_n3A = arith.select %and3A, %sub3A_213, %div3A_191 : vector<128x128xi1>, vector<128x128xi32>
      %iota3A_214 = tpu.iota {dimensions = array<i32: 1>} : vector<128x128xi32>
      %jit3A_215 = arith.constant 8 : i32
      %div3A_216 = vector.broadcast %jit3A_215 : i32 to vector<128x128xi32>
      %div3A_217 = arith.divsi %iota3A_214, %div3A_216 : vector<128x128xi32>
      %sign3A_218 = arith.constant 0 : i32
      %sign3A_219 = vector.broadcast %sign3A_218 : i32 to vector<128x128xi32>
      %sign3A_220 = arith.cmpi sgt, %iota3A_214, %sign3A_219 : vector<128x128xi32>
      %sign3A_221 = arith.extui %sign3A_220 : vector<128x128xi1> to vector<128x128xi32>
      %sign3A_222 = arith.constant 0 : i32
      %sign3A_223 = vector.broadcast %sign3A_222 : i32 to vector<128x128xi32>
      %sign3A_224 = arith.cmpi slt, %iota3A_214, %sign3A_223 : vector<128x128xi32>
      %sign3A_225 = arith.extui %sign3A_224 : vector<128x128xi1> to vector<128x128xi32>
      %sign3A_226 = arith.subi %sign3A_221, %sign3A_225 : vector<128x128xi32>
      %sign3A_227 = arith.constant 0 : i32
      %sign3A_228 = arith.cmpi sgt, %jit3A_215, %sign3A_227 : i32
      %sign3A_229 = arith.extui %sign3A_228 : i1 to i32
      %sign3A_230 = arith.constant 0 : i32
      %sign3A_231 = arith.cmpi slt, %jit3A_215, %sign3A_230 : i32
      %sign3A_232 = arith.extui %sign3A_231 : i1 to i32
      %sign3A_233 = arith.subi %sign3A_229, %sign3A_232 : i32
      %ne3A_234 = vector.broadcast %sign3A_233 : i32 to vector<128x128xi32>
      %ne3A_235 = arith.cmpi ne, %sign3A_226, %ne3A_234 : vector<128x128xi32>
      %rem3A_236 = vector.broadcast %jit3A_215 : i32 to vector<128x128xi32>
      %rem3A_237 = arith.remsi %iota3A_214, %rem3A_236 : vector<128x128xi32>
      %ne3A_238 = arith.constant 0 : i32
      %ne3A_239 = vector.broadcast %ne3A_238 : i32 to vector<128x128xi32>
      %ne3A_240 = arith.cmpi ne, %rem3A_237, %ne3A_239 : vector<128x128xi32>
      %and3A_241 = arith.andi %ne3A_235, %ne3A_240 : vector<128x128xi1>
      %sub3A_242 = arith.constant 1 : i32
      %sub3A_243 = vector.broadcast %sub3A_242 : i32 to vector<128x128xi32>
      %sub3A_244 = arith.subi %div3A_217, %sub3A_243 : vector<128x128xi32>
      %select_n3A_245 = arith.select %and3A_241, %sub3A_244, %div3A_217 : vector<128x128xi1>, vector<128x128xi32>
      %eq3A_246 = arith.cmpi eq, %select_n3A, %select_n3A_245 : vector<128x128xi32>
      %convert_element_type3A_247 = arith.extui %eq3A_246 : vector<128x128xi1> to vector<128x128xi32>
      %convert_element_type3A_248 = arith.sitofp %convert_element_type3A_247 : vector<128x128xi32> to vector<128x128xf32>
      %dot_general3A_249 = arith.constant dense<0.000000e+00> : vector<128x512xf32>
      %dot_general3A_250 = tpu.matmul %convert_element_type3A_248, %get3A_189, %dot_general3A_249 {dimension_numbers = #tpu.dot_dimension_numbers<[1], [0], [0], [1], [0, 0, 1, 1], [], []>, transpose_lhs_hint = false} : vector<128x128xf32>, vector<128x512xf32>, vector<128x512xf32> -> vector<128x512xf32>
      %sub3A_251 = arith.subf %dot_general3A_250, %get3A_189 : vector<128x512xf32>
      %mul3A = arith.constant 0.142857149 : f32
      %mul3A_252 = vector.broadcast %mul3A : f32 to vector<128x512xf32>
      %mul3A_253 = arith.mulf %sub3A_251, %mul3A_252 : vector<128x512xf32>
      %get3A_254 = arith.constant 0 : index
      %get3A_255 = arith.constant 0 : index
      %get3A_256 = vector.load %arg15[%get3A_254, %get3A_255] : memref<128x512xf32, #tpu.memory_space<vmem>>, vector<128x512xf32>
      %get3A_257 = arith.constant 0 : index
      %get3A_258 = arith.constant 0 : index
      %get3A_259 = vector.load %arg9[%get3A_257, %get3A_258] : memref<128x1xf32, #tpu.memory_space<vmem>>, vector<128x1xf32>
      %add3A_260 = arith.constant 9.99999997E-7 : f32
      %add3A_261 = vector.broadcast %add3A_260 : f32 to vector<128x1xf32>
      %add3A_262 = arith.addf %get3A_259, %add3A_261 : vector<128x1xf32>
      %div3A_263 = vector.broadcast %add3A_262 : vector<128x1xf32> to vector<128x512xf32>
      %div3A_264 = arith.divf %get3A_256, %div3A_263 : vector<128x512xf32>
      %get3A_265 = arith.constant 0 : index
      %get3A_266 = arith.constant 0 : index
      %get3A_267 = vector.load %arg6[%get3A_265, %get3A_266] : memref<512x512xf32, #tpu.memory_space<vmem>>, vector<512x512xf32>
      %dot_general3A_268 = arith.constant dense<0.000000e+00> : vector<128x512xf32>
      %dot_general3A_269 = tpu.matmul %get3A_189, %get3A_267, %dot_general3A_268 {dimension_numbers = #tpu.dot_dimension_numbers<[1], [0], [0], [1], [0, 0, 1, 1], [], []>, transpose_lhs_hint = false} : vector<128x512xf32>, vector<512x512xf32>, vector<128x512xf32> -> vector<128x512xf32>
      %get3A_270 = arith.constant 0 : index
      %get3A_271 = arith.constant 0 : index
      %get3A_272 = vector.load %arg10[%get3A_270, %get3A_271] : memref<512x512xf32, #tpu.memory_space<vmem>>, vector<512x512xf32>
      %dot_general3A_273 = arith.constant dense<0.000000e+00> : vector<128x512xf32>
      %dot_general3A_274 = tpu.matmul %div3A_264, %get3A_272, %dot_general3A_273 {dimension_numbers = #tpu.dot_dimension_numbers<[1], [0], [0], [1], [0, 0, 1, 1], [], []>, transpose_lhs_hint = false} : vector<128x512xf32>, vector<512x512xf32>, vector<128x512xf32> -> vector<128x512xf32>
      %add3A_275 = arith.addf %dot_general3A_269, %dot_general3A_274 : vector<128x512xf32>
      %get3A_276 = arith.constant 0 : index
      %get3A_277 = arith.constant 0 : index
      %get3A_278 = vector.load %arg11[%get3A_276, %get3A_277] : memref<512x512xf32, #tpu.memory_space<vmem>>, vector<512x512xf32>
      %dot_general3A_279 = arith.constant dense<0.000000e+00> : vector<128x512xf32>
      %dot_general3A_280 = tpu.matmul %mul3A_253, %get3A_278, %dot_general3A_279 {dimension_numbers = #tpu.dot_dimension_numbers<[1], [0], [0], [1], [0, 0, 1, 1], [], []>, transpose_lhs_hint = false} : vector<128x512xf32>, vector<512x512xf32>, vector<128x512xf32> -> vector<128x512xf32>
      %add3A_281 = arith.addf %add3A_275, %dot_general3A_280 : vector<128x512xf32>
      %max3A_282 = arith.constant 0.000000e+00 : f32
      %max3A_283 = vector.broadcast %max3A_282 : f32 to vector<128x512xf32>
      %max3A_284 = arith.maximumf %add3A_281, %max3A_283 : vector<128x512xf32>
      %iota3A_285 = tpu.iota {dimensions = array<i32: 0>} : vector<128x16xi32>
      %jit3A_286 = arith.constant 8 : i32
      %div3A_287 = vector.broadcast %jit3A_286 : i32 to vector<128x16xi32>
      %div3A_288 = arith.divsi %iota3A_285, %div3A_287 : vector<128x16xi32>
      %sign3A_289 = arith.constant 0 : i32
      %sign3A_290 = vector.broadcast %sign3A_289 : i32 to vector<128x16xi32>
      %sign3A_291 = arith.cmpi sgt, %iota3A_285, %sign3A_290 : vector<128x16xi32>
      %sign3A_292 = arith.extui %sign3A_291 : vector<128x16xi1> to vector<128x16xi32>
      %sign3A_293 = arith.constant 0 : i32
      %sign3A_294 = vector.broadcast %sign3A_293 : i32 to vector<128x16xi32>
      %sign3A_295 = arith.cmpi slt, %iota3A_285, %sign3A_294 : vector<128x16xi32>
      %sign3A_296 = arith.extui %sign3A_295 : vector<128x16xi1> to vector<128x16xi32>
      %sign3A_297 = arith.subi %sign3A_292, %sign3A_296 : vector<128x16xi32>
      %sign3A_298 = arith.constant 0 : i32
      %sign3A_299 = arith.cmpi sgt, %jit3A_286, %sign3A_298 : i32
      %sign3A_300 = arith.extui %sign3A_299 : i1 to i32
      %sign3A_301 = arith.constant 0 : i32
      %sign3A_302 = arith.cmpi slt, %jit3A_286, %sign3A_301 : i32
      %sign3A_303 = arith.extui %sign3A_302 : i1 to i32
      %sign3A_304 = arith.subi %sign3A_300, %sign3A_303 : i32
      %ne3A_305 = vector.broadcast %sign3A_304 : i32 to vector<128x16xi32>
      %ne3A_306 = arith.cmpi ne, %sign3A_297, %ne3A_305 : vector<128x16xi32>
      %rem3A_307 = vector.broadcast %jit3A_286 : i32 to vector<128x16xi32>
      %rem3A_308 = arith.remsi %iota3A_285, %rem3A_307 : vector<128x16xi32>
      %ne3A_309 = arith.constant 0 : i32
      %ne3A_310 = vector.broadcast %ne3A_309 : i32 to vector<128x16xi32>
      %ne3A_311 = arith.cmpi ne, %rem3A_308, %ne3A_310 : vector<128x16xi32>
      %and3A_312 = arith.andi %ne3A_306, %ne3A_311 : vector<128x16xi1>
      %sub3A_313 = arith.constant 1 : i32
      %sub3A_314 = vector.broadcast %sub3A_313 : i32 to vector<128x16xi32>
      %sub3A_315 = arith.subi %div3A_288, %sub3A_314 : vector<128x16xi32>
      %select_n3A_316 = arith.select %and3A_312, %sub3A_315, %div3A_288 : vector<128x16xi1>, vector<128x16xi32>
      %iota3A_317 = tpu.iota {dimensions = array<i32: 1>} : vector<128x16xi32>
      %eq3A_318 = arith.cmpi eq, %select_n3A_316, %iota3A_317 : vector<128x16xi32>
      %convert_element_type3A_319 = arith.extui %eq3A_318 : vector<128x16xi1> to vector<128x16xi32>
      %convert_element_type3A_320 = arith.sitofp %convert_element_type3A_319 : vector<128x16xi32> to vector<128x16xf32>
      %dot_general3A_321 = arith.constant dense<0.000000e+00> : vector<16x512xf32>
      %dot_general3A_322 = tpu.matmul %convert_element_type3A_320, %max3A_284, %dot_general3A_321 {dimension_numbers = #tpu.dot_dimension_numbers<[0], [0], [1], [1], [0, 1, 1, 1], [], []>, transpose_lhs_hint = false} : vector<128x16xf32>, vector<128x512xf32>, vector<16x512xf32> -> vector<16x512xf32>
      %mul3A_323 = arith.constant 1.250000e-01 : f32
      %mul3A_324 = vector.broadcast %mul3A_323 : f32 to vector<16x512xf32>
      %mul3A_325 = arith.mulf %dot_general3A_322, %mul3A_324 : vector<16x512xf32>
      %get3A_326 = arith.constant 0 : index
      %get3A_327 = arith.constant 0 : index
      %get3A_328 = vector.load %arg16[%get3A_326, %get3A_327] : memref<16x512xf32, #tpu.memory_space<vmem>>, vector<16x512xf32>
      %get3A_329 = arith.constant 0 : index
      %get3A_330 = arith.constant 0 : index
      %get3A_331 = vector.load %arg17[%get3A_329, %get3A_330] : memref<16x1xf32, #tpu.memory_space<vmem>>, vector<16x1xf32>
      %add3A_332 = arith.constant 9.99999997E-7 : f32
      %add3A_333 = vector.broadcast %add3A_332 : f32 to vector<16x1xf32>
      %add3A_334 = arith.addf %get3A_331, %add3A_333 : vector<16x1xf32>
      %div3A_335 = vector.broadcast %add3A_334 : vector<16x1xf32> to vector<16x512xf32>
      %div3A_336 = arith.divf %get3A_328, %div3A_335 : vector<16x512xf32>
      %get3A_337 = arith.constant 0 : index
      %get3A_338 = arith.constant 0 : index
      %get3A_339 = vector.load %arg12[%get3A_337, %get3A_338] : memref<512x10xf32, #tpu.memory_space<vmem>>, vector<512x10xf32>
      %dot_general3A_340 = arith.constant dense<0.000000e+00> : vector<16x10xf32>
      %dot_general3A_341 = tpu.matmul %div3A_336, %get3A_339, %dot_general3A_340 {dimension_numbers = #tpu.dot_dimension_numbers<[1], [0], [0], [1], [0, 0, 1, 1], [], []>, transpose_lhs_hint = false} : vector<16x512xf32>, vector<512x10xf32>, vector<16x10xf32> -> vector<16x10xf32>
      %get3A_342 = arith.constant 0 : index
      %get3A_343 = arith.constant 0 : index
      %get3A_344 = vector.load %arg13[%get3A_342, %get3A_343] : memref<512x10xf32, #tpu.memory_space<vmem>>, vector<512x10xf32>
      %dot_general3A_345 = arith.constant dense<0.000000e+00> : vector<16x10xf32>
      %dot_general3A_346 = tpu.matmul %mul3A_325, %get3A_344, %dot_general3A_345 {dimension_numbers = #tpu.dot_dimension_numbers<[1], [0], [0], [1], [0, 0, 1, 1], [], []>, transpose_lhs_hint = false} : vector<16x512xf32>, vector<512x10xf32>, vector<16x10xf32> -> vector<16x10xf32>
      %add3A_347 = arith.addf %dot_general3A_341, %dot_general3A_346 : vector<16x10xf32>
      %swap3A_348 = arith.constant 0 : index
      %swap3A_349 = arith.constant 0 : index
      %swap3A_350 = vector.load %arg14[%swap3A_348, %swap3A_349] : memref<16x10xf32, #tpu.memory_space<vmem>>, vector<16x10xf32>
      tpu.vector_store %arg14[%swap3A_348, %swap3A_349], %add3A_347 {strides = array<i32>} : memref<16x10xf32, #tpu.memory_space<vmem>>, vector<16x10xf32>,
    } else {
    }
    return
  }
  func.func @transform_0(%arg0: i32) -> (i32, i32) {
    %c0_i32 = arith.constant 0 : i32
    %c0_i32_0 = arith.constant 0 : i32
    return %arg0, %c0_i32 : i32, i32
  }
  func.func @transform_1(%arg0: i32) -> (i32, i32) {
    %c0_i32 = arith.constant 0 : i32
    %c0_i32_0 = arith.constant 0 : i32
    return %arg0, %c0_i32 : i32, i32
  }
  func.func @transform_2(%arg0: i32) -> (i32, i32, i32) {
    %c0_i32 = arith.constant 0 : i32
    %c0_i32_0 = arith.constant 0 : i32
    %c0_i32_1 = arith.constant 0 : i32
    return %c0_i32, %arg0, %c0_i32_0 : i32, i32, i32
  }
  func.func @transform_3(%arg0: i32) -> (i32, i32) {
    %c0_i32 = arith.constant 0 : i32
    %c0_i32_0 = arith.constant 0 : i32
    return %arg0, %c0_i32 : i32, i32
  }
  func.func @transform_4(%arg0: i32) -> (i32, i32) {
    %c0_i32 = arith.constant 0 : i32
    %c0_i32_0 = arith.constant 0 : i32
    %c0_i32_1 = arith.constant 0 : i32
    return %c0_i32, %c0_i32_0 : i32, i32
  }
  func.func @transform_5(%arg0: i32) -> (i32, i32) {
    %c0_i32 = arith.constant 0 : i32
    %c0_i32_0 = arith.constant 0 : i32
    %c0_i32_1 = arith.constant 0 : i32
    return %c0_i32, %c0_i32_0 : i32, i32
  }
  func.func @transform_6(%arg0: i32) -> (i32, i32, i32) {
    %c0_i32 = arith.constant 0 : i32
    %c0_i32_0 = arith.constant 0 : i32
    %c0_i32_1 = arith.constant 0 : i32
    %c0_i32_2 = arith.constant 0 : i32
    return %c0_i32, %c0_i32_0, %c0_i32_1 : i32, i32, i32
  }
  func.func @transform_7(%arg0: i32) -> (i32, i32) {
    %c0_i32 = arith.constant 0 : i32
    %c0_i32_0 = arith.constant 0 : i32
    %c0_i32_1 = arith.constant 0 : i32
    return %c0_i32, %c0_i32_0 : i32, i32
  }
  func.func @transform_8(%arg0: i32) -> (i32, i32) {
    %c0_i32 = arith.constant 0 : i32
    %c0_i32_0 = arith.constant 0 : i32
    %c0_i32_1 = arith.constant 0 : i32
    return %c0_i32, %c0_i32_0 : i32, i32
  }
  func.func @transform_9(%arg0: i32) -> (i32, i32) {
    %c0_i32 = arith.constant 0 : i32
    %c0_i32_0 = arith.constant 0 : i32
    %c0_i32_1 = arith.constant 0 : i32
    return %c0_i32, %c0_i32_0 : i32, i32
  }
  func.func @transform_10(%arg0: i32) -> (i32, i32) {
    %c0_i32 = arith.constant 0 : i32
    %c0_i32_0 = arith.constant 0 : i32
    %c0_i32_1 = arith.constant 0 : i32
    return %c0_i32, %c0_i32_0 : i32, i32
  }
  func.func @transform_11(%arg0: i32) -> (i32, i32) {
    %c0_i32 = arith.constant 0 : i32
    %c0_i32_0 = arith.constant 0 : i32
    %c0_i32_1 = arith.constant 0 : i32
    return %c0_i32, %c0_i32_0 : i32, i32
  }
  func.func @transform_12(%arg0: i32) -> (i32, i32) {
    %c0_i32 = arith.constant 0 : i32
    %c0_i32_0 = arith.constant 0 : i32
    %c0_i32_1 = arith.constant 0 : i32
    return %c0_i32, %c0_i32_0 : i32, i32
  }
  func.func @transform_13(%arg0: i32) -> (i32, i32) {
    %c0_i32 = arith.constant 0 : i32
    %c0_i32_0 = arith.constant 0 : i32
    %c0_i32_1 = arith.constant 0 : i32
    return %c0_i32, %c0_i32_0 : i32, i32
  }
}

</mosaic_0001>

<sc_bundles>
// kernel: kernel.5.cloned.1.call-start
scs
__scs_entry_jumppad:
0x0: {  	(pc) =	sbr.rel $0x88, $3  }
0x1: {  	(tag) =	ssettag $0x0;
	lr =	simm.s32 $0x1  }
0x2: {  	[smem:$0x3F96] =	sst lr;
	_ =	strace $0xD0000000  }
0x3: {  	_ = 	snop  }
0x4: {  	_ = 	snop  }
0x5: {  	_ = 	snop  }
0x6: {  	_ = 	snop  }
0x7: {  	_ = 	snop  }
__scs_overlays_trampoline_lowered:
0x8: {  	[smem:$0x3FA5] =	sst s0  }
0x9: {  	[smem:$0x3FA6] =	sst s1  }
0xa: {  	[smem:$0x3FA7] =	sst s2  }
0xb: {  	[smem:$0x3FA8] =	sst s3  }
0xc: {  	[smem:$0x3FA9] =	sst s4  }
0xd: {  	[smem:$0x3FAA] =	sst s5  }
0xe: {  	[smem:$0x3FAB] =	sst s6  }
0xf: {  	[smem:$0x3FAC] =	sst s7  }
0x10: {  	[smem:$0x3FAD] =	sst s8  }
0x11: {  	[smem:$0x3FAE] =	sst s9;
	s0 =	simm.s32 @!p0 $0x0  }
0x12: {  	s1 =	sld [smem:$0x3F94];
	s0 =	simm.s32 @p0 $0x1  }
0x13: {  	[smem:$0x3FAF] =	sst s0;
	s0 =	simm.s32 @!p1 $0x0  }
0x14: {  	s2 =	sld [smem:$0x3F93];
	s0 =	simm.s32 @p1 $0x1  }
0x15: {  	[smem:$0x3FB0] =	sst s0;
	s0 =	simm.s32 @!p2 $0x0  }
0x16: {  	s3 =	sld [smem:$0x3FDB];
	s0 =	simm.s32 @p2 $0x1  }
0x17: {  	s4 =	simm.s32 $0x1BF5;
	[smem:$0x3FB2] =	sst s0  }
0x18: {  	s0 =	sld [smem:$0x3F95];
	_ =	swait.ge [sflag:s4], $0x0  }
0x19: {  	s7 =	sld [smem:$0x3F96]  }
0x1a: {  	s8 =	sadd.s32 $0xFFFFE003, lr  }
0x1b: {  	s9 =	sadd.s32 $0xFFFFFEF7, lr;
	s5 =	simm.s32 $0xFFFFFFFF;
	p2 =	slt.u32 s8, $0xFFFFF086  }
0x1c: {  	p1 =	slt.u32 s9, $0xF7A;
	s5 =	simm.s32 @!p2 $0x0  }
0x1d: {  	s5 =	simm.s32 @p1 $0x1;
	p0 =	seq.s32 s7, s2  }
0x1e: {  	s7 =	smul.u32 @!p0 $0xF7A, s2;
	p2 =	seq.s32 @!p0 s5, $0x0  }
0x1f: {  	s9 =	smul.u32 $0xF7A, s1;
	s8 =	simm.s32 @!p0 $0x1BF5;
	p2 =	por !p2, p0  }
0x20: {  	[sflag:s8] =	ssyncset.s32 @!p0 $0xFFFFF086;
	s6 =	sadd.s32 @!p0 s3, s7;
	s7 =	simm.s32 @!p0 $0x108  }
0x21: {  	s3 =	sadd.s32 s3, s9;
	s6 =	sadd.s32 @!p0 $0x88, s6;
	s7 =	simm.s32 @p2 $0x1082  }
0x22: {  	[simem:s7], [sflag:s8] =	dma.local @!p0 [hbm:s6], $0xF7A  }
0x23: {  	s9 =	sor.u32 $0xD0000000, s2;
	s6 =	simm.s32 $0x108;
	_ =	swait.ge @!p0 [sflag:s8], $0x0  }
0x24: {  	s3 =	sadd.s32 $0x88, s3;
	s6 =	simm.s32 @!p1 $0x1082;
	[sflag:s4] =	ssyncset.s32 $0xFFFFF086  }
0x25: {  	[simem:s6], [sflag:s4] =	dma.local [hbm:s3], $0xF7A  }
0x26: {  	[smem:$0x3F96] =	sst s1;
	(tag) =	ssettag s2;
	_ =	strace s9  }
0x27: {  	s1 =	sld [smem:$0x3FA6]  }
0x28: {  	s2 =	sld [smem:$0x3FA7]  }
0x29: {  	s4 =	sld [smem:$0x3FA9]  }
0x2a: {  	p0 =	seq.s32 s5, $0x0;
	s5 =	sld [smem:$0x3FAA]  }
0x2b: {  	s6 =	sld [smem:$0x3FAB]  }
0x2c: {  	s7 =	sld [smem:$0x3FAC]  }
0x2d: {  	s3 =	simm.s32 $0x108;
	s8 =	sld [smem:$0x3FAD]  }
0x2e: {  	s3 =	simm.s32 @!p0 $0x1082;
	s9 =	sld [smem:$0x3FAE]  }
0x2f: {  	lr =	sadd.s32 s0, s3;
	s0 =	sld [smem:$0x3FA5]  }
0x30: {  	s3 =	sld [smem:$0x3FA8]  }
0x31: {  	[smem:$0x3FB1] =	sst s10  }
0x32: {  	s10 =	sld [smem:$0x3FAF];
	_ =	sdelay $0x3  }
0x33: {  	p0 =	seq.s32 s10, $0x1;
	s10 =	sld [smem:$0x3FB1];
	_ =	sdelay $0x3  }
0x34: {  	[smem:$0x3FB1] =	sst s10  }
0x35: {  	s10 =	sld [smem:$0x3FB0];
	_ =	sdelay $0x3  }
0x36: {  	p1 =	seq.s32 s10, $0x1;
	s10 =	sld [smem:$0x3FB1];
	_ =	sdelay $0x3  }
0x37: {  	[smem:$0x3FB1] =	sst s10  }
0x38: {  	s10 =	sld [smem:$0x3FB2]  }
0x39: {  	_ = 	snop;
	(pc) =	sbr.ind lr, $3  }
0x3a: {  	_ = 	snop  }
0x3b: {  	_ = 	snop  }
0x3c: {  	p2 =	seq.s32 s10, $0x1;
	s10 =	sld [smem:$0x3FB1]  }
0x3d: {  	_ =	shalt  }
0x3e: {  	_ =	shalt  }
0x3f: {  	_ =	shalt  }
0x40: {  	_ =	shalt  }
0x41: {  	_ =	shalt  }
0x42: {  	_ =	shalt  }
0x43: {  	_ =	shalt  }
0x44: {  	_ =	shalt  }
0x45: {  	_ =	shalt  }
0x46: {  	_ =	shalt  }
0x47: {  	_ =	shalt  }
0x48: {  	_ =	shalt  }
0x49: {  	_ =	shalt  }
0x4a: {  	_ =	shalt  }
0x4b: {  	_ =	shalt  }
0x4c: {  	_ =	shalt  }
0x4d: {  	_ =	shalt  }
0x4e: {  	_ =	shalt  }
0x4f: {  	_ =	shalt  }
0x50: {  	_ =	shalt  }
0x51: {  	_ =	shalt  }
0x52: {  	_ =	shalt  }
0x53: {  	_ =	shalt  }
0x54: {  	_ =	shalt  }
0x55: {  	_ =	shalt  }
0x56: {  	_ =	shalt  }
0x57: {  	_ =	shalt  }
0x58: {  	_ =	shalt  }
0x59: {  	_ =	shalt  }
0x5a: {  	_ =	shalt  }
0x5b: {  	_ =	shalt  }
0x5c: {  	_ =	shalt  }
0x5d: {  	_ =	shalt  }
0x5e: {  	_ =	shalt  }
0x5f: {  	_ =	shalt  }
0x60: {  	_ =	shalt  }
0x61: {  	_ =	shalt  }
0x62: {  	_ =	shalt  }
0x63: {  	_ =	shalt  }
0x64: {  	_ =	shalt  }
0x65: {  	_ =	shalt  }
0x66: {  	_ =	shalt  }
0x67: {  	_ =	shalt  }
0x68: {  	_ =	shalt  }
0x69: {  	_ =	shalt  }
0x6a: {  	_ =	shalt  }
0x6b: {  	_ =	shalt  }
0x6c: {  	_ =	shalt  }
0x6d: {  	_ =	shalt  }
0x6e: {  	_ =	shalt  }
0x6f: {  	_ =	shalt  }
0x70: {  	_ =	shalt  }
0x71: {  	_ =	shalt  }
0x72: {  	_ =	shalt  }
0x73: {  	_ =	shalt  }
0x74: {  	_ =	shalt  }
0x75: {  	_ =	shalt  }
0x76: {  	_ =	shalt  }
0x77: {  	_ =	shalt  }
0x78: {  	_ =	shalt  }
0x79: {  	_ =	shalt  }
0x7a: {  	_ =	shalt  }
0x7b: {  	_ =	shalt  }
0x7c: {  	_ =	shalt  }
0x7d: {  	_ =	shalt  }
0x7e: {  	_ =	shalt  }
0x7f: {  	_ =	shalt  }
0x80: {  	_ =	shalt  }
0x81: {  	_ =	shalt  }
0x82: {  	_ =	shalt  }
0x83: {  	_ =	shalt  }
0x84: {  	_ =	shalt  }
0x85: {  	_ =	shalt  }
0x86: {  	_ =	shalt  }
0x87: {  	_ =	shalt  }
.Lfunc_end0:
.L_simem_size_0:
called_computation_lowered:
.L_overlay_start_0:
0x88: {  	s2 =	sld [smem:$0x3FD9]  }
0x89: {  	s3 =	sld [smem:$0x3FFE];
	_ =	sdelay $0x1  }
0x8a: {  	s1 =	srdreg.scid  }
0x8b: {  	s0 =	sand.u32 $0x1, s1  }
0x8c: {  	s16 =	sshll.u32 s0, $0xA;
	s2 =	sadd.s32 s3, s2  }
0x8d: {  	s2 =	sadd.s32 s2, s16  }
0x8e: {  	[smem:$0x3FBD] =	sst s2  }
0x8f: {  	_ = 	snop  }
0x90: {  	(tm) =	ssettm $0x1  }
0x91: {  	s17 =	sld [smem:$0x3FFB];
	_ =	sdelay $0x3  }
0x92: {  	_ =	strace s17  }
0x93: {  	s2 =	sld [smem:$0x3FFC];
	_ =	sdelay $0x3  }
0x94: {  	_ =	strace s2  }
0x95: {  	s2 =	sld [smem:$0x3FFD];
	_ =	sdelay $0x3  }
0x96: {  	_ =	strace s2  }
0x97: {  	_ =	strace $0x8FFFFFFF  }
0x98: {  	s18 =	sld [smem:$0x3FDB];
	_ =	sdelay $0x1  }
0x99: {  	s19 =	simm.s32 $_scs_section_size  }
0x9a: {  	s4 =	simm.s32 $_size__tile_overlayer_lowered;
	s5 =	simm.s32 $_tile_overlayer_lowered  }
0x9b: {  	s22 =	simm.s32 $0x1BFF;
	s21 =	sshll.u32 s5, $0x1;
	s2 =	sadd.s32 s19, s18  }
0x9c: {  	s6 =	simm.s32 $0x0;
	s20 =	sshll.u32 s4, $0x1;
	s4 =	sadd.s32 s21, s2  }
0x9d: {  	[timem:s6], [sflag:s22] =	dma.local [hbm:s4], s20  }
0x9e: {  	_ =	swait.ge [sflag:s22], s20  }
0x9f: {  	s3 =	ssub.s32 $0x0, s20;
	[sflag:s22] =	ssyncset.done $0x0  }
0xa0: {  	[sflag:s22] =	ssyncadd.s32 s3;
	_ =	sdelay $0x1  }
0xa1: {  	s23 =	simm.s32 $0x1B8B  }
0xa2: {  	_ =	swait.ge [sflag:s23], $0x1  }
0xa3: {  	[sflag:s23] =	ssyncset.done $0x0  }
0xa4: {  	s25 =	simm.s32 $0x1B8E;
	s24 =	sld [smem:$0x3FFE];
	[sflag:s23] =	ssyncadd.s32 $0xFFFFFFFF  }
0xa5: {  	s26 =	simm.s32 $execute0_lowered;
	[smem:$0x3FD2] =	sst s25  }
0xa6: {  	s4 =	sshll.u32 s26, $0x1;
	_ =	strace $0x80000046;
	[dreg:$0x1] =	wrdreg $0xFFFFFFFF  }
0xa7: {  	s28 =	simm.s32 $_size_execute0_lowered;
	s2 =	sadd.s32 s2, s4;
	[dreg:$0x0] =	wrdreg $0x0  }
0xa8: {  	s4 =	sshll.u32 s28, $0x1;
	[dreg:$0x2] =	wrdreg s2  }
0xa9: {  	[dreg:$0x3] =	wrdreg s4  }
0xaa: {  	[dreg:$0x4] =	wrdreg $0xC0  }
0xab: {  	_ =	task [dreg:s6], $0x5FFFF  }
0xac: {  	[dreg:$0x1] =	wrdreg $0xFFFFFFFF  }
0xad: {  	[dreg:$0x0] =	wrdreg $0x60  }
0xae: {  	[dreg:$0x2] =	wrdreg s24  }
0xaf: {  	[dreg:$0x3] =	wrdreg $0x80000  }
0xb0: {  	[dreg:$0x4] =	wrdreg $0x9  }
0xb1: {  	_ =	task.clear_ibuf [dreg:s6], $0x5FFFF;
	_ =	strace $0x90000046  }
0xb2: {  	s29 =	simm.s32 $0x9;
	_ =	strace $0x80000048  }
0xb3: {  	_ =	swait.ge [sflag:s29], $0x1  }
0xb4: {  	[sflag:s29] =	ssyncadd.s32 $0xFFFFFFFF  }
0xb5: {  	_ =	strace $0x90000048  }
0xb6: {  	_ =	sfence  }
0xb7: {  	s30 =	sld [smem:$0x0];
	_ =	sdelay $0x2  }
0xb8: {  	s31 =	sshll.u32 s1, $0xD;
	s1 =	sshrl.u32 s1, $0x2  }
0xb9: {  	s3 =	sand.u32 $0x4000, s31;
	s1 =	sadd.s32 s1, s30  }
0xba: {  	s0 =	sor.u32 s3, s0;
	s1 =	sshll.u32 s1, $0x11  }
0xbb: {  	s0 =	sor.u32 s1, s0  }
0xbc: {  	s0 =	sadd.s32 $0x8F2B, s0  }
0xbd: {  	[sflag:s0] =	ssyncadd.remote.s32 $0x1  }
0xbe: {  	_ =	sfence.sel $0xFFFF  }
0xbf: {  	[dreg:$0x0] =	wrdreg $0xFFFFFFFF;
	(pc) =	sbr.abs _section_cstart, $3  }
0xc0: {  	[dreg:$0x1] =	wrdreg $0xFFFFFFFF  }
0xc1: {  	_ =	task.clear_ibuf [dreg:s6], $0x2FFFF;
	_ =	strace $0x9FFFFFFF  }
0xc2: {  	(tm) =	ssettm $0x7FFFFFFF  }
0xc3: {  	_ =	shalt  }
tec
execute0_lowered:
.L_overlay_start_1:
0x0: {  	(tag) =	ssettag $0x1  }
0x1: {  	s0 =	rddreg [dreg:$0x0]  }
0x2: {  	s1 =	rddreg [dreg:$0x1];
	s18 =	simm.s32 $0x0  }
0x3: {  	s2 =	srdreg.scid;
	s7 =	stileid.u32;
	s28 =	simm.s32 $0x16000  }
0x4: {  	s30 =	simm.s32 $0x18000;
	s11 =	simm.s32 $0x1;
	s12 =	simm.s32 $0x2  }
0x5: {  	s13 =	simm.s32 $0x3;
	s14 =	simm.s32 $0x4;
	s29 =	simm.s32 $0xA  }
0x6: {  	s31 =	simm.s32 $0xB;
	s10 =	simm.s32 $0x10;
	[smem:$0x7FF] =	sst s18  }
0x7: {  	s3 =	sand.u32 $0x1, s2;
	s4 =	sadd.s32 $0xB800, s0;
	s15 =	sshll.u32 s7, $0xA  }
0x8: {  	s17 =	sshll.u32 s7, $0xF;
	s7 =	sshll.u32 s7, $0xC;
	_ =	strace $0x80000047  }
0x9: {  	s5 =	ssub.s32 $0x2, s3;
	s2 =	sadd.s32 s15, s0;
	s0 =	sadd.s32 $0x8B800, s0  }
0xa: {  	s8 =	sadd.s32 s17, s1;
	s19 =	sshll.u32 s3, $0x10;
	s15 =	simm.s32 $0x5  }
0xb: {  	s17 =	simm.s32 $0xC;
	s16 =	sadd.s32 $0x5800, s2;
	[dreg:$0x5] =	wrdreg s8  }
0xc: {  	s6 =	sshrl.u32 s5, $0x1;
	s2 =	sadd.s32 $0x1800, s2;
	[dreg:$0x4] =	wrdreg s16  }
0xd: {  	s20 =	sadd.s32 $0x2000, s8;
	s21 =	sor.u32 s7, s19;
	[dreg:$0x6] =	wrdreg s2  }
0xe: {  	s9 =	sadd.s32 $0x4000, s8;
	s7 =	sadd.s32 s0, s7;
	[dreg:$0x7] =	wrdreg s20  }
0xf: {  	s22 =	sadd.s32 $0x6000, s8;
	s8 =	simm.s32 $0xE;
	[dreg:$0x8] =	wrdreg s9  }
0x10: {  	s5 =	ssub.s32 s5, s6;
	s0 =	sadd.s32 s21, s0;
	[dreg:$0x9] =	wrdreg s22  }
0x11: {  	s23 =	sadd.s32 s19, s7;
	s16 =	simm.s32 $0x12;
	s19 =	simm.s32 $0x80  }
0x12: {  	s21 =	simm.s32 $0x10000;
	s2 =	simm.s32 $0x1C000;
	s7 =	simm.s32 $0x1E000  }
0x13: {  	s20 =	simm.s32 $0x6;
	[dreg:$0xa] =	wrdreg s23;
	s24 =	sadd.s32 $0x20000, s0  }
0x14: {  	s22 =	simm.s32 $0x7;
	s25 =	sadd.s32 $0x40000, s0;
	[dreg:$0xb] =	wrdreg s24  }
0x15: {  	s9 =	simm.s32 $0xF;
	s0 =	sadd.s32 $0x60000, s0;
	[dreg:$0xc] =	wrdreg s25  }
0x16: {  	s26 =	smax.u32 s5, $0x1;
	s23 =	simm.s32 $0x12000;
	[dreg:$0xd] =	wrdreg s0  }
0x17: {  	s5 =	simm.s32 $0xD;
	[dreg:$0xe] =	wrdreg s26;
	s25 =	simm.s32 $0x14000  }
0x18: {  	v1 =	vimm.f32 $0.0e+00;
	v0 =	vmov s3;
	s0 =	simm.s32 $0x1A000;
	s24 =	simm.s32 $0x8;
	s26 =	simm.s32 $0x9  }
.LBB2_1:
0x19: {  	[dreg:$0x3] =	wrdreg s18;
	s6 =	simm.s32 $0x100;
	s3 =	simm.s32 $0x0  }
.LBB2_2:
0x1a: {  	p0 =	sne.s32 s6, $0x7F00;
	[tilespmem:s3+$0x6030] =	vst v1;
	s18 =	smov.u32 s6;
	s6 =	sadd.s32 $0x100, s6  }
.Ltmp0:
0x1b: {  	[tilespmem:s3+$0x6020] =	vst v1;
	(pc) =	sbr.rel @p0 .LBB2_2-.Ltmp0, $3  }
0x1c: {  	[tilespmem:s3+$0x6000] =	vst v1  }
0x1d: {  	[tilespmem:s3+$0x6010] =	vst v1;
	_ =	sdelay $0x1  }
0x1e: {  	s3 =	sshra.s32 s18, $0x2  }
0x1f: {  	[tilespmem:s3+$0x6030] =	vst v1  }
0x20: {  	[tilespmem:s3+$0x6020] =	vst v1  }
0x21: {  	[tilespmem:s3+$0x6000] =	vst v1  }
0x22: {  	[tilespmem:s3+$0x6010] =	vst v1;
	s3 =	simm.s32 $0x0;
	s6 =	rddreg [dreg:$0x4]  }
0x23: {  	[tilespmem:s3], [sflag:$0x12] =	stream.linear.gather [hbm4b:s6+s3], $0x2000, $0x38;
	v63 =	vld [tilespmem:$0x0]  }
0x24: {  	_ =	swait.ge [sflag:s16], $0x2000  }
0x25: {  	[sflag:s16] =	ssyncset.done $0x0  }
0x26: {  	s18 =	simm.s32 $0x2000;
	s6 =	rddreg [dreg:$0x6];
	[sflag:s16] =	ssyncadd.s32 $0xFFFFE000  }
0x27: {  	[tilespmem:s18], [sflag:$0x12] =	stream.linear.gather [hbm4b:s6+s3], $0x2000, $0x38;
	v63 =	vld [tilespmem:$0x0]  }
0x28: {  	_ =	swait.ge [sflag:s16], $0x2000  }
0x29: {  	[sflag:s16] =	ssyncset.done $0x0  }
0x2a: {  	s6 =	simm.s32 $0x0;
	[sflag:s16] =	ssyncadd.s32 $0xFFFFE000  }
0x2b: {  	v2 =	vld [tilespmem:s6+$0x70]  }
0x2c: {  	v4 =	vld [tilespmem:s6+$0x0]  }
0x2d: {  	v8 =	vld [tilespmem:s6+$0x10]  }
0x2e: {  	v6 =	vld [tilespmem:s6+$0x20]  }
0x2f: {  	v5 =	vld [tilespmem:s6+$0x30]  }
0x30: {  	v3 =	vld [tilespmem:s6+$0x40];
	v7 =	vshll.u32 v2, $0x1  }
0x31: {  	v2 =	vld [tilespmem:s6+$0x50];
	v9 =	vshll.u32 v4, $0x1;
	v10 =	vor.u32 v0, v7  }
0x32: {  	s3 =	simm.s32 $0x80;
	s18 =	simm.s32 $0x400;
	v4 =	vld [tilespmem:s6+$0x60];
	v8 =	vshll.u32 v8, $0x1;
	v7 =	vor.u32 v0, v9;
	[tilespmem:s6+$0x4070] =	vst v10  }
.LBB2_4:
0x33: {  	p0 =	sne.s32 s18, $0x7E00;
	v9 =	vld [tilespmem:s3+$0x70];
	[tilespmem:s6+$0x4000] =	vst v7;
	v7 =	vor.u32 v0, v8;
	v6 =	vshll.u32 v6, $0x1  }
0x34: {  	v8 =	vld [tilespmem:s3+$0x0];
	[tilespmem:s6+$0x4010] =	vst v7;
	v6 =	vor.u32 v0, v6;
	v5 =	vshll.u32 v5, $0x1  }
0x35: {  	v10 =	vld [tilespmem:s3+$0x10];
	[tilespmem:s6+$0x4020] =	vst v6;
	v5 =	vor.u32 v0, v5;
	v3 =	vshll.u32 v3, $0x1  }
.Ltmp1:
0x36: {  	v6 =	vld [tilespmem:s3+$0x20];
	[tilespmem:s6+$0x4030] =	vst v5;
	v3 =	vor.u32 v0, v3;
	v2 =	vshll.u32 v2, $0x1;
	(pc) =	sbr.rel @p0 .LBB2_4-.Ltmp1, $4  }
0x37: {  	v5 =	vld [tilespmem:s3+$0x30];
	[tilespmem:s6+$0x4040] =	vst v3;
	v2 =	vor.u32 v0, v2;
	v4 =	vshll.u32 v4, $0x1  }
0x38: {  	v3 =	vld [tilespmem:s3+$0x40];
	v7 =	vshll.u32 v9, $0x1;
	[tilespmem:s6+$0x4050] =	vst v2;
	v4 =	vor.u32 v0, v4  }
0x39: {  	v8 =	vshll.u32 v8, $0x1;
	v2 =	vld [tilespmem:s3+$0x50];
	v9 =	vor.u32 v0, v7;
	[tilespmem:s6+$0x4060] =	vst v4;
	s6 =	smov.u32 s3  }
0x3a: {  	s3 =	sshra.s32 s18, $0x2;
	s18 =	sadd.s32 $0x200, s18;
	v7 =	vor.u32 v0, v8;
	v8 =	vshll.u32 v10, $0x1;
	v4 =	vld [tilespmem:s6+$0x60];
	[tilespmem:s6+$0x4070] =	vst v9  }
0x3b: {  	v9 =	vld [tilespmem:s3+$0x70];
	[tilespmem:s6+$0x4000] =	vst v7;
	v58 =	vor.u32 v0, v8;
	v6 =	vshll.u32 v6, $0x1  }
0x3c: {  	v59 =	vld [tilespmem:s3+$0x0];
	[tilespmem:s6+$0x4010] =	vst v58;
	v6 =	vor.u32 v0, v6;
	v5 =	vshll.u32 v5, $0x1  }
0x3d: {  	v7 =	vld [tilespmem:s3+$0x10];
	[tilespmem:s6+$0x4020] =	vst v6;
	v5 =	vor.u32 v0, v5;
	v3 =	vshll.u32 v3, $0x1  }
0x3e: {  	v6 =	vld [tilespmem:s3+$0x20];
	[tilespmem:s6+$0x4030] =	vst v5;
	v3 =	vor.u32 v0, v3;
	v2 =	vshll.u32 v2, $0x1  }
0x3f: {  	v5 =	vld [tilespmem:s3+$0x30];
	[tilespmem:s6+$0x4040] =	vst v3;
	v2 =	vor.u32 v0, v2;
	v4 =	vshll.u32 v4, $0x1  }
0x40: {  	v3 =	vld [tilespmem:s3+$0x40];
	[tilespmem:s6+$0x4050] =	vst v2;
	v2 =	vor.u32 v0, v4;
	v9 =	vshll.u32 v9, $0x1  }
0x41: {  	v60 =	vld [tilespmem:s3+$0x50];
	[tilespmem:s6+$0x4060] =	vst v2;
	v2 =	vshll.u32 v59, $0x1;
	v61 =	vor.u32 v0, v9  }
0x42: {  	v62 =	vld [tilespmem:s3+$0x60];
	v2 =	vor.u32 v0, v2;
	v7 =	vshll.u32 v7, $0x1;
	[tilespmem:s3+$0x4070] =	vst v61  }
0x43: {  	[tilespmem:s3+$0x4000] =	vst v2;
	v2 =	vor.u32 v0, v7;
	v6 =	vshll.u32 v6, $0x1  }
0x44: {  	[tilespmem:s3+$0x4010] =	vst v2;
	v2 =	vor.u32 v0, v6;
	v5 =	vshll.u32 v5, $0x1  }
0x45: {  	[tilespmem:s3+$0x4020] =	vst v2;
	v2 =	vor.u32 v0, v5;
	v3 =	vshll.u32 v3, $0x1  }
0x46: {  	[tilespmem:s3+$0x4030] =	vst v2;
	v2 =	vor.u32 v0, v3;
	v3 =	vshll.u32 v60, $0x1  }
0x47: {  	[tilespmem:s3+$0x4040] =	vst v2;
	v2 =	vor.u32 v0, v3;
	v3 =	vshll.u32 v62, $0x1  }
0x48: {  	[tilespmem:s3+$0x4050] =	vst v2;
	v2 =	vor.u32 v0, v3  }
0x49: {  	s18 =	rddreg [dreg:$0x5];
	s6 =	simm.s32 $0x6000;
	[tilespmem:s3+$0x4060] =	vst v2  }
0x4a: {  	[spmem:s18] =	stream.linear.scatter [tilespmem:s6], [sflag:$0x12], $0x2000, $0x38;
	v63 =	vld [tilespmem:$0x0]  }
0x4b: {  	_ =	swait.ge [sflag:s16], $0x2000  }
0x4c: {  	[sflag:s16] =	ssyncset.done $0x0  }
0x4d: {  	s18 =	rddreg [dreg:$0x7];
	[sflag:s16] =	ssyncadd.s32 $0xFFFFE000  }
0x4e: {  	[spmem:s18] =	stream.linear.scatter [tilespmem:s6], [sflag:$0x12], $0x2000, $0x38;
	v63 =	vld [tilespmem:$0x0]  }
0x4f: {  	_ =	swait.ge [sflag:s16], $0x2000  }
0x50: {  	[sflag:s16] =	ssyncset.done $0x0  }
0x51: {  	s18 =	rddreg [dreg:$0x8];
	[sflag:s16] =	ssyncadd.s32 $0xFFFFE000  }
0x52: {  	[spmem:s18] =	stream.linear.scatter [tilespmem:s6], [sflag:$0x12], $0x2000, $0x38;
	v63 =	vld [tilespmem:$0x0]  }
0x53: {  	_ =	swait.ge [sflag:s16], $0x2000  }
0x54: {  	[sflag:s16] =	ssyncset.done $0x0  }
0x55: {  	s18 =	rddreg [dreg:$0x9];
	[sflag:s16] =	ssyncadd.s32 $0xFFFFE000  }
0x56: {  	[spmem:s18] =	stream.linear.scatter [tilespmem:s6], [sflag:$0x12], $0x2000, $0x38;
	v63 =	vld [tilespmem:$0x0]  }
0x57: {  	_ =	swait.ge [sflag:s16], $0x2000  }
0x58: {  	[sflag:s16] =	ssyncset.done $0x0  }
0x59: {  	[sflag:s16] =	ssyncadd.s32 $0xFFFFE000  }
0x5a: {  	s18 =	simm.s32 $0x4000;
	[bflag:$0x0] =	sbarrier.arrive $0xFFFF  }
0x5b: {  	[tilespmem:s21], [sflag:$0x1] =	stream.indirect.gather [hbm4b:s4+s19], $0x40, s18, s19, $0xb8;
	v63 =	vld [tilespmem:$0x0]  }
0x5c: {  	s6 =	simm.s32 $0x4080  }
0x5d: {  	[tilespmem:s23], [sflag:$0x2] =	stream.indirect.gather [hbm4b:s4+s19], $0x40, s6, s19, $0xb8;
	v63 =	vld [tilespmem:$0x0]  }
0x5e: {  	s18 =	simm.s32 $0x4100  }
0x5f: {  	[tilespmem:s25], [sflag:$0x3] =	stream.indirect.gather [hbm4b:s4+s19], $0x40, s18, s19, $0xb8;
	v63 =	vld [tilespmem:$0x0]  }
0x60: {  	s6 =	simm.s32 $0x4180  }
0x61: {  	[tilespmem:s28], [sflag:$0x4] =	stream.indirect.gather [hbm4b:s4+s19], $0x40, s6, s19, $0xb8;
	v63 =	vld [tilespmem:$0x0]  }
0x62: {  	s18 =	simm.s32 $0x4200  }
0x63: {  	[tilespmem:s30], [sflag:$0x5] =	stream.indirect.gather [hbm4b:s4+s19], $0x40, s18, s19, $0xb8;
	v63 =	vld [tilespmem:$0x0]  }
0x64: {  	s6 =	simm.s32 $0x4280  }
0x65: {  	[tilespmem:s0], [sflag:$0x6] =	stream.indirect.gather [hbm4b:s4+s19], $0x40, s6, s19, $0xb8;
	v63 =	vld [tilespmem:$0x0]  }
0x66: {  	s18 =	simm.s32 $0x4300  }
0x67: {  	[tilespmem:s2], [sflag:$0x7] =	stream.indirect.gather [hbm4b:s4+s19], $0x40, s18, s19, $0xb8;
	v63 =	vld [tilespmem:$0x0]  }
0x68: {  	s6 =	simm.s32 $0x4380  }
0x69: {  	[tilespmem:s7], [sflag:$0x8] =	stream.indirect.gather [hbm4b:s4+s19], $0x40, s6, s19, $0xb8;
	v63 =	vld [tilespmem:$0x0]  }
0x6a: {  	_ =	swait.ge [sflag:s11], $0x2000  }
0x6b: {  	[sflag:s11] =	ssyncset.done $0x0  }
0x6c: {  	s18 =	simm.s32 $0x2000;
	[sflag:s11] =	ssyncadd.s32 $0xFFFFE000  }
0x6d: {  	[spmem:s1] =	stream.indirect.scatter.add.f32 [tilespmem:s21], [sflag:$0x9], $0x40, s18, s19, $0xb8;
	v63 =	vld [tilespmem:$0x0]  }
0x6e: {  	_ =	swait.ge [sflag:s12], $0x2000  }
0x6f: {  	[sflag:s12] =	ssyncset.done $0x0  }
0x70: {  	s6 =	simm.s32 $0x2080;
	[sflag:s12] =	ssyncadd.s32 $0xFFFFE000  }
0x71: {  	[spmem:s1] =	stream.indirect.scatter.add.f32 [tilespmem:s23], [sflag:$0xA], $0x40, s6, s19, $0xb8;
	v63 =	vld [tilespmem:$0x0]  }
0x72: {  	_ =	swait.ge [sflag:s13], $0x2000  }
0x73: {  	[sflag:s13] =	ssyncset.done $0x0  }
0x74: {  	s18 =	simm.s32 $0x2100;
	[sflag:s13] =	ssyncadd.s32 $0xFFFFE000  }
0x75: {  	[spmem:s1] =	stream.indirect.scatter.add.f32 [tilespmem:s25], [sflag:$0xB], $0x40, s18, s19, $0xb8;
	v63 =	vld [tilespmem:$0x0]  }
0x76: {  	_ =	swait.ge [sflag:s14], $0x2000  }
0x77: {  	[sflag:s14] =	ssyncset.done $0x0  }
0x78: {  	s6 =	simm.s32 $0x2180;
	[sflag:s14] =	ssyncadd.s32 $0xFFFFE000  }
0x79: {  	[spmem:s1] =	stream.indirect.scatter.add.f32 [tilespmem:s28], [sflag:$0xC], $0x40, s6, s19, $0xb8;
	v63 =	vld [tilespmem:$0x0]  }
0x7a: {  	_ =	swait.ge [sflag:s15], $0x2000  }
0x7b: {  	[sflag:s15] =	ssyncset.done $0x0  }
0x7c: {  	s18 =	simm.s32 $0x2200;
	[sflag:s15] =	ssyncadd.s32 $0xFFFFE000  }
0x7d: {  	[spmem:s1] =	stream.indirect.scatter.add.f32 [tilespmem:s30], [sflag:$0xD], $0x40, s18, s19, $0xb8;
	v63 =	vld [tilespmem:$0x0]  }
0x7e: {  	_ =	swait.ge [sflag:s20], $0x2000  }
0x7f: {  	[sflag:s20] =	ssyncset.done $0x0  }
0x80: {  	s6 =	simm.s32 $0x2280;
	[sflag:s20] =	ssyncadd.s32 $0xFFFFE000  }
0x81: {  	[spmem:s1] =	stream.indirect.scatter.add.f32 [tilespmem:s0], [sflag:$0xE], $0x40, s6, s19, $0xb8;
	v63 =	vld [tilespmem:$0x0]  }
0x82: {  	_ =	swait.ge [sflag:s22], $0x2000  }
0x83: {  	[sflag:s22] =	ssyncset.done $0x0  }
0x84: {  	s18 =	simm.s32 $0x2300;
	[sflag:s22] =	ssyncadd.s32 $0xFFFFE000  }
0x85: {  	[spmem:s1] =	stream.indirect.scatter.add.f32 [tilespmem:s2], [sflag:$0xF], $0x40, s18, s19, $0xb8;
	v63 =	vld [tilespmem:$0x0]  }
0x86: {  	_ =	swait.ge [sflag:s24], $0x2000  }
0x87: {  	[sflag:s24] =	ssyncset.done $0x0  }
0x88: {  	s6 =	simm.s32 $0x2380;
	[sflag:s24] =	ssyncadd.s32 $0xFFFFE000  }
0x89: {  	[spmem:s1] =	stream.indirect.scatter.add.f32 [tilespmem:s7], [sflag:$0x10], $0x40, s6, s19, $0xb8;
	v63 =	vld [tilespmem:$0x0]  }
0x8a: {  	_ =	swait.ge [sflag:s26], $0x2000  }
0x8b: {  	[sflag:s26] =	ssyncset.done $0x0  }
0x8c: {  	s18 =	simm.s32 $0x4400;
	[sflag:s26] =	ssyncadd.s32 $0xFFFFE000  }
0x8d: {  	[tilespmem:s21], [sflag:$0x1] =	stream.indirect.gather [hbm4b:s4+s19], $0x40, s18, s19, $0xb8;
	v63 =	vld [tilespmem:$0x0]  }
0x8e: {  	_ =	swait.ge [sflag:s29], $0x2000  }
0x8f: {  	[sflag:s29] =	ssyncset.done $0x0  }
0x90: {  	s6 =	simm.s32 $0x4480;
	[sflag:s29] =	ssyncadd.s32 $0xFFFFE000  }
0x91: {  	[tilespmem:s23], [sflag:$0x2] =	stream.indirect.gather [hbm4b:s4+s19], $0x40, s6, s19, $0xb8;
	v63 =	vld [tilespmem:$0x0]  }
0x92: {  	_ =	swait.ge [sflag:s31], $0x2000  }
0x93: {  	[sflag:s31] =	ssyncset.done $0x0  }
0x94: {  	s18 =	simm.s32 $0x4500;
	[sflag:s31] =	ssyncadd.s32 $0xFFFFE000  }
0x95: {  	[tilespmem:s25], [sflag:$0x3] =	stream.indirect.gather [hbm4b:s4+s19], $0x40, s18, s19, $0xb8;
	v63 =	vld [tilespmem:$0x0]  }
0x96: {  	_ =	swait.ge [sflag:s17], $0x2000  }
0x97: {  	[sflag:s17] =	ssyncset.done $0x0  }
0x98: {  	s6 =	simm.s32 $0x4580;
	[sflag:s17] =	ssyncadd.s32 $0xFFFFE000  }
0x99: {  	[tilespmem:s28], [sflag:$0x4] =	stream.indirect.gather [hbm4b:s4+s19], $0x40, s6, s19, $0xb8;
	v63 =	vld [tilespmem:$0x0]  }
0x9a: {  	_ =	swait.ge [sflag:s5], $0x2000  }
0x9b: {  	[sflag:s5] =	ssyncset.done $0x0  }
0x9c: {  	s18 =	simm.s32 $0x4600;
	[sflag:s5] =	ssyncadd.s32 $0xFFFFE000  }
0x9d: {  	[tilespmem:s30], [sflag:$0x5] =	stream.indirect.gather [hbm4b:s4+s19], $0x40, s18, s19, $0xb8;
	v63 =	vld [tilespmem:$0x0]  }
0x9e: {  	_ =	swait.ge [sflag:s8], $0x2000  }
0x9f: {  	[sflag:s8] =	ssyncset.done $0x0  }
0xa0: {  	s6 =	simm.s32 $0x4680;
	[sflag:s8] =	ssyncadd.s32 $0xFFFFE000  }
0xa1: {  	[tilespmem:s0], [sflag:$0x6] =	stream.indirect.gather [hbm4b:s4+s19], $0x40, s6, s19, $0xb8;
	v63 =	vld [tilespmem:$0x0]  }
0xa2: {  	_ =	swait.ge [sflag:s9], $0x2000  }
0xa3: {  	[sflag:s9] =	ssyncset.done $0x0  }
0xa4: {  	s18 =	simm.s32 $0x4700;
	[sflag:s9] =	ssyncadd.s32 $0xFFFFE000  }
0xa5: {  	[tilespmem:s2], [sflag:$0x7] =	stream.indirect.gather [hbm4b:s4+s19], $0x40, s18, s19, $0xb8;
	v63 =	vld [tilespmem:$0x0]  }
0xa6: {  	_ =	swait.ge [sflag:s10], $0x2000  }
0xa7: {  	[sflag:s10] =	ssyncset.done $0x0  }
0xa8: {  	s3 =	simm.s32 $0x1000;
	s6 =	simm.s32 $0x4780;
	[sflag:s10] =	ssyncadd.s32 $0xFFFFE000  }
.LBB2_6:
0xa9: {  	[tilespmem:s7], [sflag:$0x8] =	stream.indirect.gather [hbm4b:s4+s19], $0x40, s6, s19, $0xb8;
	v63 =	vld [tilespmem:$0x0]  }
0xaa: {  	s6 =	smov.u32 s3  }
0xab: {  	p0 =	sne.s32 s3, $0x6000;
	s3 =	sadd.s32 $0x1000, s3;
	_ =	swait.ge [sflag:s11], $0x2000  }
0xac: {  	s6 =	sshra.s32 s6, $0x2;
	[sflag:s11] =	ssyncset.done $0x0  }
0xad: {  	s18 =	sadd.s32 $0x2000, s6;
	[sflag:s11] =	ssyncadd.s32 $0xFFFFE000  }
0xae: {  	[spmem:s1] =	stream.indirect.scatter.add.f32 [tilespmem:s21], [sflag:$0x9], $0x40, s18, s19, $0xb8;
	v63 =	vld [tilespmem:$0x0]  }
0xaf: {  	_ =	swait.ge [sflag:s12], $0x2000  }
0xb0: {  	[sflag:s12] =	ssyncset.done $0x0  }
0xb1: {  	s18 =	sadd.s32 $0x2080, s6;
	[sflag:s12] =	ssyncadd.s32 $0xFFFFE000  }
0xb2: {  	[spmem:s1] =	stream.indirect.scatter.add.f32 [tilespmem:s23], [sflag:$0xA], $0x40, s18, s19, $0xb8;
	v63 =	vld [tilespmem:$0x0]  }
0xb3: {  	_ =	swait.ge [sflag:s13], $0x2000  }
0xb4: {  	[sflag:s13] =	ssyncset.done $0x0  }
0xb5: {  	s18 =	sadd.s32 $0x2100, s6;
	[sflag:s13] =	ssyncadd.s32 $0xFFFFE000  }
0xb6: {  	[spmem:s1] =	stream.indirect.scatter.add.f32 [tilespmem:s25], [sflag:$0xB], $0x40, s18, s19, $0xb8;
	v63 =	vld [tilespmem:$0x0]  }
0xb7: {  	_ =	swait.ge [sflag:s14], $0x2000  }
0xb8: {  	[sflag:s14] =	ssyncset.done $0x0  }
0xb9: {  	s18 =	sadd.s32 $0x2180, s6;
	[sflag:s14] =	ssyncadd.s32 $0xFFFFE000  }
0xba: {  	[spmem:s1] =	stream.indirect.scatter.add.f32 [tilespmem:s28], [sflag:$0xC], $0x40, s18, s19, $0xb8;
	v63 =	vld [tilespmem:$0x0]  }
0xbb: {  	_ =	swait.ge [sflag:s15], $0x2000  }
0xbc: {  	[sflag:s15] =	ssyncset.done $0x0  }
0xbd: {  	s18 =	sadd.s32 $0x2200, s6;
	[sflag:s15] =	ssyncadd.s32 $0xFFFFE000  }
0xbe: {  	[spmem:s1] =	stream.indirect.scatter.add.f32 [tilespmem:s30], [sflag:$0xD], $0x40, s18, s19, $0xb8;
	v63 =	vld [tilespmem:$0x0]  }
0xbf: {  	_ =	swait.ge [sflag:s20], $0x2000  }
0xc0: {  	[sflag:s20] =	ssyncset.done $0x0  }
0xc1: {  	s18 =	sadd.s32 $0x2280, s6;
	[sflag:s20] =	ssyncadd.s32 $0xFFFFE000  }
0xc2: {  	[spmem:s1] =	stream.indirect.scatter.add.f32 [tilespmem:s0], [sflag:$0xE], $0x40, s18, s19, $0xb8;
	v63 =	vld [tilespmem:$0x0]  }
0xc3: {  	_ =	swait.ge [sflag:s22], $0x2000  }
0xc4: {  	[sflag:s22] =	ssyncset.done $0x0  }
0xc5: {  	s18 =	sadd.s32 $0x2300, s6;
	[sflag:s22] =	ssyncadd.s32 $0xFFFFE000  }
0xc6: {  	[spmem:s1] =	stream.indirect.scatter.add.f32 [tilespmem:s2], [sflag:$0xF], $0x40, s18, s19, $0xb8;
	v63 =	vld [tilespmem:$0x0]  }
0xc7: {  	_ =	swait.ge [sflag:s24], $0x2000  }
0xc8: {  	[sflag:s24] =	ssyncset.done $0x0  }
0xc9: {  	s18 =	sadd.s32 $0x2380, s6;
	[sflag:s24] =	ssyncadd.s32 $0xFFFFE000  }
0xca: {  	[spmem:s1] =	stream.indirect.scatter.add.f32 [tilespmem:s7], [sflag:$0x10], $0x40, s18, s19, $0xb8;
	v63 =	vld [tilespmem:$0x0]  }
0xcb: {  	_ =	swait.ge [sflag:s26], $0x2000  }
0xcc: {  	[sflag:s26] =	ssyncset.done $0x0  }
0xcd: {  	s18 =	sadd.s32 $0x4400, s6;
	[sflag:s26] =	ssyncadd.s32 $0xFFFFE000  }
0xce: {  	[tilespmem:s21], [sflag:$0x1] =	stream.indirect.gather [hbm4b:s4+s19], $0x40, s18, s19, $0xb8;
	v63 =	vld [tilespmem:$0x0]  }
0xcf: {  	_ =	swait.ge [sflag:s29], $0x2000  }
0xd0: {  	[sflag:s29] =	ssyncset.done $0x0  }
0xd1: {  	s18 =	sadd.s32 $0x4480, s6;
	[sflag:s29] =	ssyncadd.s32 $0xFFFFE000  }
0xd2: {  	[tilespmem:s23], [sflag:$0x2] =	stream.indirect.gather [hbm4b:s4+s19], $0x40, s18, s19, $0xb8;
	v63 =	vld [tilespmem:$0x0]  }
0xd3: {  	_ =	swait.ge [sflag:s31], $0x2000  }
0xd4: {  	[sflag:s31] =	ssyncset.done $0x0  }
0xd5: {  	s18 =	sadd.s32 $0x4500, s6;
	[sflag:s31] =	ssyncadd.s32 $0xFFFFE000  }
0xd6: {  	[tilespmem:s25], [sflag:$0x3] =	stream.indirect.gather [hbm4b:s4+s19], $0x40, s18, s19, $0xb8;
	v63 =	vld [tilespmem:$0x0]  }
0xd7: {  	_ =	swait.ge [sflag:s17], $0x2000  }
0xd8: {  	[sflag:s17] =	ssyncset.done $0x0  }
0xd9: {  	s18 =	sadd.s32 $0x4580, s6;
	[sflag:s17] =	ssyncadd.s32 $0xFFFFE000  }
0xda: {  	[tilespmem:s28], [sflag:$0x4] =	stream.indirect.gather [hbm4b:s4+s19], $0x40, s18, s19, $0xb8;
	v63 =	vld [tilespmem:$0x0]  }
0xdb: {  	_ =	swait.ge [sflag:s5], $0x2000  }
0xdc: {  	[sflag:s5] =	ssyncset.done $0x0  }
0xdd: {  	s18 =	sadd.s32 $0x4600, s6;
	[sflag:s5] =	ssyncadd.s32 $0xFFFFE000  }
0xde: {  	[tilespmem:s30], [sflag:$0x5] =	stream.indirect.gather [hbm4b:s4+s19], $0x40, s18, s19, $0xb8;
	v63 =	vld [tilespmem:$0x0]  }
0xdf: {  	_ =	swait.ge [sflag:s8], $0x2000  }
0xe0: {  	[sflag:s8] =	ssyncset.done $0x0  }
0xe1: {  	s18 =	sadd.s32 $0x4680, s6;
	[sflag:s8] =	ssyncadd.s32 $0xFFFFE000  }
0xe2: {  	[tilespmem:s0], [sflag:$0x6] =	stream.indirect.gather [hbm4b:s4+s19], $0x40, s18, s19, $0xb8;
	v63 =	vld [tilespmem:$0x0]  }
0xe3: {  	_ =	swait.ge [sflag:s9], $0x2000  }
0xe4: {  	[sflag:s9] =	ssyncset.done $0x0  }
.Ltmp2:
0xe5: {  	s18 =	sadd.s32 $0x4700, s6;
	[sflag:s9] =	ssyncadd.s32 $0xFFFFE000;
	(pc) =	sbr.rel @p0 .LBB2_6-.Ltmp2, $4  }
0xe6: {  	[tilespmem:s2], [sflag:$0x7] =	stream.indirect.gather [hbm4b:s4+s19], $0x40, s18, s19, $0xb8;
	v63 =	vld [tilespmem:$0x0]  }
0xe7: {  	_ =	swait.ge [sflag:s10], $0x2000  }
0xe8: {  	[sflag:s10] =	ssyncset.done $0x0  }
0xe9: {  	s6 =	sadd.s32 $0x4780, s6;
	[sflag:s10] =	ssyncadd.s32 $0xFFFFE000  }
0xea: {  	[tilespmem:s7], [sflag:$0x8] =	stream.indirect.gather [hbm4b:s4+s19], $0x40, s6, s19, $0xb8;
	v63 =	vld [tilespmem:$0x0]  }
0xeb: {  	_ =	swait.ge [sflag:s11], $0x2000  }
0xec: {  	[sflag:s11] =	ssyncset.done $0x0  }
0xed: {  	s3 =	simm.s32 $0x3C00;
	[sflag:s11] =	ssyncadd.s32 $0xFFFFE000  }
0xee: {  	[spmem:s1] =	stream.indirect.scatter.add.f32 [tilespmem:s21], [sflag:$0x9], $0x40, s3, s19, $0xb8;
	v63 =	vld [tilespmem:$0x0]  }
0xef: {  	_ =	swait.ge [sflag:s12], $0x2000  }
0xf0: {  	[sflag:s12] =	ssyncset.done $0x0  }
0xf1: {  	s18 =	simm.s32 $0x3C80;
	[sflag:s12] =	ssyncadd.s32 $0xFFFFE000  }
0xf2: {  	[spmem:s1] =	stream.indirect.scatter.add.f32 [tilespmem:s23], [sflag:$0xA], $0x40, s18, s19, $0xb8;
	v63 =	vld [tilespmem:$0x0]  }
0xf3: {  	_ =	swait.ge [sflag:s13], $0x2000  }
0xf4: {  	[sflag:s13] =	ssyncset.done $0x0  }
0xf5: {  	s6 =	simm.s32 $0x3D00;
	[sflag:s13] =	ssyncadd.s32 $0xFFFFE000  }
0xf6: {  	[spmem:s1] =	stream.indirect.scatter.add.f32 [tilespmem:s25], [sflag:$0xB], $0x40, s6, s19, $0xb8;
	v63 =	vld [tilespmem:$0x0]  }
0xf7: {  	_ =	swait.ge [sflag:s14], $0x2000  }
0xf8: {  	[sflag:s14] =	ssyncset.done $0x0  }
0xf9: {  	s18 =	simm.s32 $0x3D80;
	[sflag:s14] =	ssyncadd.s32 $0xFFFFE000  }
0xfa: {  	[spmem:s1] =	stream.indirect.scatter.add.f32 [tilespmem:s28], [sflag:$0xC], $0x40, s18, s19, $0xb8;
	v63 =	vld [tilespmem:$0x0]  }
0xfb: {  	_ =	swait.ge [sflag:s15], $0x2000  }
0xfc: {  	[sflag:s15] =	ssyncset.done $0x0  }
0xfd: {  	s6 =	simm.s32 $0x3E00;
	[sflag:s15] =	ssyncadd.s32 $0xFFFFE000  }
0xfe: {  	[spmem:s1] =	stream.indirect.scatter.add.f32 [tilespmem:s30], [sflag:$0xD], $0x40, s6, s19, $0xb8;
	v63 =	vld [tilespmem:$0x0]  }
0xff: {  	_ =	swait.ge [sflag:s20], $0x2000  }
0x100: {  	[sflag:s20] =	ssyncset.done $0x0  }
0x101: {  	s18 =	simm.s32 $0x3E80;
	[sflag:s20] =	ssyncadd.s32 $0xFFFFE000  }
0x102: {  	[spmem:s1] =	stream.indirect.scatter.add.f32 [tilespmem:s0], [sflag:$0xE], $0x40, s18, s19, $0xb8;
	v63 =	vld [tilespmem:$0x0]  }
0x103: {  	_ =	swait.ge [sflag:s22], $0x2000  }
0x104: {  	[sflag:s22] =	ssyncset.done $0x0  }
0x105: {  	s6 =	simm.s32 $0x3F00;
	[sflag:s22] =	ssyncadd.s32 $0xFFFFE000  }
0x106: {  	[spmem:s1] =	stream.indirect.scatter.add.f32 [tilespmem:s2], [sflag:$0xF], $0x40, s6, s19, $0xb8;
	v63 =	vld [tilespmem:$0x0]  }
0x107: {  	_ =	swait.ge [sflag:s24], $0x2000  }
0x108: {  	[sflag:s24] =	ssyncset.done $0x0  }
0x109: {  	s18 =	simm.s32 $0x3F80;
	[sflag:s24] =	ssyncadd.s32 $0xFFFFE000  }
0x10a: {  	[spmem:s1] =	stream.indirect.scatter.add.f32 [tilespmem:s7], [sflag:$0x10], $0x40, s18, s19, $0xb8;
	v63 =	vld [tilespmem:$0x0]  }
0x10b: {  	_ =	swait.ge [sflag:s26], $0x2000  }
0x10c: {  	[sflag:s26] =	ssyncset.done $0x0  }
0x10d: {  	[sflag:s26] =	ssyncadd.s32 $0xFFFFE000  }
0x10e: {  	_ =	swait.ge [sflag:s29], $0x2000  }
0x10f: {  	[sflag:s29] =	ssyncset.done $0x0  }
0x110: {  	[sflag:s29] =	ssyncadd.s32 $0xFFFFE000  }
0x111: {  	_ =	swait.ge [sflag:s31], $0x2000  }
0x112: {  	[sflag:s31] =	ssyncset.done $0x0  }
0x113: {  	[sflag:s31] =	ssyncadd.s32 $0xFFFFE000  }
0x114: {  	_ =	swait.ge [sflag:s17], $0x2000  }
0x115: {  	[sflag:s17] =	ssyncset.done $0x0  }
0x116: {  	[sflag:s17] =	ssyncadd.s32 $0xFFFFE000  }
0x117: {  	_ =	swait.ge [sflag:s5], $0x2000  }
0x118: {  	[sflag:s5] =	ssyncset.done $0x0  }
0x119: {  	[sflag:s5] =	ssyncadd.s32 $0xFFFFE000  }
0x11a: {  	_ =	swait.ge [sflag:s8], $0x2000  }
0x11b: {  	[sflag:s8] =	ssyncset.done $0x0  }
0x11c: {  	[sflag:s8] =	ssyncadd.s32 $0xFFFFE000  }
0x11d: {  	_ =	swait.ge [sflag:s9], $0x2000  }
0x11e: {  	[sflag:s9] =	ssyncset.done $0x0  }
0x11f: {  	[sflag:s9] =	ssyncadd.s32 $0xFFFFE000  }
0x120: {  	_ =	swait.ge [sflag:s10], $0x2000  }
0x121: {  	[sflag:s10] =	ssyncset.done $0x0  }
0x122: {  	[sflag:s10] =	ssyncadd.s32 $0xFFFFE000  }
0x123: {  	s6 =	stileid.u32;
	[bflag:$0x0] =	sbarrier.arrive $0xFFFF  }
0x124: {  	s3 =	sshll.u32 s6, $0x6;
	s18 =	rddreg [dreg:$0x5]  }
0x125: {  	s6 =	sor.u32 $0x1C11, s3;
	s3 =	rddreg [dreg:$0xa]  }
0x126: {  	[dreg:$0xf] =	wrdreg s6;
	s18 =	sshrl.u32 s18, $0x3  }
0x127: {  	[dreg:$0x10] =	wrdreg s18  }
0x128: {  	[hbm:s3], [sflag:s6] =	dma.local [spmem:s18], $0x1000  }
0x129: {  	s3 =	simm.s32 $0x0  }
0x12a: {  	v4 =	vld [tilespmem:s3+$0x4000]  }
0x12b: {  	v6 =	vld [tilespmem:s3+$0x4010]  }
0x12c: {  	v5 =	vld [tilespmem:s3+$0x4020]  }
0x12d: {  	v3 =	vld [tilespmem:s3+$0x4030]  }
0x12e: {  	v2 =	vld [tilespmem:s3+$0x4040]  }
0x12f: {  	v7 =	vadd.s32 $0x4000, v4;
	v4 =	vld [tilespmem:s3+$0x4050]  }
0x130: {  	s6 =	simm.s32 $0x200;
	[tilespmem:s3+$0x4000] =	vst v7;
	v7 =	vadd.s32 $0x4000, v6;
	v6 =	vld [tilespmem:s3+$0x4060]  }
.LBB2_8:
0x131: {  	s18 =	sshra.s32 s6, $0x2;
	p0 =	sne.s32 s6, $0x7E00;
	[tilespmem:s3+$0x4010] =	vst v7;
	v5 =	vadd.s32 $0x4000, v5;
	v7 =	vld [tilespmem:s3+$0x4070]  }
0x132: {  	v8 =	vld [tilespmem:s18+$0x4000];
	[tilespmem:s3+$0x4020] =	vst v5;
	v3 =	vadd.s32 $0x4000, v3  }
0x133: {  	v9 =	vld [tilespmem:s18+$0x4010];
	[tilespmem:s3+$0x4030] =	vst v3;
	v2 =	vadd.s32 $0x4000, v2  }
.Ltmp3:
0x134: {  	v5 =	vld [tilespmem:s18+$0x4020];
	[tilespmem:s3+$0x4040] =	vst v2;
	v2 =	vadd.s32 $0x4000, v4;
	(pc) =	sbr.rel @p0 .LBB2_8-.Ltmp3, $4  }
0x135: {  	v3 =	vld [tilespmem:s18+$0x4030];
	[tilespmem:s3+$0x4050] =	vst v2;
	v4 =	vadd.s32 $0x4000, v6  }
0x136: {  	v2 =	vld [tilespmem:s18+$0x4040];
	[tilespmem:s3+$0x4060] =	vst v4;
	v6 =	vadd.s32 $0x4000, v7  }
0x137: {  	v7 =	vadd.s32 $0x4000, v8;
	v4 =	vld [tilespmem:s18+$0x4050];
	[tilespmem:s3+$0x4070] =	vst v6;
	s3 =	smov.u32 s18  }
0x138: {  	s6 =	sadd.s32 $0x200, s6;
	[tilespmem:s3+$0x4000] =	vst v7;
	v7 =	vadd.s32 $0x4000, v9;
	v6 =	vld [tilespmem:s3+$0x4060]  }
0x139: {  	[tilespmem:s3+$0x4010] =	vst v7;
	v5 =	vadd.s32 $0x4000, v5;
	v62 =	vld [tilespmem:s3+$0x4070]  }
0x13a: {  	[tilespmem:s3+$0x4020] =	vst v5;
	v3 =	vadd.s32 $0x4000, v3  }
0x13b: {  	[tilespmem:s3+$0x4030] =	vst v3;
	v2 =	vadd.s32 $0x4000, v2  }
0x13c: {  	[tilespmem:s3+$0x4040] =	vst v2;
	v2 =	vadd.s32 $0x4000, v4  }
0x13d: {  	[tilespmem:s3+$0x4050] =	vst v2;
	v2 =	vadd.s32 $0x4000, v6  }
0x13e: {  	[tilespmem:s3+$0x4060] =	vst v2;
	v2 =	vadd.s32 $0x4000, v62  }
0x13f: {  	s6 =	simm.s32 $0x4000;
	[tilespmem:s3+$0x4070] =	vst v2  }
0x140: {  	[tilespmem:s21], [sflag:$0x1] =	stream.indirect.gather [hbm4b:s4+s19], $0x40, s6, s19, $0xb8;
	v63 =	vld [tilespmem:$0x0]  }
0x141: {  	s18 =	simm.s32 $0x4080  }
0x142: {  	[tilespmem:s23], [sflag:$0x2] =	stream.indirect.gather [hbm4b:s4+s19], $0x40, s18, s19, $0xb8;
	v63 =	vld [tilespmem:$0x0]  }
0x143: {  	s6 =	simm.s32 $0x4100  }
0x144: {  	[tilespmem:s25], [sflag:$0x3] =	stream.indirect.gather [hbm4b:s4+s19], $0x40, s6, s19, $0xb8;
	v63 =	vld [tilespmem:$0x0]  }
0x145: {  	s18 =	simm.s32 $0x4180  }
0x146: {  	[tilespmem:s28], [sflag:$0x4] =	stream.indirect.gather [hbm4b:s4+s19], $0x40, s18, s19, $0xb8;
	v63 =	vld [tilespmem:$0x0]  }
0x147: {  	s6 =	simm.s32 $0x4200  }
0x148: {  	[tilespmem:s30], [sflag:$0x5] =	stream.indirect.gather [hbm4b:s4+s19], $0x40, s6, s19, $0xb8;
	v63 =	vld [tilespmem:$0x0]  }
0x149: {  	s18 =	simm.s32 $0x4280  }
0x14a: {  	[tilespmem:s0], [sflag:$0x6] =	stream.indirect.gather [hbm4b:s4+s19], $0x40, s18, s19, $0xb8;
	v63 =	vld [tilespmem:$0x0]  }
0x14b: {  	s6 =	simm.s32 $0x4300  }
0x14c: {  	[tilespmem:s2], [sflag:$0x7] =	stream.indirect.gather [hbm4b:s4+s19], $0x40, s6, s19, $0xb8;
	v63 =	vld [tilespmem:$0x0]  }
0x14d: {  	s18 =	simm.s32 $0x4380;
	s6 =	simm.s32 $0x11  }
0x14e: {  	[tilespmem:s7], [sflag:$0x8] =	stream.indirect.gather [hbm4b:s4+s19], $0x40, s18, s19, $0xb8;
	v63 =	vld [tilespmem:$0x0]  }
0x14f: {  	_ =	swait.ge [sflag:s6], $0x1000  }
0x150: {  	[sflag:s6] =	ssyncset.done $0x0  }
0x151: {  	s18 =	rddreg [dreg:$0x5];
	[sflag:s6] =	ssyncadd.s32 $0xFFFFF000;
	s6 =	simm.s32 $0x6000  }
0x152: {  	[spmem:s18] =	stream.linear.scatter [tilespmem:s6], [sflag:$0x12], $0x2000, $0x38;
	v63 =	vld [tilespmem:$0x0]  }
0x153: {  	_ =	swait.ge [sflag:s16], $0x2000  }
0x154: {  	[sflag:s16] =	ssyncset.done $0x0  }
0x155: {  	s18 =	rddreg [dreg:$0x7];
	[sflag:s16] =	ssyncadd.s32 $0xFFFFE000  }
0x156: {  	[spmem:s18] =	stream.linear.scatter [tilespmem:s6], [sflag:$0x12], $0x2000, $0x38;
	v63 =	vld [tilespmem:$0x0]  }
0x157: {  	_ =	swait.ge [sflag:s16], $0x2000  }
0x158: {  	[sflag:s16] =	ssyncset.done $0x0  }
0x159: {  	s18 =	rddreg [dreg:$0x8];
	[sflag:s16] =	ssyncadd.s32 $0xFFFFE000  }
0x15a: {  	[spmem:s18] =	stream.linear.scatter [tilespmem:s6], [sflag:$0x12], $0x2000, $0x38;
	v63 =	vld [tilespmem:$0x0]  }
0x15b: {  	_ =	swait.ge [sflag:s16], $0x2000  }
0x15c: {  	[sflag:s16] =	ssyncset.done $0x0  }
0x15d: {  	s18 =	rddreg [dreg:$0x9];
	[sflag:s16] =	ssyncadd.s32 $0xFFFFE000  }
0x15e: {  	[spmem:s18] =	stream.linear.scatter [tilespmem:s6], [sflag:$0x12], $0x2000, $0x38;
	v63 =	vld [tilespmem:$0x0]  }
0x15f: {  	_ =	swait.ge [sflag:s16], $0x2000  }
0x160: {  	[sflag:s16] =	ssyncset.done $0x0  }
0x161: {  	[sflag:s16] =	ssyncadd.s32 $0xFFFFE000  }
0x162: {  	[bflag:$0x0] =	sbarrier.arrive $0xFFFF  }
0x163: {  	_ =	swait.ge [sflag:s11], $0x2000  }
0x164: {  	[sflag:s11] =	ssyncset.done $0x0  }
0x165: {  	s18 =	simm.s32 $0x2000;
	[sflag:s11] =	ssyncadd.s32 $0xFFFFE000  }
0x166: {  	[spmem:s1] =	stream.indirect.scatter.add.f32 [tilespmem:s21], [sflag:$0x9], $0x40, s18, s19, $0xb8;
	v63 =	vld [tilespmem:$0x0]  }
0x167: {  	_ =	swait.ge [sflag:s12], $0x2000  }
0x168: {  	[sflag:s12] =	ssyncset.done $0x0  }
0x169: {  	s6 =	simm.s32 $0x2080;
	[sflag:s12] =	ssyncadd.s32 $0xFFFFE000  }
0x16a: {  	[spmem:s1] =	stream.indirect.scatter.add.f32 [tilespmem:s23], [sflag:$0xA], $0x40, s6, s19, $0xb8;
	v63 =	vld [tilespmem:$0x0]  }
0x16b: {  	_ =	swait.ge [sflag:s13], $0x2000  }
0x16c: {  	[sflag:s13] =	ssyncset.done $0x0  }
0x16d: {  	s18 =	simm.s32 $0x2100;
	[sflag:s13] =	ssyncadd.s32 $0xFFFFE000  }
0x16e: {  	[spmem:s1] =	stream.indirect.scatter.add.f32 [tilespmem:s25], [sflag:$0xB], $0x40, s18, s19, $0xb8;
	v63 =	vld [tilespmem:$0x0]  }
0x16f: {  	_ =	swait.ge [sflag:s14], $0x2000  }
0x170: {  	[sflag:s14] =	ssyncset.done $0x0  }
0x171: {  	s6 =	simm.s32 $0x2180;
	[sflag:s14] =	ssyncadd.s32 $0xFFFFE000  }
0x172: {  	[spmem:s1] =	stream.indirect.scatter.add.f32 [tilespmem:s28], [sflag:$0xC], $0x40, s6, s19, $0xb8;
	v63 =	vld [tilespmem:$0x0]  }
0x173: {  	_ =	swait.ge [sflag:s15], $0x2000  }
0x174: {  	[sflag:s15] =	ssyncset.done $0x0  }
0x175: {  	s18 =	simm.s32 $0x2200;
	[sflag:s15] =	ssyncadd.s32 $0xFFFFE000  }
0x176: {  	[spmem:s1] =	stream.indirect.scatter.add.f32 [tilespmem:s30], [sflag:$0xD], $0x40, s18, s19, $0xb8;
	v63 =	vld [tilespmem:$0x0]  }
0x177: {  	_ =	swait.ge [sflag:s20], $0x2000  }
0x178: {  	[sflag:s20] =	ssyncset.done $0x0  }
0x179: {  	s6 =	simm.s32 $0x2280;
	[sflag:s20] =	ssyncadd.s32 $0xFFFFE000  }
0x17a: {  	[spmem:s1] =	stream.indirect.scatter.add.f32 [tilespmem:s0], [sflag:$0xE], $0x40, s6, s19, $0xb8;
	v63 =	vld [tilespmem:$0x0]  }
0x17b: {  	_ =	swait.ge [sflag:s22], $0x2000  }
0x17c: {  	[sflag:s22] =	ssyncset.done $0x0  }
0x17d: {  	s18 =	simm.s32 $0x2300;
	[sflag:s22] =	ssyncadd.s32 $0xFFFFE000  }
0x17e: {  	[spmem:s1] =	stream.indirect.scatter.add.f32 [tilespmem:s2], [sflag:$0xF], $0x40, s18, s19, $0xb8;
	v63 =	vld [tilespmem:$0x0]  }
0x17f: {  	_ =	swait.ge [sflag:s24], $0x2000  }
0x180: {  	[sflag:s24] =	ssyncset.done $0x0  }
0x181: {  	s6 =	simm.s32 $0x2380;
	[sflag:s24] =	ssyncadd.s32 $0xFFFFE000  }
0x182: {  	[spmem:s1] =	stream.indirect.scatter.add.f32 [tilespmem:s7], [sflag:$0x10], $0x40, s6, s19, $0xb8;
	v63 =	vld [tilespmem:$0x0]  }
0x183: {  	_ =	swait.ge [sflag:s26], $0x2000  }
0x184: {  	[sflag:s26] =	ssyncset.done $0x0  }
0x185: {  	s18 =	simm.s32 $0x4400;
	[sflag:s26] =	ssyncadd.s32 $0xFFFFE000  }
0x186: {  	[tilespmem:s21], [sflag:$0x1] =	stream.indirect.gather [hbm4b:s4+s19], $0x40, s18, s19, $0xb8;
	v63 =	vld [tilespmem:$0x0]  }
0x187: {  	_ =	swait.ge [sflag:s29], $0x2000  }
0x188: {  	[sflag:s29] =	ssyncset.done $0x0  }
0x189: {  	s6 =	simm.s32 $0x4480;
	[sflag:s29] =	ssyncadd.s32 $0xFFFFE000  }
0x18a: {  	[tilespmem:s23], [sflag:$0x2] =	stream.indirect.gather [hbm4b:s4+s19], $0x40, s6, s19, $0xb8;
	v63 =	vld [tilespmem:$0x0]  }
0x18b: {  	_ =	swait.ge [sflag:s31], $0x2000  }
0x18c: {  	[sflag:s31] =	ssyncset.done $0x0  }
0x18d: {  	s18 =	simm.s32 $0x4500;
	[sflag:s31] =	ssyncadd.s32 $0xFFFFE000  }
0x18e: {  	[tilespmem:s25], [sflag:$0x3] =	stream.indirect.gather [hbm4b:s4+s19], $0x40, s18, s19, $0xb8;
	v63 =	vld [tilespmem:$0x0]  }
0x18f: {  	_ =	swait.ge [sflag:s17], $0x2000  }
0x190: {  	[sflag:s17] =	ssyncset.done $0x0  }
0x191: {  	s6 =	simm.s32 $0x4580;
	[sflag:s17] =	ssyncadd.s32 $0xFFFFE000  }
0x192: {  	[tilespmem:s28], [sflag:$0x4] =	stream.indirect.gather [hbm4b:s4+s19], $0x40, s6, s19, $0xb8;
	v63 =	vld [tilespmem:$0x0]  }
0x193: {  	_ =	swait.ge [sflag:s5], $0x2000  }
0x194: {  	[sflag:s5] =	ssyncset.done $0x0  }
0x195: {  	s18 =	simm.s32 $0x4600;
	[sflag:s5] =	ssyncadd.s32 $0xFFFFE000  }
0x196: {  	[tilespmem:s30], [sflag:$0x5] =	stream.indirect.gather [hbm4b:s4+s19], $0x40, s18, s19, $0xb8;
	v63 =	vld [tilespmem:$0x0]  }
0x197: {  	_ =	swait.ge [sflag:s8], $0x2000  }
0x198: {  	[sflag:s8] =	ssyncset.done $0x0  }
0x199: {  	s6 =	simm.s32 $0x4680;
	[sflag:s8] =	ssyncadd.s32 $0xFFFFE000  }
0x19a: {  	[tilespmem:s0], [sflag:$0x6] =	stream.indirect.gather [hbm4b:s4+s19], $0x40, s6, s19, $0xb8;
	v63 =	vld [tilespmem:$0x0]  }
0x19b: {  	_ =	swait.ge [sflag:s9], $0x2000  }
0x19c: {  	[sflag:s9] =	ssyncset.done $0x0  }
0x19d: {  	s18 =	simm.s32 $0x4700;
	[sflag:s9] =	ssyncadd.s32 $0xFFFFE000  }
0x19e: {  	[tilespmem:s2], [sflag:$0x7] =	stream.indirect.gather [hbm4b:s4+s19], $0x40, s18, s19, $0xb8;
	v63 =	vld [tilespmem:$0x0]  }
0x19f: {  	_ =	swait.ge [sflag:s10], $0x2000  }
0x1a0: {  	[sflag:s10] =	ssyncset.done $0x0  }
0x1a1: {  	s3 =	simm.s32 $0x4780;
	s6 =	simm.s32 $0x1000;
	[sflag:s10] =	ssyncadd.s32 $0xFFFFE000  }
.LBB2_10:
0x1a2: {  	[tilespmem:s7], [sflag:$0x8] =	stream.indirect.gather [hbm4b:s4+s19], $0x40, s3, s19, $0xb8;
	v63 =	vld [tilespmem:$0x0]  }
0x1a3: {  	s3 =	smov.u32 s6  }
0x1a4: {  	p0 =	sne.s32 s6, $0x6000;
	s6 =	sadd.s32 $0x1000, s6;
	_ =	swait.ge [sflag:s11], $0x2000  }
0x1a5: {  	s3 =	sshra.s32 s3, $0x2;
	[sflag:s11] =	ssyncset.done $0x0  }
0x1a6: {  	s18 =	sadd.s32 $0x2000, s3;
	[sflag:s11] =	ssyncadd.s32 $0xFFFFE000  }
0x1a7: {  	[spmem:s1] =	stream.indirect.scatter.add.f32 [tilespmem:s21], [sflag:$0x9], $0x40, s18, s19, $0xb8;
	v63 =	vld [tilespmem:$0x0]  }
0x1a8: {  	_ =	swait.ge [sflag:s12], $0x2000  }
0x1a9: {  	[sflag:s12] =	ssyncset.done $0x0  }
0x1aa: {  	s18 =	sadd.s32 $0x2080, s3;
	[sflag:s12] =	ssyncadd.s32 $0xFFFFE000  }
0x1ab: {  	[spmem:s1] =	stream.indirect.scatter.add.f32 [tilespmem:s23], [sflag:$0xA], $0x40, s18, s19, $0xb8;
	v63 =	vld [tilespmem:$0x0]  }
0x1ac: {  	_ =	swait.ge [sflag:s13], $0x2000  }
0x1ad: {  	[sflag:s13] =	ssyncset.done $0x0  }
0x1ae: {  	s18 =	sadd.s32 $0x2100, s3;
	[sflag:s13] =	ssyncadd.s32 $0xFFFFE000  }
0x1af: {  	[spmem:s1] =	stream.indirect.scatter.add.f32 [tilespmem:s25], [sflag:$0xB], $0x40, s18, s19, $0xb8;
	v63 =	vld [tilespmem:$0x0]  }
0x1b0: {  	_ =	swait.ge [sflag:s14], $0x2000  }
0x1b1: {  	[sflag:s14] =	ssyncset.done $0x0  }
0x1b2: {  	s18 =	sadd.s32 $0x2180, s3;
	[sflag:s14] =	ssyncadd.s32 $0xFFFFE000  }
0x1b3: {  	[spmem:s1] =	stream.indirect.scatter.add.f32 [tilespmem:s28], [sflag:$0xC], $0x40, s18, s19, $0xb8;
	v63 =	vld [tilespmem:$0x0]  }
0x1b4: {  	_ =	swait.ge [sflag:s15], $0x2000  }
0x1b5: {  	[sflag:s15] =	ssyncset.done $0x0  }
0x1b6: {  	s18 =	sadd.s32 $0x2200, s3;
	[sflag:s15] =	ssyncadd.s32 $0xFFFFE000  }
0x1b7: {  	[spmem:s1] =	stream.indirect.scatter.add.f32 [tilespmem:s30], [sflag:$0xD], $0x40, s18, s19, $0xb8;
	v63 =	vld [tilespmem:$0x0]  }
0x1b8: {  	_ =	swait.ge [sflag:s20], $0x2000  }
0x1b9: {  	[sflag:s20] =	ssyncset.done $0x0  }
0x1ba: {  	s18 =	sadd.s32 $0x2280, s3;
	[sflag:s20] =	ssyncadd.s32 $0xFFFFE000  }
0x1bb: {  	[spmem:s1] =	stream.indirect.scatter.add.f32 [tilespmem:s0], [sflag:$0xE], $0x40, s18, s19, $0xb8;
	v63 =	vld [tilespmem:$0x0]  }
0x1bc: {  	_ =	swait.ge [sflag:s22], $0x2000  }
0x1bd: {  	[sflag:s22] =	ssyncset.done $0x0  }
0x1be: {  	s18 =	sadd.s32 $0x2300, s3;
	[sflag:s22] =	ssyncadd.s32 $0xFFFFE000  }
0x1bf: {  	[spmem:s1] =	stream.indirect.scatter.add.f32 [tilespmem:s2], [sflag:$0xF], $0x40, s18, s19, $0xb8;
	v63 =	vld [tilespmem:$0x0]  }
0x1c0: {  	_ =	swait.ge [sflag:s24], $0x2000  }
0x1c1: {  	[sflag:s24] =	ssyncset.done $0x0  }
0x1c2: {  	s18 =	sadd.s32 $0x2380, s3;
	[sflag:s24] =	ssyncadd.s32 $0xFFFFE000  }
0x1c3: {  	[spmem:s1] =	stream.indirect.scatter.add.f32 [tilespmem:s7], [sflag:$0x10], $0x40, s18, s19, $0xb8;
	v63 =	vld [tilespmem:$0x0]  }
0x1c4: {  	_ =	swait.ge [sflag:s26], $0x2000  }
0x1c5: {  	[sflag:s26] =	ssyncset.done $0x0  }
0x1c6: {  	s18 =	sadd.s32 $0x4400, s3;
	[sflag:s26] =	ssyncadd.s32 $0xFFFFE000  }
0x1c7: {  	[tilespmem:s21], [sflag:$0x1] =	stream.indirect.gather [hbm4b:s4+s19], $0x40, s18, s19, $0xb8;
	v63 =	vld [tilespmem:$0x0]  }
0x1c8: {  	_ =	swait.ge [sflag:s29], $0x2000  }
0x1c9: {  	[sflag:s29] =	ssyncset.done $0x0  }
0x1ca: {  	s18 =	sadd.s32 $0x4480, s3;
	[sflag:s29] =	ssyncadd.s32 $0xFFFFE000  }
0x1cb: {  	[tilespmem:s23], [sflag:$0x2] =	stream.indirect.gather [hbm4b:s4+s19], $0x40, s18, s19, $0xb8;
	v63 =	vld [tilespmem:$0x0]  }
0x1cc: {  	_ =	swait.ge [sflag:s31], $0x2000  }
0x1cd: {  	[sflag:s31] =	ssyncset.done $0x0  }
0x1ce: {  	s18 =	sadd.s32 $0x4500, s3;
	[sflag:s31] =	ssyncadd.s32 $0xFFFFE000  }
0x1cf: {  	[tilespmem:s25], [sflag:$0x3] =	stream.indirect.gather [hbm4b:s4+s19], $0x40, s18, s19, $0xb8;
	v63 =	vld [tilespmem:$0x0]  }
0x1d0: {  	_ =	swait.ge [sflag:s17], $0x2000  }
0x1d1: {  	[sflag:s17] =	ssyncset.done $0x0  }
0x1d2: {  	s18 =	sadd.s32 $0x4580, s3;
	[sflag:s17] =	ssyncadd.s32 $0xFFFFE000  }
0x1d3: {  	[tilespmem:s28], [sflag:$0x4] =	stream.indirect.gather [hbm4b:s4+s19], $0x40, s18, s19, $0xb8;
	v63 =	vld [tilespmem:$0x0]  }
0x1d4: {  	_ =	swait.ge [sflag:s5], $0x2000  }
0x1d5: {  	[sflag:s5] =	ssyncset.done $0x0  }
0x1d6: {  	s18 =	sadd.s32 $0x4600, s3;
	[sflag:s5] =	ssyncadd.s32 $0xFFFFE000  }
0x1d7: {  	[tilespmem:s30], [sflag:$0x5] =	stream.indirect.gather [hbm4b:s4+s19], $0x40, s18, s19, $0xb8;
	v63 =	vld [tilespmem:$0x0]  }
0x1d8: {  	_ =	swait.ge [sflag:s8], $0x2000  }
0x1d9: {  	[sflag:s8] =	ssyncset.done $0x0  }
0x1da: {  	s18 =	sadd.s32 $0x4680, s3;
	[sflag:s8] =	ssyncadd.s32 $0xFFFFE000  }
0x1db: {  	[tilespmem:s0], [sflag:$0x6] =	stream.indirect.gather [hbm4b:s4+s19], $0x40, s18, s19, $0xb8;
	v63 =	vld [tilespmem:$0x0]  }
0x1dc: {  	_ =	swait.ge [sflag:s9], $0x2000  }
0x1dd: {  	[sflag:s9] =	ssyncset.done $0x0  }
.Ltmp4:
0x1de: {  	s18 =	sadd.s32 $0x4700, s3;
	[sflag:s9] =	ssyncadd.s32 $0xFFFFE000;
	(pc) =	sbr.rel @p0 .LBB2_10-.Ltmp4, $4  }
0x1df: {  	[tilespmem:s2], [sflag:$0x7] =	stream.indirect.gather [hbm4b:s4+s19], $0x40, s18, s19, $0xb8;
	v63 =	vld [tilespmem:$0x0]  }
0x1e0: {  	_ =	swait.ge [sflag:s10], $0x2000  }
0x1e1: {  	[sflag:s10] =	ssyncset.done $0x0  }
0x1e2: {  	s3 =	sadd.s32 $0x4780, s3;
	[sflag:s10] =	ssyncadd.s32 $0xFFFFE000  }
0x1e3: {  	[tilespmem:s7], [sflag:$0x8] =	stream.indirect.gather [hbm4b:s4+s19], $0x40, s3, s19, $0xb8;
	v63 =	vld [tilespmem:$0x0]  }
0x1e4: {  	_ =	swait.ge [sflag:s11], $0x2000  }
0x1e5: {  	[sflag:s11] =	ssyncset.done $0x0  }
0x1e6: {  	s6 =	simm.s32 $0x3C00;
	[sflag:s11] =	ssyncadd.s32 $0xFFFFE000  }
0x1e7: {  	[spmem:s1] =	stream.indirect.scatter.add.f32 [tilespmem:s21], [sflag:$0x9], $0x40, s6, s19, $0xb8;
	v63 =	vld [tilespmem:$0x0]  }
0x1e8: {  	_ =	swait.ge [sflag:s12], $0x2000  }
0x1e9: {  	[sflag:s12] =	ssyncset.done $0x0  }
0x1ea: {  	s18 =	simm.s32 $0x3C80;
	[sflag:s12] =	ssyncadd.s32 $0xFFFFE000  }
0x1eb: {  	[spmem:s1] =	stream.indirect.scatter.add.f32 [tilespmem:s23], [sflag:$0xA], $0x40, s18, s19, $0xb8;
	v63 =	vld [tilespmem:$0x0]  }
0x1ec: {  	_ =	swait.ge [sflag:s13], $0x2000  }
0x1ed: {  	[sflag:s13] =	ssyncset.done $0x0  }
0x1ee: {  	s6 =	simm.s32 $0x3D00;
	[sflag:s13] =	ssyncadd.s32 $0xFFFFE000  }
0x1ef: {  	[spmem:s1] =	stream.indirect.scatter.add.f32 [tilespmem:s25], [sflag:$0xB], $0x40, s6, s19, $0xb8;
	v63 =	vld [tilespmem:$0x0]  }
0x1f0: {  	_ =	swait.ge [sflag:s14], $0x2000  }
0x1f1: {  	[sflag:s14] =	ssyncset.done $0x0  }
0x1f2: {  	s18 =	simm.s32 $0x3D80;
	[sflag:s14] =	ssyncadd.s32 $0xFFFFE000  }
0x1f3: {  	[spmem:s1] =	stream.indirect.scatter.add.f32 [tilespmem:s28], [sflag:$0xC], $0x40, s18, s19, $0xb8;
	v63 =	vld [tilespmem:$0x0]  }
0x1f4: {  	_ =	swait.ge [sflag:s15], $0x2000  }
0x1f5: {  	[sflag:s15] =	ssyncset.done $0x0  }
0x1f6: {  	s6 =	simm.s32 $0x3E00;
	[sflag:s15] =	ssyncadd.s32 $0xFFFFE000  }
0x1f7: {  	[spmem:s1] =	stream.indirect.scatter.add.f32 [tilespmem:s30], [sflag:$0xD], $0x40, s6, s19, $0xb8;
	v63 =	vld [tilespmem:$0x0]  }
0x1f8: {  	_ =	swait.ge [sflag:s20], $0x2000  }
0x1f9: {  	[sflag:s20] =	ssyncset.done $0x0  }
0x1fa: {  	s18 =	simm.s32 $0x3E80;
	[sflag:s20] =	ssyncadd.s32 $0xFFFFE000  }
0x1fb: {  	[spmem:s1] =	stream.indirect.scatter.add.f32 [tilespmem:s0], [sflag:$0xE], $0x40, s18, s19, $0xb8;
	v63 =	vld [tilespmem:$0x0]  }
0x1fc: {  	_ =	swait.ge [sflag:s22], $0x2000  }
0x1fd: {  	[sflag:s22] =	ssyncset.done $0x0  }
0x1fe: {  	s6 =	simm.s32 $0x3F00;
	[sflag:s22] =	ssyncadd.s32 $0xFFFFE000  }
0x1ff: {  	[spmem:s1] =	stream.indirect.scatter.add.f32 [tilespmem:s2], [sflag:$0xF], $0x40, s6, s19, $0xb8;
	v63 =	vld [tilespmem:$0x0]  }
0x200: {  	_ =	swait.ge [sflag:s24], $0x2000  }
0x201: {  	[sflag:s24] =	ssyncset.done $0x0  }
0x202: {  	s18 =	simm.s32 $0x3F80;
	[sflag:s24] =	ssyncadd.s32 $0xFFFFE000  }
0x203: {  	[spmem:s1] =	stream.indirect.scatter.add.f32 [tilespmem:s7], [sflag:$0x10], $0x40, s18, s19, $0xb8;
	v63 =	vld [tilespmem:$0x0]  }
0x204: {  	_ =	swait.ge [sflag:s26], $0x2000  }
0x205: {  	[sflag:s26] =	ssyncset.done $0x0  }
0x206: {  	[sflag:s26] =	ssyncadd.s32 $0xFFFFE000  }
0x207: {  	_ =	swait.ge [sflag:s29], $0x2000  }
0x208: {  	[sflag:s29] =	ssyncset.done $0x0  }
0x209: {  	[sflag:s29] =	ssyncadd.s32 $0xFFFFE000  }
0x20a: {  	_ =	swait.ge [sflag:s31], $0x2000  }
0x20b: {  	[sflag:s31] =	ssyncset.done $0x0  }
0x20c: {  	[sflag:s31] =	ssyncadd.s32 $0xFFFFE000  }
0x20d: {  	_ =	swait.ge [sflag:s17], $0x2000  }
0x20e: {  	[sflag:s17] =	ssyncset.done $0x0  }
0x20f: {  	[sflag:s17] =	ssyncadd.s32 $0xFFFFE000  }
0x210: {  	_ =	swait.ge [sflag:s5], $0x2000  }
0x211: {  	[sflag:s5] =	ssyncset.done $0x0  }
0x212: {  	[sflag:s5] =	ssyncadd.s32 $0xFFFFE000  }
0x213: {  	_ =	swait.ge [sflag:s8], $0x2000  }
0x214: {  	[sflag:s8] =	ssyncset.done $0x0  }
0x215: {  	[sflag:s8] =	ssyncadd.s32 $0xFFFFE000  }
0x216: {  	_ =	swait.ge [sflag:s9], $0x2000  }
0x217: {  	[sflag:s9] =	ssyncset.done $0x0  }
0x218: {  	[sflag:s9] =	ssyncadd.s32 $0xFFFFE000  }
0x219: {  	_ =	swait.ge [sflag:s10], $0x2000  }
0x21a: {  	[sflag:s10] =	ssyncset.done $0x0  }
0x21b: {  	[sflag:s10] =	ssyncadd.s32 $0xFFFFE000  }
0x21c: {  	[bflag:$0x0] =	sbarrier.arrive $0xFFFF  }
0x21d: {  	s3 =	rddreg [dreg:$0xb]  }
0x21e: {  	s6 =	rddreg [dreg:$0xf]  }
0x21f: {  	s18 =	rddreg [dreg:$0x10]  }
0x220: {  	[hbm:s3], [sflag:s6] =	dma.local [spmem:s18], $0x1000  }
0x221: {  	s3 =	simm.s32 $0x0  }
0x222: {  	v4 =	vld [tilespmem:s3+$0x4000]  }
0x223: {  	v6 =	vld [tilespmem:s3+$0x4010]  }
0x224: {  	v5 =	vld [tilespmem:s3+$0x4020]  }
0x225: {  	v3 =	vld [tilespmem:s3+$0x4030]  }
0x226: {  	v2 =	vld [tilespmem:s3+$0x4040]  }
0x227: {  	v7 =	vadd.s32 $0x4000, v4;
	v4 =	vld [tilespmem:s3+$0x4050]  }
0x228: {  	s6 =	simm.s32 $0x200;
	[tilespmem:s3+$0x4000] =	vst v7;
	v7 =	vadd.s32 $0x4000, v6;
	v6 =	vld [tilespmem:s3+$0x4060]  }
.LBB2_12:
0x229: {  	s18 =	sshra.s32 s6, $0x2;
	p0 =	sne.s32 s6, $0x7E00;
	[tilespmem:s3+$0x4010] =	vst v7;
	v5 =	vadd.s32 $0x4000, v5;
	v7 =	vld [tilespmem:s3+$0x4070]  }
0x22a: {  	v8 =	vld [tilespmem:s18+$0x4000];
	[tilespmem:s3+$0x4020] =	vst v5;
	v3 =	vadd.s32 $0x4000, v3  }
0x22b: {  	v9 =	vld [tilespmem:s18+$0x4010];
	[tilespmem:s3+$0x4030] =	vst v3;
	v2 =	vadd.s32 $0x4000, v2  }
.Ltmp5:
0x22c: {  	v5 =	vld [tilespmem:s18+$0x4020];
	[tilespmem:s3+$0x4040] =	vst v2;
	v2 =	vadd.s32 $0x4000, v4;
	(pc) =	sbr.rel @p0 .LBB2_12-.Ltmp5, $4  }
0x22d: {  	v3 =	vld [tilespmem:s18+$0x4030];
	[tilespmem:s3+$0x4050] =	vst v2;
	v4 =	vadd.s32 $0x4000, v6  }
0x22e: {  	v2 =	vld [tilespmem:s18+$0x4040];
	[tilespmem:s3+$0x4060] =	vst v4;
	v6 =	vadd.s32 $0x4000, v7  }
0x22f: {  	v7 =	vadd.s32 $0x4000, v8;
	v4 =	vld [tilespmem:s18+$0x4050];
	[tilespmem:s3+$0x4070] =	vst v6;
	s3 =	smov.u32 s18  }
0x230: {  	s6 =	sadd.s32 $0x200, s6;
	[tilespmem:s3+$0x4000] =	vst v7;
	v7 =	vadd.s32 $0x4000, v9;
	v6 =	vld [tilespmem:s3+$0x4060]  }
0x231: {  	[tilespmem:s3+$0x4010] =	vst v7;
	v5 =	vadd.s32 $0x4000, v5;
	v62 =	vld [tilespmem:s3+$0x4070]  }
0x232: {  	[tilespmem:s3+$0x4020] =	vst v5;
	v3 =	vadd.s32 $0x4000, v3  }
0x233: {  	[tilespmem:s3+$0x4030] =	vst v3;
	v2 =	vadd.s32 $0x4000, v2  }
0x234: {  	[tilespmem:s3+$0x4040] =	vst v2;
	v2 =	vadd.s32 $0x4000, v4  }
0x235: {  	[tilespmem:s3+$0x4050] =	vst v2;
	v2 =	vadd.s32 $0x4000, v6  }
0x236: {  	[tilespmem:s3+$0x4060] =	vst v2;
	v2 =	vadd.s32 $0x4000, v62  }
0x237: {  	s6 =	simm.s32 $0x4000;
	[tilespmem:s3+$0x4070] =	vst v2  }
0x238: {  	[tilespmem:s21], [sflag:$0x1] =	stream.indirect.gather [hbm4b:s4+s19], $0x40, s6, s19, $0xb8;
	v63 =	vld [tilespmem:$0x0]  }
0x239: {  	s18 =	simm.s32 $0x4080  }
0x23a: {  	[tilespmem:s23], [sflag:$0x2] =	stream.indirect.gather [hbm4b:s4+s19], $0x40, s18, s19, $0xb8;
	v63 =	vld [tilespmem:$0x0]  }
0x23b: {  	s6 =	simm.s32 $0x4100  }
0x23c: {  	[tilespmem:s25], [sflag:$0x3] =	stream.indirect.gather [hbm4b:s4+s19], $0x40, s6, s19, $0xb8;
	v63 =	vld [tilespmem:$0x0]  }
0x23d: {  	s18 =	simm.s32 $0x4180  }
0x23e: {  	[tilespmem:s28], [sflag:$0x4] =	stream.indirect.gather [hbm4b:s4+s19], $0x40, s18, s19, $0xb8;
	v63 =	vld [tilespmem:$0x0]  }
0x23f: {  	s6 =	simm.s32 $0x4200  }
0x240: {  	[tilespmem:s30], [sflag:$0x5] =	stream.indirect.gather [hbm4b:s4+s19], $0x40, s6, s19, $0xb8;
	v63 =	vld [tilespmem:$0x0]  }
0x241: {  	s18 =	simm.s32 $0x4280  }
0x242: {  	[tilespmem:s0], [sflag:$0x6] =	stream.indirect.gather [hbm4b:s4+s19], $0x40, s18, s19, $0xb8;
	v63 =	vld [tilespmem:$0x0]  }
0x243: {  	s6 =	simm.s32 $0x4300  }
0x244: {  	[tilespmem:s2], [sflag:$0x7] =	stream.indirect.gather [hbm4b:s4+s19], $0x40, s6, s19, $0xb8;
	v63 =	vld [tilespmem:$0x0]  }
0x245: {  	s18 =	simm.s32 $0x4380;
	s6 =	simm.s32 $0x11  }
0x246: {  	[tilespmem:s7], [sflag:$0x8] =	stream.indirect.gather [hbm4b:s4+s19], $0x40, s18, s19, $0xb8;
	v63 =	vld [tilespmem:$0x0]  }
0x247: {  	_ =	swait.ge [sflag:s6], $0x1000  }
0x248: {  	[sflag:s6] =	ssyncset.done $0x0  }
0x249: {  	s18 =	rddreg [dreg:$0x5];
	[sflag:s6] =	ssyncadd.s32 $0xFFFFF000;
	s6 =	simm.s32 $0x6000  }
0x24a: {  	[spmem:s18] =	stream.linear.scatter [tilespmem:s6], [sflag:$0x12], $0x2000, $0x38;
	v63 =	vld [tilespmem:$0x0]  }
0x24b: {  	_ =	swait.ge [sflag:s16], $0x2000  }
0x24c: {  	[sflag:s16] =	ssyncset.done $0x0  }
0x24d: {  	s18 =	rddreg [dreg:$0x7];
	[sflag:s16] =	ssyncadd.s32 $0xFFFFE000  }
0x24e: {  	[spmem:s18] =	stream.linear.scatter [tilespmem:s6], [sflag:$0x12], $0x2000, $0x38;
	v63 =	vld [tilespmem:$0x0]  }
0x24f: {  	_ =	swait.ge [sflag:s16], $0x2000  }
0x250: {  	[sflag:s16] =	ssyncset.done $0x0  }
0x251: {  	s18 =	rddreg [dreg:$0x8];
	[sflag:s16] =	ssyncadd.s32 $0xFFFFE000  }
0x252: {  	[spmem:s18] =	stream.linear.scatter [tilespmem:s6], [sflag:$0x12], $0x2000, $0x38;
	v63 =	vld [tilespmem:$0x0]  }
0x253: {  	_ =	swait.ge [sflag:s16], $0x2000  }
0x254: {  	[sflag:s16] =	ssyncset.done $0x0  }
0x255: {  	s18 =	rddreg [dreg:$0x9];
	[sflag:s16] =	ssyncadd.s32 $0xFFFFE000  }
0x256: {  	[spmem:s18] =	stream.linear.scatter [tilespmem:s6], [sflag:$0x12], $0x2000, $0x38;
	v63 =	vld [tilespmem:$0x0]  }
0x257: {  	_ =	swait.ge [sflag:s16], $0x2000  }
0x258: {  	[sflag:s16] =	ssyncset.done $0x0  }
0x259: {  	[sflag:s16] =	ssyncadd.s32 $0xFFFFE000  }
0x25a: {  	[bflag:$0x0] =	sbarrier.arrive $0xFFFF  }
0x25b: {  	_ =	swait.ge [sflag:s11], $0x2000  }
0x25c: {  	[sflag:s11] =	ssyncset.done $0x0  }
0x25d: {  	s18 =	simm.s32 $0x2000;
	[sflag:s11] =	ssyncadd.s32 $0xFFFFE000  }
0x25e: {  	[spmem:s1] =	stream.indirect.scatter.add.f32 [tilespmem:s21], [sflag:$0x9], $0x40, s18, s19, $0xb8;
	v63 =	vld [tilespmem:$0x0]  }
0x25f: {  	_ =	swait.ge [sflag:s12], $0x2000  }
0x260: {  	[sflag:s12] =	ssyncset.done $0x0  }
0x261: {  	s6 =	simm.s32 $0x2080;
	[sflag:s12] =	ssyncadd.s32 $0xFFFFE000  }
0x262: {  	[spmem:s1] =	stream.indirect.scatter.add.f32 [tilespmem:s23], [sflag:$0xA], $0x40, s6, s19, $0xb8;
	v63 =	vld [tilespmem:$0x0]  }
0x263: {  	_ =	swait.ge [sflag:s13], $0x2000  }
0x264: {  	[sflag:s13] =	ssyncset.done $0x0  }
0x265: {  	s18 =	simm.s32 $0x2100;
	[sflag:s13] =	ssyncadd.s32 $0xFFFFE000  }
0x266: {  	[spmem:s1] =	stream.indirect.scatter.add.f32 [tilespmem:s25], [sflag:$0xB], $0x40, s18, s19, $0xb8;
	v63 =	vld [tilespmem:$0x0]  }
0x267: {  	_ =	swait.ge [sflag:s14], $0x2000  }
0x268: {  	[sflag:s14] =	ssyncset.done $0x0  }
0x269: {  	s6 =	simm.s32 $0x2180;
	[sflag:s14] =	ssyncadd.s32 $0xFFFFE000  }
0x26a: {  	[spmem:s1] =	stream.indirect.scatter.add.f32 [tilespmem:s28], [sflag:$0xC], $0x40, s6, s19, $0xb8;
	v63 =	vld [tilespmem:$0x0]  }
0x26b: {  	_ =	swait.ge [sflag:s15], $0x2000  }
0x26c: {  	[sflag:s15] =	ssyncset.done $0x0  }
0x26d: {  	s18 =	simm.s32 $0x2200;
	[sflag:s15] =	ssyncadd.s32 $0xFFFFE000  }
0x26e: {  	[spmem:s1] =	stream.indirect.scatter.add.f32 [tilespmem:s30], [sflag:$0xD], $0x40, s18, s19, $0xb8;
	v63 =	vld [tilespmem:$0x0]  }
0x26f: {  	_ =	swait.ge [sflag:s20], $0x2000  }
0x270: {  	[sflag:s20] =	ssyncset.done $0x0  }
0x271: {  	s6 =	simm.s32 $0x2280;
	[sflag:s20] =	ssyncadd.s32 $0xFFFFE000  }
0x272: {  	[spmem:s1] =	stream.indirect.scatter.add.f32 [tilespmem:s0], [sflag:$0xE], $0x40, s6, s19, $0xb8;
	v63 =	vld [tilespmem:$0x0]  }
0x273: {  	_ =	swait.ge [sflag:s22], $0x2000  }
0x274: {  	[sflag:s22] =	ssyncset.done $0x0  }
0x275: {  	s18 =	simm.s32 $0x2300;
	[sflag:s22] =	ssyncadd.s32 $0xFFFFE000  }
0x276: {  	[spmem:s1] =	stream.indirect.scatter.add.f32 [tilespmem:s2], [sflag:$0xF], $0x40, s18, s19, $0xb8;
	v63 =	vld [tilespmem:$0x0]  }
0x277: {  	_ =	swait.ge [sflag:s24], $0x2000  }
0x278: {  	[sflag:s24] =	ssyncset.done $0x0  }
0x279: {  	s6 =	simm.s32 $0x2380;
	[sflag:s24] =	ssyncadd.s32 $0xFFFFE000  }
0x27a: {  	[spmem:s1] =	stream.indirect.scatter.add.f32 [tilespmem:s7], [sflag:$0x10], $0x40, s6, s19, $0xb8;
	v63 =	vld [tilespmem:$0x0]  }
0x27b: {  	_ =	swait.ge [sflag:s26], $0x2000  }
0x27c: {  	[sflag:s26] =	ssyncset.done $0x0  }
0x27d: {  	s18 =	simm.s32 $0x4400;
	[sflag:s26] =	ssyncadd.s32 $0xFFFFE000  }
0x27e: {  	[tilespmem:s21], [sflag:$0x1] =	stream.indirect.gather [hbm4b:s4+s19], $0x40, s18, s19, $0xb8;
	v63 =	vld [tilespmem:$0x0]  }
0x27f: {  	_ =	swait.ge [sflag:s29], $0x2000  }
0x280: {  	[sflag:s29] =	ssyncset.done $0x0  }
0x281: {  	s6 =	simm.s32 $0x4480;
	[sflag:s29] =	ssyncadd.s32 $0xFFFFE000  }
0x282: {  	[tilespmem:s23], [sflag:$0x2] =	stream.indirect.gather [hbm4b:s4+s19], $0x40, s6, s19, $0xb8;
	v63 =	vld [tilespmem:$0x0]  }
0x283: {  	_ =	swait.ge [sflag:s31], $0x2000  }
0x284: {  	[sflag:s31] =	ssyncset.done $0x0  }
0x285: {  	s18 =	simm.s32 $0x4500;
	[sflag:s31] =	ssyncadd.s32 $0xFFFFE000  }
0x286: {  	[tilespmem:s25], [sflag:$0x3] =	stream.indirect.gather [hbm4b:s4+s19], $0x40, s18, s19, $0xb8;
	v63 =	vld [tilespmem:$0x0]  }
0x287: {  	_ =	swait.ge [sflag:s17], $0x2000  }
0x288: {  	[sflag:s17] =	ssyncset.done $0x0  }
0x289: {  	s6 =	simm.s32 $0x4580;
	[sflag:s17] =	ssyncadd.s32 $0xFFFFE000  }
0x28a: {  	[tilespmem:s28], [sflag:$0x4] =	stream.indirect.gather [hbm4b:s4+s19], $0x40, s6, s19, $0xb8;
	v63 =	vld [tilespmem:$0x0]  }
0x28b: {  	_ =	swait.ge [sflag:s5], $0x2000  }
0x28c: {  	[sflag:s5] =	ssyncset.done $0x0  }
0x28d: {  	s18 =	simm.s32 $0x4600;
	[sflag:s5] =	ssyncadd.s32 $0xFFFFE000  }
0x28e: {  	[tilespmem:s30], [sflag:$0x5] =	stream.indirect.gather [hbm4b:s4+s19], $0x40, s18, s19, $0xb8;
	v63 =	vld [tilespmem:$0x0]  }
0x28f: {  	_ =	swait.ge [sflag:s8], $0x2000  }
0x290: {  	[sflag:s8] =	ssyncset.done $0x0  }
0x291: {  	s6 =	simm.s32 $0x4680;
	[sflag:s8] =	ssyncadd.s32 $0xFFFFE000  }
0x292: {  	[tilespmem:s0], [sflag:$0x6] =	stream.indirect.gather [hbm4b:s4+s19], $0x40, s6, s19, $0xb8;
	v63 =	vld [tilespmem:$0x0]  }
0x293: {  	_ =	swait.ge [sflag:s9], $0x2000  }
0x294: {  	[sflag:s9] =	ssyncset.done $0x0  }
0x295: {  	s18 =	simm.s32 $0x4700;
	[sflag:s9] =	ssyncadd.s32 $0xFFFFE000  }
0x296: {  	[tilespmem:s2], [sflag:$0x7] =	stream.indirect.gather [hbm4b:s4+s19], $0x40, s18, s19, $0xb8;
	v63 =	vld [tilespmem:$0x0]  }
0x297: {  	_ =	swait.ge [sflag:s10], $0x2000  }
0x298: {  	[sflag:s10] =	ssyncset.done $0x0  }
0x299: {  	s3 =	simm.s32 $0x4780;
	s6 =	simm.s32 $0x1000;
	[sflag:s10] =	ssyncadd.s32 $0xFFFFE000  }
.LBB2_14:
0x29a: {  	[tilespmem:s7], [sflag:$0x8] =	stream.indirect.gather [hbm4b:s4+s19], $0x40, s3, s19, $0xb8;
	v63 =	vld [tilespmem:$0x0]  }
0x29b: {  	s3 =	smov.u32 s6  }
0x29c: {  	p0 =	sne.s32 s6, $0x6000;
	s6 =	sadd.s32 $0x1000, s6;
	_ =	swait.ge [sflag:s11], $0x2000  }
0x29d: {  	s3 =	sshra.s32 s3, $0x2;
	[sflag:s11] =	ssyncset.done $0x0  }
0x29e: {  	s18 =	sadd.s32 $0x2000, s3;
	[sflag:s11] =	ssyncadd.s32 $0xFFFFE000  }
0x29f: {  	[spmem:s1] =	stream.indirect.scatter.add.f32 [tilespmem:s21], [sflag:$0x9], $0x40, s18, s19, $0xb8;
	v63 =	vld [tilespmem:$0x0]  }
0x2a0: {  	_ =	swait.ge [sflag:s12], $0x2000  }
0x2a1: {  	[sflag:s12] =	ssyncset.done $0x0  }
0x2a2: {  	s18 =	sadd.s32 $0x2080, s3;
	[sflag:s12] =	ssyncadd.s32 $0xFFFFE000  }
0x2a3: {  	[spmem:s1] =	stream.indirect.scatter.add.f32 [tilespmem:s23], [sflag:$0xA], $0x40, s18, s19, $0xb8;
	v63 =	vld [tilespmem:$0x0]  }
0x2a4: {  	_ =	swait.ge [sflag:s13], $0x2000  }
0x2a5: {  	[sflag:s13] =	ssyncset.done $0x0  }
0x2a6: {  	s18 =	sadd.s32 $0x2100, s3;
	[sflag:s13] =	ssyncadd.s32 $0xFFFFE000  }
0x2a7: {  	[spmem:s1] =	stream.indirect.scatter.add.f32 [tilespmem:s25], [sflag:$0xB], $0x40, s18, s19, $0xb8;
	v63 =	vld [tilespmem:$0x0]  }
0x2a8: {  	_ =	swait.ge [sflag:s14], $0x2000  }
0x2a9: {  	[sflag:s14] =	ssyncset.done $0x0  }
0x2aa: {  	s18 =	sadd.s32 $0x2180, s3;
	[sflag:s14] =	ssyncadd.s32 $0xFFFFE000  }
0x2ab: {  	[spmem:s1] =	stream.indirect.scatter.add.f32 [tilespmem:s28], [sflag:$0xC], $0x40, s18, s19, $0xb8;
	v63 =	vld [tilespmem:$0x0]  }
0x2ac: {  	_ =	swait.ge [sflag:s15], $0x2000  }
0x2ad: {  	[sflag:s15] =	ssyncset.done $0x0  }
0x2ae: {  	s18 =	sadd.s32 $0x2200, s3;
	[sflag:s15] =	ssyncadd.s32 $0xFFFFE000  }
0x2af: {  	[spmem:s1] =	stream.indirect.scatter.add.f32 [tilespmem:s30], [sflag:$0xD], $0x40, s18, s19, $0xb8;
	v63 =	vld [tilespmem:$0x0]  }
0x2b0: {  	_ =	swait.ge [sflag:s20], $0x2000  }
0x2b1: {  	[sflag:s20] =	ssyncset.done $0x0  }
0x2b2: {  	s18 =	sadd.s32 $0x2280, s3;
	[sflag:s20] =	ssyncadd.s32 $0xFFFFE000  }
0x2b3: {  	[spmem:s1] =	stream.indirect.scatter.add.f32 [tilespmem:s0], [sflag:$0xE], $0x40, s18, s19, $0xb8;
	v63 =	vld [tilespmem:$0x0]  }
0x2b4: {  	_ =	swait.ge [sflag:s22], $0x2000  }
0x2b5: {  	[sflag:s22] =	ssyncset.done $0x0  }
0x2b6: {  	s18 =	sadd.s32 $0x2300, s3;
	[sflag:s22] =	ssyncadd.s32 $0xFFFFE000  }
0x2b7: {  	[spmem:s1] =	stream.indirect.scatter.add.f32 [tilespmem:s2], [sflag:$0xF], $0x40, s18, s19, $0xb8;
	v63 =	vld [tilespmem:$0x0]  }
0x2b8: {  	_ =	swait.ge [sflag:s24], $0x2000  }
0x2b9: {  	[sflag:s24] =	ssyncset.done $0x0  }
0x2ba: {  	s18 =	sadd.s32 $0x2380, s3;
	[sflag:s24] =	ssyncadd.s32 $0xFFFFE000  }
0x2bb: {  	[spmem:s1] =	stream.indirect.scatter.add.f32 [tilespmem:s7], [sflag:$0x10], $0x40, s18, s19, $0xb8;
	v63 =	vld [tilespmem:$0x0]  }
0x2bc: {  	_ =	swait.ge [sflag:s26], $0x2000  }
0x2bd: {  	[sflag:s26] =	ssyncset.done $0x0  }
0x2be: {  	s18 =	sadd.s32 $0x4400, s3;
	[sflag:s26] =	ssyncadd.s32 $0xFFFFE000  }
0x2bf: {  	[tilespmem:s21], [sflag:$0x1] =	stream.indirect.gather [hbm4b:s4+s19], $0x40, s18, s19, $0xb8;
	v63 =	vld [tilespmem:$0x0]  }
0x2c0: {  	_ =	swait.ge [sflag:s29], $0x2000  }
0x2c1: {  	[sflag:s29] =	ssyncset.done $0x0  }
0x2c2: {  	s18 =	sadd.s32 $0x4480, s3;
	[sflag:s29] =	ssyncadd.s32 $0xFFFFE000  }
0x2c3: {  	[tilespmem:s23], [sflag:$0x2] =	stream.indirect.gather [hbm4b:s4+s19], $0x40, s18, s19, $0xb8;
	v63 =	vld [tilespmem:$0x0]  }
0x2c4: {  	_ =	swait.ge [sflag:s31], $0x2000  }
0x2c5: {  	[sflag:s31] =	ssyncset.done $0x0  }
0x2c6: {  	s18 =	sadd.s32 $0x4500, s3;
	[sflag:s31] =	ssyncadd.s32 $0xFFFFE000  }
0x2c7: {  	[tilespmem:s25], [sflag:$0x3] =	stream.indirect.gather [hbm4b:s4+s19], $0x40, s18, s19, $0xb8;
	v63 =	vld [tilespmem:$0x0]  }
0x2c8: {  	_ =	swait.ge [sflag:s17], $0x2000  }
0x2c9: {  	[sflag:s17] =	ssyncset.done $0x0  }
0x2ca: {  	s18 =	sadd.s32 $0x4580, s3;
	[sflag:s17] =	ssyncadd.s32 $0xFFFFE000  }
0x2cb: {  	[tilespmem:s28], [sflag:$0x4] =	stream.indirect.gather [hbm4b:s4+s19], $0x40, s18, s19, $0xb8;
	v63 =	vld [tilespmem:$0x0]  }
0x2cc: {  	_ =	swait.ge [sflag:s5], $0x2000  }
0x2cd: {  	[sflag:s5] =	ssyncset.done $0x0  }
0x2ce: {  	s18 =	sadd.s32 $0x4600, s3;
	[sflag:s5] =	ssyncadd.s32 $0xFFFFE000  }
0x2cf: {  	[tilespmem:s30], [sflag:$0x5] =	stream.indirect.gather [hbm4b:s4+s19], $0x40, s18, s19, $0xb8;
	v63 =	vld [tilespmem:$0x0]  }
0x2d0: {  	_ =	swait.ge [sflag:s8], $0x2000  }
0x2d1: {  	[sflag:s8] =	ssyncset.done $0x0  }
0x2d2: {  	s18 =	sadd.s32 $0x4680, s3;
	[sflag:s8] =	ssyncadd.s32 $0xFFFFE000  }
0x2d3: {  	[tilespmem:s0], [sflag:$0x6] =	stream.indirect.gather [hbm4b:s4+s19], $0x40, s18, s19, $0xb8;
	v63 =	vld [tilespmem:$0x0]  }
0x2d4: {  	_ =	swait.ge [sflag:s9], $0x2000  }
0x2d5: {  	[sflag:s9] =	ssyncset.done $0x0  }
.Ltmp6:
0x2d6: {  	s18 =	sadd.s32 $0x4700, s3;
	[sflag:s9] =	ssyncadd.s32 $0xFFFFE000;
	(pc) =	sbr.rel @p0 .LBB2_14-.Ltmp6, $4  }
0x2d7: {  	[tilespmem:s2], [sflag:$0x7] =	stream.indirect.gather [hbm4b:s4+s19], $0x40, s18, s19, $0xb8;
	v63 =	vld [tilespmem:$0x0]  }
0x2d8: {  	_ =	swait.ge [sflag:s10], $0x2000  }
0x2d9: {  	[sflag:s10] =	ssyncset.done $0x0  }
0x2da: {  	s3 =	sadd.s32 $0x4780, s3;
	[sflag:s10] =	ssyncadd.s32 $0xFFFFE000  }
0x2db: {  	[tilespmem:s7], [sflag:$0x8] =	stream.indirect.gather [hbm4b:s4+s19], $0x40, s3, s19, $0xb8;
	v63 =	vld [tilespmem:$0x0]  }
0x2dc: {  	_ =	swait.ge [sflag:s11], $0x2000  }
0x2dd: {  	[sflag:s11] =	ssyncset.done $0x0  }
0x2de: {  	s6 =	simm.s32 $0x3C00;
	[sflag:s11] =	ssyncadd.s32 $0xFFFFE000  }
0x2df: {  	[spmem:s1] =	stream.indirect.scatter.add.f32 [tilespmem:s21], [sflag:$0x9], $0x40, s6, s19, $0xb8;
	v63 =	vld [tilespmem:$0x0]  }
0x2e0: {  	_ =	swait.ge [sflag:s12], $0x2000  }
0x2e1: {  	[sflag:s12] =	ssyncset.done $0x0  }
0x2e2: {  	s18 =	simm.s32 $0x3C80;
	[sflag:s12] =	ssyncadd.s32 $0xFFFFE000  }
0x2e3: {  	[spmem:s1] =	stream.indirect.scatter.add.f32 [tilespmem:s23], [sflag:$0xA], $0x40, s18, s19, $0xb8;
	v63 =	vld [tilespmem:$0x0]  }
0x2e4: {  	_ =	swait.ge [sflag:s13], $0x2000  }
0x2e5: {  	[sflag:s13] =	ssyncset.done $0x0  }
0x2e6: {  	s6 =	simm.s32 $0x3D00;
	[sflag:s13] =	ssyncadd.s32 $0xFFFFE000  }
0x2e7: {  	[spmem:s1] =	stream.indirect.scatter.add.f32 [tilespmem:s25], [sflag:$0xB], $0x40, s6, s19, $0xb8;
	v63 =	vld [tilespmem:$0x0]  }
0x2e8: {  	_ =	swait.ge [sflag:s14], $0x2000  }
0x2e9: {  	[sflag:s14] =	ssyncset.done $0x0  }
0x2ea: {  	s18 =	simm.s32 $0x3D80;
	[sflag:s14] =	ssyncadd.s32 $0xFFFFE000  }
0x2eb: {  	[spmem:s1] =	stream.indirect.scatter.add.f32 [tilespmem:s28], [sflag:$0xC], $0x40, s18, s19, $0xb8;
	v63 =	vld [tilespmem:$0x0]  }
0x2ec: {  	_ =	swait.ge [sflag:s15], $0x2000  }
0x2ed: {  	[sflag:s15] =	ssyncset.done $0x0  }
0x2ee: {  	s6 =	simm.s32 $0x3E00;
	[sflag:s15] =	ssyncadd.s32 $0xFFFFE000  }
0x2ef: {  	[spmem:s1] =	stream.indirect.scatter.add.f32 [tilespmem:s30], [sflag:$0xD], $0x40, s6, s19, $0xb8;
	v63 =	vld [tilespmem:$0x0]  }
0x2f0: {  	_ =	swait.ge [sflag:s20], $0x2000  }
0x2f1: {  	[sflag:s20] =	ssyncset.done $0x0  }
0x2f2: {  	s18 =	simm.s32 $0x3E80;
	[sflag:s20] =	ssyncadd.s32 $0xFFFFE000  }
0x2f3: {  	[spmem:s1] =	stream.indirect.scatter.add.f32 [tilespmem:s0], [sflag:$0xE], $0x40, s18, s19, $0xb8;
	v63 =	vld [tilespmem:$0x0]  }
0x2f4: {  	_ =	swait.ge [sflag:s22], $0x2000  }
0x2f5: {  	[sflag:s22] =	ssyncset.done $0x0  }
0x2f6: {  	s6 =	simm.s32 $0x3F00;
	[sflag:s22] =	ssyncadd.s32 $0xFFFFE000  }
0x2f7: {  	[spmem:s1] =	stream.indirect.scatter.add.f32 [tilespmem:s2], [sflag:$0xF], $0x40, s6, s19, $0xb8;
	v63 =	vld [tilespmem:$0x0]  }
0x2f8: {  	_ =	swait.ge [sflag:s24], $0x2000  }
0x2f9: {  	[sflag:s24] =	ssyncset.done $0x0  }
0x2fa: {  	s18 =	simm.s32 $0x3F80;
	[sflag:s24] =	ssyncadd.s32 $0xFFFFE000  }
0x2fb: {  	[spmem:s1] =	stream.indirect.scatter.add.f32 [tilespmem:s7], [sflag:$0x10], $0x40, s18, s19, $0xb8;
	v63 =	vld [tilespmem:$0x0]  }
0x2fc: {  	_ =	swait.ge [sflag:s26], $0x2000  }
0x2fd: {  	[sflag:s26] =	ssyncset.done $0x0  }
0x2fe: {  	[sflag:s26] =	ssyncadd.s32 $0xFFFFE000  }
0x2ff: {  	_ =	swait.ge [sflag:s29], $0x2000  }
0x300: {  	[sflag:s29] =	ssyncset.done $0x0  }
0x301: {  	[sflag:s29] =	ssyncadd.s32 $0xFFFFE000  }
0x302: {  	_ =	swait.ge [sflag:s31], $0x2000  }
0x303: {  	[sflag:s31] =	ssyncset.done $0x0  }
0x304: {  	[sflag:s31] =	ssyncadd.s32 $0xFFFFE000  }
0x305: {  	_ =	swait.ge [sflag:s17], $0x2000  }
0x306: {  	[sflag:s17] =	ssyncset.done $0x0  }
0x307: {  	[sflag:s17] =	ssyncadd.s32 $0xFFFFE000  }
0x308: {  	_ =	swait.ge [sflag:s5], $0x2000  }
0x309: {  	[sflag:s5] =	ssyncset.done $0x0  }
0x30a: {  	[sflag:s5] =	ssyncadd.s32 $0xFFFFE000  }
0x30b: {  	_ =	swait.ge [sflag:s8], $0x2000  }
0x30c: {  	[sflag:s8] =	ssyncset.done $0x0  }
0x30d: {  	[sflag:s8] =	ssyncadd.s32 $0xFFFFE000  }
0x30e: {  	_ =	swait.ge [sflag:s9], $0x2000  }
0x30f: {  	[sflag:s9] =	ssyncset.done $0x0  }
0x310: {  	[sflag:s9] =	ssyncadd.s32 $0xFFFFE000  }
0x311: {  	_ =	swait.ge [sflag:s10], $0x2000  }
0x312: {  	[sflag:s10] =	ssyncset.done $0x0  }
0x313: {  	[sflag:s10] =	ssyncadd.s32 $0xFFFFE000  }
0x314: {  	[bflag:$0x0] =	sbarrier.arrive $0xFFFF  }
0x315: {  	s3 =	rddreg [dreg:$0xc]  }
0x316: {  	s6 =	rddreg [dreg:$0xf]  }
0x317: {  	s18 =	rddreg [dreg:$0x10]  }
0x318: {  	[hbm:s3], [sflag:s6] =	dma.local [spmem:s18], $0x1000  }
0x319: {  	s3 =	simm.s32 $0x0  }
0x31a: {  	v4 =	vld [tilespmem:s3+$0x4000]  }
0x31b: {  	v6 =	vld [tilespmem:s3+$0x4010]  }
0x31c: {  	v5 =	vld [tilespmem:s3+$0x4020]  }
0x31d: {  	v3 =	vld [tilespmem:s3+$0x4030]  }
0x31e: {  	v2 =	vld [tilespmem:s3+$0x4040]  }
0x31f: {  	v7 =	vadd.s32 $0x4000, v4;
	v4 =	vld [tilespmem:s3+$0x4050]  }
0x320: {  	s6 =	simm.s32 $0x200;
	[tilespmem:s3+$0x4000] =	vst v7;
	v7 =	vadd.s32 $0x4000, v6;
	v6 =	vld [tilespmem:s3+$0x4060]  }
.LBB2_16:
0x321: {  	s18 =	sshra.s32 s6, $0x2;
	p0 =	sne.s32 s6, $0x7E00;
	[tilespmem:s3+$0x4010] =	vst v7;
	v5 =	vadd.s32 $0x4000, v5;
	v7 =	vld [tilespmem:s3+$0x4070]  }
0x322: {  	v8 =	vld [tilespmem:s18+$0x4000];
	[tilespmem:s3+$0x4020] =	vst v5;
	v3 =	vadd.s32 $0x4000, v3  }
0x323: {  	v9 =	vld [tilespmem:s18+$0x4010];
	[tilespmem:s3+$0x4030] =	vst v3;
	v2 =	vadd.s32 $0x4000, v2  }
.Ltmp7:
0x324: {  	v5 =	vld [tilespmem:s18+$0x4020];
	[tilespmem:s3+$0x4040] =	vst v2;
	v2 =	vadd.s32 $0x4000, v4;
	(pc) =	sbr.rel @p0 .LBB2_16-.Ltmp7, $4  }
0x325: {  	v3 =	vld [tilespmem:s18+$0x4030];
	[tilespmem:s3+$0x4050] =	vst v2;
	v4 =	vadd.s32 $0x4000, v6  }
0x326: {  	v2 =	vld [tilespmem:s18+$0x4040];
	[tilespmem:s3+$0x4060] =	vst v4;
	v6 =	vadd.s32 $0x4000, v7  }
0x327: {  	v7 =	vadd.s32 $0x4000, v8;
	v4 =	vld [tilespmem:s18+$0x4050];
	[tilespmem:s3+$0x4070] =	vst v6;
	s3 =	smov.u32 s18  }
0x328: {  	s6 =	sadd.s32 $0x200, s6;
	[tilespmem:s3+$0x4000] =	vst v7;
	v7 =	vadd.s32 $0x4000, v9;
	v6 =	vld [tilespmem:s3+$0x4060]  }
0x329: {  	[tilespmem:s3+$0x4010] =	vst v7;
	v5 =	vadd.s32 $0x4000, v5;
	v62 =	vld [tilespmem:s3+$0x4070]  }
0x32a: {  	[tilespmem:s3+$0x4020] =	vst v5;
	v3 =	vadd.s32 $0x4000, v3  }
0x32b: {  	[tilespmem:s3+$0x4030] =	vst v3;
	v2 =	vadd.s32 $0x4000, v2  }
0x32c: {  	[tilespmem:s3+$0x4040] =	vst v2;
	v2 =	vadd.s32 $0x4000, v4  }
0x32d: {  	[tilespmem:s3+$0x4050] =	vst v2;
	v2 =	vadd.s32 $0x4000, v6  }
0x32e: {  	[tilespmem:s3+$0x4060] =	vst v2;
	v2 =	vadd.s32 $0x4000, v62  }
0x32f: {  	s6 =	simm.s32 $0x4000;
	[tilespmem:s3+$0x4070] =	vst v2  }
0x330: {  	[tilespmem:s21], [sflag:$0x1] =	stream.indirect.gather [hbm4b:s4+s19], $0x40, s6, s19, $0xb8;
	v63 =	vld [tilespmem:$0x0]  }
0x331: {  	s18 =	simm.s32 $0x4080  }
0x332: {  	[tilespmem:s23], [sflag:$0x2] =	stream.indirect.gather [hbm4b:s4+s19], $0x40, s18, s19, $0xb8;
	v63 =	vld [tilespmem:$0x0]  }
0x333: {  	s6 =	simm.s32 $0x4100  }
0x334: {  	[tilespmem:s25], [sflag:$0x3] =	stream.indirect.gather [hbm4b:s4+s19], $0x40, s6, s19, $0xb8;
	v63 =	vld [tilespmem:$0x0]  }
0x335: {  	s18 =	simm.s32 $0x4180  }
0x336: {  	[tilespmem:s28], [sflag:$0x4] =	stream.indirect.gather [hbm4b:s4+s19], $0x40, s18, s19, $0xb8;
	v63 =	vld [tilespmem:$0x0]  }
0x337: {  	s6 =	simm.s32 $0x4200  }
0x338: {  	[tilespmem:s30], [sflag:$0x5] =	stream.indirect.gather [hbm4b:s4+s19], $0x40, s6, s19, $0xb8;
	v63 =	vld [tilespmem:$0x0]  }
0x339: {  	s18 =	simm.s32 $0x4280  }
0x33a: {  	[tilespmem:s0], [sflag:$0x6] =	stream.indirect.gather [hbm4b:s4+s19], $0x40, s18, s19, $0xb8;
	v63 =	vld [tilespmem:$0x0]  }
0x33b: {  	s6 =	simm.s32 $0x4300  }
0x33c: {  	[tilespmem:s2], [sflag:$0x7] =	stream.indirect.gather [hbm4b:s4+s19], $0x40, s6, s19, $0xb8;
	v63 =	vld [tilespmem:$0x0]  }
0x33d: {  	s18 =	simm.s32 $0x4380;
	s6 =	simm.s32 $0x11  }
0x33e: {  	[tilespmem:s7], [sflag:$0x8] =	stream.indirect.gather [hbm4b:s4+s19], $0x40, s18, s19, $0xb8;
	v63 =	vld [tilespmem:$0x0]  }
0x33f: {  	_ =	swait.ge [sflag:s6], $0x1000  }
0x340: {  	[sflag:s6] =	ssyncset.done $0x0  }
0x341: {  	s18 =	rddreg [dreg:$0x5];
	[sflag:s6] =	ssyncadd.s32 $0xFFFFF000;
	s6 =	simm.s32 $0x6000  }
0x342: {  	[spmem:s18] =	stream.linear.scatter [tilespmem:s6], [sflag:$0x12], $0x2000, $0x38;
	v63 =	vld [tilespmem:$0x0]  }
0x343: {  	_ =	swait.ge [sflag:s16], $0x2000  }
0x344: {  	[sflag:s16] =	ssyncset.done $0x0  }
0x345: {  	s18 =	rddreg [dreg:$0x7];
	[sflag:s16] =	ssyncadd.s32 $0xFFFFE000  }
0x346: {  	[spmem:s18] =	stream.linear.scatter [tilespmem:s6], [sflag:$0x12], $0x2000, $0x38;
	v63 =	vld [tilespmem:$0x0]  }
0x347: {  	_ =	swait.ge [sflag:s16], $0x2000  }
0x348: {  	[sflag:s16] =	ssyncset.done $0x0  }
0x349: {  	s18 =	rddreg [dreg:$0x8];
	[sflag:s16] =	ssyncadd.s32 $0xFFFFE000  }
0x34a: {  	[spmem:s18] =	stream.linear.scatter [tilespmem:s6], [sflag:$0x12], $0x2000, $0x38;
	v63 =	vld [tilespmem:$0x0]  }
0x34b: {  	_ =	swait.ge [sflag:s16], $0x2000  }
0x34c: {  	[sflag:s16] =	ssyncset.done $0x0  }
0x34d: {  	s18 =	rddreg [dreg:$0x9];
	[sflag:s16] =	ssyncadd.s32 $0xFFFFE000  }
0x34e: {  	[spmem:s18] =	stream.linear.scatter [tilespmem:s6], [sflag:$0x12], $0x2000, $0x38;
	v63 =	vld [tilespmem:$0x0]  }
0x34f: {  	_ =	swait.ge [sflag:s16], $0x2000  }
0x350: {  	[sflag:s16] =	ssyncset.done $0x0  }
0x351: {  	[sflag:s16] =	ssyncadd.s32 $0xFFFFE000  }
0x352: {  	[bflag:$0x0] =	sbarrier.arrive $0xFFFF  }
0x353: {  	_ =	swait.ge [sflag:s11], $0x2000  }
0x354: {  	[sflag:s11] =	ssyncset.done $0x0  }
0x355: {  	s18 =	simm.s32 $0x2000;
	[sflag:s11] =	ssyncadd.s32 $0xFFFFE000  }
0x356: {  	[spmem:s1] =	stream.indirect.scatter.add.f32 [tilespmem:s21], [sflag:$0x9], $0x40, s18, s19, $0xb8;
	v63 =	vld [tilespmem:$0x0]  }
0x357: {  	_ =	swait.ge [sflag:s12], $0x2000  }
0x358: {  	[sflag:s12] =	ssyncset.done $0x0  }
0x359: {  	s6 =	simm.s32 $0x2080;
	[sflag:s12] =	ssyncadd.s32 $0xFFFFE000  }
0x35a: {  	[spmem:s1] =	stream.indirect.scatter.add.f32 [tilespmem:s23], [sflag:$0xA], $0x40, s6, s19, $0xb8;
	v63 =	vld [tilespmem:$0x0]  }
0x35b: {  	_ =	swait.ge [sflag:s13], $0x2000  }
0x35c: {  	[sflag:s13] =	ssyncset.done $0x0  }
0x35d: {  	s18 =	simm.s32 $0x2100;
	[sflag:s13] =	ssyncadd.s32 $0xFFFFE000  }
0x35e: {  	[spmem:s1] =	stream.indirect.scatter.add.f32 [tilespmem:s25], [sflag:$0xB], $0x40, s18, s19, $0xb8;
	v63 =	vld [tilespmem:$0x0]  }
0x35f: {  	_ =	swait.ge [sflag:s14], $0x2000  }
0x360: {  	[sflag:s14] =	ssyncset.done $0x0  }
0x361: {  	s6 =	simm.s32 $0x2180;
	[sflag:s14] =	ssyncadd.s32 $0xFFFFE000  }
0x362: {  	[spmem:s1] =	stream.indirect.scatter.add.f32 [tilespmem:s28], [sflag:$0xC], $0x40, s6, s19, $0xb8;
	v63 =	vld [tilespmem:$0x0]  }
0x363: {  	_ =	swait.ge [sflag:s15], $0x2000  }
0x364: {  	[sflag:s15] =	ssyncset.done $0x0  }
0x365: {  	s18 =	simm.s32 $0x2200;
	[sflag:s15] =	ssyncadd.s32 $0xFFFFE000  }
0x366: {  	[spmem:s1] =	stream.indirect.scatter.add.f32 [tilespmem:s30], [sflag:$0xD], $0x40, s18, s19, $0xb8;
	v63 =	vld [tilespmem:$0x0]  }
0x367: {  	_ =	swait.ge [sflag:s20], $0x2000  }
0x368: {  	[sflag:s20] =	ssyncset.done $0x0  }
0x369: {  	s6 =	simm.s32 $0x2280;
	[sflag:s20] =	ssyncadd.s32 $0xFFFFE000  }
0x36a: {  	[spmem:s1] =	stream.indirect.scatter.add.f32 [tilespmem:s0], [sflag:$0xE], $0x40, s6, s19, $0xb8;
	v63 =	vld [tilespmem:$0x0]  }
0x36b: {  	_ =	swait.ge [sflag:s22], $0x2000  }
0x36c: {  	[sflag:s22] =	ssyncset.done $0x0  }
0x36d: {  	s18 =	simm.s32 $0x2300;
	[sflag:s22] =	ssyncadd.s32 $0xFFFFE000  }
0x36e: {  	[spmem:s1] =	stream.indirect.scatter.add.f32 [tilespmem:s2], [sflag:$0xF], $0x40, s18, s19, $0xb8;
	v63 =	vld [tilespmem:$0x0]  }
0x36f: {  	_ =	swait.ge [sflag:s24], $0x2000  }
0x370: {  	[sflag:s24] =	ssyncset.done $0x0  }
0x371: {  	s6 =	simm.s32 $0x2380;
	[sflag:s24] =	ssyncadd.s32 $0xFFFFE000  }
0x372: {  	[spmem:s1] =	stream.indirect.scatter.add.f32 [tilespmem:s7], [sflag:$0x10], $0x40, s6, s19, $0xb8;
	v63 =	vld [tilespmem:$0x0]  }
0x373: {  	_ =	swait.ge [sflag:s26], $0x2000  }
0x374: {  	[sflag:s26] =	ssyncset.done $0x0  }
0x375: {  	s18 =	simm.s32 $0x4400;
	[sflag:s26] =	ssyncadd.s32 $0xFFFFE000  }
0x376: {  	[tilespmem:s21], [sflag:$0x1] =	stream.indirect.gather [hbm4b:s4+s19], $0x40, s18, s19, $0xb8;
	v63 =	vld [tilespmem:$0x0]  }
0x377: {  	_ =	swait.ge [sflag:s29], $0x2000  }
0x378: {  	[sflag:s29] =	ssyncset.done $0x0  }
0x379: {  	s6 =	simm.s32 $0x4480;
	[sflag:s29] =	ssyncadd.s32 $0xFFFFE000  }
0x37a: {  	[tilespmem:s23], [sflag:$0x2] =	stream.indirect.gather [hbm4b:s4+s19], $0x40, s6, s19, $0xb8;
	v63 =	vld [tilespmem:$0x0]  }
0x37b: {  	_ =	swait.ge [sflag:s31], $0x2000  }
0x37c: {  	[sflag:s31] =	ssyncset.done $0x0  }
0x37d: {  	s18 =	simm.s32 $0x4500;
	[sflag:s31] =	ssyncadd.s32 $0xFFFFE000  }
0x37e: {  	[tilespmem:s25], [sflag:$0x3] =	stream.indirect.gather [hbm4b:s4+s19], $0x40, s18, s19, $0xb8;
	v63 =	vld [tilespmem:$0x0]  }
0x37f: {  	_ =	swait.ge [sflag:s17], $0x2000  }
0x380: {  	[sflag:s17] =	ssyncset.done $0x0  }
0x381: {  	s6 =	simm.s32 $0x4580;
	[sflag:s17] =	ssyncadd.s32 $0xFFFFE000  }
0x382: {  	[tilespmem:s28], [sflag:$0x4] =	stream.indirect.gather [hbm4b:s4+s19], $0x40, s6, s19, $0xb8;
	v63 =	vld [tilespmem:$0x0]  }
0x383: {  	_ =	swait.ge [sflag:s5], $0x2000  }
0x384: {  	[sflag:s5] =	ssyncset.done $0x0  }
0x385: {  	s18 =	simm.s32 $0x4600;
	[sflag:s5] =	ssyncadd.s32 $0xFFFFE000  }
0x386: {  	[tilespmem:s30], [sflag:$0x5] =	stream.indirect.gather [hbm4b:s4+s19], $0x40, s18, s19, $0xb8;
	v63 =	vld [tilespmem:$0x0]  }
0x387: {  	_ =	swait.ge [sflag:s8], $0x2000  }
0x388: {  	[sflag:s8] =	ssyncset.done $0x0  }
0x389: {  	s6 =	simm.s32 $0x4680;
	[sflag:s8] =	ssyncadd.s32 $0xFFFFE000  }
0x38a: {  	[tilespmem:s0], [sflag:$0x6] =	stream.indirect.gather [hbm4b:s4+s19], $0x40, s6, s19, $0xb8;
	v63 =	vld [tilespmem:$0x0]  }
0x38b: {  	_ =	swait.ge [sflag:s9], $0x2000  }
0x38c: {  	[sflag:s9] =	ssyncset.done $0x0  }
0x38d: {  	s18 =	simm.s32 $0x4700;
	[sflag:s9] =	ssyncadd.s32 $0xFFFFE000  }
0x38e: {  	[tilespmem:s2], [sflag:$0x7] =	stream.indirect.gather [hbm4b:s4+s19], $0x40, s18, s19, $0xb8;
	v63 =	vld [tilespmem:$0x0]  }
0x38f: {  	_ =	swait.ge [sflag:s10], $0x2000  }
0x390: {  	[sflag:s10] =	ssyncset.done $0x0  }
0x391: {  	s3 =	simm.s32 $0x4780;
	s6 =	simm.s32 $0x1000;
	[sflag:s10] =	ssyncadd.s32 $0xFFFFE000  }
.LBB2_18:
0x392: {  	[tilespmem:s7], [sflag:$0x8] =	stream.indirect.gather [hbm4b:s4+s19], $0x40, s3, s19, $0xb8;
	v63 =	vld [tilespmem:$0x0]  }
0x393: {  	s3 =	smov.u32 s6  }
0x394: {  	p0 =	sne.s32 s6, $0x6000;
	s6 =	sadd.s32 $0x1000, s6;
	_ =	swait.ge [sflag:s11], $0x2000  }
0x395: {  	s3 =	sshra.s32 s3, $0x2;
	[sflag:s11] =	ssyncset.done $0x0  }
0x396: {  	s18 =	sadd.s32 $0x2000, s3;
	[sflag:s11] =	ssyncadd.s32 $0xFFFFE000  }
0x397: {  	[spmem:s1] =	stream.indirect.scatter.add.f32 [tilespmem:s21], [sflag:$0x9], $0x40, s18, s19, $0xb8;
	v63 =	vld [tilespmem:$0x0]  }
0x398: {  	_ =	swait.ge [sflag:s12], $0x2000  }
0x399: {  	[sflag:s12] =	ssyncset.done $0x0  }
0x39a: {  	s18 =	sadd.s32 $0x2080, s3;
	[sflag:s12] =	ssyncadd.s32 $0xFFFFE000  }
0x39b: {  	[spmem:s1] =	stream.indirect.scatter.add.f32 [tilespmem:s23], [sflag:$0xA], $0x40, s18, s19, $0xb8;
	v63 =	vld [tilespmem:$0x0]  }
0x39c: {  	_ =	swait.ge [sflag:s13], $0x2000  }
0x39d: {  	[sflag:s13] =	ssyncset.done $0x0  }
0x39e: {  	s18 =	sadd.s32 $0x2100, s3;
	[sflag:s13] =	ssyncadd.s32 $0xFFFFE000  }
0x39f: {  	[spmem:s1] =	stream.indirect.scatter.add.f32 [tilespmem:s25], [sflag:$0xB], $0x40, s18, s19, $0xb8;
	v63 =	vld [tilespmem:$0x0]  }
0x3a0: {  	_ =	swait.ge [sflag:s14], $0x2000  }
0x3a1: {  	[sflag:s14] =	ssyncset.done $0x0  }
0x3a2: {  	s18 =	sadd.s32 $0x2180, s3;
	[sflag:s14] =	ssyncadd.s32 $0xFFFFE000  }
0x3a3: {  	[spmem:s1] =	stream.indirect.scatter.add.f32 [tilespmem:s28], [sflag:$0xC], $0x40, s18, s19, $0xb8;
	v63 =	vld [tilespmem:$0x0]  }
0x3a4: {  	_ =	swait.ge [sflag:s15], $0x2000  }
0x3a5: {  	[sflag:s15] =	ssyncset.done $0x0  }
0x3a6: {  	s18 =	sadd.s32 $0x2200, s3;
	[sflag:s15] =	ssyncadd.s32 $0xFFFFE000  }
0x3a7: {  	[spmem:s1] =	stream.indirect.scatter.add.f32 [tilespmem:s30], [sflag:$0xD], $0x40, s18, s19, $0xb8;
	v63 =	vld [tilespmem:$0x0]  }
0x3a8: {  	_ =	swait.ge [sflag:s20], $0x2000  }
0x3a9: {  	[sflag:s20] =	ssyncset.done $0x0  }
0x3aa: {  	s18 =	sadd.s32 $0x2280, s3;
	[sflag:s20] =	ssyncadd.s32 $0xFFFFE000  }
0x3ab: {  	[spmem:s1] =	stream.indirect.scatter.add.f32 [tilespmem:s0], [sflag:$0xE], $0x40, s18, s19, $0xb8;
	v63 =	vld [tilespmem:$0x0]  }
0x3ac: {  	_ =	swait.ge [sflag:s22], $0x2000  }
0x3ad: {  	[sflag:s22] =	ssyncset.done $0x0  }
0x3ae: {  	s18 =	sadd.s32 $0x2300, s3;
	[sflag:s22] =	ssyncadd.s32 $0xFFFFE000  }
0x3af: {  	[spmem:s1] =	stream.indirect.scatter.add.f32 [tilespmem:s2], [sflag:$0xF], $0x40, s18, s19, $0xb8;
	v63 =	vld [tilespmem:$0x0]  }
0x3b0: {  	_ =	swait.ge [sflag:s24], $0x2000  }
0x3b1: {  	[sflag:s24] =	ssyncset.done $0x0  }
0x3b2: {  	s18 =	sadd.s32 $0x2380, s3;
	[sflag:s24] =	ssyncadd.s32 $0xFFFFE000  }
0x3b3: {  	[spmem:s1] =	stream.indirect.scatter.add.f32 [tilespmem:s7], [sflag:$0x10], $0x40, s18, s19, $0xb8;
	v63 =	vld [tilespmem:$0x0]  }
0x3b4: {  	_ =	swait.ge [sflag:s26], $0x2000  }
0x3b5: {  	[sflag:s26] =	ssyncset.done $0x0  }
0x3b6: {  	s18 =	sadd.s32 $0x4400, s3;
	[sflag:s26] =	ssyncadd.s32 $0xFFFFE000  }
0x3b7: {  	[tilespmem:s21], [sflag:$0x1] =	stream.indirect.gather [hbm4b:s4+s19], $0x40, s18, s19, $0xb8;
	v63 =	vld [tilespmem:$0x0]  }
0x3b8: {  	_ =	swait.ge [sflag:s29], $0x2000  }
0x3b9: {  	[sflag:s29] =	ssyncset.done $0x0  }
0x3ba: {  	s18 =	sadd.s32 $0x4480, s3;
	[sflag:s29] =	ssyncadd.s32 $0xFFFFE000  }
0x3bb: {  	[tilespmem:s23], [sflag:$0x2] =	stream.indirect.gather [hbm4b:s4+s19], $0x40, s18, s19, $0xb8;
	v63 =	vld [tilespmem:$0x0]  }
0x3bc: {  	_ =	swait.ge [sflag:s31], $0x2000  }
0x3bd: {  	[sflag:s31] =	ssyncset.done $0x0  }
0x3be: {  	s18 =	sadd.s32 $0x4500, s3;
	[sflag:s31] =	ssyncadd.s32 $0xFFFFE000  }
0x3bf: {  	[tilespmem:s25], [sflag:$0x3] =	stream.indirect.gather [hbm4b:s4+s19], $0x40, s18, s19, $0xb8;
	v63 =	vld [tilespmem:$0x0]  }
0x3c0: {  	_ =	swait.ge [sflag:s17], $0x2000  }
0x3c1: {  	[sflag:s17] =	ssyncset.done $0x0  }
0x3c2: {  	s18 =	sadd.s32 $0x4580, s3;
	[sflag:s17] =	ssyncadd.s32 $0xFFFFE000  }
0x3c3: {  	[tilespmem:s28], [sflag:$0x4] =	stream.indirect.gather [hbm4b:s4+s19], $0x40, s18, s19, $0xb8;
	v63 =	vld [tilespmem:$0x0]  }
0x3c4: {  	_ =	swait.ge [sflag:s5], $0x2000  }
0x3c5: {  	[sflag:s5] =	ssyncset.done $0x0  }
0x3c6: {  	s18 =	sadd.s32 $0x4600, s3;
	[sflag:s5] =	ssyncadd.s32 $0xFFFFE000  }
0x3c7: {  	[tilespmem:s30], [sflag:$0x5] =	stream.indirect.gather [hbm4b:s4+s19], $0x40, s18, s19, $0xb8;
	v63 =	vld [tilespmem:$0x0]  }
0x3c8: {  	_ =	swait.ge [sflag:s8], $0x2000  }
0x3c9: {  	[sflag:s8] =	ssyncset.done $0x0  }
0x3ca: {  	s18 =	sadd.s32 $0x4680, s3;
	[sflag:s8] =	ssyncadd.s32 $0xFFFFE000  }
0x3cb: {  	[tilespmem:s0], [sflag:$0x6] =	stream.indirect.gather [hbm4b:s4+s19], $0x40, s18, s19, $0xb8;
	v63 =	vld [tilespmem:$0x0]  }
0x3cc: {  	_ =	swait.ge [sflag:s9], $0x2000  }
0x3cd: {  	[sflag:s9] =	ssyncset.done $0x0  }
.Ltmp8:
0x3ce: {  	s18 =	sadd.s32 $0x4700, s3;
	[sflag:s9] =	ssyncadd.s32 $0xFFFFE000;
	(pc) =	sbr.rel @p0 .LBB2_18-.Ltmp8, $4  }
0x3cf: {  	[tilespmem:s2], [sflag:$0x7] =	stream.indirect.gather [hbm4b:s4+s19], $0x40, s18, s19, $0xb8;
	v63 =	vld [tilespmem:$0x0]  }
0x3d0: {  	_ =	swait.ge [sflag:s10], $0x2000  }
0x3d1: {  	[sflag:s10] =	ssyncset.done $0x0  }
0x3d2: {  	s3 =	sadd.s32 $0x4780, s3;
	[sflag:s10] =	ssyncadd.s32 $0xFFFFE000  }
0x3d3: {  	[tilespmem:s7], [sflag:$0x8] =	stream.indirect.gather [hbm4b:s4+s19], $0x40, s3, s19, $0xb8;
	v63 =	vld [tilespmem:$0x0]  }
0x3d4: {  	_ =	swait.ge [sflag:s11], $0x2000  }
0x3d5: {  	[sflag:s11] =	ssyncset.done $0x0  }
0x3d6: {  	s6 =	simm.s32 $0x3C00;
	[sflag:s11] =	ssyncadd.s32 $0xFFFFE000  }
0x3d7: {  	[spmem:s1] =	stream.indirect.scatter.add.f32 [tilespmem:s21], [sflag:$0x9], $0x40, s6, s19, $0xb8;
	v63 =	vld [tilespmem:$0x0]  }
0x3d8: {  	_ =	swait.ge [sflag:s12], $0x2000  }
0x3d9: {  	[sflag:s12] =	ssyncset.done $0x0  }
0x3da: {  	s18 =	simm.s32 $0x3C80;
	[sflag:s12] =	ssyncadd.s32 $0xFFFFE000  }
0x3db: {  	[spmem:s1] =	stream.indirect.scatter.add.f32 [tilespmem:s23], [sflag:$0xA], $0x40, s18, s19, $0xb8;
	v63 =	vld [tilespmem:$0x0]  }
0x3dc: {  	_ =	swait.ge [sflag:s13], $0x2000  }
0x3dd: {  	[sflag:s13] =	ssyncset.done $0x0  }
0x3de: {  	s6 =	simm.s32 $0x3D00;
	[sflag:s13] =	ssyncadd.s32 $0xFFFFE000  }
0x3df: {  	[spmem:s1] =	stream.indirect.scatter.add.f32 [tilespmem:s25], [sflag:$0xB], $0x40, s6, s19, $0xb8;
	v63 =	vld [tilespmem:$0x0]  }
0x3e0: {  	_ =	swait.ge [sflag:s14], $0x2000  }
0x3e1: {  	[sflag:s14] =	ssyncset.done $0x0  }
0x3e2: {  	s18 =	simm.s32 $0x3D80;
	[sflag:s14] =	ssyncadd.s32 $0xFFFFE000  }
0x3e3: {  	[spmem:s1] =	stream.indirect.scatter.add.f32 [tilespmem:s28], [sflag:$0xC], $0x40, s18, s19, $0xb8;
	v63 =	vld [tilespmem:$0x0]  }
0x3e4: {  	_ =	swait.ge [sflag:s15], $0x2000  }
0x3e5: {  	[sflag:s15] =	ssyncset.done $0x0  }
0x3e6: {  	s6 =	simm.s32 $0x3E00;
	[sflag:s15] =	ssyncadd.s32 $0xFFFFE000  }
0x3e7: {  	[spmem:s1] =	stream.indirect.scatter.add.f32 [tilespmem:s30], [sflag:$0xD], $0x40, s6, s19, $0xb8;
	v63 =	vld [tilespmem:$0x0]  }
0x3e8: {  	_ =	swait.ge [sflag:s20], $0x2000  }
0x3e9: {  	[sflag:s20] =	ssyncset.done $0x0  }
0x3ea: {  	s18 =	simm.s32 $0x3E80;
	[sflag:s20] =	ssyncadd.s32 $0xFFFFE000  }
0x3eb: {  	[spmem:s1] =	stream.indirect.scatter.add.f32 [tilespmem:s0], [sflag:$0xE], $0x40, s18, s19, $0xb8;
	v63 =	vld [tilespmem:$0x0]  }
0x3ec: {  	_ =	swait.ge [sflag:s22], $0x2000  }
0x3ed: {  	[sflag:s22] =	ssyncset.done $0x0  }
0x3ee: {  	s6 =	simm.s32 $0x3F00;
	[sflag:s22] =	ssyncadd.s32 $0xFFFFE000  }
0x3ef: {  	[spmem:s1] =	stream.indirect.scatter.add.f32 [tilespmem:s2], [sflag:$0xF], $0x40, s6, s19, $0xb8;
	v63 =	vld [tilespmem:$0x0]  }
0x3f0: {  	_ =	swait.ge [sflag:s24], $0x2000  }
0x3f1: {  	[sflag:s24] =	ssyncset.done $0x0  }
0x3f2: {  	s18 =	simm.s32 $0x3F80;
	[sflag:s24] =	ssyncadd.s32 $0xFFFFE000  }
0x3f3: {  	[spmem:s1] =	stream.indirect.scatter.add.f32 [tilespmem:s7], [sflag:$0x10], $0x40, s18, s19, $0xb8;
	v63 =	vld [tilespmem:$0x0]  }
0x3f4: {  	_ =	swait.ge [sflag:s26], $0x2000  }
0x3f5: {  	[sflag:s26] =	ssyncset.done $0x0  }
0x3f6: {  	[sflag:s26] =	ssyncadd.s32 $0xFFFFE000  }
0x3f7: {  	_ =	swait.ge [sflag:s29], $0x2000  }
0x3f8: {  	[sflag:s29] =	ssyncset.done $0x0  }
0x3f9: {  	[sflag:s29] =	ssyncadd.s32 $0xFFFFE000  }
0x3fa: {  	_ =	swait.ge [sflag:s31], $0x2000  }
0x3fb: {  	[sflag:s31] =	ssyncset.done $0x0  }
0x3fc: {  	[sflag:s31] =	ssyncadd.s32 $0xFFFFE000  }
0x3fd: {  	_ =	swait.ge [sflag:s17], $0x2000  }
0x3fe: {  	[sflag:s17] =	ssyncset.done $0x0  }
0x3ff: {  	[sflag:s17] =	ssyncadd.s32 $0xFFFFE000  }
0x400: {  	_ =	swait.ge [sflag:s5], $0x2000  }
0x401: {  	[sflag:s5] =	ssyncset.done $0x0  }
0x402: {  	[sflag:s5] =	ssyncadd.s32 $0xFFFFE000  }
0x403: {  	_ =	swait.ge [sflag:s8], $0x2000  }
0x404: {  	[sflag:s8] =	ssyncset.done $0x0  }
0x405: {  	[sflag:s8] =	ssyncadd.s32 $0xFFFFE000  }
0x406: {  	_ =	swait.ge [sflag:s9], $0x2000  }
0x407: {  	[sflag:s9] =	ssyncset.done $0x0  }
0x408: {  	[sflag:s9] =	ssyncadd.s32 $0xFFFFE000  }
0x409: {  	_ =	swait.ge [sflag:s10], $0x2000  }
0x40a: {  	[sflag:s10] =	ssyncset.done $0x0  }
0x40b: {  	[sflag:s10] =	ssyncadd.s32 $0xFFFFE000  }
0x40c: {  	[bflag:$0x0] =	sbarrier.arrive $0xFFFF  }
0x40d: {  	s3 =	rddreg [dreg:$0xd]  }
0x40e: {  	s6 =	rddreg [dreg:$0xf]  }
0x40f: {  	s18 =	rddreg [dreg:$0x10]  }
0x410: {  	[hbm:s3], [sflag:s6] =	dma.local [spmem:s18], $0x1000  }
0x411: {  	s6 =	simm.s32 $0x11  }
0x412: {  	_ =	swait.ge [sflag:s6], $0x1000  }
0x413: {  	s3 =	rddreg [dreg:$0x3]  }
0x414: {  	s18 =	sadd.s32 $0x1, s3;
	s3 =	rddreg [dreg:$0xe]  }
0x415: {  	p0 =	sne.s32 s18, s3  }
.Ltmp9:
0x416: {  	_ = 	snop;
	(pc) =	sbr.rel @p0 .LBB2_1-.Ltmp9, $3  }
0x417: {  	_ =	sdelay $0x1  }
0x418: {  	[sflag:s6] =	ssyncset.done $0x0  }
0x419: {  	[sflag:s6] =	ssyncadd.s32 $0xFFFFF000  }
0x41a: {  	_ =	sfence.sel $0x180000  }
0x41b: {  	[bflag:$0x0] =	sbarrier.arrive $0xFFFF  }
0x41c: {  	_ =	strace $0x90000047  }
0x41d: {  	s0 =	stileid.u32;
	[bflag:$0x2] =	sbarrier.arrive $0xFFFF  }
0x41e: {  	p0 =	sne.s32 s0, $0x0;
	s0 =	rddreg [dreg:$0x2]  }
0x41f: {  	s0 =	sadd.s32 @!p0 $0x100000, s0  }
0x420: {  	[sflag:s0] =	ssyncadd.tile.s32 @!p0 $0x1;
	_ =	shalt  }
.Lfunc_end2:
_tile_overlayer_lowered:
.L_overlay_start_2:
0x421: {  	(tag) =	ssettag $0x2  }
0x422: {  	s0 =	rddreg [dreg:$0x0];
	s2 =	stileid.u32  }
0x423: {  	s1 =	rddreg [dreg:$0x1];
	p0 =	sne.s32 s2, $0x0  }
0x424: {  	s3 =	rddreg [dreg:$0x2];
	[bflag:$0x3] =	sbarrier.arrive $0xFFFF;
	s2 =	simm.s32 @!p0 $0x1C12  }
0x425: {  	[timem:s3], [sflag:s2] =	dma.local @!p0 [hbm:s0], s1  }
0x426: {  	s0 =	simm.s32 @!p0 $0x12  }
0x427: {  	_ =	swait.ge @!p0 [sflag:s0], s1  }
0x428: {  	s1 =	ssub.s32 @!p0 $0x0, s1;
	[sflag:s0] =	ssyncset.done @!p0 $0x0  }
0x429: {  	[sflag:s0] =	ssyncadd.s32 @!p0 s1  }
0x42a: {  	[bflag:$0x3] =	sbarrier.arrive $0xFFFF  }
0x42b: {  	_ =	shalt  }

</sc_bundles>
